<compile_context>
chip_gen: v7x
topology: tpu7x:2x2x1
jax: 0.10.2.dev20260603
libtpu: 0.0.44.dev20260713+nightly
codegen_flags: <defaults>
</compile_context>

<pallas_src>
import functools

import jax
import jax.numpy as jnp
from jax import lax
from jax.experimental import pallas as pl
from jax.experimental.pallas import tpu as pltpu
from jax.experimental.pallas import tpu_sc as plsc

NCORE = 2
NTILE = 16
CHUNK = 128
DEGW = 16


def _norm_body(x_ref, xn_ref, mu_ref, rs_ref):
    xb = x_ref[0]
    mu = jnp.mean(xb, axis=0, keepdims=True)
    xc = xb - mu
    var = jnp.mean(xc * xc, axis=0, keepdims=True)
    rstd = lax.rsqrt(var + 1e-5)
    xn_ref[0] = xc * rstd
    mu_ref[0] = mu
    rs_ref[0] = rstd


def _instance_norm(x):
    B, N, C = x.shape
    return pl.pallas_call(
        _norm_body,
        grid=(B,),
        in_specs=[pl.BlockSpec((1, N, C), lambda b: (b, 0, 0))],
        out_specs=[
            pl.BlockSpec((1, N, C), lambda b: (b, 0, 0)),
            pl.BlockSpec((1, 1, C), lambda b: (b, 0, 0)),
            pl.BlockSpec((1, 1, C), lambda b: (b, 0, 0)),
        ],
        out_shape=[
            jax.ShapeDtypeStruct((B, N, C), jnp.float32),
            jax.ShapeDtypeStruct((B, 1, C), jnp.float32),
            jax.ShapeDtypeStruct((B, 1, C), jnp.float32),
        ],
    )(x)


def _sc_aggregate(xn2, srcs, dsts, z128, ones128, N, C, BN):
    B = BN // N
    EC = srcs.shape[0] // B
    cpt = EC // NTILE
    cpt_deg = cpt // NCORE
    NH = N // 2
    npad = -(-(NH + 104) // 1280) * 1280
    rzt = npad // NTILE
    ZBR = 80
    QR = 8
    assert rzt % ZBR == 0 and cpt % QR == 0 and cpt_deg % QR == 0
    bpc = B // NCORE
    nslab = 2 * B + 2 * NCORE
    wb_sizes = []
    left = rzt
    while left > 0:
        wb_sizes.append(min(left, CHUNK))
        left -= wb_sizes[-1]

    mesh = plsc.VectorSubcoreMesh(core_axis_name="c", subcore_axis_name="s")

    @functools.partial(
        pl.kernel,
        out_type=jax.ShapeDtypeStruct((nslab * npad, C), jnp.float32),
        mesh=mesh,
        scratch_types=[
            pltpu.VMEM((QR, CHUNK), jnp.int32),
            pltpu.VMEM((QR, CHUNK), jnp.int32),
            pltpu.VMEM((CHUNK, C), jnp.float32),
            pltpu.VMEM((CHUNK, C), jnp.float32),
            pltpu.VMEM((CHUNK, C), jnp.float32),
            pltpu.VMEM_SHARED((npad, C), jnp.float32),
            pltpu.SemaphoreType.DMA,
            pltpu.SemaphoreType.DMA,
            pltpu.SemaphoreType.DMA,
            pltpu.SemaphoreType.DMA,
        ],
    )
    def sc_kernel(xn_hbm, src_hbm, dst_hbm, z128_hbm, ones_hbm, agg_hbm,
                  src_blk, dst_blk, rows_v, rows_w, rows_u, acc,
                  sem, sem2, sem3, sem4):
        bufs = (rows_v, rows_w, rows_u)
        sems = (sem, sem2, sem3)
        c = lax.axis_index("c")
        s = lax.axis_index("s")

        def zero_acc():
            pltpu.sync_copy(z128_hbm, rows_v.at[pl.ds(0, ZBR)])
            for j in range(rzt // ZBR):
                pltpu.sync_copy(rows_v.at[pl.ds(0, ZBR)],
                                acc.at[pl.ds(s * rzt + j * ZBR, ZBR)])

        def writeback(slab):
            obase = slab * npad + s * rzt
            roff = 0
            for sz in wb_sizes:
                pltpu.sync_copy(acc.at[pl.ds(s * rzt + roff, sz)],
                                rows_v.at[pl.ds(0, sz)])
                pltpu.sync_copy(rows_v.at[pl.ds(0, sz)],
                                agg_hbm.at[pl.ds(obase + roff, sz)])
                roff += sz

        for p in range(bpc):
            b = c * bpc + p
            for hn in range(2):
                zero_acc()
                plsc.subcore_barrier()

                @pl.loop(0, cpt // QR)
                def _(q):
                    i0 = s * cpt + q * QR
                    pltpu.sync_copy(
                        src_hbm.at[pl.ds(b * EC + i0, QR)], src_blk)
                    pltpu.sync_copy(
                        dst_hbm.at[pl.ds(hn * EC + i0, QR)], dst_blk)
                    cps = [None, None, None]
                    for d in range(2):
                        cps[d] = pltpu.async_copy(
                            xn_hbm.at[src_blk.at[d]], bufs[d], sems[d])
                    for k in range(QR):
                        if k + 2 < QR:
                            j = (k + 2) % 3
                            cps[j] = pltpu.async_copy(
                                xn_hbm.at[src_blk.at[k + 2]], bufs[j],
                                sems[j])
                        cps[k % 3].wait()
                        pltpu.sync_copy(bufs[k % 3],
                                        acc.at[dst_blk.at[k]], add=True)

                plsc.subcore_barrier()
                writeback(2 * b + hn)
                plsc.subcore_barrier()

        for hn in range(2):
            zero_acc()
            pltpu.sync_copy(ones_hbm, rows_v)
            plsc.subcore_barrier()

            @pl.loop(0, cpt_deg // QR)
            def _(q):
                i0 = hn * EC + c * (EC // NCORE) + s * cpt_deg + q * QR
                pltpu.sync_copy(dst_hbm.at[pl.ds(i0, QR)], dst_blk)
                dcps = [
                    pltpu.async_copy(rows_v, acc.at[dst_blk.at[k]],
                                     sem4, add=True)
                    for k in range(QR)
                ]
                for cp in dcps:
                    cp.wait()

            plsc.subcore_barrier()
            writeback(2 * B + 2 * c + hn)
            plsc.subcore_barrier()

    return sc_kernel(xn2, srcs, dsts, z128, ones128)


def _post_body(x_ref, mu_ref, rs_ref, agg_ref, d0_ref, d1_ref,
               wl_ref, bl_ref, wr_ref, w1_ref, b1_ref, w2_ref, b2_ref,
               o_ref):
    xb = x_ref[0]
    xn = (xb - mu_ref[0]) * rs_ref[0]
    deg = jnp.maximum(d0_ref[0, :, 0] + d1_ref[0, :, 0], 1.0)
    agg = agg_ref[0] * (1.0 / deg)[:, None]
    dot = functools.partial(lax.dot, precision=lax.Precision.HIGHEST,
                            preferred_element_type=jnp.float32)
    h = dot(agg, wl_ref[...]) + bl_ref[...] + dot(xn, wr_ref[...])
    t = jnp.maximum(dot(h, w1_ref[...]) + b1_ref[...], 0.0)
    a = jax.nn.sigmoid(dot(t, w2_ref[...]) + b2_ref[...])
    o_ref[0] = jnp.maximum(a * h + xb, 0.0)


def _post(x, mu, rs, aggp, wl_t, b_l, wr_t, w1_t, b1, w2_t, b2, blk):
    B, N, C = x.shape
    R = w1_t.shape[1]
    nb = N // blk
    hb = (N // 2) // blk
    full = lambda *shape: pl.BlockSpec(shape, lambda b, i: (0,) * len(shape))
    return pl.pallas_call(
        _post_body,
        grid=(B, nb),
        in_specs=[
            pl.BlockSpec((1, blk, C), lambda b, i: (b, i, 0)),
            pl.BlockSpec((1, 1, C), lambda b, i: (b, 0, 0)),
            pl.BlockSpec((1, 1, C), lambda b, i: (b, 0, 0)),
            pl.BlockSpec((1, blk, C),
                         lambda b, i: (2 * b + i // hb, i % hb, 0)),
            pl.BlockSpec((1, blk, C),
                         lambda b, i: (2 * B + i // hb, i % hb, 0)),
            pl.BlockSpec((1, blk, C),
                         lambda b, i: (2 * B + 2 + i // hb, i % hb, 0)),
            full(C, C),
            full(1, C),
            full(C, C),
            full(C, R),
            full(1, R),
            full(R, C),
            full(1, C),
        ],
        out_specs=[pl.BlockSpec((1, blk, C), lambda b, i: (b, i, 0))],
        out_shape=[jax.ShapeDtypeStruct((B, N, C), jnp.float32)],
    )(x, mu, rs, aggp, aggp, aggp, wl_t, b_l, wr_t, w1_t, b1, w2_t, b2)[0]


def kernel(x, edge_index, batch, W_l, b_l, W_r, W1, b1, W2, b2):
    B, N, C = x.shape
    E = edge_index.shape[1]
    NH = N // 2

    align = NCORE * 8
    cpt = -(-E // (NTILE * CHUNK))
    cpt = -(-cpt // align) * align
    E_pad = NTILE * CHUNK * cpt
    EC = E_pad // CHUNK
    pad = E_pad - E
    src = jnp.concatenate([edge_index[0], jnp.zeros((pad,), jnp.int32)])
    ar = jnp.arange(E_pad, dtype=jnp.int32)
    dst = jnp.concatenate([edge_index[1], N + (ar[:pad] % 96)])

    srcs = src[None, :] + (jnp.arange(B, dtype=jnp.int32) * N)[:, None]
    srcs = srcs.reshape(B * EC, CHUNK)
    t = dst[None, :] - (jnp.arange(2, dtype=jnp.int32) * NH)[:, None]
    trash = NH + 8 + (ar % 96)
    dsts = jnp.where((t >= 0) & (t < NH), t, trash[None, :])
    dsts = dsts.reshape(2 * EC, CHUNK)

    z128 = jnp.zeros((80, C), jnp.float32)
    ones128 = jnp.ones((CHUNK, C), jnp.float32)

    xn, mu, rs = _instance_norm(x)
    aggp = _sc_aggregate(xn.reshape(B * N, C), srcs, dsts,
                         z128, ones128, N, C, B * N)

    npad = -(-(NH + 104) // 1280) * 1280
    out = _post(x, mu, rs, aggp.reshape(2 * B + 4, npad, C),
                W_l.T, b_l.reshape(1, C), W_r.T, W1.T, b1.reshape(1, -1),
                W2.T, b2.reshape(1, C), blk=1000)
    return out

# --- scband reference (transcript-rebuilt; emitter-appended) ---
"""Pipeline reference for scband-sage-graph-block-50989851738529 (READ-ONLY COPY).

The authoritative reference and input builder live on the scoring server;
editing this copy changes nothing except your own understanding.
"""

import jax, jax.numpy as jnp
import numpy as np

B, N, C, E, R = 4, 10000, 128, 320000, 16

def setup_inputs(seed: int = 0):
    key = jax.random.key(seed)
    ks = jax.random.split(key, 10)
    x = jax.random.normal(ks[0], (B, N, C), dtype=jnp.float32)
    edge_index = jax.random.randint(ks[1], (2, E), 0, N, dtype=jnp.int32)
    batch = jnp.zeros((N,), dtype=jnp.int32)
    s = 1.0 / np.sqrt(C)
    sr = 1.0 / np.sqrt(R)
    W_l = jax.random.uniform(ks[2], (C, C), jnp.float32, -s, s)
    b_l = jax.random.uniform(ks[3], (C,), jnp.float32, -s, s)
    W_r = jax.random.uniform(ks[4], (C, C), jnp.float32, -s, s)
    W1 = jax.random.uniform(ks[5], (R, C), jnp.float32, -s, s)
    b1 = jax.random.uniform(ks[6], (R,), jnp.float32, -s, s)
    W2 = jax.random.uniform(ks[7], (C, R), jnp.float32, -sr, sr)
    b2 = jax.random.uniform(ks[8], (C,), jnp.float32, -sr, sr)
    return {"x": x, "edge_index": edge_index, "batch": batch, "W_l": W_l, "b_l": b_l, "W_r": W_r, "W1": W1, "b1": b1, "W2": W2, "b2": b2}

def reference(x, edge_index, batch, W_l, b_l, W_r, W1, b1, W2, b2):
    eps = 1e-5
    shortcut = x
    # InstanceNorm1d over nodes per (config, channel), affine=False
    mean = jnp.mean(x, axis=1, keepdims=True)
    var = jnp.mean((x - mean) ** 2, axis=1, keepdims=True)
    xn = (x - mean) / jnp.sqrt(var + eps)
    # SAGEConv: mean-aggregate neighbors (src -> dst), lin_l on aggregated + lin_r on root
    src = edge_index[0]
    dst = edge_index[1]
    msgs = xn[:, src, :]                                  # gather  [B, E, C]
    agg = jnp.zeros_like(xn).at[:, dst, :].add(msgs)       # scatter-add
    deg = jnp.zeros((xn.shape[1],), dtype=xn.dtype).at[dst].add(1.0)
    deg = jnp.clip(deg, 1.0, None)
    agg = agg / deg[None, :, None]
    h = agg @ W_l.T + b_l + xn @ W_r.T
    # ChannelAttention: sigmoid(W2(relu(W1(h)))) * h
    a = jax.nn.sigmoid(jnp.maximum(h @ W1.T + b1, 0.0) @ W2.T + b2)
    h = a * h
    # residual + ReLU (droprate=0 -> no dropout)
    return jnp.maximum(h + shortcut, 0.0)

if __name__ == "__main__":
    import jax
    _d = setup_inputs()
    print(jax.jit(kernel)(*tuple(_d.values())))

</pallas_src>

<mosaic_0001>
#map = affine_map<(d0, d1) -> (0, 0)>
module attributes {stable_mosaic.version = 14 : i64} {
  func.func @sc_kernel(%arg0: i32, %arg1: i32, %arg2: memref<40000x128xf32, #tpu.memory_space<hbm>>, %arg3: memref<10240x128xi32, #tpu.memory_space<hbm>>, %arg4: memref<5120x128xi32, #tpu.memory_space<hbm>>, %arg5: memref<80x128xf32, #tpu.memory_space<hbm>>, %arg6: memref<128x128xf32, #tpu.memory_space<hbm>>, %arg7: memref<61440x128xf32, #tpu.memory_space<hbm>>, %arg8: memref<8x128xi32, #tpu.memory_space<vmem>>, %arg9: memref<8x128xi32, #tpu.memory_space<vmem>>, %arg10: memref<128x128xf32, #tpu.memory_space<vmem>>, %arg11: memref<128x128xf32, #tpu.memory_space<vmem>>, %arg12: memref<128x128xf32, #tpu.memory_space<vmem>>, %arg13: memref<5120x128xf32, #tpu.memory_space<vmem_shared>>, %arg14: memref<!tpu.dma_semaphore, #tpu.memory_space<semaphore_mem>>, %arg15: memref<!tpu.dma_semaphore, #tpu.memory_space<semaphore_mem>>, %arg16: memref<!tpu.dma_semaphore, #tpu.memory_space<semaphore_mem>>, %arg17: memref<!tpu.dma_semaphore, #tpu.memory_space<semaphore_mem>>) attributes {dimension_semantics = [#tpu.dimension_semantics<core_parallel>, #tpu.dimension_semantics<subcore_parallel>], iteration_bounds = array<i64: 2, 16>, scalar_prefetch = 0 : i64, scratch_operands = 10 : i64, tpu.core_type = #tpu.core_type<sc_vector_subcore>, window_params = [{transform_indices = #map}, {transform_indices = #map}, {transform_indices = #map}, {transform_indices = #map}, {transform_indices = #map}, {transform_indices = #map}]} {
    %mul3A = arith.constant 2 : i32
    %mul3A_0 = arith.muli %arg0, %mul3A : i32
    %add3A = arith.constant 0 : i32
    %add3A_1 = arith.addi %mul3A_0, %add3A : i32
    "tpu.region"() ({
      %run_scoped3A = tpu.sem_alloc : memref<!tpu.dma_semaphore, #tpu.memory_space<semaphore_mem>>
      %dma_start3A = arith.constant 0 : i32
      %dma_start3A_314 = arith.constant 0 : i32
      %dma_start3A_315 = tpu.memref_slice %arg10[%dma_start3A, %dma_start3A_314] : memref<128x128xf32, #tpu.memory_space<vmem>> -> memref<80x128xf32, #tpu.memory_space<vmem>>
      %dma_start3A_316 = arith.constant 0 : i32
      %dma_start3A_317 = arith.constant 0 : i32
      %dma_start3A_318 = tpu.memref_slice %arg10[%dma_start3A_316, %dma_start3A_317] : memref<128x128xf32, #tpu.memory_space<vmem>> -> memref<80x128xf32, #tpu.memory_space<vmem>>
      tpu.enqueue_dma source(%arg5 : memref<80x128xf32, #tpu.memory_space<hbm>>) target(%dma_start3A_318 : memref<80x128xf32, #tpu.memory_space<vmem>>) target_semaphore(%run_scoped3A : memref<!tpu.dma_semaphore, #tpu.memory_space<semaphore_mem>>)
      %dma_wait3A = arith.constant 0 : i32
      %dma_wait3A_319 = arith.constant 0 : i32
      %dma_wait3A_320 = tpu.memref_slice %arg10[%dma_wait3A, %dma_wait3A_319] : memref<128x128xf32, #tpu.memory_space<vmem>> -> memref<80x128xf32, #tpu.memory_space<vmem>>
      %dma_wait3A_321 = arith.constant 0 : i32
      %dma_wait3A_322 = arith.constant 0 : i32
      %dma_wait3A_323 = tpu.memref_slice %arg10[%dma_wait3A_321, %dma_wait3A_322] : memref<128x128xf32, #tpu.memory_space<vmem>> -> memref<80x128xf32, #tpu.memory_space<vmem>>
      tpu.wait_dma2 semaphore(%run_scoped3A : memref<!tpu.dma_semaphore, #tpu.memory_space<semaphore_mem>>) src(%arg5 : memref<80x128xf32, #tpu.memory_space<hbm>>) dst(%dma_wait3A_323 : memref<80x128xf32, #tpu.memory_space<vmem>>)
      tpu.yield
    }) : () -> ()
    %mul3A_2 = arith.constant 320 : i32
    %mul3A_3 = arith.muli %arg1, %mul3A_2 : i32
    %add3A_4 = arith.constant 0 : i32
    %add3A_5 = arith.addi %mul3A_3, %add3A_4 : i32
    "tpu.region"() ({
      %run_scoped3A = tpu.sem_alloc : memref<!tpu.dma_semaphore, #tpu.memory_space<semaphore_mem>>
      %dma_start3A = arith.constant 0 : i32
      %dma_start3A_314 = arith.constant 0 : i32
      %dma_start3A_315 = tpu.memref_slice %arg10[%dma_start3A, %dma_start3A_314] : memref<128x128xf32, #tpu.memory_space<vmem>> -> memref<80x128xf32, #tpu.memory_space<vmem>>
      %dma_start3A_316 = arith.constant 0 : i32
      %dma_start3A_317 = tpu.memref_slice %arg13[%add3A_5, %dma_start3A_316] : memref<5120x128xf32, #tpu.memory_space<vmem_shared>> -> memref<80x128xf32, #tpu.memory_space<vmem_shared>>
      %dma_start3A_318 = arith.constant 0 : i32
      %dma_start3A_319 = tpu.memref_slice %arg13[%add3A_5, %dma_start3A_318] : memref<5120x128xf32, #tpu.memory_space<vmem_shared>> -> memref<80x128xf32, #tpu.memory_space<vmem_shared>>
      %dma_start3A_320 = arith.constant 0 : i32
      %dma_start3A_321 = arith.constant 0 : i32
      %dma_start3A_322 = tpu.memref_slice %arg10[%dma_start3A_320, %dma_start3A_321] : memref<128x128xf32, #tpu.memory_space<vmem>> -> memref<80x128xf32, #tpu.memory_space<vmem>>
      tpu.enqueue_dma source(%dma_start3A_322 : memref<80x128xf32, #tpu.memory_space<vmem>>) target(%dma_start3A_319 : memref<80x128xf32, #tpu.memory_space<vmem_shared>>) target_semaphore(%run_scoped3A : memref<!tpu.dma_semaphore, #tpu.memory_space<semaphore_mem>>)
      %dma_wait3A = arith.constant 0 : i32
      %dma_wait3A_323 = arith.constant 0 : i32
      %dma_wait3A_324 = tpu.memref_slice %arg10[%dma_wait3A, %dma_wait3A_323] : memref<128x128xf32, #tpu.memory_space<vmem>> -> memref<80x128xf32, #tpu.memory_space<vmem>>
      %dma_wait3A_325 = arith.constant 0 : i32
      %dma_wait3A_326 = tpu.memref_slice %arg13[%add3A_5, %dma_wait3A_325] : memref<5120x128xf32, #tpu.memory_space<vmem_shared>> -> memref<80x128xf32, #tpu.memory_space<vmem_shared>>
      %dma_wait3A_327 = arith.constant 0 : i32
      %dma_wait3A_328 = tpu.memref_slice %arg13[%add3A_5, %dma_wait3A_327] : memref<5120x128xf32, #tpu.memory_space<vmem_shared>> -> memref<80x128xf32, #tpu.memory_space<vmem_shared>>
      %dma_wait3A_329 = arith.constant 0 : i32
      %dma_wait3A_330 = arith.constant 0 : i32
      %dma_wait3A_331 = tpu.memref_slice %arg10[%dma_wait3A_329, %dma_wait3A_330] : memref<128x128xf32, #tpu.memory_space<vmem>> -> memref<80x128xf32, #tpu.memory_space<vmem>>
      tpu.wait_dma2 semaphore(%run_scoped3A : memref<!tpu.dma_semaphore, #tpu.memory_space<semaphore_mem>>) src(%dma_wait3A_331 : memref<80x128xf32, #tpu.memory_space<vmem>>) dst(%dma_wait3A_328 : memref<80x128xf32, #tpu.memory_space<vmem_shared>>)
      tpu.yield
    }) : () -> ()
    %mul3A_6 = arith.constant 320 : i32
    %mul3A_7 = arith.muli %arg1, %mul3A_6 : i32
    %add3A_8 = arith.constant 80 : i32
    %add3A_9 = arith.addi %mul3A_7, %add3A_8 : i32
    "tpu.region"() ({
      %run_scoped3A = tpu.sem_alloc : memref<!tpu.dma_semaphore, #tpu.memory_space<semaphore_mem>>
      %dma_start3A = arith.constant 0 : i32
      %dma_start3A_314 = arith.constant 0 : i32
      %dma_start3A_315 = tpu.memref_slice %arg10[%dma_start3A, %dma_start3A_314] : memref<128x128xf32, #tpu.memory_space<vmem>> -> memref<80x128xf32, #tpu.memory_space<vmem>>
      %dma_start3A_316 = arith.constant 0 : i32
      %dma_start3A_317 = tpu.memref_slice %arg13[%add3A_9, %dma_start3A_316] : memref<5120x128xf32, #tpu.memory_space<vmem_shared>> -> memref<80x128xf32, #tpu.memory_space<vmem_shared>>
      %dma_start3A_318 = arith.constant 0 : i32
      %dma_start3A_319 = tpu.memref_slice %arg13[%add3A_9, %dma_start3A_318] : memref<5120x128xf32, #tpu.memory_space<vmem_shared>> -> memref<80x128xf32, #tpu.memory_space<vmem_shared>>
      %dma_start3A_320 = arith.constant 0 : i32
      %dma_start3A_321 = arith.constant 0 : i32
      %dma_start3A_322 = tpu.memref_slice %arg10[%dma_start3A_320, %dma_start3A_321] : memref<128x128xf32, #tpu.memory_space<vmem>> -> memref<80x128xf32, #tpu.memory_space<vmem>>
      tpu.enqueue_dma source(%dma_start3A_322 : memref<80x128xf32, #tpu.memory_space<vmem>>) target(%dma_start3A_319 : memref<80x128xf32, #tpu.memory_space<vmem_shared>>) target_semaphore(%run_scoped3A : memref<!tpu.dma_semaphore, #tpu.memory_space<semaphore_mem>>)
      %dma_wait3A = arith.constant 0 : i32
      %dma_wait3A_323 = arith.constant 0 : i32
      %dma_wait3A_324 = tpu.memref_slice %arg10[%dma_wait3A, %dma_wait3A_323] : memref<128x128xf32, #tpu.memory_space<vmem>> -> memref<80x128xf32, #tpu.memory_space<vmem>>
      %dma_wait3A_325 = arith.constant 0 : i32
      %dma_wait3A_326 = tpu.memref_slice %arg13[%add3A_9, %dma_wait3A_325] : memref<5120x128xf32, #tpu.memory_space<vmem_shared>> -> memref<80x128xf32, #tpu.memory_space<vmem_shared>>
      %dma_wait3A_327 = arith.constant 0 : i32
      %dma_wait3A_328 = tpu.memref_slice %arg13[%add3A_9, %dma_wait3A_327] : memref<5120x128xf32, #tpu.memory_space<vmem_shared>> -> memref<80x128xf32, #tpu.memory_space<vmem_shared>>
      %dma_wait3A_329 = arith.constant 0 : i32
      %dma_wait3A_330 = arith.constant 0 : i32
      %dma_wait3A_331 = tpu.memref_slice %arg10[%dma_wait3A_329, %dma_wait3A_330] : memref<128x128xf32, #tpu.memory_space<vmem>> -> memref<80x128xf32, #tpu.memory_space<vmem>>
      tpu.wait_dma2 semaphore(%run_scoped3A : memref<!tpu.dma_semaphore, #tpu.memory_space<semaphore_mem>>) src(%dma_wait3A_331 : memref<80x128xf32, #tpu.memory_space<vmem>>) dst(%dma_wait3A_328 : memref<80x128xf32, #tpu.memory_space<vmem_shared>>)
      tpu.yield
    }) : () -> ()
    %mul3A_10 = arith.constant 320 : i32
    %mul3A_11 = arith.muli %arg1, %mul3A_10 : i32
    %add3A_12 = arith.constant 160 : i32
    %add3A_13 = arith.addi %mul3A_11, %add3A_12 : i32
    "tpu.region"() ({
      %run_scoped3A = tpu.sem_alloc : memref<!tpu.dma_semaphore, #tpu.memory_space<semaphore_mem>>
      %dma_start3A = arith.constant 0 : i32
      %dma_start3A_314 = arith.constant 0 : i32
      %dma_start3A_315 = tpu.memref_slice %arg10[%dma_start3A, %dma_start3A_314] : memref<128x128xf32, #tpu.memory_space<vmem>> -> memref<80x128xf32, #tpu.memory_space<vmem>>
      %dma_start3A_316 = arith.constant 0 : i32
      %dma_start3A_317 = tpu.memref_slice %arg13[%add3A_13, %dma_start3A_316] : memref<5120x128xf32, #tpu.memory_space<vmem_shared>> -> memref<80x128xf32, #tpu.memory_space<vmem_shared>>
      %dma_start3A_318 = arith.constant 0 : i32
      %dma_start3A_319 = tpu.memref_slice %arg13[%add3A_13, %dma_start3A_318] : memref<5120x128xf32, #tpu.memory_space<vmem_shared>> -> memref<80x128xf32, #tpu.memory_space<vmem_shared>>
      %dma_start3A_320 = arith.constant 0 : i32
      %dma_start3A_321 = arith.constant 0 : i32
      %dma_start3A_322 = tpu.memref_slice %arg10[%dma_start3A_320, %dma_start3A_321] : memref<128x128xf32, #tpu.memory_space<vmem>> -> memref<80x128xf32, #tpu.memory_space<vmem>>
      tpu.enqueue_dma source(%dma_start3A_322 : memref<80x128xf32, #tpu.memory_space<vmem>>) target(%dma_start3A_319 : memref<80x128xf32, #tpu.memory_space<vmem_shared>>) target_semaphore(%run_scoped3A : memref<!tpu.dma_semaphore, #tpu.memory_space<semaphore_mem>>)
      %dma_wait3A = arith.constant 0 : i32
      %dma_wait3A_323 = arith.constant 0 : i32
      %dma_wait3A_324 = tpu.memref_slice %arg10[%dma_wait3A, %dma_wait3A_323] : memref<128x128xf32, #tpu.memory_space<vmem>> -> memref<80x128xf32, #tpu.memory_space<vmem>>
      %dma_wait3A_325 = arith.constant 0 : i32
      %dma_wait3A_326 = tpu.memref_slice %arg13[%add3A_13, %dma_wait3A_325] : memref<5120x128xf32, #tpu.memory_space<vmem_shared>> -> memref<80x128xf32, #tpu.memory_space<vmem_shared>>
      %dma_wait3A_327 = arith.constant 0 : i32
      %dma_wait3A_328 = tpu.memref_slice %arg13[%add3A_13, %dma_wait3A_327] : memref<5120x128xf32, #tpu.memory_space<vmem_shared>> -> memref<80x128xf32, #tpu.memory_space<vmem_shared>>
      %dma_wait3A_329 = arith.constant 0 : i32
      %dma_wait3A_330 = arith.constant 0 : i32
      %dma_wait3A_331 = tpu.memref_slice %arg10[%dma_wait3A_329, %dma_wait3A_330] : memref<128x128xf32, #tpu.memory_space<vmem>> -> memref<80x128xf32, #tpu.memory_space<vmem>>
      tpu.wait_dma2 semaphore(%run_scoped3A : memref<!tpu.dma_semaphore, #tpu.memory_space<semaphore_mem>>) src(%dma_wait3A_331 : memref<80x128xf32, #tpu.memory_space<vmem>>) dst(%dma_wait3A_328 : memref<80x128xf32, #tpu.memory_space<vmem_shared>>)
      tpu.yield
    }) : () -> ()
    %mul3A_14 = arith.constant 320 : i32
    %mul3A_15 = arith.muli %arg1, %mul3A_14 : i32
    %add3A_16 = arith.constant 240 : i32
    %add3A_17 = arith.addi %mul3A_15, %add3A_16 : i32
    "tpu.region"() ({
      %run_scoped3A = tpu.sem_alloc : memref<!tpu.dma_semaphore, #tpu.memory_space<semaphore_mem>>
      %dma_start3A = arith.constant 0 : i32
      %dma_start3A_314 = arith.constant 0 : i32
      %dma_start3A_315 = tpu.memref_slice %arg10[%dma_start3A, %dma_start3A_314] : memref<128x128xf32, #tpu.memory_space<vmem>> -> memref<80x128xf32, #tpu.memory_space<vmem>>
      %dma_start3A_316 = arith.constant 0 : i32
      %dma_start3A_317 = tpu.memref_slice %arg13[%add3A_17, %dma_start3A_316] : memref<5120x128xf32, #tpu.memory_space<vmem_shared>> -> memref<80x128xf32, #tpu.memory_space<vmem_shared>>
      %dma_start3A_318 = arith.constant 0 : i32
      %dma_start3A_319 = tpu.memref_slice %arg13[%add3A_17, %dma_start3A_318] : memref<5120x128xf32, #tpu.memory_space<vmem_shared>> -> memref<80x128xf32, #tpu.memory_space<vmem_shared>>
      %dma_start3A_320 = arith.constant 0 : i32
      %dma_start3A_321 = arith.constant 0 : i32
      %dma_start3A_322 = tpu.memref_slice %arg10[%dma_start3A_320, %dma_start3A_321] : memref<128x128xf32, #tpu.memory_space<vmem>> -> memref<80x128xf32, #tpu.memory_space<vmem>>
      tpu.enqueue_dma source(%dma_start3A_322 : memref<80x128xf32, #tpu.memory_space<vmem>>) target(%dma_start3A_319 : memref<80x128xf32, #tpu.memory_space<vmem_shared>>) target_semaphore(%run_scoped3A : memref<!tpu.dma_semaphore, #tpu.memory_space<semaphore_mem>>)
      %dma_wait3A = arith.constant 0 : i32
      %dma_wait3A_323 = arith.constant 0 : i32
      %dma_wait3A_324 = tpu.memref_slice %arg10[%dma_wait3A, %dma_wait3A_323] : memref<128x128xf32, #tpu.memory_space<vmem>> -> memref<80x128xf32, #tpu.memory_space<vmem>>
      %dma_wait3A_325 = arith.constant 0 : i32
      %dma_wait3A_326 = tpu.memref_slice %arg13[%add3A_17, %dma_wait3A_325] : memref<5120x128xf32, #tpu.memory_space<vmem_shared>> -> memref<80x128xf32, #tpu.memory_space<vmem_shared>>
      %dma_wait3A_327 = arith.constant 0 : i32
      %dma_wait3A_328 = tpu.memref_slice %arg13[%add3A_17, %dma_wait3A_327] : memref<5120x128xf32, #tpu.memory_space<vmem_shared>> -> memref<80x128xf32, #tpu.memory_space<vmem_shared>>
      %dma_wait3A_329 = arith.constant 0 : i32
      %dma_wait3A_330 = arith.constant 0 : i32
      %dma_wait3A_331 = tpu.memref_slice %arg10[%dma_wait3A_329, %dma_wait3A_330] : memref<128x128xf32, #tpu.memory_space<vmem>> -> memref<80x128xf32, #tpu.memory_space<vmem>>
      tpu.wait_dma2 semaphore(%run_scoped3A : memref<!tpu.dma_semaphore, #tpu.memory_space<semaphore_mem>>) src(%dma_wait3A_331 : memref<80x128xf32, #tpu.memory_space<vmem>>) dst(%dma_wait3A_328 : memref<80x128xf32, #tpu.memory_space<vmem_shared>>)
      tpu.yield
    }) : () -> ()
    %barrier3A = arith.constant 0 : index
    tpu.barrier barrier_id(%barrier3A)
    %scan3A = arith.constant 0 : i32
    %scan3A_18 = arith.constant 20 : i32
    %scan3A_19 = arith.addi %scan3A, %scan3A_18 : i32
    %scan3A_20 = arith.constant 1 : i32
    scf.for %scan3A_314 = %scan3A to %scan3A_19 step %scan3A_20  : i32 {
      %mul3A_315 = arith.constant 1 : i32
      %mul3A_316 = arith.muli %scan3A_314, %mul3A_315 : i32
      %add3A_317 = arith.constant 0 : i32
      %add3A_318 = arith.addi %add3A_317, %mul3A_316 : i32
      %mul3A_319 = arith.constant 160 : i32
      %mul3A_320 = arith.muli %arg1, %mul3A_319 : i32
      %mul3A_321 = arith.constant 8 : i32
      %mul3A_322 = arith.muli %add3A_318, %mul3A_321 : i32
      %add3A_323 = arith.addi %mul3A_320, %mul3A_322 : i32
      %mul3A_324 = arith.constant 2560 : i32
      %mul3A_325 = arith.muli %add3A_1, %mul3A_324 : i32
      %add3A_326 = arith.addi %mul3A_325, %add3A_323 : i32
      "tpu.region"() ({
        %run_scoped3A_446 = tpu.sem_alloc : memref<!tpu.dma_semaphore, #tpu.memory_space<semaphore_mem>>
        %dma_start3A_447 = arith.constant 0 : i32
        %dma_start3A_448 = tpu.memref_slice %arg3[%add3A_326, %dma_start3A_447] : memref<10240x128xi32, #tpu.memory_space<hbm>> -> memref<8x128xi32, #tpu.memory_space<hbm>>
        %dma_start3A_449 = arith.constant 0 : i32
        %dma_start3A_450 = tpu.memref_slice %arg3[%add3A_326, %dma_start3A_449] : memref<10240x128xi32, #tpu.memory_space<hbm>> -> memref<8x128xi32, #tpu.memory_space<hbm>>
        tpu.enqueue_dma source(%dma_start3A_450 : memref<8x128xi32, #tpu.memory_space<hbm>>) target(%arg8 : memref<8x128xi32, #tpu.memory_space<vmem>>) target_semaphore(%run_scoped3A_446 : memref<!tpu.dma_semaphore, #tpu.memory_space<semaphore_mem>>)
        %dma_wait3A_451 = arith.constant 0 : i32
        %dma_wait3A_452 = tpu.memref_slice %arg3[%add3A_326, %dma_wait3A_451] : memref<10240x128xi32, #tpu.memory_space<hbm>> -> memref<8x128xi32, #tpu.memory_space<hbm>>
        %dma_wait3A_453 = arith.constant 0 : i32
        %dma_wait3A_454 = tpu.memref_slice %arg3[%add3A_326, %dma_wait3A_453] : memref<10240x128xi32, #tpu.memory_space<hbm>> -> memref<8x128xi32, #tpu.memory_space<hbm>>
        tpu.wait_dma2 semaphore(%run_scoped3A_446 : memref<!tpu.dma_semaphore, #tpu.memory_space<semaphore_mem>>) src(%dma_wait3A_454 : memref<8x128xi32, #tpu.memory_space<hbm>>) dst(%arg8 : memref<8x128xi32, #tpu.memory_space<vmem>>)
        tpu.yield
      }) : () -> ()
      %add3A_327 = arith.constant 0 : i32
      %add3A_328 = arith.addi %add3A_327, %add3A_323 : i32
      "tpu.region"() ({
        %run_scoped3A_446 = tpu.sem_alloc : memref<!tpu.dma_semaphore, #tpu.memory_space<semaphore_mem>>
        %dma_start3A_447 = arith.constant 0 : i32
        %dma_start3A_448 = tpu.memref_slice %arg4[%add3A_328, %dma_start3A_447] : memref<5120x128xi32, #tpu.memory_space<hbm>> -> memref<8x128xi32, #tpu.memory_space<hbm>>
        %dma_start3A_449 = arith.constant 0 : i32
        %dma_start3A_450 = tpu.memref_slice %arg4[%add3A_328, %dma_start3A_449] : memref<5120x128xi32, #tpu.memory_space<hbm>> -> memref<8x128xi32, #tpu.memory_space<hbm>>
        tpu.enqueue_dma source(%dma_start3A_450 : memref<8x128xi32, #tpu.memory_space<hbm>>) target(%arg9 : memref<8x128xi32, #tpu.memory_space<vmem>>) target_semaphore(%run_scoped3A_446 : memref<!tpu.dma_semaphore, #tpu.memory_space<semaphore_mem>>)
        %dma_wait3A_451 = arith.constant 0 : i32
        %dma_wait3A_452 = tpu.memref_slice %arg4[%add3A_328, %dma_wait3A_451] : memref<5120x128xi32, #tpu.memory_space<hbm>> -> memref<8x128xi32, #tpu.memory_space<hbm>>
        %dma_wait3A_453 = arith.constant 0 : i32
        %dma_wait3A_454 = tpu.memref_slice %arg4[%add3A_328, %dma_wait3A_453] : memref<5120x128xi32, #tpu.memory_space<hbm>> -> memref<8x128xi32, #tpu.memory_space<hbm>>
        tpu.wait_dma2 semaphore(%run_scoped3A_446 : memref<!tpu.dma_semaphore, #tpu.memory_space<semaphore_mem>>) src(%dma_wait3A_454 : memref<8x128xi32, #tpu.memory_space<hbm>>) dst(%arg9 : memref<8x128xi32, #tpu.memory_space<vmem>>)
        tpu.yield
      }) : () -> ()
      %dma_start3A = arith.constant 0 : i32
      %dma_start3A_329 = arith.constant 0 : i32
      %dma_start3A_330 = tpu.memref_slice %arg8[%dma_start3A, %dma_start3A_329] : memref<8x128xi32, #tpu.memory_space<vmem>> -> memref<1x128xi32, #tpu.memory_space<vmem>>
      %dma_start3A_331 = tpu.memref_squeeze %dma_start3A_330 : memref<1x128xi32, #tpu.memory_space<vmem>> -> memref<128xi32, #tpu.memory_space<vmem>>
      %dma_start3A_332 = arith.constant 0 : i32
      %dma_start3A_333 = arith.constant 0 : i32
      %dma_start3A_334 = tpu.memref_slice %arg2[%dma_start3A_332, %dma_start3A_333] : memref<40000x128xf32, #tpu.memory_space<hbm>> -> memref<40000x128xf32, #tpu.memory_space<hbm>>
      tpu.enqueue_indirect_dma source(%dma_start3A_334 : memref<40000x128xf32, #tpu.memory_space<hbm>>) target(%arg10 : memref<128x128xf32, #tpu.memory_space<vmem>>) offsets(%dma_start3A_331 : memref<128xi32, #tpu.memory_space<vmem>>) semaphore(%arg14 : memref<!tpu.dma_semaphore, #tpu.memory_space<semaphore_mem>>)
      %dma_start3A_335 = arith.constant 1 : i32
      %dma_start3A_336 = arith.constant 0 : i32
      %dma_start3A_337 = tpu.memref_slice %arg8[%dma_start3A_335, %dma_start3A_336] : memref<8x128xi32, #tpu.memory_space<vmem>> -> memref<1x128xi32, #tpu.memory_space<vmem>>
      %dma_start3A_338 = tpu.memref_squeeze %dma_start3A_337 : memref<1x128xi32, #tpu.memory_space<vmem>> -> memref<128xi32, #tpu.memory_space<vmem>>
      %dma_start3A_339 = arith.constant 0 : i32
      %dma_start3A_340 = arith.constant 0 : i32
      %dma_start3A_341 = tpu.memref_slice %arg2[%dma_start3A_339, %dma_start3A_340] : memref<40000x128xf32, #tpu.memory_space<hbm>> -> memref<40000x128xf32, #tpu.memory_space<hbm>>
      tpu.enqueue_indirect_dma source(%dma_start3A_341 : memref<40000x128xf32, #tpu.memory_space<hbm>>) target(%arg11 : memref<128x128xf32, #tpu.memory_space<vmem>>) offsets(%dma_start3A_338 : memref<128xi32, #tpu.memory_space<vmem>>) semaphore(%arg15 : memref<!tpu.dma_semaphore, #tpu.memory_space<semaphore_mem>>)
      %dma_start3A_342 = arith.constant 2 : i32
      %dma_start3A_343 = arith.constant 0 : i32
      %dma_start3A_344 = tpu.memref_slice %arg8[%dma_start3A_342, %dma_start3A_343] : memref<8x128xi32, #tpu.memory_space<vmem>> -> memref<1x128xi32, #tpu.memory_space<vmem>>
      %dma_start3A_345 = tpu.memref_squeeze %dma_start3A_344 : memref<1x128xi32, #tpu.memory_space<vmem>> -> memref<128xi32, #tpu.memory_space<vmem>>
      %dma_start3A_346 = arith.constant 0 : i32
      %dma_start3A_347 = arith.constant 0 : i32
      %dma_start3A_348 = tpu.memref_slice %arg2[%dma_start3A_346, %dma_start3A_347] : memref<40000x128xf32, #tpu.memory_space<hbm>> -> memref<40000x128xf32, #tpu.memory_space<hbm>>
      tpu.enqueue_indirect_dma source(%dma_start3A_348 : memref<40000x128xf32, #tpu.memory_space<hbm>>) target(%arg12 : memref<128x128xf32, #tpu.memory_space<vmem>>) offsets(%dma_start3A_345 : memref<128xi32, #tpu.memory_space<vmem>>) semaphore(%arg16 : memref<!tpu.dma_semaphore, #tpu.memory_space<semaphore_mem>>)
      %dma_wait3A = arith.constant 0 : i32
      %dma_wait3A_349 = arith.constant 0 : i32
      %dma_wait3A_350 = tpu.memref_slice %arg8[%dma_wait3A, %dma_wait3A_349] : memref<8x128xi32, #tpu.memory_space<vmem>> -> memref<1x128xi32, #tpu.memory_space<vmem>>
      %dma_wait3A_351 = tpu.memref_squeeze %dma_wait3A_350 : memref<1x128xi32, #tpu.memory_space<vmem>> -> memref<128xi32, #tpu.memory_space<vmem>>
      %dma_wait3A_352 = arith.constant 0 : i32
      %dma_wait3A_353 = arith.constant 0 : i32
      %dma_wait3A_354 = tpu.memref_slice %arg2[%dma_wait3A_352, %dma_wait3A_353] : memref<40000x128xf32, #tpu.memory_space<hbm>> -> memref<40000x128xf32, #tpu.memory_space<hbm>>
      tpu.wait_indirect_dma semaphore(%arg14 : memref<!tpu.dma_semaphore, #tpu.memory_space<semaphore_mem>>) src(%dma_wait3A_354 : memref<40000x128xf32, #tpu.memory_space<hbm>>) dst(%arg10 : memref<128x128xf32, #tpu.memory_space<vmem>>)
      %run_scoped3A = arith.constant 0 : i32
      "tpu.region"() ({
        %run_scoped3A_446 = tpu.sem_alloc : memref<!tpu.dma_semaphore, #tpu.memory_space<semaphore_mem>>
        %dma_start3A_447 = arith.constant 0 : i32
        %dma_start3A_448 = tpu.memref_slice %arg9[%run_scoped3A, %dma_start3A_447] : memref<8x128xi32, #tpu.memory_space<vmem>> -> memref<1x128xi32, #tpu.memory_space<vmem>>
        %dma_start3A_449 = tpu.memref_squeeze %dma_start3A_448 : memref<1x128xi32, #tpu.memory_space<vmem>> -> memref<128xi32, #tpu.memory_space<vmem>>
        %dma_start3A_450 = arith.constant 0 : i32
        %dma_start3A_451 = arith.constant 0 : i32
        %dma_start3A_452 = tpu.memref_slice %arg13[%dma_start3A_450, %dma_start3A_451] : memref<5120x128xf32, #tpu.memory_space<vmem_shared>> -> memref<5120x128xf32, #tpu.memory_space<vmem_shared>>
        tpu.enqueue_indirect_dma source(%arg10 : memref<128x128xf32, #tpu.memory_space<vmem>>) target(%dma_start3A_452 : memref<5120x128xf32, #tpu.memory_space<vmem_shared>>) offsets(%dma_start3A_449 : memref<128xi32, #tpu.memory_space<vmem>>) semaphore(%run_scoped3A_446 : memref<!tpu.dma_semaphore, #tpu.memory_space<semaphore_mem>>) {add = true}
        %dma_wait3A_453 = arith.constant 0 : i32
        %dma_wait3A_454 = tpu.memref_slice %arg9[%run_scoped3A, %dma_wait3A_453] : memref<8x128xi32, #tpu.memory_space<vmem>> -> memref<1x128xi32, #tpu.memory_space<vmem>>
        %dma_wait3A_455 = tpu.memref_squeeze %dma_wait3A_454 : memref<1x128xi32, #tpu.memory_space<vmem>> -> memref<128xi32, #tpu.memory_space<vmem>>
        %dma_wait3A_456 = arith.constant 0 : i32
        %dma_wait3A_457 = arith.constant 0 : i32
        %dma_wait3A_458 = tpu.memref_slice %arg13[%dma_wait3A_456, %dma_wait3A_457] : memref<5120x128xf32, #tpu.memory_space<vmem_shared>> -> memref<5120x128xf32, #tpu.memory_space<vmem_shared>>
        tpu.wait_indirect_dma semaphore(%run_scoped3A_446 : memref<!tpu.dma_semaphore, #tpu.memory_space<semaphore_mem>>) src(%arg10 : memref<128x128xf32, #tpu.memory_space<vmem>>) dst(%dma_wait3A_458 : memref<5120x128xf32, #tpu.memory_space<vmem_shared>>)
        tpu.yield
      }) : () -> ()
      %dma_start3A_355 = arith.constant 3 : i32
      %dma_start3A_356 = arith.constant 0 : i32
      %dma_start3A_357 = tpu.memref_slice %arg8[%dma_start3A_355, %dma_start3A_356] : memref<8x128xi32, #tpu.memory_space<vmem>> -> memref<1x128xi32, #tpu.memory_space<vmem>>
      %dma_start3A_358 = tpu.memref_squeeze %dma_start3A_357 : memref<1x128xi32, #tpu.memory_space<vmem>> -> memref<128xi32, #tpu.memory_space<vmem>>
      %dma_start3A_359 = arith.constant 0 : i32
      %dma_start3A_360 = arith.constant 0 : i32
      %dma_start3A_361 = tpu.memref_slice %arg2[%dma_start3A_359, %dma_start3A_360] : memref<40000x128xf32, #tpu.memory_space<hbm>> -> memref<40000x128xf32, #tpu.memory_space<hbm>>
      tpu.enqueue_indirect_dma source(%dma_start3A_361 : memref<40000x128xf32, #tpu.memory_space<hbm>>) target(%arg10 : memref<128x128xf32, #tpu.memory_space<vmem>>) offsets(%dma_start3A_358 : memref<128xi32, #tpu.memory_space<vmem>>) semaphore(%arg14 : memref<!tpu.dma_semaphore, #tpu.memory_space<semaphore_mem>>)
      %dma_wait3A_362 = arith.constant 1 : i32
      %dma_wait3A_363 = arith.constant 0 : i32
      %dma_wait3A_364 = tpu.memref_slice %arg8[%dma_wait3A_362, %dma_wait3A_363] : memref<8x128xi32, #tpu.memory_space<vmem>> -> memref<1x128xi32, #tpu.memory_space<vmem>>
      %dma_wait3A_365 = tpu.memref_squeeze %dma_wait3A_364 : memref<1x128xi32, #tpu.memory_space<vmem>> -> memref<128xi32, #tpu.memory_space<vmem>>
      %dma_wait3A_366 = arith.constant 0 : i32
      %dma_wait3A_367 = arith.constant 0 : i32
      %dma_wait3A_368 = tpu.memref_slice %arg2[%dma_wait3A_366, %dma_wait3A_367] : memref<40000x128xf32, #tpu.memory_space<hbm>> -> memref<40000x128xf32, #tpu.memory_space<hbm>>
      tpu.wait_indirect_dma semaphore(%arg15 : memref<!tpu.dma_semaphore, #tpu.memory_space<semaphore_mem>>) src(%dma_wait3A_368 : memref<40000x128xf32, #tpu.memory_space<hbm>>) dst(%arg11 : memref<128x128xf32, #tpu.memory_space<vmem>>)
      %run_scoped3A_369 = arith.constant 1 : i32
      "tpu.region"() ({
        %run_scoped3A_446 = tpu.sem_alloc : memref<!tpu.dma_semaphore, #tpu.memory_space<semaphore_mem>>
        %dma_start3A_447 = arith.constant 0 : i32
        %dma_start3A_448 = tpu.memref_slice %arg9[%run_scoped3A_369, %dma_start3A_447] : memref<8x128xi32, #tpu.memory_space<vmem>> -> memref<1x128xi32, #tpu.memory_space<vmem>>
        %dma_start3A_449 = tpu.memref_squeeze %dma_start3A_448 : memref<1x128xi32, #tpu.memory_space<vmem>> -> memref<128xi32, #tpu.memory_space<vmem>>
        %dma_start3A_450 = arith.constant 0 : i32
        %dma_start3A_451 = arith.constant 0 : i32
        %dma_start3A_452 = tpu.memref_slice %arg13[%dma_start3A_450, %dma_start3A_451] : memref<5120x128xf32, #tpu.memory_space<vmem_shared>> -> memref<5120x128xf32, #tpu.memory_space<vmem_shared>>
        tpu.enqueue_indirect_dma source(%arg11 : memref<128x128xf32, #tpu.memory_space<vmem>>) target(%dma_start3A_452 : memref<5120x128xf32, #tpu.memory_space<vmem_shared>>) offsets(%dma_start3A_449 : memref<128xi32, #tpu.memory_space<vmem>>) semaphore(%run_scoped3A_446 : memref<!tpu.dma_semaphore, #tpu.memory_space<semaphore_mem>>) {add = true}
        %dma_wait3A_453 = arith.constant 0 : i32
        %dma_wait3A_454 = tpu.memref_slice %arg9[%run_scoped3A_369, %dma_wait3A_453] : memref<8x128xi32, #tpu.memory_space<vmem>> -> memref<1x128xi32, #tpu.memory_space<vmem>>
        %dma_wait3A_455 = tpu.memref_squeeze %dma_wait3A_454 : memref<1x128xi32, #tpu.memory_space<vmem>> -> memref<128xi32, #tpu.memory_space<vmem>>
        %dma_wait3A_456 = arith.constant 0 : i32
        %dma_wait3A_457 = arith.constant 0 : i32
        %dma_wait3A_458 = tpu.memref_slice %arg13[%dma_wait3A_456, %dma_wait3A_457] : memref<5120x128xf32, #tpu.memory_space<vmem_shared>> -> memref<5120x128xf32, #tpu.memory_space<vmem_shared>>
        tpu.wait_indirect_dma semaphore(%run_scoped3A_446 : memref<!tpu.dma_semaphore, #tpu.memory_space<semaphore_mem>>) src(%arg11 : memref<128x128xf32, #tpu.memory_space<vmem>>) dst(%dma_wait3A_458 : memref<5120x128xf32, #tpu.memory_space<vmem_shared>>)
        tpu.yield
      }) : () -> ()
      %dma_start3A_370 = arith.constant 4 : i32
      %dma_start3A_371 = arith.constant 0 : i32
      %dma_start3A_372 = tpu.memref_slice %arg8[%dma_start3A_370, %dma_start3A_371] : memref<8x128xi32, #tpu.memory_space<vmem>> -> memref<1x128xi32, #tpu.memory_space<vmem>>
      %dma_start3A_373 = tpu.memref_squeeze %dma_start3A_372 : memref<1x128xi32, #tpu.memory_space<vmem>> -> memref<128xi32, #tpu.memory_space<vmem>>
      %dma_start3A_374 = arith.constant 0 : i32
      %dma_start3A_375 = arith.constant 0 : i32
      %dma_start3A_376 = tpu.memref_slice %arg2[%dma_start3A_374, %dma_start3A_375] : memref<40000x128xf32, #tpu.memory_space<hbm>> -> memref<40000x128xf32, #tpu.memory_space<hbm>>
      tpu.enqueue_indirect_dma source(%dma_start3A_376 : memref<40000x128xf32, #tpu.memory_space<hbm>>) target(%arg11 : memref<128x128xf32, #tpu.memory_space<vmem>>) offsets(%dma_start3A_373 : memref<128xi32, #tpu.memory_space<vmem>>) semaphore(%arg15 : memref<!tpu.dma_semaphore, #tpu.memory_space<semaphore_mem>>)
      %dma_wait3A_377 = arith.constant 2 : i32
      %dma_wait3A_378 = arith.constant 0 : i32
      %dma_wait3A_379 = tpu.memref_slice %arg8[%dma_wait3A_377, %dma_wait3A_378] : memref<8x128xi32, #tpu.memory_space<vmem>> -> memref<1x128xi32, #tpu.memory_space<vmem>>
      %dma_wait3A_380 = tpu.memref_squeeze %dma_wait3A_379 : memref<1x128xi32, #tpu.memory_space<vmem>> -> memref<128xi32, #tpu.memory_space<vmem>>
      %dma_wait3A_381 = arith.constant 0 : i32
      %dma_wait3A_382 = arith.constant 0 : i32
      %dma_wait3A_383 = tpu.memref_slice %arg2[%dma_wait3A_381, %dma_wait3A_382] : memref<40000x128xf32, #tpu.memory_space<hbm>> -> memref<40000x128xf32, #tpu.memory_space<hbm>>
      tpu.wait_indirect_dma semaphore(%arg16 : memref<!tpu.dma_semaphore, #tpu.memory_space<semaphore_mem>>) src(%dma_wait3A_383 : memref<40000x128xf32, #tpu.memory_space<hbm>>) dst(%arg12 : memref<128x128xf32, #tpu.memory_space<vmem>>)
      %run_scoped3A_384 = arith.constant 2 : i32
      "tpu.region"() ({
        %run_scoped3A_446 = tpu.sem_alloc : memref<!tpu.dma_semaphore, #tpu.memory_space<semaphore_mem>>
        %dma_start3A_447 = arith.constant 0 : i32
        %dma_start3A_448 = tpu.memref_slice %arg9[%run_scoped3A_384, %dma_start3A_447] : memref<8x128xi32, #tpu.memory_space<vmem>> -> memref<1x128xi32, #tpu.memory_space<vmem>>
        %dma_start3A_449 = tpu.memref_squeeze %dma_start3A_448 : memref<1x128xi32, #tpu.memory_space<vmem>> -> memref<128xi32, #tpu.memory_space<vmem>>
        %dma_start3A_450 = arith.constant 0 : i32
        %dma_start3A_451 = arith.constant 0 : i32
        %dma_start3A_452 = tpu.memref_slice %arg13[%dma_start3A_450, %dma_start3A_451] : memref<5120x128xf32, #tpu.memory_space<vmem_shared>> -> memref<5120x128xf32, #tpu.memory_space<vmem_shared>>
        tpu.enqueue_indirect_dma source(%arg12 : memref<128x128xf32, #tpu.memory_space<vmem>>) target(%dma_start3A_452 : memref<5120x128xf32, #tpu.memory_space<vmem_shared>>) offsets(%dma_start3A_449 : memref<128xi32, #tpu.memory_space<vmem>>) semaphore(%run_scoped3A_446 : memref<!tpu.dma_semaphore, #tpu.memory_space<semaphore_mem>>) {add = true}
        %dma_wait3A_453 = arith.constant 0 : i32
        %dma_wait3A_454 = tpu.memref_slice %arg9[%run_scoped3A_384, %dma_wait3A_453] : memref<8x128xi32, #tpu.memory_space<vmem>> -> memref<1x128xi32, #tpu.memory_space<vmem>>
        %dma_wait3A_455 = tpu.memref_squeeze %dma_wait3A_454 : memref<1x128xi32, #tpu.memory_space<vmem>> -> memref<128xi32, #tpu.memory_space<vmem>>
        %dma_wait3A_456 = arith.constant 0 : i32
        %dma_wait3A_457 = arith.constant 0 : i32
        %dma_wait3A_458 = tpu.memref_slice %arg13[%dma_wait3A_456, %dma_wait3A_457] : memref<5120x128xf32, #tpu.memory_space<vmem_shared>> -> memref<5120x128xf32, #tpu.memory_space<vmem_shared>>
        tpu.wait_indirect_dma semaphore(%run_scoped3A_446 : memref<!tpu.dma_semaphore, #tpu.memory_space<semaphore_mem>>) src(%arg12 : memref<128x128xf32, #tpu.memory_space<vmem>>) dst(%dma_wait3A_458 : memref<5120x128xf32, #tpu.memory_space<vmem_shared>>)
        tpu.yield
      }) : () -> ()
      %dma_start3A_385 = arith.constant 5 : i32
      %dma_start3A_386 = arith.constant 0 : i32
      %dma_start3A_387 = tpu.memref_slice %arg8[%dma_start3A_385, %dma_start3A_386] : memref<8x128xi32, #tpu.memory_space<vmem>> -> memref<1x128xi32, #tpu.memory_space<vmem>>
      %dma_start3A_388 = tpu.memref_squeeze %dma_start3A_387 : memref<1x128xi32, #tpu.memory_space<vmem>> -> memref<128xi32, #tpu.memory_space<vmem>>
      %dma_start3A_389 = arith.constant 0 : i32
      %dma_start3A_390 = arith.constant 0 : i32
      %dma_start3A_391 = tpu.memref_slice %arg2[%dma_start3A_389, %dma_start3A_390] : memref<40000x128xf32, #tpu.memory_space<hbm>> -> memref<40000x128xf32, #tpu.memory_space<hbm>>
      tpu.enqueue_indirect_dma source(%dma_start3A_391 : memref<40000x128xf32, #tpu.memory_space<hbm>>) target(%arg12 : memref<128x128xf32, #tpu.memory_space<vmem>>) offsets(%dma_start3A_388 : memref<128xi32, #tpu.memory_space<vmem>>) semaphore(%arg16 : memref<!tpu.dma_semaphore, #tpu.memory_space<semaphore_mem>>)
      %dma_wait3A_392 = arith.constant 3 : i32
      %dma_wait3A_393 = arith.constant 0 : i32
      %dma_wait3A_394 = tpu.memref_slice %arg8[%dma_wait3A_392, %dma_wait3A_393] : memref<8x128xi32, #tpu.memory_space<vmem>> -> memref<1x128xi32, #tpu.memory_space<vmem>>
      %dma_wait3A_395 = tpu.memref_squeeze %dma_wait3A_394 : memref<1x128xi32, #tpu.memory_space<vmem>> -> memref<128xi32, #tpu.memory_space<vmem>>
      %dma_wait3A_396 = arith.constant 0 : i32
      %dma_wait3A_397 = arith.constant 0 : i32
      %dma_wait3A_398 = tpu.memref_slice %arg2[%dma_wait3A_396, %dma_wait3A_397] : memref<40000x128xf32, #tpu.memory_space<hbm>> -> memref<40000x128xf32, #tpu.memory_space<hbm>>
      tpu.wait_indirect_dma semaphore(%arg14 : memref<!tpu.dma_semaphore, #tpu.memory_space<semaphore_mem>>) src(%dma_wait3A_398 : memref<40000x128xf32, #tpu.memory_space<hbm>>) dst(%arg10 : memref<128x128xf32, #tpu.memory_space<vmem>>)
      %run_scoped3A_399 = arith.constant 3 : i32
      "tpu.region"() ({
        %run_scoped3A_446 = tpu.sem_alloc : memref<!tpu.dma_semaphore, #tpu.memory_space<semaphore_mem>>
        %dma_start3A_447 = arith.constant 0 : i32
        %dma_start3A_448 = tpu.memref_slice %arg9[%run_scoped3A_399, %dma_start3A_447] : memref<8x128xi32, #tpu.memory_space<vmem>> -> memref<1x128xi32, #tpu.memory_space<vmem>>
        %dma_start3A_449 = tpu.memref_squeeze %dma_start3A_448 : memref<1x128xi32, #tpu.memory_space<vmem>> -> memref<128xi32, #tpu.memory_space<vmem>>
        %dma_start3A_450 = arith.constant 0 : i32
        %dma_start3A_451 = arith.constant 0 : i32
        %dma_start3A_452 = tpu.memref_slice %arg13[%dma_start3A_450, %dma_start3A_451] : memref<5120x128xf32, #tpu.memory_space<vmem_shared>> -> memref<5120x128xf32, #tpu.memory_space<vmem_shared>>
        tpu.enqueue_indirect_dma source(%arg10 : memref<128x128xf32, #tpu.memory_space<vmem>>) target(%dma_start3A_452 : memref<5120x128xf32, #tpu.memory_space<vmem_shared>>) offsets(%dma_start3A_449 : memref<128xi32, #tpu.memory_space<vmem>>) semaphore(%run_scoped3A_446 : memref<!tpu.dma_semaphore, #tpu.memory_space<semaphore_mem>>) {add = true}
        %dma_wait3A_453 = arith.constant 0 : i32
        %dma_wait3A_454 = tpu.memref_slice %arg9[%run_scoped3A_399, %dma_wait3A_453] : memref<8x128xi32, #tpu.memory_space<vmem>> -> memref<1x128xi32, #tpu.memory_space<vmem>>
        %dma_wait3A_455 = tpu.memref_squeeze %dma_wait3A_454 : memref<1x128xi32, #tpu.memory_space<vmem>> -> memref<128xi32, #tpu.memory_space<vmem>>
        %dma_wait3A_456 = arith.constant 0 : i32
        %dma_wait3A_457 = arith.constant 0 : i32
        %dma_wait3A_458 = tpu.memref_slice %arg13[%dma_wait3A_456, %dma_wait3A_457] : memref<5120x128xf32, #tpu.memory_space<vmem_shared>> -> memref<5120x128xf32, #tpu.memory_space<vmem_shared>>
        tpu.wait_indirect_dma semaphore(%run_scoped3A_446 : memref<!tpu.dma_semaphore, #tpu.memory_space<semaphore_mem>>) src(%arg10 : memref<128x128xf32, #tpu.memory_space<vmem>>) dst(%dma_wait3A_458 : memref<5120x128xf32, #tpu.memory_space<vmem_shared>>)
        tpu.yield
      }) : () -> ()
      %dma_start3A_400 = arith.constant 6 : i32
      %dma_start3A_401 = arith.constant 0 : i32
      %dma_start3A_402 = tpu.memref_slice %arg8[%dma_start3A_400, %dma_start3A_401] : memref<8x128xi32, #tpu.memory_space<vmem>> -> memref<1x128xi32, #tpu.memory_space<vmem>>
      %dma_start3A_403 = tpu.memref_squeeze %dma_start3A_402 : memref<1x128xi32, #tpu.memory_space<vmem>> -> memref<128xi32, #tpu.memory_space<vmem>>
      %dma_start3A_404 = arith.constant 0 : i32
      %dma_start3A_405 = arith.constant 0 : i32
      %dma_start3A_406 = tpu.memref_slice %arg2[%dma_start3A_404, %dma_start3A_405] : memref<40000x128xf32, #tpu.memory_space<hbm>> -> memref<40000x128xf32, #tpu.memory_space<hbm>>
      tpu.enqueue_indirect_dma source(%dma_start3A_406 : memref<40000x128xf32, #tpu.memory_space<hbm>>) target(%arg10 : memref<128x128xf32, #tpu.memory_space<vmem>>) offsets(%dma_start3A_403 : memref<128xi32, #tpu.memory_space<vmem>>) semaphore(%arg14 : memref<!tpu.dma_semaphore, #tpu.memory_space<semaphore_mem>>)
      %dma_wait3A_407 = arith.constant 4 : i32
      %dma_wait3A_408 = arith.constant 0 : i32
      %dma_wait3A_409 = tpu.memref_slice %arg8[%dma_wait3A_407, %dma_wait3A_408] : memref<8x128xi32, #tpu.memory_space<vmem>> -> memref<1x128xi32, #tpu.memory_space<vmem>>
      %dma_wait3A_410 = tpu.memref_squeeze %dma_wait3A_409 : memref<1x128xi32, #tpu.memory_space<vmem>> -> memref<128xi32, #tpu.memory_space<vmem>>
      %dma_wait3A_411 = arith.constant 0 : i32
      %dma_wait3A_412 = arith.constant 0 : i32
      %dma_wait3A_413 = tpu.memref_slice %arg2[%dma_wait3A_411, %dma_wait3A_412] : memref<40000x128xf32, #tpu.memory_space<hbm>> -> memref<40000x128xf32, #tpu.memory_space<hbm>>
      tpu.wait_indirect_dma semaphore(%arg15 : memref<!tpu.dma_semaphore, #tpu.memory_space<semaphore_mem>>) src(%dma_wait3A_413 : memref<40000x128xf32, #tpu.memory_space<hbm>>) dst(%arg11 : memref<128x128xf32, #tpu.memory_space<vmem>>)
      %run_scoped3A_414 = arith.constant 4 : i32
      "tpu.region"() ({
        %run_scoped3A_446 = tpu.sem_alloc : memref<!tpu.dma_semaphore, #tpu.memory_space<semaphore_mem>>
        %dma_start3A_447 = arith.constant 0 : i32
        %dma_start3A_448 = tpu.memref_slice %arg9[%run_scoped3A_414, %dma_start3A_447] : memref<8x128xi32, #tpu.memory_space<vmem>> -> memref<1x128xi32, #tpu.memory_space<vmem>>
        %dma_start3A_449 = tpu.memref_squeeze %dma_start3A_448 : memref<1x128xi32, #tpu.memory_space<vmem>> -> memref<128xi32, #tpu.memory_space<vmem>>
        %dma_start3A_450 = arith.constant 0 : i32
        %dma_start3A_451 = arith.constant 0 : i32
        %dma_start3A_452 = tpu.memref_slice %arg13[%dma_start3A_450, %dma_start3A_451] : memref<5120x128xf32, #tpu.memory_space<vmem_shared>> -> memref<5120x128xf32, #tpu.memory_space<vmem_shared>>
        tpu.enqueue_indirect_dma source(%arg11 : memref<128x128xf32, #tpu.memory_space<vmem>>) target(%dma_start3A_452 : memref<5120x128xf32, #tpu.memory_space<vmem_shared>>) offsets(%dma_start3A_449 : memref<128xi32, #tpu.memory_space<vmem>>) semaphore(%run_scoped3A_446 : memref<!tpu.dma_semaphore, #tpu.memory_space<semaphore_mem>>) {add = true}
        %dma_wait3A_453 = arith.constant 0 : i32
        %dma_wait3A_454 = tpu.memref_slice %arg9[%run_scoped3A_414, %dma_wait3A_453] : memref<8x128xi32, #tpu.memory_space<vmem>> -> memref<1x128xi32, #tpu.memory_space<vmem>>
        %dma_wait3A_455 = tpu.memref_squeeze %dma_wait3A_454 : memref<1x128xi32, #tpu.memory_space<vmem>> -> memref<128xi32, #tpu.memory_space<vmem>>
        %dma_wait3A_456 = arith.constant 0 : i32
        %dma_wait3A_457 = arith.constant 0 : i32
        %dma_wait3A_458 = tpu.memref_slice %arg13[%dma_wait3A_456, %dma_wait3A_457] : memref<5120x128xf32, #tpu.memory_space<vmem_shared>> -> memref<5120x128xf32, #tpu.memory_space<vmem_shared>>
        tpu.wait_indirect_dma semaphore(%run_scoped3A_446 : memref<!tpu.dma_semaphore, #tpu.memory_space<semaphore_mem>>) src(%arg11 : memref<128x128xf32, #tpu.memory_space<vmem>>) dst(%dma_wait3A_458 : memref<5120x128xf32, #tpu.memory_space<vmem_shared>>)
        tpu.yield
      }) : () -> ()
      %dma_start3A_415 = arith.constant 7 : i32
      %dma_start3A_416 = arith.constant 0 : i32
      %dma_start3A_417 = tpu.memref_slice %arg8[%dma_start3A_415, %dma_start3A_416] : memref<8x128xi32, #tpu.memory_space<vmem>> -> memref<1x128xi32, #tpu.memory_space<vmem>>
      %dma_start3A_418 = tpu.memref_squeeze %dma_start3A_417 : memref<1x128xi32, #tpu.memory_space<vmem>> -> memref<128xi32, #tpu.memory_space<vmem>>
      %dma_start3A_419 = arith.constant 0 : i32
      %dma_start3A_420 = arith.constant 0 : i32
      %dma_start3A_421 = tpu.memref_slice %arg2[%dma_start3A_419, %dma_start3A_420] : memref<40000x128xf32, #tpu.memory_space<hbm>> -> memref<40000x128xf32, #tpu.memory_space<hbm>>
      tpu.enqueue_indirect_dma source(%dma_start3A_421 : memref<40000x128xf32, #tpu.memory_space<hbm>>) target(%arg11 : memref<128x128xf32, #tpu.memory_space<vmem>>) offsets(%dma_start3A_418 : memref<128xi32, #tpu.memory_space<vmem>>) semaphore(%arg15 : memref<!tpu.dma_semaphore, #tpu.memory_space<semaphore_mem>>)
      %dma_wait3A_422 = arith.constant 5 : i32
      %dma_wait3A_423 = arith.constant 0 : i32
      %dma_wait3A_424 = tpu.memref_slice %arg8[%dma_wait3A_422, %dma_wait3A_423] : memref<8x128xi32, #tpu.memory_space<vmem>> -> memref<1x128xi32, #tpu.memory_space<vmem>>
      %dma_wait3A_425 = tpu.memref_squeeze %dma_wait3A_424 : memref<1x128xi32, #tpu.memory_space<vmem>> -> memref<128xi32, #tpu.memory_space<vmem>>
      %dma_wait3A_426 = arith.constant 0 : i32
      %dma_wait3A_427 = arith.constant 0 : i32
      %dma_wait3A_428 = tpu.memref_slice %arg2[%dma_wait3A_426, %dma_wait3A_427] : memref<40000x128xf32, #tpu.memory_space<hbm>> -> memref<40000x128xf32, #tpu.memory_space<hbm>>
      tpu.wait_indirect_dma semaphore(%arg16 : memref<!tpu.dma_semaphore, #tpu.memory_space<semaphore_mem>>) src(%dma_wait3A_428 : memref<40000x128xf32, #tpu.memory_space<hbm>>) dst(%arg12 : memref<128x128xf32, #tpu.memory_space<vmem>>)
      %run_scoped3A_429 = arith.constant 5 : i32
      "tpu.region"() ({
        %run_scoped3A_446 = tpu.sem_alloc : memref<!tpu.dma_semaphore, #tpu.memory_space<semaphore_mem>>
        %dma_start3A_447 = arith.constant 0 : i32
        %dma_start3A_448 = tpu.memref_slice %arg9[%run_scoped3A_429, %dma_start3A_447] : memref<8x128xi32, #tpu.memory_space<vmem>> -> memref<1x128xi32, #tpu.memory_space<vmem>>
        %dma_start3A_449 = tpu.memref_squeeze %dma_start3A_448 : memref<1x128xi32, #tpu.memory_space<vmem>> -> memref<128xi32, #tpu.memory_space<vmem>>
        %dma_start3A_450 = arith.constant 0 : i32
        %dma_start3A_451 = arith.constant 0 : i32
        %dma_start3A_452 = tpu.memref_slice %arg13[%dma_start3A_450, %dma_start3A_451] : memref<5120x128xf32, #tpu.memory_space<vmem_shared>> -> memref<5120x128xf32, #tpu.memory_space<vmem_shared>>
        tpu.enqueue_indirect_dma source(%arg12 : memref<128x128xf32, #tpu.memory_space<vmem>>) target(%dma_start3A_452 : memref<5120x128xf32, #tpu.memory_space<vmem_shared>>) offsets(%dma_start3A_449 : memref<128xi32, #tpu.memory_space<vmem>>) semaphore(%run_scoped3A_446 : memref<!tpu.dma_semaphore, #tpu.memory_space<semaphore_mem>>) {add = true}
        %dma_wait3A_453 = arith.constant 0 : i32
        %dma_wait3A_454 = tpu.memref_slice %arg9[%run_scoped3A_429, %dma_wait3A_453] : memref<8x128xi32, #tpu.memory_space<vmem>> -> memref<1x128xi32, #tpu.memory_space<vmem>>
        %dma_wait3A_455 = tpu.memref_squeeze %dma_wait3A_454 : memref<1x128xi32, #tpu.memory_space<vmem>> -> memref<128xi32, #tpu.memory_space<vmem>>
        %dma_wait3A_456 = arith.constant 0 : i32
        %dma_wait3A_457 = arith.constant 0 : i32
        %dma_wait3A_458 = tpu.memref_slice %arg13[%dma_wait3A_456, %dma_wait3A_457] : memref<5120x128xf32, #tpu.memory_space<vmem_shared>> -> memref<5120x128xf32, #tpu.memory_space<vmem_shared>>
        tpu.wait_indirect_dma semaphore(%run_scoped3A_446 : memref<!tpu.dma_semaphore, #tpu.memory_space<semaphore_mem>>) src(%arg12 : memref<128x128xf32, #tpu.memory_space<vmem>>) dst(%dma_wait3A_458 : memref<5120x128xf32, #tpu.memory_space<vmem_shared>>)
        tpu.yield
      }) : () -> ()
      %dma_wait3A_430 = arith.constant 6 : i32
      %dma_wait3A_431 = arith.constant 0 : i32
      %dma_wait3A_432 = tpu.memref_slice %arg8[%dma_wait3A_430, %dma_wait3A_431] : memref<8x128xi32, #tpu.memory_space<vmem>> -> memref<1x128xi32, #tpu.memory_space<vmem>>
      %dma_wait3A_433 = tpu.memref_squeeze %dma_wait3A_432 : memref<1x128xi32, #tpu.memory_space<vmem>> -> memref<128xi32, #tpu.memory_space<vmem>>
      %dma_wait3A_434 = arith.constant 0 : i32
      %dma_wait3A_435 = arith.constant 0 : i32
      %dma_wait3A_436 = tpu.memref_slice %arg2[%dma_wait3A_434, %dma_wait3A_435] : memref<40000x128xf32, #tpu.memory_space<hbm>> -> memref<40000x128xf32, #tpu.memory_space<hbm>>
      tpu.wait_indirect_dma semaphore(%arg14 : memref<!tpu.dma_semaphore, #tpu.memory_space<semaphore_mem>>) src(%dma_wait3A_436 : memref<40000x128xf32, #tpu.memory_space<hbm>>) dst(%arg10 : memref<128x128xf32, #tpu.memory_space<vmem>>)
      %run_scoped3A_437 = arith.constant 6 : i32
      "tpu.region"() ({
        %run_scoped3A_446 = tpu.sem_alloc : memref<!tpu.dma_semaphore, #tpu.memory_space<semaphore_mem>>
        %dma_start3A_447 = arith.constant 0 : i32
        %dma_start3A_448 = tpu.memref_slice %arg9[%run_scoped3A_437, %dma_start3A_447] : memref<8x128xi32, #tpu.memory_space<vmem>> -> memref<1x128xi32, #tpu.memory_space<vmem>>
        %dma_start3A_449 = tpu.memref_squeeze %dma_start3A_448 : memref<1x128xi32, #tpu.memory_space<vmem>> -> memref<128xi32, #tpu.memory_space<vmem>>
        %dma_start3A_450 = arith.constant 0 : i32
        %dma_start3A_451 = arith.constant 0 : i32
        %dma_start3A_452 = tpu.memref_slice %arg13[%dma_start3A_450, %dma_start3A_451] : memref<5120x128xf32, #tpu.memory_space<vmem_shared>> -> memref<5120x128xf32, #tpu.memory_space<vmem_shared>>
        tpu.enqueue_indirect_dma source(%arg10 : memref<128x128xf32, #tpu.memory_space<vmem>>) target(%dma_start3A_452 : memref<5120x128xf32, #tpu.memory_space<vmem_shared>>) offsets(%dma_start3A_449 : memref<128xi32, #tpu.memory_space<vmem>>) semaphore(%run_scoped3A_446 : memref<!tpu.dma_semaphore, #tpu.memory_space<semaphore_mem>>) {add = true}
        %dma_wait3A_453 = arith.constant 0 : i32
        %dma_wait3A_454 = tpu.memref_slice %arg9[%run_scoped3A_437, %dma_wait3A_453] : memref<8x128xi32, #tpu.memory_space<vmem>> -> memref<1x128xi32, #tpu.memory_space<vmem>>
        %dma_wait3A_455 = tpu.memref_squeeze %dma_wait3A_454 : memref<1x128xi32, #tpu.memory_space<vmem>> -> memref<128xi32, #tpu.memory_space<vmem>>
        %dma_wait3A_456 = arith.constant 0 : i32
        %dma_wait3A_457 = arith.constant 0 : i32
        %dma_wait3A_458 = tpu.memref_slice %arg13[%dma_wait3A_456, %dma_wait3A_457] : memref<5120x128xf32, #tpu.memory_space<vmem_shared>> -> memref<5120x128xf32, #tpu.memory_space<vmem_shared>>
        tpu.wait_indirect_dma semaphore(%run_scoped3A_446 : memref<!tpu.dma_semaphore, #tpu.memory_space<semaphore_mem>>) src(%arg10 : memref<128x128xf32, #tpu.memory_space<vmem>>) dst(%dma_wait3A_458 : memref<5120x128xf32, #tpu.memory_space<vmem_shared>>)
        tpu.yield
      }) : () -> ()
      %dma_wait3A_438 = arith.constant 7 : i32
      %dma_wait3A_439 = arith.constant 0 : i32
      %dma_wait3A_440 = tpu.memref_slice %arg8[%dma_wait3A_438, %dma_wait3A_439] : memref<8x128xi32, #tpu.memory_space<vmem>> -> memref<1x128xi32, #tpu.memory_space<vmem>>
      %dma_wait3A_441 = tpu.memref_squeeze %dma_wait3A_440 : memref<1x128xi32, #tpu.memory_space<vmem>> -> memref<128xi32, #tpu.memory_space<vmem>>
      %dma_wait3A_442 = arith.constant 0 : i32
      %dma_wait3A_443 = arith.constant 0 : i32
      %dma_wait3A_444 = tpu.memref_slice %arg2[%dma_wait3A_442, %dma_wait3A_443] : memref<40000x128xf32, #tpu.memory_space<hbm>> -> memref<40000x128xf32, #tpu.memory_space<hbm>>
      tpu.wait_indirect_dma semaphore(%arg15 : memref<!tpu.dma_semaphore, #tpu.memory_space<semaphore_mem>>) src(%dma_wait3A_444 : memref<40000x128xf32, #tpu.memory_space<hbm>>) dst(%arg11 : memref<128x128xf32, #tpu.memory_space<vmem>>)
      %run_scoped3A_445 = arith.constant 7 : i32
      "tpu.region"() ({
        %run_scoped3A_446 = tpu.sem_alloc : memref<!tpu.dma_semaphore, #tpu.memory_space<semaphore_mem>>
        %dma_start3A_447 = arith.constant 0 : i32
        %dma_start3A_448 = tpu.memref_slice %arg9[%run_scoped3A_445, %dma_start3A_447] : memref<8x128xi32, #tpu.memory_space<vmem>> -> memref<1x128xi32, #tpu.memory_space<vmem>>
        %dma_start3A_449 = tpu.memref_squeeze %dma_start3A_448 : memref<1x128xi32, #tpu.memory_space<vmem>> -> memref<128xi32, #tpu.memory_space<vmem>>
        %dma_start3A_450 = arith.constant 0 : i32
        %dma_start3A_451 = arith.constant 0 : i32
        %dma_start3A_452 = tpu.memref_slice %arg13[%dma_start3A_450, %dma_start3A_451] : memref<5120x128xf32, #tpu.memory_space<vmem_shared>> -> memref<5120x128xf32, #tpu.memory_space<vmem_shared>>
        tpu.enqueue_indirect_dma source(%arg11 : memref<128x128xf32, #tpu.memory_space<vmem>>) target(%dma_start3A_452 : memref<5120x128xf32, #tpu.memory_space<vmem_shared>>) offsets(%dma_start3A_449 : memref<128xi32, #tpu.memory_space<vmem>>) semaphore(%run_scoped3A_446 : memref<!tpu.dma_semaphore, #tpu.memory_space<semaphore_mem>>) {add = true}
        %dma_wait3A_453 = arith.constant 0 : i32
        %dma_wait3A_454 = tpu.memref_slice %arg9[%run_scoped3A_445, %dma_wait3A_453] : memref<8x128xi32, #tpu.memory_space<vmem>> -> memref<1x128xi32, #tpu.memory_space<vmem>>
        %dma_wait3A_455 = tpu.memref_squeeze %dma_wait3A_454 : memref<1x128xi32, #tpu.memory_space<vmem>> -> memref<128xi32, #tpu.memory_space<vmem>>
        %dma_wait3A_456 = arith.constant 0 : i32
        %dma_wait3A_457 = arith.constant 0 : i32
        %dma_wait3A_458 = tpu.memref_slice %arg13[%dma_wait3A_456, %dma_wait3A_457] : memref<5120x128xf32, #tpu.memory_space<vmem_shared>> -> memref<5120x128xf32, #tpu.memory_space<vmem_shared>>
        tpu.wait_indirect_dma semaphore(%run_scoped3A_446 : memref<!tpu.dma_semaphore, #tpu.memory_space<semaphore_mem>>) src(%arg11 : memref<128x128xf32, #tpu.memory_space<vmem>>) dst(%dma_wait3A_458 : memref<5120x128xf32, #tpu.memory_space<vmem_shared>>)
        tpu.yield
      }) : () -> ()
    }
    %scan3A_21 = arith.constant 20 : i32
    %barrier3A_22 = arith.constant 0 : index
    tpu.barrier barrier_id(%barrier3A_22)
    %mul3A_23 = arith.constant 2 : i32
    %mul3A_24 = arith.muli %mul3A_23, %add3A_1 : i32
    %add3A_25 = arith.constant 0 : i32
    %add3A_26 = arith.addi %mul3A_24, %add3A_25 : i32
    %mul3A_27 = arith.constant 5120 : i32
    %mul3A_28 = arith.muli %add3A_26, %mul3A_27 : i32
    %mul3A_29 = arith.constant 320 : i32
    %mul3A_30 = arith.muli %arg1, %mul3A_29 : i32
    %add3A_31 = arith.addi %mul3A_28, %mul3A_30 : i32
    %mul3A_32 = arith.constant 320 : i32
    %mul3A_33 = arith.muli %arg1, %mul3A_32 : i32
    %add3A_34 = arith.constant 0 : i32
    %add3A_35 = arith.addi %mul3A_33, %add3A_34 : i32
    "tpu.region"() ({
      %run_scoped3A = tpu.sem_alloc : memref<!tpu.dma_semaphore, #tpu.memory_space<semaphore_mem>>
      %dma_start3A = arith.constant 0 : i32
      %dma_start3A_314 = arith.constant 0 : i32
      %dma_start3A_315 = tpu.memref_slice %arg10[%dma_start3A, %dma_start3A_314] : memref<128x128xf32, #tpu.memory_space<vmem>> -> memref<128x128xf32, #tpu.memory_space<vmem>>
      %dma_start3A_316 = arith.constant 0 : i32
      %dma_start3A_317 = tpu.memref_slice %arg13[%add3A_35, %dma_start3A_316] : memref<5120x128xf32, #tpu.memory_space<vmem_shared>> -> memref<128x128xf32, #tpu.memory_space<vmem_shared>>
      %dma_start3A_318 = arith.constant 0 : i32
      %dma_start3A_319 = arith.constant 0 : i32
      %dma_start3A_320 = tpu.memref_slice %arg10[%dma_start3A_318, %dma_start3A_319] : memref<128x128xf32, #tpu.memory_space<vmem>> -> memref<128x128xf32, #tpu.memory_space<vmem>>
      %dma_start3A_321 = arith.constant 0 : i32
      %dma_start3A_322 = tpu.memref_slice %arg13[%add3A_35, %dma_start3A_321] : memref<5120x128xf32, #tpu.memory_space<vmem_shared>> -> memref<128x128xf32, #tpu.memory_space<vmem_shared>>
      tpu.enqueue_dma source(%dma_start3A_322 : memref<128x128xf32, #tpu.memory_space<vmem_shared>>) target(%dma_start3A_320 : memref<128x128xf32, #tpu.memory_space<vmem>>) target_semaphore(%run_scoped3A : memref<!tpu.dma_semaphore, #tpu.memory_space<semaphore_mem>>)
      %dma_wait3A = arith.constant 0 : i32
      %dma_wait3A_323 = arith.constant 0 : i32
      %dma_wait3A_324 = tpu.memref_slice %arg10[%dma_wait3A, %dma_wait3A_323] : memref<128x128xf32, #tpu.memory_space<vmem>> -> memref<128x128xf32, #tpu.memory_space<vmem>>
      %dma_wait3A_325 = arith.constant 0 : i32
      %dma_wait3A_326 = tpu.memref_slice %arg13[%add3A_35, %dma_wait3A_325] : memref<5120x128xf32, #tpu.memory_space<vmem_shared>> -> memref<128x128xf32, #tpu.memory_space<vmem_shared>>
      %dma_wait3A_327 = arith.constant 0 : i32
      %dma_wait3A_328 = arith.constant 0 : i32
      %dma_wait3A_329 = tpu.memref_slice %arg10[%dma_wait3A_327, %dma_wait3A_328] : memref<128x128xf32, #tpu.memory_space<vmem>> -> memref<128x128xf32, #tpu.memory_space<vmem>>
      %dma_wait3A_330 = arith.constant 0 : i32
      %dma_wait3A_331 = tpu.memref_slice %arg13[%add3A_35, %dma_wait3A_330] : memref<5120x128xf32, #tpu.memory_space<vmem_shared>> -> memref<128x128xf32, #tpu.memory_space<vmem_shared>>
      tpu.wait_dma2 semaphore(%run_scoped3A : memref<!tpu.dma_semaphore, #tpu.memory_space<semaphore_mem>>) src(%dma_wait3A_331 : memref<128x128xf32, #tpu.memory_space<vmem_shared>>) dst(%dma_wait3A_329 : memref<128x128xf32, #tpu.memory_space<vmem>>)
      tpu.yield
    }) : () -> ()
    %add3A_36 = arith.constant 0 : i32
    %add3A_37 = arith.addi %add3A_31, %add3A_36 : i32
    "tpu.region"() ({
      %run_scoped3A = tpu.sem_alloc : memref<!tpu.dma_semaphore, #tpu.memory_space<semaphore_mem>>
      %dma_start3A = arith.constant 0 : i32
      %dma_start3A_314 = arith.constant 0 : i32
      %dma_start3A_315 = tpu.memref_slice %arg10[%dma_start3A, %dma_start3A_314] : memref<128x128xf32, #tpu.memory_space<vmem>> -> memref<128x128xf32, #tpu.memory_space<vmem>>
      %dma_start3A_316 = arith.constant 0 : i32
      %dma_start3A_317 = tpu.memref_slice %arg7[%add3A_37, %dma_start3A_316] : memref<61440x128xf32, #tpu.memory_space<hbm>> -> memref<128x128xf32, #tpu.memory_space<hbm>>
      %dma_start3A_318 = arith.constant 0 : i32
      %dma_start3A_319 = tpu.memref_slice %arg7[%add3A_37, %dma_start3A_318] : memref<61440x128xf32, #tpu.memory_space<hbm>> -> memref<128x128xf32, #tpu.memory_space<hbm>>
      %dma_start3A_320 = arith.constant 0 : i32
      %dma_start3A_321 = arith.constant 0 : i32
      %dma_start3A_322 = tpu.memref_slice %arg10[%dma_start3A_320, %dma_start3A_321] : memref<128x128xf32, #tpu.memory_space<vmem>> -> memref<128x128xf32, #tpu.memory_space<vmem>>
      tpu.enqueue_dma source(%dma_start3A_322 : memref<128x128xf32, #tpu.memory_space<vmem>>) target(%dma_start3A_319 : memref<128x128xf32, #tpu.memory_space<hbm>>) target_semaphore(%run_scoped3A : memref<!tpu.dma_semaphore, #tpu.memory_space<semaphore_mem>>)
      %dma_wait3A = arith.constant 0 : i32
      %dma_wait3A_323 = arith.constant 0 : i32
      %dma_wait3A_324 = tpu.memref_slice %arg10[%dma_wait3A, %dma_wait3A_323] : memref<128x128xf32, #tpu.memory_space<vmem>> -> memref<128x128xf32, #tpu.memory_space<vmem>>
      %dma_wait3A_325 = arith.constant 0 : i32
      %dma_wait3A_326 = tpu.memref_slice %arg7[%add3A_37, %dma_wait3A_325] : memref<61440x128xf32, #tpu.memory_space<hbm>> -> memref<128x128xf32, #tpu.memory_space<hbm>>
      %dma_wait3A_327 = arith.constant 0 : i32
      %dma_wait3A_328 = tpu.memref_slice %arg7[%add3A_37, %dma_wait3A_327] : memref<61440x128xf32, #tpu.memory_space<hbm>> -> memref<128x128xf32, #tpu.memory_space<hbm>>
      %dma_wait3A_329 = arith.constant 0 : i32
      %dma_wait3A_330 = arith.constant 0 : i32
      %dma_wait3A_331 = tpu.memref_slice %arg10[%dma_wait3A_329, %dma_wait3A_330] : memref<128x128xf32, #tpu.memory_space<vmem>> -> memref<128x128xf32, #tpu.memory_space<vmem>>
      tpu.wait_dma2 semaphore(%run_scoped3A : memref<!tpu.dma_semaphore, #tpu.memory_space<semaphore_mem>>) src(%dma_wait3A_331 : memref<128x128xf32, #tpu.memory_space<vmem>>) dst(%dma_wait3A_328 : memref<128x128xf32, #tpu.memory_space<hbm>>)
      tpu.yield
    }) : () -> ()
    %mul3A_38 = arith.constant 320 : i32
    %mul3A_39 = arith.muli %arg1, %mul3A_38 : i32
    %add3A_40 = arith.constant 128 : i32
    %add3A_41 = arith.addi %mul3A_39, %add3A_40 : i32
    "tpu.region"() ({
      %run_scoped3A = tpu.sem_alloc : memref<!tpu.dma_semaphore, #tpu.memory_space<semaphore_mem>>
      %dma_start3A = arith.constant 0 : i32
      %dma_start3A_314 = arith.constant 0 : i32
      %dma_start3A_315 = tpu.memref_slice %arg10[%dma_start3A, %dma_start3A_314] : memref<128x128xf32, #tpu.memory_space<vmem>> -> memref<128x128xf32, #tpu.memory_space<vmem>>
      %dma_start3A_316 = arith.constant 0 : i32
      %dma_start3A_317 = tpu.memref_slice %arg13[%add3A_41, %dma_start3A_316] : memref<5120x128xf32, #tpu.memory_space<vmem_shared>> -> memref<128x128xf32, #tpu.memory_space<vmem_shared>>
      %dma_start3A_318 = arith.constant 0 : i32
      %dma_start3A_319 = arith.constant 0 : i32
      %dma_start3A_320 = tpu.memref_slice %arg10[%dma_start3A_318, %dma_start3A_319] : memref<128x128xf32, #tpu.memory_space<vmem>> -> memref<128x128xf32, #tpu.memory_space<vmem>>
      %dma_start3A_321 = arith.constant 0 : i32
      %dma_start3A_322 = tpu.memref_slice %arg13[%add3A_41, %dma_start3A_321] : memref<5120x128xf32, #tpu.memory_space<vmem_shared>> -> memref<128x128xf32, #tpu.memory_space<vmem_shared>>
      tpu.enqueue_dma source(%dma_start3A_322 : memref<128x128xf32, #tpu.memory_space<vmem_shared>>) target(%dma_start3A_320 : memref<128x128xf32, #tpu.memory_space<vmem>>) target_semaphore(%run_scoped3A : memref<!tpu.dma_semaphore, #tpu.memory_space<semaphore_mem>>)
      %dma_wait3A = arith.constant 0 : i32
      %dma_wait3A_323 = arith.constant 0 : i32
      %dma_wait3A_324 = tpu.memref_slice %arg10[%dma_wait3A, %dma_wait3A_323] : memref<128x128xf32, #tpu.memory_space<vmem>> -> memref<128x128xf32, #tpu.memory_space<vmem>>
      %dma_wait3A_325 = arith.constant 0 : i32
      %dma_wait3A_326 = tpu.memref_slice %arg13[%add3A_41, %dma_wait3A_325] : memref<5120x128xf32, #tpu.memory_space<vmem_shared>> -> memref<128x128xf32, #tpu.memory_space<vmem_shared>>
      %dma_wait3A_327 = arith.constant 0 : i32
      %dma_wait3A_328 = arith.constant 0 : i32
      %dma_wait3A_329 = tpu.memref_slice %arg10[%dma_wait3A_327, %dma_wait3A_328] : memref<128x128xf32, #tpu.memory_space<vmem>> -> memref<128x128xf32, #tpu.memory_space<vmem>>
      %dma_wait3A_330 = arith.constant 0 : i32
      %dma_wait3A_331 = tpu.memref_slice %arg13[%add3A_41, %dma_wait3A_330] : memref<5120x128xf32, #tpu.memory_space<vmem_shared>> -> memref<128x128xf32, #tpu.memory_space<vmem_shared>>
      tpu.wait_dma2 semaphore(%run_scoped3A : memref<!tpu.dma_semaphore, #tpu.memory_space<semaphore_mem>>) src(%dma_wait3A_331 : memref<128x128xf32, #tpu.memory_space<vmem_shared>>) dst(%dma_wait3A_329 : memref<128x128xf32, #tpu.memory_space<vmem>>)
      tpu.yield
    }) : () -> ()
    %add3A_42 = arith.constant 128 : i32
    %add3A_43 = arith.addi %add3A_31, %add3A_42 : i32
    "tpu.region"() ({
      %run_scoped3A = tpu.sem_alloc : memref<!tpu.dma_semaphore, #tpu.memory_space<semaphore_mem>>
      %dma_start3A = arith.constant 0 : i32
      %dma_start3A_314 = arith.constant 0 : i32
      %dma_start3A_315 = tpu.memref_slice %arg10[%dma_start3A, %dma_start3A_314] : memref<128x128xf32, #tpu.memory_space<vmem>> -> memref<128x128xf32, #tpu.memory_space<vmem>>
      %dma_start3A_316 = arith.constant 0 : i32
      %dma_start3A_317 = tpu.memref_slice %arg7[%add3A_43, %dma_start3A_316] : memref<61440x128xf32, #tpu.memory_space<hbm>> -> memref<128x128xf32, #tpu.memory_space<hbm>>
      %dma_start3A_318 = arith.constant 0 : i32
      %dma_start3A_319 = tpu.memref_slice %arg7[%add3A_43, %dma_start3A_318] : memref<61440x128xf32, #tpu.memory_space<hbm>> -> memref<128x128xf32, #tpu.memory_space<hbm>>
      %dma_start3A_320 = arith.constant 0 : i32
      %dma_start3A_321 = arith.constant 0 : i32
      %dma_start3A_322 = tpu.memref_slice %arg10[%dma_start3A_320, %dma_start3A_321] : memref<128x128xf32, #tpu.memory_space<vmem>> -> memref<128x128xf32, #tpu.memory_space<vmem>>
      tpu.enqueue_dma source(%dma_start3A_322 : memref<128x128xf32, #tpu.memory_space<vmem>>) target(%dma_start3A_319 : memref<128x128xf32, #tpu.memory_space<hbm>>) target_semaphore(%run_scoped3A : memref<!tpu.dma_semaphore, #tpu.memory_space<semaphore_mem>>)
      %dma_wait3A = arith.constant 0 : i32
      %dma_wait3A_323 = arith.constant 0 : i32
      %dma_wait3A_324 = tpu.memref_slice %arg10[%dma_wait3A, %dma_wait3A_323] : memref<128x128xf32, #tpu.memory_space<vmem>> -> memref<128x128xf32, #tpu.memory_space<vmem>>
      %dma_wait3A_325 = arith.constant 0 : i32
      %dma_wait3A_326 = tpu.memref_slice %arg7[%add3A_43, %dma_wait3A_325] : memref<61440x128xf32, #tpu.memory_space<hbm>> -> memref<128x128xf32, #tpu.memory_space<hbm>>
      %dma_wait3A_327 = arith.constant 0 : i32
      %dma_wait3A_328 = tpu.memref_slice %arg7[%add3A_43, %dma_wait3A_327] : memref<61440x128xf32, #tpu.memory_space<hbm>> -> memref<128x128xf32, #tpu.memory_space<hbm>>
      %dma_wait3A_329 = arith.constant 0 : i32
      %dma_wait3A_330 = arith.constant 0 : i32
      %dma_wait3A_331 = tpu.memref_slice %arg10[%dma_wait3A_329, %dma_wait3A_330] : memref<128x128xf32, #tpu.memory_space<vmem>> -> memref<128x128xf32, #tpu.memory_space<vmem>>
      tpu.wait_dma2 semaphore(%run_scoped3A : memref<!tpu.dma_semaphore, #tpu.memory_space<semaphore_mem>>) src(%dma_wait3A_331 : memref<128x128xf32, #tpu.memory_space<vmem>>) dst(%dma_wait3A_328 : memref<128x128xf32, #tpu.memory_space<hbm>>)
      tpu.yield
    }) : () -> ()
    %mul3A_44 = arith.constant 320 : i32
    %mul3A_45 = arith.muli %arg1, %mul3A_44 : i32
    %add3A_46 = arith.constant 256 : i32
    %add3A_47 = arith.addi %mul3A_45, %add3A_46 : i32
    "tpu.region"() ({
      %run_scoped3A = tpu.sem_alloc : memref<!tpu.dma_semaphore, #tpu.memory_space<semaphore_mem>>
      %dma_start3A = arith.constant 0 : i32
      %dma_start3A_314 = arith.constant 0 : i32
      %dma_start3A_315 = tpu.memref_slice %arg10[%dma_start3A, %dma_start3A_314] : memref<128x128xf32, #tpu.memory_space<vmem>> -> memref<64x128xf32, #tpu.memory_space<vmem>>
      %dma_start3A_316 = arith.constant 0 : i32
      %dma_start3A_317 = tpu.memref_slice %arg13[%add3A_47, %dma_start3A_316] : memref<5120x128xf32, #tpu.memory_space<vmem_shared>> -> memref<64x128xf32, #tpu.memory_space<vmem_shared>>
      %dma_start3A_318 = arith.constant 0 : i32
      %dma_start3A_319 = arith.constant 0 : i32
      %dma_start3A_320 = tpu.memref_slice %arg10[%dma_start3A_318, %dma_start3A_319] : memref<128x128xf32, #tpu.memory_space<vmem>> -> memref<64x128xf32, #tpu.memory_space<vmem>>
      %dma_start3A_321 = arith.constant 0 : i32
      %dma_start3A_322 = tpu.memref_slice %arg13[%add3A_47, %dma_start3A_321] : memref<5120x128xf32, #tpu.memory_space<vmem_shared>> -> memref<64x128xf32, #tpu.memory_space<vmem_shared>>
      tpu.enqueue_dma source(%dma_start3A_322 : memref<64x128xf32, #tpu.memory_space<vmem_shared>>) target(%dma_start3A_320 : memref<64x128xf32, #tpu.memory_space<vmem>>) target_semaphore(%run_scoped3A : memref<!tpu.dma_semaphore, #tpu.memory_space<semaphore_mem>>)
      %dma_wait3A = arith.constant 0 : i32
      %dma_wait3A_323 = arith.constant 0 : i32
      %dma_wait3A_324 = tpu.memref_slice %arg10[%dma_wait3A, %dma_wait3A_323] : memref<128x128xf32, #tpu.memory_space<vmem>> -> memref<64x128xf32, #tpu.memory_space<vmem>>
      %dma_wait3A_325 = arith.constant 0 : i32
      %dma_wait3A_326 = tpu.memref_slice %arg13[%add3A_47, %dma_wait3A_325] : memref<5120x128xf32, #tpu.memory_space<vmem_shared>> -> memref<64x128xf32, #tpu.memory_space<vmem_shared>>
      %dma_wait3A_327 = arith.constant 0 : i32
      %dma_wait3A_328 = arith.constant 0 : i32
      %dma_wait3A_329 = tpu.memref_slice %arg10[%dma_wait3A_327, %dma_wait3A_328] : memref<128x128xf32, #tpu.memory_space<vmem>> -> memref<64x128xf32, #tpu.memory_space<vmem>>
      %dma_wait3A_330 = arith.constant 0 : i32
      %dma_wait3A_331 = tpu.memref_slice %arg13[%add3A_47, %dma_wait3A_330] : memref<5120x128xf32, #tpu.memory_space<vmem_shared>> -> memref<64x128xf32, #tpu.memory_space<vmem_shared>>
      tpu.wait_dma2 semaphore(%run_scoped3A : memref<!tpu.dma_semaphore, #tpu.memory_space<semaphore_mem>>) src(%dma_wait3A_331 : memref<64x128xf32, #tpu.memory_space<vmem_shared>>) dst(%dma_wait3A_329 : memref<64x128xf32, #tpu.memory_space<vmem>>)
      tpu.yield
    }) : () -> ()
    %add3A_48 = arith.constant 256 : i32
    %add3A_49 = arith.addi %add3A_31, %add3A_48 : i32
    "tpu.region"() ({
      %run_scoped3A = tpu.sem_alloc : memref<!tpu.dma_semaphore, #tpu.memory_space<semaphore_mem>>
      %dma_start3A = arith.constant 0 : i32
      %dma_start3A_314 = arith.constant 0 : i32
      %dma_start3A_315 = tpu.memref_slice %arg10[%dma_start3A, %dma_start3A_314] : memref<128x128xf32, #tpu.memory_space<vmem>> -> memref<64x128xf32, #tpu.memory_space<vmem>>
      %dma_start3A_316 = arith.constant 0 : i32
      %dma_start3A_317 = tpu.memref_slice %arg7[%add3A_49, %dma_start3A_316] : memref<61440x128xf32, #tpu.memory_space<hbm>> -> memref<64x128xf32, #tpu.memory_space<hbm>>
      %dma_start3A_318 = arith.constant 0 : i32
      %dma_start3A_319 = tpu.memref_slice %arg7[%add3A_49, %dma_start3A_318] : memref<61440x128xf32, #tpu.memory_space<hbm>> -> memref<64x128xf32, #tpu.memory_space<hbm>>
      %dma_start3A_320 = arith.constant 0 : i32
      %dma_start3A_321 = arith.constant 0 : i32
      %dma_start3A_322 = tpu.memref_slice %arg10[%dma_start3A_320, %dma_start3A_321] : memref<128x128xf32, #tpu.memory_space<vmem>> -> memref<64x128xf32, #tpu.memory_space<vmem>>
      tpu.enqueue_dma source(%dma_start3A_322 : memref<64x128xf32, #tpu.memory_space<vmem>>) target(%dma_start3A_319 : memref<64x128xf32, #tpu.memory_space<hbm>>) target_semaphore(%run_scoped3A : memref<!tpu.dma_semaphore, #tpu.memory_space<semaphore_mem>>)
      %dma_wait3A = arith.constant 0 : i32
      %dma_wait3A_323 = arith.constant 0 : i32
      %dma_wait3A_324 = tpu.memref_slice %arg10[%dma_wait3A, %dma_wait3A_323] : memref<128x128xf32, #tpu.memory_space<vmem>> -> memref<64x128xf32, #tpu.memory_space<vmem>>
      %dma_wait3A_325 = arith.constant 0 : i32
      %dma_wait3A_326 = tpu.memref_slice %arg7[%add3A_49, %dma_wait3A_325] : memref<61440x128xf32, #tpu.memory_space<hbm>> -> memref<64x128xf32, #tpu.memory_space<hbm>>
      %dma_wait3A_327 = arith.constant 0 : i32
      %dma_wait3A_328 = tpu.memref_slice %arg7[%add3A_49, %dma_wait3A_327] : memref<61440x128xf32, #tpu.memory_space<hbm>> -> memref<64x128xf32, #tpu.memory_space<hbm>>
      %dma_wait3A_329 = arith.constant 0 : i32
      %dma_wait3A_330 = arith.constant 0 : i32
      %dma_wait3A_331 = tpu.memref_slice %arg10[%dma_wait3A_329, %dma_wait3A_330] : memref<128x128xf32, #tpu.memory_space<vmem>> -> memref<64x128xf32, #tpu.memory_space<vmem>>
      tpu.wait_dma2 semaphore(%run_scoped3A : memref<!tpu.dma_semaphore, #tpu.memory_space<semaphore_mem>>) src(%dma_wait3A_331 : memref<64x128xf32, #tpu.memory_space<vmem>>) dst(%dma_wait3A_328 : memref<64x128xf32, #tpu.memory_space<hbm>>)
      tpu.yield
    }) : () -> ()
    %barrier3A_50 = arith.constant 0 : index
    tpu.barrier barrier_id(%barrier3A_50)
    "tpu.region"() ({
      %run_scoped3A = tpu.sem_alloc : memref<!tpu.dma_semaphore, #tpu.memory_space<semaphore_mem>>
      %dma_start3A = arith.constant 0 : i32
      %dma_start3A_314 = arith.constant 0 : i32
      %dma_start3A_315 = tpu.memref_slice %arg10[%dma_start3A, %dma_start3A_314] : memref<128x128xf32, #tpu.memory_space<vmem>> -> memref<80x128xf32, #tpu.memory_space<vmem>>
      %dma_start3A_316 = arith.constant 0 : i32
      %dma_start3A_317 = arith.constant 0 : i32
      %dma_start3A_318 = tpu.memref_slice %arg10[%dma_start3A_316, %dma_start3A_317] : memref<128x128xf32, #tpu.memory_space<vmem>> -> memref<80x128xf32, #tpu.memory_space<vmem>>
      tpu.enqueue_dma source(%arg5 : memref<80x128xf32, #tpu.memory_space<hbm>>) target(%dma_start3A_318 : memref<80x128xf32, #tpu.memory_space<vmem>>) target_semaphore(%run_scoped3A : memref<!tpu.dma_semaphore, #tpu.memory_space<semaphore_mem>>)
      %dma_wait3A = arith.constant 0 : i32
      %dma_wait3A_319 = arith.constant 0 : i32
      %dma_wait3A_320 = tpu.memref_slice %arg10[%dma_wait3A, %dma_wait3A_319] : memref<128x128xf32, #tpu.memory_space<vmem>> -> memref<80x128xf32, #tpu.memory_space<vmem>>
      %dma_wait3A_321 = arith.constant 0 : i32
      %dma_wait3A_322 = arith.constant 0 : i32
      %dma_wait3A_323 = tpu.memref_slice %arg10[%dma_wait3A_321, %dma_wait3A_322] : memref<128x128xf32, #tpu.memory_space<vmem>> -> memref<80x128xf32, #tpu.memory_space<vmem>>
      tpu.wait_dma2 semaphore(%run_scoped3A : memref<!tpu.dma_semaphore, #tpu.memory_space<semaphore_mem>>) src(%arg5 : memref<80x128xf32, #tpu.memory_space<hbm>>) dst(%dma_wait3A_323 : memref<80x128xf32, #tpu.memory_space<vmem>>)
      tpu.yield
    }) : () -> ()
    %mul3A_51 = arith.constant 320 : i32
    %mul3A_52 = arith.muli %arg1, %mul3A_51 : i32
    %add3A_53 = arith.constant 0 : i32
    %add3A_54 = arith.addi %mul3A_52, %add3A_53 : i32
    "tpu.region"() ({
      %run_scoped3A = tpu.sem_alloc : memref<!tpu.dma_semaphore, #tpu.memory_space<semaphore_mem>>
      %dma_start3A = arith.constant 0 : i32
      %dma_start3A_314 = arith.constant 0 : i32
      %dma_start3A_315 = tpu.memref_slice %arg10[%dma_start3A, %dma_start3A_314] : memref<128x128xf32, #tpu.memory_space<vmem>> -> memref<80x128xf32, #tpu.memory_space<vmem>>
      %dma_start3A_316 = arith.constant 0 : i32
      %dma_start3A_317 = tpu.memref_slice %arg13[%add3A_54, %dma_start3A_316] : memref<5120x128xf32, #tpu.memory_space<vmem_shared>> -> memref<80x128xf32, #tpu.memory_space<vmem_shared>>
      %dma_start3A_318 = arith.constant 0 : i32
      %dma_start3A_319 = tpu.memref_slice %arg13[%add3A_54, %dma_start3A_318] : memref<5120x128xf32, #tpu.memory_space<vmem_shared>> -> memref<80x128xf32, #tpu.memory_space<vmem_shared>>
      %dma_start3A_320 = arith.constant 0 : i32
      %dma_start3A_321 = arith.constant 0 : i32
      %dma_start3A_322 = tpu.memref_slice %arg10[%dma_start3A_320, %dma_start3A_321] : memref<128x128xf32, #tpu.memory_space<vmem>> -> memref<80x128xf32, #tpu.memory_space<vmem>>
      tpu.enqueue_dma source(%dma_start3A_322 : memref<80x128xf32, #tpu.memory_space<vmem>>) target(%dma_start3A_319 : memref<80x128xf32, #tpu.memory_space<vmem_shared>>) target_semaphore(%run_scoped3A : memref<!tpu.dma_semaphore, #tpu.memory_space<semaphore_mem>>)
      %dma_wait3A = arith.constant 0 : i32
      %dma_wait3A_323 = arith.constant 0 : i32
      %dma_wait3A_324 = tpu.memref_slice %arg10[%dma_wait3A, %dma_wait3A_323] : memref<128x128xf32, #tpu.memory_space<vmem>> -> memref<80x128xf32, #tpu.memory_space<vmem>>
      %dma_wait3A_325 = arith.constant 0 : i32
      %dma_wait3A_326 = tpu.memref_slice %arg13[%add3A_54, %dma_wait3A_325] : memref<5120x128xf32, #tpu.memory_space<vmem_shared>> -> memref<80x128xf32, #tpu.memory_space<vmem_shared>>
      %dma_wait3A_327 = arith.constant 0 : i32
      %dma_wait3A_328 = tpu.memref_slice %arg13[%add3A_54, %dma_wait3A_327] : memref<5120x128xf32, #tpu.memory_space<vmem_shared>> -> memref<80x128xf32, #tpu.memory_space<vmem_shared>>
      %dma_wait3A_329 = arith.constant 0 : i32
      %dma_wait3A_330 = arith.constant 0 : i32
      %dma_wait3A_331 = tpu.memref_slice %arg10[%dma_wait3A_329, %dma_wait3A_330] : memref<128x128xf32, #tpu.memory_space<vmem>> -> memref<80x128xf32, #tpu.memory_space<vmem>>
      tpu.wait_dma2 semaphore(%run_scoped3A : memref<!tpu.dma_semaphore, #tpu.memory_space<semaphore_mem>>) src(%dma_wait3A_331 : memref<80x128xf32, #tpu.memory_space<vmem>>) dst(%dma_wait3A_328 : memref<80x128xf32, #tpu.memory_space<vmem_shared>>)
      tpu.yield
    }) : () -> ()
    %mul3A_55 = arith.constant 320 : i32
    %mul3A_56 = arith.muli %arg1, %mul3A_55 : i32
    %add3A_57 = arith.constant 80 : i32
    %add3A_58 = arith.addi %mul3A_56, %add3A_57 : i32
    "tpu.region"() ({
      %run_scoped3A = tpu.sem_alloc : memref<!tpu.dma_semaphore, #tpu.memory_space<semaphore_mem>>
      %dma_start3A = arith.constant 0 : i32
      %dma_start3A_314 = arith.constant 0 : i32
      %dma_start3A_315 = tpu.memref_slice %arg10[%dma_start3A, %dma_start3A_314] : memref<128x128xf32, #tpu.memory_space<vmem>> -> memref<80x128xf32, #tpu.memory_space<vmem>>
      %dma_start3A_316 = arith.constant 0 : i32
      %dma_start3A_317 = tpu.memref_slice %arg13[%add3A_58, %dma_start3A_316] : memref<5120x128xf32, #tpu.memory_space<vmem_shared>> -> memref<80x128xf32, #tpu.memory_space<vmem_shared>>
      %dma_start3A_318 = arith.constant 0 : i32
      %dma_start3A_319 = tpu.memref_slice %arg13[%add3A_58, %dma_start3A_318] : memref<5120x128xf32, #tpu.memory_space<vmem_shared>> -> memref<80x128xf32, #tpu.memory_space<vmem_shared>>
      %dma_start3A_320 = arith.constant 0 : i32
      %dma_start3A_321 = arith.constant 0 : i32
      %dma_start3A_322 = tpu.memref_slice %arg10[%dma_start3A_320, %dma_start3A_321] : memref<128x128xf32, #tpu.memory_space<vmem>> -> memref<80x128xf32, #tpu.memory_space<vmem>>
      tpu.enqueue_dma source(%dma_start3A_322 : memref<80x128xf32, #tpu.memory_space<vmem>>) target(%dma_start3A_319 : memref<80x128xf32, #tpu.memory_space<vmem_shared>>) target_semaphore(%run_scoped3A : memref<!tpu.dma_semaphore, #tpu.memory_space<semaphore_mem>>)
      %dma_wait3A = arith.constant 0 : i32
      %dma_wait3A_323 = arith.constant 0 : i32
      %dma_wait3A_324 = tpu.memref_slice %arg10[%dma_wait3A, %dma_wait3A_323] : memref<128x128xf32, #tpu.memory_space<vmem>> -> memref<80x128xf32, #tpu.memory_space<vmem>>
      %dma_wait3A_325 = arith.constant 0 : i32
      %dma_wait3A_326 = tpu.memref_slice %arg13[%add3A_58, %dma_wait3A_325] : memref<5120x128xf32, #tpu.memory_space<vmem_shared>> -> memref<80x128xf32, #tpu.memory_space<vmem_shared>>
      %dma_wait3A_327 = arith.constant 0 : i32
      %dma_wait3A_328 = tpu.memref_slice %arg13[%add3A_58, %dma_wait3A_327] : memref<5120x128xf32, #tpu.memory_space<vmem_shared>> -> memref<80x128xf32, #tpu.memory_space<vmem_shared>>
      %dma_wait3A_329 = arith.constant 0 : i32
      %dma_wait3A_330 = arith.constant 0 : i32
      %dma_wait3A_331 = tpu.memref_slice %arg10[%dma_wait3A_329, %dma_wait3A_330] : memref<128x128xf32, #tpu.memory_space<vmem>> -> memref<80x128xf32, #tpu.memory_space<vmem>>
      tpu.wait_dma2 semaphore(%run_scoped3A : memref<!tpu.dma_semaphore, #tpu.memory_space<semaphore_mem>>) src(%dma_wait3A_331 : memref<80x128xf32, #tpu.memory_space<vmem>>) dst(%dma_wait3A_328 : memref<80x128xf32, #tpu.memory_space<vmem_shared>>)
      tpu.yield
    }) : () -> ()
    %mul3A_59 = arith.constant 320 : i32
    %mul3A_60 = arith.muli %arg1, %mul3A_59 : i32
    %add3A_61 = arith.constant 160 : i32
    %add3A_62 = arith.addi %mul3A_60, %add3A_61 : i32
    "tpu.region"() ({
      %run_scoped3A = tpu.sem_alloc : memref<!tpu.dma_semaphore, #tpu.memory_space<semaphore_mem>>
      %dma_start3A = arith.constant 0 : i32
      %dma_start3A_314 = arith.constant 0 : i32
      %dma_start3A_315 = tpu.memref_slice %arg10[%dma_start3A, %dma_start3A_314] : memref<128x128xf32, #tpu.memory_space<vmem>> -> memref<80x128xf32, #tpu.memory_space<vmem>>
      %dma_start3A_316 = arith.constant 0 : i32
      %dma_start3A_317 = tpu.memref_slice %arg13[%add3A_62, %dma_start3A_316] : memref<5120x128xf32, #tpu.memory_space<vmem_shared>> -> memref<80x128xf32, #tpu.memory_space<vmem_shared>>
      %dma_start3A_318 = arith.constant 0 : i32
      %dma_start3A_319 = tpu.memref_slice %arg13[%add3A_62, %dma_start3A_318] : memref<5120x128xf32, #tpu.memory_space<vmem_shared>> -> memref<80x128xf32, #tpu.memory_space<vmem_shared>>
      %dma_start3A_320 = arith.constant 0 : i32
      %dma_start3A_321 = arith.constant 0 : i32
      %dma_start3A_322 = tpu.memref_slice %arg10[%dma_start3A_320, %dma_start3A_321] : memref<128x128xf32, #tpu.memory_space<vmem>> -> memref<80x128xf32, #tpu.memory_space<vmem>>
      tpu.enqueue_dma source(%dma_start3A_322 : memref<80x128xf32, #tpu.memory_space<vmem>>) target(%dma_start3A_319 : memref<80x128xf32, #tpu.memory_space<vmem_shared>>) target_semaphore(%run_scoped3A : memref<!tpu.dma_semaphore, #tpu.memory_space<semaphore_mem>>)
      %dma_wait3A = arith.constant 0 : i32
      %dma_wait3A_323 = arith.constant 0 : i32
      %dma_wait3A_324 = tpu.memref_slice %arg10[%dma_wait3A, %dma_wait3A_323] : memref<128x128xf32, #tpu.memory_space<vmem>> -> memref<80x128xf32, #tpu.memory_space<vmem>>
      %dma_wait3A_325 = arith.constant 0 : i32
      %dma_wait3A_326 = tpu.memref_slice %arg13[%add3A_62, %dma_wait3A_325] : memref<5120x128xf32, #tpu.memory_space<vmem_shared>> -> memref<80x128xf32, #tpu.memory_space<vmem_shared>>
      %dma_wait3A_327 = arith.constant 0 : i32
      %dma_wait3A_328 = tpu.memref_slice %arg13[%add3A_62, %dma_wait3A_327] : memref<5120x128xf32, #tpu.memory_space<vmem_shared>> -> memref<80x128xf32, #tpu.memory_space<vmem_shared>>
      %dma_wait3A_329 = arith.constant 0 : i32
      %dma_wait3A_330 = arith.constant 0 : i32
      %dma_wait3A_331 = tpu.memref_slice %arg10[%dma_wait3A_329, %dma_wait3A_330] : memref<128x128xf32, #tpu.memory_space<vmem>> -> memref<80x128xf32, #tpu.memory_space<vmem>>
      tpu.wait_dma2 semaphore(%run_scoped3A : memref<!tpu.dma_semaphore, #tpu.memory_space<semaphore_mem>>) src(%dma_wait3A_331 : memref<80x128xf32, #tpu.memory_space<vmem>>) dst(%dma_wait3A_328 : memref<80x128xf32, #tpu.memory_space<vmem_shared>>)
      tpu.yield
    }) : () -> ()
    %mul3A_63 = arith.constant 320 : i32
    %mul3A_64 = arith.muli %arg1, %mul3A_63 : i32
    %add3A_65 = arith.constant 240 : i32
    %add3A_66 = arith.addi %mul3A_64, %add3A_65 : i32
    "tpu.region"() ({
      %run_scoped3A = tpu.sem_alloc : memref<!tpu.dma_semaphore, #tpu.memory_space<semaphore_mem>>
      %dma_start3A = arith.constant 0 : i32
      %dma_start3A_314 = arith.constant 0 : i32
      %dma_start3A_315 = tpu.memref_slice %arg10[%dma_start3A, %dma_start3A_314] : memref<128x128xf32, #tpu.memory_space<vmem>> -> memref<80x128xf32, #tpu.memory_space<vmem>>
      %dma_start3A_316 = arith.constant 0 : i32
      %dma_start3A_317 = tpu.memref_slice %arg13[%add3A_66, %dma_start3A_316] : memref<5120x128xf32, #tpu.memory_space<vmem_shared>> -> memref<80x128xf32, #tpu.memory_space<vmem_shared>>
      %dma_start3A_318 = arith.constant 0 : i32
      %dma_start3A_319 = tpu.memref_slice %arg13[%add3A_66, %dma_start3A_318] : memref<5120x128xf32, #tpu.memory_space<vmem_shared>> -> memref<80x128xf32, #tpu.memory_space<vmem_shared>>
      %dma_start3A_320 = arith.constant 0 : i32
      %dma_start3A_321 = arith.constant 0 : i32
      %dma_start3A_322 = tpu.memref_slice %arg10[%dma_start3A_320, %dma_start3A_321] : memref<128x128xf32, #tpu.memory_space<vmem>> -> memref<80x128xf32, #tpu.memory_space<vmem>>
      tpu.enqueue_dma source(%dma_start3A_322 : memref<80x128xf32, #tpu.memory_space<vmem>>) target(%dma_start3A_319 : memref<80x128xf32, #tpu.memory_space<vmem_shared>>) target_semaphore(%run_scoped3A : memref<!tpu.dma_semaphore, #tpu.memory_space<semaphore_mem>>)
      %dma_wait3A = arith.constant 0 : i32
      %dma_wait3A_323 = arith.constant 0 : i32
      %dma_wait3A_324 = tpu.memref_slice %arg10[%dma_wait3A, %dma_wait3A_323] : memref<128x128xf32, #tpu.memory_space<vmem>> -> memref<80x128xf32, #tpu.memory_space<vmem>>
      %dma_wait3A_325 = arith.constant 0 : i32
      %dma_wait3A_326 = tpu.memref_slice %arg13[%add3A_66, %dma_wait3A_325] : memref<5120x128xf32, #tpu.memory_space<vmem_shared>> -> memref<80x128xf32, #tpu.memory_space<vmem_shared>>
      %dma_wait3A_327 = arith.constant 0 : i32
      %dma_wait3A_328 = tpu.memref_slice %arg13[%add3A_66, %dma_wait3A_327] : memref<5120x128xf32, #tpu.memory_space<vmem_shared>> -> memref<80x128xf32, #tpu.memory_space<vmem_shared>>
      %dma_wait3A_329 = arith.constant 0 : i32
      %dma_wait3A_330 = arith.constant 0 : i32
      %dma_wait3A_331 = tpu.memref_slice %arg10[%dma_wait3A_329, %dma_wait3A_330] : memref<128x128xf32, #tpu.memory_space<vmem>> -> memref<80x128xf32, #tpu.memory_space<vmem>>
      tpu.wait_dma2 semaphore(%run_scoped3A : memref<!tpu.dma_semaphore, #tpu.memory_space<semaphore_mem>>) src(%dma_wait3A_331 : memref<80x128xf32, #tpu.memory_space<vmem>>) dst(%dma_wait3A_328 : memref<80x128xf32, #tpu.memory_space<vmem_shared>>)
      tpu.yield
    }) : () -> ()
    %barrier3A_67 = arith.constant 0 : index
    tpu.barrier barrier_id(%barrier3A_67)
    %scan3A_68 = arith.constant 0 : i32
    %scan3A_69 = arith.constant 20 : i32
    %scan3A_70 = arith.addi %scan3A_68, %scan3A_69 : i32
    %scan3A_71 = arith.constant 1 : i32
    scf.for %scan3A_314 = %scan3A_68 to %scan3A_70 step %scan3A_71  : i32 {
      %mul3A_315 = arith.constant 1 : i32
      %mul3A_316 = arith.muli %scan3A_314, %mul3A_315 : i32
      %add3A_317 = arith.constant 0 : i32
      %add3A_318 = arith.addi %add3A_317, %mul3A_316 : i32
      %mul3A_319 = arith.constant 160 : i32
      %mul3A_320 = arith.muli %arg1, %mul3A_319 : i32
      %mul3A_321 = arith.constant 8 : i32
      %mul3A_322 = arith.muli %add3A_318, %mul3A_321 : i32
      %add3A_323 = arith.addi %mul3A_320, %mul3A_322 : i32
      %mul3A_324 = arith.constant 2560 : i32
      %mul3A_325 = arith.muli %add3A_1, %mul3A_324 : i32
      %add3A_326 = arith.addi %mul3A_325, %add3A_323 : i32
      "tpu.region"() ({
        %run_scoped3A_446 = tpu.sem_alloc : memref<!tpu.dma_semaphore, #tpu.memory_space<semaphore_mem>>
        %dma_start3A_447 = arith.constant 0 : i32
        %dma_start3A_448 = tpu.memref_slice %arg3[%add3A_326, %dma_start3A_447] : memref<10240x128xi32, #tpu.memory_space<hbm>> -> memref<8x128xi32, #tpu.memory_space<hbm>>
        %dma_start3A_449 = arith.constant 0 : i32
        %dma_start3A_450 = tpu.memref_slice %arg3[%add3A_326, %dma_start3A_449] : memref<10240x128xi32, #tpu.memory_space<hbm>> -> memref<8x128xi32, #tpu.memory_space<hbm>>
        tpu.enqueue_dma source(%dma_start3A_450 : memref<8x128xi32, #tpu.memory_space<hbm>>) target(%arg8 : memref<8x128xi32, #tpu.memory_space<vmem>>) target_semaphore(%run_scoped3A_446 : memref<!tpu.dma_semaphore, #tpu.memory_space<semaphore_mem>>)
        %dma_wait3A_451 = arith.constant 0 : i32
        %dma_wait3A_452 = tpu.memref_slice %arg3[%add3A_326, %dma_wait3A_451] : memref<10240x128xi32, #tpu.memory_space<hbm>> -> memref<8x128xi32, #tpu.memory_space<hbm>>
        %dma_wait3A_453 = arith.constant 0 : i32
        %dma_wait3A_454 = tpu.memref_slice %arg3[%add3A_326, %dma_wait3A_453] : memref<10240x128xi32, #tpu.memory_space<hbm>> -> memref<8x128xi32, #tpu.memory_space<hbm>>
        tpu.wait_dma2 semaphore(%run_scoped3A_446 : memref<!tpu.dma_semaphore, #tpu.memory_space<semaphore_mem>>) src(%dma_wait3A_454 : memref<8x128xi32, #tpu.memory_space<hbm>>) dst(%arg8 : memref<8x128xi32, #tpu.memory_space<vmem>>)
        tpu.yield
      }) : () -> ()
      %add3A_327 = arith.constant 2560 : i32
      %add3A_328 = arith.addi %add3A_327, %add3A_323 : i32
      "tpu.region"() ({
        %run_scoped3A_446 = tpu.sem_alloc : memref<!tpu.dma_semaphore, #tpu.memory_space<semaphore_mem>>
        %dma_start3A_447 = arith.constant 0 : i32
        %dma_start3A_448 = tpu.memref_slice %arg4[%add3A_328, %dma_start3A_447] : memref<5120x128xi32, #tpu.memory_space<hbm>> -> memref<8x128xi32, #tpu.memory_space<hbm>>
        %dma_start3A_449 = arith.constant 0 : i32
        %dma_start3A_450 = tpu.memref_slice %arg4[%add3A_328, %dma_start3A_449] : memref<5120x128xi32, #tpu.memory_space<hbm>> -> memref<8x128xi32, #tpu.memory_space<hbm>>
        tpu.enqueue_dma source(%dma_start3A_450 : memref<8x128xi32, #tpu.memory_space<hbm>>) target(%arg9 : memref<8x128xi32, #tpu.memory_space<vmem>>) target_semaphore(%run_scoped3A_446 : memref<!tpu.dma_semaphore, #tpu.memory_space<semaphore_mem>>)
        %dma_wait3A_451 = arith.constant 0 : i32
        %dma_wait3A_452 = tpu.memref_slice %arg4[%add3A_328, %dma_wait3A_451] : memref<5120x128xi32, #tpu.memory_space<hbm>> -> memref<8x128xi32, #tpu.memory_space<hbm>>
        %dma_wait3A_453 = arith.constant 0 : i32
        %dma_wait3A_454 = tpu.memref_slice %arg4[%add3A_328, %dma_wait3A_453] : memref<5120x128xi32, #tpu.memory_space<hbm>> -> memref<8x128xi32, #tpu.memory_space<hbm>>
        tpu.wait_dma2 semaphore(%run_scoped3A_446 : memref<!tpu.dma_semaphore, #tpu.memory_space<semaphore_mem>>) src(%dma_wait3A_454 : memref<8x128xi32, #tpu.memory_space<hbm>>) dst(%arg9 : memref<8x128xi32, #tpu.memory_space<vmem>>)
        tpu.yield
      }) : () -> ()
      %dma_start3A = arith.constant 0 : i32
      %dma_start3A_329 = arith.constant 0 : i32
      %dma_start3A_330 = tpu.memref_slice %arg8[%dma_start3A, %dma_start3A_329] : memref<8x128xi32, #tpu.memory_space<vmem>> -> memref<1x128xi32, #tpu.memory_space<vmem>>
      %dma_start3A_331 = tpu.memref_squeeze %dma_start3A_330 : memref<1x128xi32, #tpu.memory_space<vmem>> -> memref<128xi32, #tpu.memory_space<vmem>>
      %dma_start3A_332 = arith.constant 0 : i32
      %dma_start3A_333 = arith.constant 0 : i32
      %dma_start3A_334 = tpu.memref_slice %arg2[%dma_start3A_332, %dma_start3A_333] : memref<40000x128xf32, #tpu.memory_space<hbm>> -> memref<40000x128xf32, #tpu.memory_space<hbm>>
      tpu.enqueue_indirect_dma source(%dma_start3A_334 : memref<40000x128xf32, #tpu.memory_space<hbm>>) target(%arg10 : memref<128x128xf32, #tpu.memory_space<vmem>>) offsets(%dma_start3A_331 : memref<128xi32, #tpu.memory_space<vmem>>) semaphore(%arg14 : memref<!tpu.dma_semaphore, #tpu.memory_space<semaphore_mem>>)
      %dma_start3A_335 = arith.constant 1 : i32
      %dma_start3A_336 = arith.constant 0 : i32
      %dma_start3A_337 = tpu.memref_slice %arg8[%dma_start3A_335, %dma_start3A_336] : memref<8x128xi32, #tpu.memory_space<vmem>> -> memref<1x128xi32, #tpu.memory_space<vmem>>
      %dma_start3A_338 = tpu.memref_squeeze %dma_start3A_337 : memref<1x128xi32, #tpu.memory_space<vmem>> -> memref<128xi32, #tpu.memory_space<vmem>>
      %dma_start3A_339 = arith.constant 0 : i32
      %dma_start3A_340 = arith.constant 0 : i32
      %dma_start3A_341 = tpu.memref_slice %arg2[%dma_start3A_339, %dma_start3A_340] : memref<40000x128xf32, #tpu.memory_space<hbm>> -> memref<40000x128xf32, #tpu.memory_space<hbm>>
      tpu.enqueue_indirect_dma source(%dma_start3A_341 : memref<40000x128xf32, #tpu.memory_space<hbm>>) target(%arg11 : memref<128x128xf32, #tpu.memory_space<vmem>>) offsets(%dma_start3A_338 : memref<128xi32, #tpu.memory_space<vmem>>) semaphore(%arg15 : memref<!tpu.dma_semaphore, #tpu.memory_space<semaphore_mem>>)
      %dma_start3A_342 = arith.constant 2 : i32
      %dma_start3A_343 = arith.constant 0 : i32
      %dma_start3A_344 = tpu.memref_slice %arg8[%dma_start3A_342, %dma_start3A_343] : memref<8x128xi32, #tpu.memory_space<vmem>> -> memref<1x128xi32, #tpu.memory_space<vmem>>
      %dma_start3A_345 = tpu.memref_squeeze %dma_start3A_344 : memref<1x128xi32, #tpu.memory_space<vmem>> -> memref<128xi32, #tpu.memory_space<vmem>>
      %dma_start3A_346 = arith.constant 0 : i32
      %dma_start3A_347 = arith.constant 0 : i32
      %dma_start3A_348 = tpu.memref_slice %arg2[%dma_start3A_346, %dma_start3A_347] : memref<40000x128xf32, #tpu.memory_space<hbm>> -> memref<40000x128xf32, #tpu.memory_space<hbm>>
      tpu.enqueue_indirect_dma source(%dma_start3A_348 : memref<40000x128xf32, #tpu.memory_space<hbm>>) target(%arg12 : memref<128x128xf32, #tpu.memory_space<vmem>>) offsets(%dma_start3A_345 : memref<128xi32, #tpu.memory_space<vmem>>) semaphore(%arg16 : memref<!tpu.dma_semaphore, #tpu.memory_space<semaphore_mem>>)
      %dma_wait3A = arith.constant 0 : i32
      %dma_wait3A_349 = arith.constant 0 : i32
      %dma_wait3A_350 = tpu.memref_slice %arg8[%dma_wait3A, %dma_wait3A_349] : memref<8x128xi32, #tpu.memory_space<vmem>> -> memref<1x128xi32, #tpu.memory_space<vmem>>
      %dma_wait3A_351 = tpu.memref_squeeze %dma_wait3A_350 : memref<1x128xi32, #tpu.memory_space<vmem>> -> memref<128xi32, #tpu.memory_space<vmem>>
      %dma_wait3A_352 = arith.constant 0 : i32
      %dma_wait3A_353 = arith.constant 0 : i32
      %dma_wait3A_354 = tpu.memref_slice %arg2[%dma_wait3A_352, %dma_wait3A_353] : memref<40000x128xf32, #tpu.memory_space<hbm>> -> memref<40000x128xf32, #tpu.memory_space<hbm>>
      tpu.wait_indirect_dma semaphore(%arg14 : memref<!tpu.dma_semaphore, #tpu.memory_space<semaphore_mem>>) src(%dma_wait3A_354 : memref<40000x128xf32, #tpu.memory_space<hbm>>) dst(%arg10 : memref<128x128xf32, #tpu.memory_space<vmem>>)
      %run_scoped3A = arith.constant 0 : i32
      "tpu.region"() ({
        %run_scoped3A_446 = tpu.sem_alloc : memref<!tpu.dma_semaphore, #tpu.memory_space<semaphore_mem>>
        %dma_start3A_447 = arith.constant 0 : i32
        %dma_start3A_448 = tpu.memref_slice %arg9[%run_scoped3A, %dma_start3A_447] : memref<8x128xi32, #tpu.memory_space<vmem>> -> memref<1x128xi32, #tpu.memory_space<vmem>>
        %dma_start3A_449 = tpu.memref_squeeze %dma_start3A_448 : memref<1x128xi32, #tpu.memory_space<vmem>> -> memref<128xi32, #tpu.memory_space<vmem>>
        %dma_start3A_450 = arith.constant 0 : i32
        %dma_start3A_451 = arith.constant 0 : i32
        %dma_start3A_452 = tpu.memref_slice %arg13[%dma_start3A_450, %dma_start3A_451] : memref<5120x128xf32, #tpu.memory_space<vmem_shared>> -> memref<5120x128xf32, #tpu.memory_space<vmem_shared>>
        tpu.enqueue_indirect_dma source(%arg10 : memref<128x128xf32, #tpu.memory_space<vmem>>) target(%dma_start3A_452 : memref<5120x128xf32, #tpu.memory_space<vmem_shared>>) offsets(%dma_start3A_449 : memref<128xi32, #tpu.memory_space<vmem>>) semaphore(%run_scoped3A_446 : memref<!tpu.dma_semaphore, #tpu.memory_space<semaphore_mem>>) {add = true}
        %dma_wait3A_453 = arith.constant 0 : i32
        %dma_wait3A_454 = tpu.memref_slice %arg9[%run_scoped3A, %dma_wait3A_453] : memref<8x128xi32, #tpu.memory_space<vmem>> -> memref<1x128xi32, #tpu.memory_space<vmem>>
        %dma_wait3A_455 = tpu.memref_squeeze %dma_wait3A_454 : memref<1x128xi32, #tpu.memory_space<vmem>> -> memref<128xi32, #tpu.memory_space<vmem>>
        %dma_wait3A_456 = arith.constant 0 : i32
        %dma_wait3A_457 = arith.constant 0 : i32
        %dma_wait3A_458 = tpu.memref_slice %arg13[%dma_wait3A_456, %dma_wait3A_457] : memref<5120x128xf32, #tpu.memory_space<vmem_shared>> -> memref<5120x128xf32, #tpu.memory_space<vmem_shared>>
        tpu.wait_indirect_dma semaphore(%run_scoped3A_446 : memref<!tpu.dma_semaphore, #tpu.memory_space<semaphore_mem>>) src(%arg10 : memref<128x128xf32, #tpu.memory_space<vmem>>) dst(%dma_wait3A_458 : memref<5120x128xf32, #tpu.memory_space<vmem_shared>>)
        tpu.yield
      }) : () -> ()
      %dma_start3A_355 = arith.constant 3 : i32
      %dma_start3A_356 = arith.constant 0 : i32
      %dma_start3A_357 = tpu.memref_slice %arg8[%dma_start3A_355, %dma_start3A_356] : memref<8x128xi32, #tpu.memory_space<vmem>> -> memref<1x128xi32, #tpu.memory_space<vmem>>
      %dma_start3A_358 = tpu.memref_squeeze %dma_start3A_357 : memref<1x128xi32, #tpu.memory_space<vmem>> -> memref<128xi32, #tpu.memory_space<vmem>>
      %dma_start3A_359 = arith.constant 0 : i32
      %dma_start3A_360 = arith.constant 0 : i32
      %dma_start3A_361 = tpu.memref_slice %arg2[%dma_start3A_359, %dma_start3A_360] : memref<40000x128xf32, #tpu.memory_space<hbm>> -> memref<40000x128xf32, #tpu.memory_space<hbm>>
      tpu.enqueue_indirect_dma source(%dma_start3A_361 : memref<40000x128xf32, #tpu.memory_space<hbm>>) target(%arg10 : memref<128x128xf32, #tpu.memory_space<vmem>>) offsets(%dma_start3A_358 : memref<128xi32, #tpu.memory_space<vmem>>) semaphore(%arg14 : memref<!tpu.dma_semaphore, #tpu.memory_space<semaphore_mem>>)
      %dma_wait3A_362 = arith.constant 1 : i32
      %dma_wait3A_363 = arith.constant 0 : i32
      %dma_wait3A_364 = tpu.memref_slice %arg8[%dma_wait3A_362, %dma_wait3A_363] : memref<8x128xi32, #tpu.memory_space<vmem>> -> memref<1x128xi32, #tpu.memory_space<vmem>>
      %dma_wait3A_365 = tpu.memref_squeeze %dma_wait3A_364 : memref<1x128xi32, #tpu.memory_space<vmem>> -> memref<128xi32, #tpu.memory_space<vmem>>
      %dma_wait3A_366 = arith.constant 0 : i32
      %dma_wait3A_367 = arith.constant 0 : i32
      %dma_wait3A_368 = tpu.memref_slice %arg2[%dma_wait3A_366, %dma_wait3A_367] : memref<40000x128xf32, #tpu.memory_space<hbm>> -> memref<40000x128xf32, #tpu.memory_space<hbm>>
      tpu.wait_indirect_dma semaphore(%arg15 : memref<!tpu.dma_semaphore, #tpu.memory_space<semaphore_mem>>) src(%dma_wait3A_368 : memref<40000x128xf32, #tpu.memory_space<hbm>>) dst(%arg11 : memref<128x128xf32, #tpu.memory_space<vmem>>)
      %run_scoped3A_369 = arith.constant 1 : i32
      "tpu.region"() ({
        %run_scoped3A_446 = tpu.sem_alloc : memref<!tpu.dma_semaphore, #tpu.memory_space<semaphore_mem>>
        %dma_start3A_447 = arith.constant 0 : i32
        %dma_start3A_448 = tpu.memref_slice %arg9[%run_scoped3A_369, %dma_start3A_447] : memref<8x128xi32, #tpu.memory_space<vmem>> -> memref<1x128xi32, #tpu.memory_space<vmem>>
        %dma_start3A_449 = tpu.memref_squeeze %dma_start3A_448 : memref<1x128xi32, #tpu.memory_space<vmem>> -> memref<128xi32, #tpu.memory_space<vmem>>
        %dma_start3A_450 = arith.constant 0 : i32
        %dma_start3A_451 = arith.constant 0 : i32
        %dma_start3A_452 = tpu.memref_slice %arg13[%dma_start3A_450, %dma_start3A_451] : memref<5120x128xf32, #tpu.memory_space<vmem_shared>> -> memref<5120x128xf32, #tpu.memory_space<vmem_shared>>
        tpu.enqueue_indirect_dma source(%arg11 : memref<128x128xf32, #tpu.memory_space<vmem>>) target(%dma_start3A_452 : memref<5120x128xf32, #tpu.memory_space<vmem_shared>>) offsets(%dma_start3A_449 : memref<128xi32, #tpu.memory_space<vmem>>) semaphore(%run_scoped3A_446 : memref<!tpu.dma_semaphore, #tpu.memory_space<semaphore_mem>>) {add = true}
        %dma_wait3A_453 = arith.constant 0 : i32
        %dma_wait3A_454 = tpu.memref_slice %arg9[%run_scoped3A_369, %dma_wait3A_453] : memref<8x128xi32, #tpu.memory_space<vmem>> -> memref<1x128xi32, #tpu.memory_space<vmem>>
        %dma_wait3A_455 = tpu.memref_squeeze %dma_wait3A_454 : memref<1x128xi32, #tpu.memory_space<vmem>> -> memref<128xi32, #tpu.memory_space<vmem>>
        %dma_wait3A_456 = arith.constant 0 : i32
        %dma_wait3A_457 = arith.constant 0 : i32
        %dma_wait3A_458 = tpu.memref_slice %arg13[%dma_wait3A_456, %dma_wait3A_457] : memref<5120x128xf32, #tpu.memory_space<vmem_shared>> -> memref<5120x128xf32, #tpu.memory_space<vmem_shared>>
        tpu.wait_indirect_dma semaphore(%run_scoped3A_446 : memref<!tpu.dma_semaphore, #tpu.memory_space<semaphore_mem>>) src(%arg11 : memref<128x128xf32, #tpu.memory_space<vmem>>) dst(%dma_wait3A_458 : memref<5120x128xf32, #tpu.memory_space<vmem_shared>>)
        tpu.yield
      }) : () -> ()
      %dma_start3A_370 = arith.constant 4 : i32
      %dma_start3A_371 = arith.constant 0 : i32
      %dma_start3A_372 = tpu.memref_slice %arg8[%dma_start3A_370, %dma_start3A_371] : memref<8x128xi32, #tpu.memory_space<vmem>> -> memref<1x128xi32, #tpu.memory_space<vmem>>
      %dma_start3A_373 = tpu.memref_squeeze %dma_start3A_372 : memref<1x128xi32, #tpu.memory_space<vmem>> -> memref<128xi32, #tpu.memory_space<vmem>>
      %dma_start3A_374 = arith.constant 0 : i32
      %dma_start3A_375 = arith.constant 0 : i32
      %dma_start3A_376 = tpu.memref_slice %arg2[%dma_start3A_374, %dma_start3A_375] : memref<40000x128xf32, #tpu.memory_space<hbm>> -> memref<40000x128xf32, #tpu.memory_space<hbm>>
      tpu.enqueue_indirect_dma source(%dma_start3A_376 : memref<40000x128xf32, #tpu.memory_space<hbm>>) target(%arg11 : memref<128x128xf32, #tpu.memory_space<vmem>>) offsets(%dma_start3A_373 : memref<128xi32, #tpu.memory_space<vmem>>) semaphore(%arg15 : memref<!tpu.dma_semaphore, #tpu.memory_space<semaphore_mem>>)
      %dma_wait3A_377 = arith.constant 2 : i32
      %dma_wait3A_378 = arith.constant 0 : i32
      %dma_wait3A_379 = tpu.memref_slice %arg8[%dma_wait3A_377, %dma_wait3A_378] : memref<8x128xi32, #tpu.memory_space<vmem>> -> memref<1x128xi32, #tpu.memory_space<vmem>>
      %dma_wait3A_380 = tpu.memref_squeeze %dma_wait3A_379 : memref<1x128xi32, #tpu.memory_space<vmem>> -> memref<128xi32, #tpu.memory_space<vmem>>
      %dma_wait3A_381 = arith.constant 0 : i32
      %dma_wait3A_382 = arith.constant 0 : i32
      %dma_wait3A_383 = tpu.memref_slice %arg2[%dma_wait3A_381, %dma_wait3A_382] : memref<40000x128xf32, #tpu.memory_space<hbm>> -> memref<40000x128xf32, #tpu.memory_space<hbm>>
      tpu.wait_indirect_dma semaphore(%arg16 : memref<!tpu.dma_semaphore, #tpu.memory_space<semaphore_mem>>) src(%dma_wait3A_383 : memref<40000x128xf32, #tpu.memory_space<hbm>>) dst(%arg12 : memref<128x128xf32, #tpu.memory_space<vmem>>)
      %run_scoped3A_384 = arith.constant 2 : i32
      "tpu.region"() ({
        %run_scoped3A_446 = tpu.sem_alloc : memref<!tpu.dma_semaphore, #tpu.memory_space<semaphore_mem>>
        %dma_start3A_447 = arith.constant 0 : i32
        %dma_start3A_448 = tpu.memref_slice %arg9[%run_scoped3A_384, %dma_start3A_447] : memref<8x128xi32, #tpu.memory_space<vmem>> -> memref<1x128xi32, #tpu.memory_space<vmem>>
        %dma_start3A_449 = tpu.memref_squeeze %dma_start3A_448 : memref<1x128xi32, #tpu.memory_space<vmem>> -> memref<128xi32, #tpu.memory_space<vmem>>
        %dma_start3A_450 = arith.constant 0 : i32
        %dma_start3A_451 = arith.constant 0 : i32
        %dma_start3A_452 = tpu.memref_slice %arg13[%dma_start3A_450, %dma_start3A_451] : memref<5120x128xf32, #tpu.memory_space<vmem_shared>> -> memref<5120x128xf32, #tpu.memory_space<vmem_shared>>
        tpu.enqueue_indirect_dma source(%arg12 : memref<128x128xf32, #tpu.memory_space<vmem>>) target(%dma_start3A_452 : memref<5120x128xf32, #tpu.memory_space<vmem_shared>>) offsets(%dma_start3A_449 : memref<128xi32, #tpu.memory_space<vmem>>) semaphore(%run_scoped3A_446 : memref<!tpu.dma_semaphore, #tpu.memory_space<semaphore_mem>>) {add = true}
        %dma_wait3A_453 = arith.constant 0 : i32
        %dma_wait3A_454 = tpu.memref_slice %arg9[%run_scoped3A_384, %dma_wait3A_453] : memref<8x128xi32, #tpu.memory_space<vmem>> -> memref<1x128xi32, #tpu.memory_space<vmem>>
        %dma_wait3A_455 = tpu.memref_squeeze %dma_wait3A_454 : memref<1x128xi32, #tpu.memory_space<vmem>> -> memref<128xi32, #tpu.memory_space<vmem>>
        %dma_wait3A_456 = arith.constant 0 : i32
        %dma_wait3A_457 = arith.constant 0 : i32
        %dma_wait3A_458 = tpu.memref_slice %arg13[%dma_wait3A_456, %dma_wait3A_457] : memref<5120x128xf32, #tpu.memory_space<vmem_shared>> -> memref<5120x128xf32, #tpu.memory_space<vmem_shared>>
        tpu.wait_indirect_dma semaphore(%run_scoped3A_446 : memref<!tpu.dma_semaphore, #tpu.memory_space<semaphore_mem>>) src(%arg12 : memref<128x128xf32, #tpu.memory_space<vmem>>) dst(%dma_wait3A_458 : memref<5120x128xf32, #tpu.memory_space<vmem_shared>>)
        tpu.yield
      }) : () -> ()
      %dma_start3A_385 = arith.constant 5 : i32
      %dma_start3A_386 = arith.constant 0 : i32
      %dma_start3A_387 = tpu.memref_slice %arg8[%dma_start3A_385, %dma_start3A_386] : memref<8x128xi32, #tpu.memory_space<vmem>> -> memref<1x128xi32, #tpu.memory_space<vmem>>
      %dma_start3A_388 = tpu.memref_squeeze %dma_start3A_387 : memref<1x128xi32, #tpu.memory_space<vmem>> -> memref<128xi32, #tpu.memory_space<vmem>>
      %dma_start3A_389 = arith.constant 0 : i32
      %dma_start3A_390 = arith.constant 0 : i32
      %dma_start3A_391 = tpu.memref_slice %arg2[%dma_start3A_389, %dma_start3A_390] : memref<40000x128xf32, #tpu.memory_space<hbm>> -> memref<40000x128xf32, #tpu.memory_space<hbm>>
      tpu.enqueue_indirect_dma source(%dma_start3A_391 : memref<40000x128xf32, #tpu.memory_space<hbm>>) target(%arg12 : memref<128x128xf32, #tpu.memory_space<vmem>>) offsets(%dma_start3A_388 : memref<128xi32, #tpu.memory_space<vmem>>) semaphore(%arg16 : memref<!tpu.dma_semaphore, #tpu.memory_space<semaphore_mem>>)
      %dma_wait3A_392 = arith.constant 3 : i32
      %dma_wait3A_393 = arith.constant 0 : i32
      %dma_wait3A_394 = tpu.memref_slice %arg8[%dma_wait3A_392, %dma_wait3A_393] : memref<8x128xi32, #tpu.memory_space<vmem>> -> memref<1x128xi32, #tpu.memory_space<vmem>>
      %dma_wait3A_395 = tpu.memref_squeeze %dma_wait3A_394 : memref<1x128xi32, #tpu.memory_space<vmem>> -> memref<128xi32, #tpu.memory_space<vmem>>
      %dma_wait3A_396 = arith.constant 0 : i32
      %dma_wait3A_397 = arith.constant 0 : i32
      %dma_wait3A_398 = tpu.memref_slice %arg2[%dma_wait3A_396, %dma_wait3A_397] : memref<40000x128xf32, #tpu.memory_space<hbm>> -> memref<40000x128xf32, #tpu.memory_space<hbm>>
      tpu.wait_indirect_dma semaphore(%arg14 : memref<!tpu.dma_semaphore, #tpu.memory_space<semaphore_mem>>) src(%dma_wait3A_398 : memref<40000x128xf32, #tpu.memory_space<hbm>>) dst(%arg10 : memref<128x128xf32, #tpu.memory_space<vmem>>)
      %run_scoped3A_399 = arith.constant 3 : i32
      "tpu.region"() ({
        %run_scoped3A_446 = tpu.sem_alloc : memref<!tpu.dma_semaphore, #tpu.memory_space<semaphore_mem>>
        %dma_start3A_447 = arith.constant 0 : i32
        %dma_start3A_448 = tpu.memref_slice %arg9[%run_scoped3A_399, %dma_start3A_447] : memref<8x128xi32, #tpu.memory_space<vmem>> -> memref<1x128xi32, #tpu.memory_space<vmem>>
        %dma_start3A_449 = tpu.memref_squeeze %dma_start3A_448 : memref<1x128xi32, #tpu.memory_space<vmem>> -> memref<128xi32, #tpu.memory_space<vmem>>
        %dma_start3A_450 = arith.constant 0 : i32
        %dma_start3A_451 = arith.constant 0 : i32
        %dma_start3A_452 = tpu.memref_slice %arg13[%dma_start3A_450, %dma_start3A_451] : memref<5120x128xf32, #tpu.memory_space<vmem_shared>> -> memref<5120x128xf32, #tpu.memory_space<vmem_shared>>
        tpu.enqueue_indirect_dma source(%arg10 : memref<128x128xf32, #tpu.memory_space<vmem>>) target(%dma_start3A_452 : memref<5120x128xf32, #tpu.memory_space<vmem_shared>>) offsets(%dma_start3A_449 : memref<128xi32, #tpu.memory_space<vmem>>) semaphore(%run_scoped3A_446 : memref<!tpu.dma_semaphore, #tpu.memory_space<semaphore_mem>>) {add = true}
        %dma_wait3A_453 = arith.constant 0 : i32
        %dma_wait3A_454 = tpu.memref_slice %arg9[%run_scoped3A_399, %dma_wait3A_453] : memref<8x128xi32, #tpu.memory_space<vmem>> -> memref<1x128xi32, #tpu.memory_space<vmem>>
        %dma_wait3A_455 = tpu.memref_squeeze %dma_wait3A_454 : memref<1x128xi32, #tpu.memory_space<vmem>> -> memref<128xi32, #tpu.memory_space<vmem>>
        %dma_wait3A_456 = arith.constant 0 : i32
        %dma_wait3A_457 = arith.constant 0 : i32
        %dma_wait3A_458 = tpu.memref_slice %arg13[%dma_wait3A_456, %dma_wait3A_457] : memref<5120x128xf32, #tpu.memory_space<vmem_shared>> -> memref<5120x128xf32, #tpu.memory_space<vmem_shared>>
        tpu.wait_indirect_dma semaphore(%run_scoped3A_446 : memref<!tpu.dma_semaphore, #tpu.memory_space<semaphore_mem>>) src(%arg10 : memref<128x128xf32, #tpu.memory_space<vmem>>) dst(%dma_wait3A_458 : memref<5120x128xf32, #tpu.memory_space<vmem_shared>>)
        tpu.yield
      }) : () -> ()
      %dma_start3A_400 = arith.constant 6 : i32
      %dma_start3A_401 = arith.constant 0 : i32
      %dma_start3A_402 = tpu.memref_slice %arg8[%dma_start3A_400, %dma_start3A_401] : memref<8x128xi32, #tpu.memory_space<vmem>> -> memref<1x128xi32, #tpu.memory_space<vmem>>
      %dma_start3A_403 = tpu.memref_squeeze %dma_start3A_402 : memref<1x128xi32, #tpu.memory_space<vmem>> -> memref<128xi32, #tpu.memory_space<vmem>>
      %dma_start3A_404 = arith.constant 0 : i32
      %dma_start3A_405 = arith.constant 0 : i32
      %dma_start3A_406 = tpu.memref_slice %arg2[%dma_start3A_404, %dma_start3A_405] : memref<40000x128xf32, #tpu.memory_space<hbm>> -> memref<40000x128xf32, #tpu.memory_space<hbm>>
      tpu.enqueue_indirect_dma source(%dma_start3A_406 : memref<40000x128xf32, #tpu.memory_space<hbm>>) target(%arg10 : memref<128x128xf32, #tpu.memory_space<vmem>>) offsets(%dma_start3A_403 : memref<128xi32, #tpu.memory_space<vmem>>) semaphore(%arg14 : memref<!tpu.dma_semaphore, #tpu.memory_space<semaphore_mem>>)
      %dma_wait3A_407 = arith.constant 4 : i32
      %dma_wait3A_408 = arith.constant 0 : i32
      %dma_wait3A_409 = tpu.memref_slice %arg8[%dma_wait3A_407, %dma_wait3A_408] : memref<8x128xi32, #tpu.memory_space<vmem>> -> memref<1x128xi32, #tpu.memory_space<vmem>>
      %dma_wait3A_410 = tpu.memref_squeeze %dma_wait3A_409 : memref<1x128xi32, #tpu.memory_space<vmem>> -> memref<128xi32, #tpu.memory_space<vmem>>
      %dma_wait3A_411 = arith.constant 0 : i32
      %dma_wait3A_412 = arith.constant 0 : i32
      %dma_wait3A_413 = tpu.memref_slice %arg2[%dma_wait3A_411, %dma_wait3A_412] : memref<40000x128xf32, #tpu.memory_space<hbm>> -> memref<40000x128xf32, #tpu.memory_space<hbm>>
      tpu.wait_indirect_dma semaphore(%arg15 : memref<!tpu.dma_semaphore, #tpu.memory_space<semaphore_mem>>) src(%dma_wait3A_413 : memref<40000x128xf32, #tpu.memory_space<hbm>>) dst(%arg11 : memref<128x128xf32, #tpu.memory_space<vmem>>)
      %run_scoped3A_414 = arith.constant 4 : i32
      "tpu.region"() ({
        %run_scoped3A_446 = tpu.sem_alloc : memref<!tpu.dma_semaphore, #tpu.memory_space<semaphore_mem>>
        %dma_start3A_447 = arith.constant 0 : i32
        %dma_start3A_448 = tpu.memref_slice %arg9[%run_scoped3A_414, %dma_start3A_447] : memref<8x128xi32, #tpu.memory_space<vmem>> -> memref<1x128xi32, #tpu.memory_space<vmem>>
        %dma_start3A_449 = tpu.memref_squeeze %dma_start3A_448 : memref<1x128xi32, #tpu.memory_space<vmem>> -> memref<128xi32, #tpu.memory_space<vmem>>
        %dma_start3A_450 = arith.constant 0 : i32
        %dma_start3A_451 = arith.constant 0 : i32
        %dma_start3A_452 = tpu.memref_slice %arg13[%dma_start3A_450, %dma_start3A_451] : memref<5120x128xf32, #tpu.memory_space<vmem_shared>> -> memref<5120x128xf32, #tpu.memory_space<vmem_shared>>
        tpu.enqueue_indirect_dma source(%arg11 : memref<128x128xf32, #tpu.memory_space<vmem>>) target(%dma_start3A_452 : memref<5120x128xf32, #tpu.memory_space<vmem_shared>>) offsets(%dma_start3A_449 : memref<128xi32, #tpu.memory_space<vmem>>) semaphore(%run_scoped3A_446 : memref<!tpu.dma_semaphore, #tpu.memory_space<semaphore_mem>>) {add = true}
        %dma_wait3A_453 = arith.constant 0 : i32
        %dma_wait3A_454 = tpu.memref_slice %arg9[%run_scoped3A_414, %dma_wait3A_453] : memref<8x128xi32, #tpu.memory_space<vmem>> -> memref<1x128xi32, #tpu.memory_space<vmem>>
        %dma_wait3A_455 = tpu.memref_squeeze %dma_wait3A_454 : memref<1x128xi32, #tpu.memory_space<vmem>> -> memref<128xi32, #tpu.memory_space<vmem>>
        %dma_wait3A_456 = arith.constant 0 : i32
        %dma_wait3A_457 = arith.constant 0 : i32
        %dma_wait3A_458 = tpu.memref_slice %arg13[%dma_wait3A_456, %dma_wait3A_457] : memref<5120x128xf32, #tpu.memory_space<vmem_shared>> -> memref<5120x128xf32, #tpu.memory_space<vmem_shared>>
        tpu.wait_indirect_dma semaphore(%run_scoped3A_446 : memref<!tpu.dma_semaphore, #tpu.memory_space<semaphore_mem>>) src(%arg11 : memref<128x128xf32, #tpu.memory_space<vmem>>) dst(%dma_wait3A_458 : memref<5120x128xf32, #tpu.memory_space<vmem_shared>>)
        tpu.yield
      }) : () -> ()
      %dma_start3A_415 = arith.constant 7 : i32
      %dma_start3A_416 = arith.constant 0 : i32
      %dma_start3A_417 = tpu.memref_slice %arg8[%dma_start3A_415, %dma_start3A_416] : memref<8x128xi32, #tpu.memory_space<vmem>> -> memref<1x128xi32, #tpu.memory_space<vmem>>
      %dma_start3A_418 = tpu.memref_squeeze %dma_start3A_417 : memref<1x128xi32, #tpu.memory_space<vmem>> -> memref<128xi32, #tpu.memory_space<vmem>>
      %dma_start3A_419 = arith.constant 0 : i32
      %dma_start3A_420 = arith.constant 0 : i32
      %dma_start3A_421 = tpu.memref_slice %arg2[%dma_start3A_419, %dma_start3A_420] : memref<40000x128xf32, #tpu.memory_space<hbm>> -> memref<40000x128xf32, #tpu.memory_space<hbm>>
      tpu.enqueue_indirect_dma source(%dma_start3A_421 : memref<40000x128xf32, #tpu.memory_space<hbm>>) target(%arg11 : memref<128x128xf32, #tpu.memory_space<vmem>>) offsets(%dma_start3A_418 : memref<128xi32, #tpu.memory_space<vmem>>) semaphore(%arg15 : memref<!tpu.dma_semaphore, #tpu.memory_space<semaphore_mem>>)
      %dma_wait3A_422 = arith.constant 5 : i32
      %dma_wait3A_423 = arith.constant 0 : i32
      %dma_wait3A_424 = tpu.memref_slice %arg8[%dma_wait3A_422, %dma_wait3A_423] : memref<8x128xi32, #tpu.memory_space<vmem>> -> memref<1x128xi32, #tpu.memory_space<vmem>>
      %dma_wait3A_425 = tpu.memref_squeeze %dma_wait3A_424 : memref<1x128xi32, #tpu.memory_space<vmem>> -> memref<128xi32, #tpu.memory_space<vmem>>
      %dma_wait3A_426 = arith.constant 0 : i32
      %dma_wait3A_427 = arith.constant 0 : i32
      %dma_wait3A_428 = tpu.memref_slice %arg2[%dma_wait3A_426, %dma_wait3A_427] : memref<40000x128xf32, #tpu.memory_space<hbm>> -> memref<40000x128xf32, #tpu.memory_space<hbm>>
      tpu.wait_indirect_dma semaphore(%arg16 : memref<!tpu.dma_semaphore, #tpu.memory_space<semaphore_mem>>) src(%dma_wait3A_428 : memref<40000x128xf32, #tpu.memory_space<hbm>>) dst(%arg12 : memref<128x128xf32, #tpu.memory_space<vmem>>)
      %run_scoped3A_429 = arith.constant 5 : i32
      "tpu.region"() ({
        %run_scoped3A_446 = tpu.sem_alloc : memref<!tpu.dma_semaphore, #tpu.memory_space<semaphore_mem>>
        %dma_start3A_447 = arith.constant 0 : i32
        %dma_start3A_448 = tpu.memref_slice %arg9[%run_scoped3A_429, %dma_start3A_447] : memref<8x128xi32, #tpu.memory_space<vmem>> -> memref<1x128xi32, #tpu.memory_space<vmem>>
        %dma_start3A_449 = tpu.memref_squeeze %dma_start3A_448 : memref<1x128xi32, #tpu.memory_space<vmem>> -> memref<128xi32, #tpu.memory_space<vmem>>
        %dma_start3A_450 = arith.constant 0 : i32
        %dma_start3A_451 = arith.constant 0 : i32
        %dma_start3A_452 = tpu.memref_slice %arg13[%dma_start3A_450, %dma_start3A_451] : memref<5120x128xf32, #tpu.memory_space<vmem_shared>> -> memref<5120x128xf32, #tpu.memory_space<vmem_shared>>
        tpu.enqueue_indirect_dma source(%arg12 : memref<128x128xf32, #tpu.memory_space<vmem>>) target(%dma_start3A_452 : memref<5120x128xf32, #tpu.memory_space<vmem_shared>>) offsets(%dma_start3A_449 : memref<128xi32, #tpu.memory_space<vmem>>) semaphore(%run_scoped3A_446 : memref<!tpu.dma_semaphore, #tpu.memory_space<semaphore_mem>>) {add = true}
        %dma_wait3A_453 = arith.constant 0 : i32
        %dma_wait3A_454 = tpu.memref_slice %arg9[%run_scoped3A_429, %dma_wait3A_453] : memref<8x128xi32, #tpu.memory_space<vmem>> -> memref<1x128xi32, #tpu.memory_space<vmem>>
        %dma_wait3A_455 = tpu.memref_squeeze %dma_wait3A_454 : memref<1x128xi32, #tpu.memory_space<vmem>> -> memref<128xi32, #tpu.memory_space<vmem>>
        %dma_wait3A_456 = arith.constant 0 : i32
        %dma_wait3A_457 = arith.constant 0 : i32
        %dma_wait3A_458 = tpu.memref_slice %arg13[%dma_wait3A_456, %dma_wait3A_457] : memref<5120x128xf32, #tpu.memory_space<vmem_shared>> -> memref<5120x128xf32, #tpu.memory_space<vmem_shared>>
        tpu.wait_indirect_dma semaphore(%run_scoped3A_446 : memref<!tpu.dma_semaphore, #tpu.memory_space<semaphore_mem>>) src(%arg12 : memref<128x128xf32, #tpu.memory_space<vmem>>) dst(%dma_wait3A_458 : memref<5120x128xf32, #tpu.memory_space<vmem_shared>>)
        tpu.yield
      }) : () -> ()
      %dma_wait3A_430 = arith.constant 6 : i32
      %dma_wait3A_431 = arith.constant 0 : i32
      %dma_wait3A_432 = tpu.memref_slice %arg8[%dma_wait3A_430, %dma_wait3A_431] : memref<8x128xi32, #tpu.memory_space<vmem>> -> memref<1x128xi32, #tpu.memory_space<vmem>>
      %dma_wait3A_433 = tpu.memref_squeeze %dma_wait3A_432 : memref<1x128xi32, #tpu.memory_space<vmem>> -> memref<128xi32, #tpu.memory_space<vmem>>
      %dma_wait3A_434 = arith.constant 0 : i32
      %dma_wait3A_435 = arith.constant 0 : i32
      %dma_wait3A_436 = tpu.memref_slice %arg2[%dma_wait3A_434, %dma_wait3A_435] : memref<40000x128xf32, #tpu.memory_space<hbm>> -> memref<40000x128xf32, #tpu.memory_space<hbm>>
      tpu.wait_indirect_dma semaphore(%arg14 : memref<!tpu.dma_semaphore, #tpu.memory_space<semaphore_mem>>) src(%dma_wait3A_436 : memref<40000x128xf32, #tpu.memory_space<hbm>>) dst(%arg10 : memref<128x128xf32, #tpu.memory_space<vmem>>)
      %run_scoped3A_437 = arith.constant 6 : i32
      "tpu.region"() ({
        %run_scoped3A_446 = tpu.sem_alloc : memref<!tpu.dma_semaphore, #tpu.memory_space<semaphore_mem>>
        %dma_start3A_447 = arith.constant 0 : i32
        %dma_start3A_448 = tpu.memref_slice %arg9[%run_scoped3A_437, %dma_start3A_447] : memref<8x128xi32, #tpu.memory_space<vmem>> -> memref<1x128xi32, #tpu.memory_space<vmem>>
        %dma_start3A_449 = tpu.memref_squeeze %dma_start3A_448 : memref<1x128xi32, #tpu.memory_space<vmem>> -> memref<128xi32, #tpu.memory_space<vmem>>
        %dma_start3A_450 = arith.constant 0 : i32
        %dma_start3A_451 = arith.constant 0 : i32
        %dma_start3A_452 = tpu.memref_slice %arg13[%dma_start3A_450, %dma_start3A_451] : memref<5120x128xf32, #tpu.memory_space<vmem_shared>> -> memref<5120x128xf32, #tpu.memory_space<vmem_shared>>
        tpu.enqueue_indirect_dma source(%arg10 : memref<128x128xf32, #tpu.memory_space<vmem>>) target(%dma_start3A_452 : memref<5120x128xf32, #tpu.memory_space<vmem_shared>>) offsets(%dma_start3A_449 : memref<128xi32, #tpu.memory_space<vmem>>) semaphore(%run_scoped3A_446 : memref<!tpu.dma_semaphore, #tpu.memory_space<semaphore_mem>>) {add = true}
        %dma_wait3A_453 = arith.constant 0 : i32
        %dma_wait3A_454 = tpu.memref_slice %arg9[%run_scoped3A_437, %dma_wait3A_453] : memref<8x128xi32, #tpu.memory_space<vmem>> -> memref<1x128xi32, #tpu.memory_space<vmem>>
        %dma_wait3A_455 = tpu.memref_squeeze %dma_wait3A_454 : memref<1x128xi32, #tpu.memory_space<vmem>> -> memref<128xi32, #tpu.memory_space<vmem>>
        %dma_wait3A_456 = arith.constant 0 : i32
        %dma_wait3A_457 = arith.constant 0 : i32
        %dma_wait3A_458 = tpu.memref_slice %arg13[%dma_wait3A_456, %dma_wait3A_457] : memref<5120x128xf32, #tpu.memory_space<vmem_shared>> -> memref<5120x128xf32, #tpu.memory_space<vmem_shared>>
        tpu.wait_indirect_dma semaphore(%run_scoped3A_446 : memref<!tpu.dma_semaphore, #tpu.memory_space<semaphore_mem>>) src(%arg10 : memref<128x128xf32, #tpu.memory_space<vmem>>) dst(%dma_wait3A_458 : memref<5120x128xf32, #tpu.memory_space<vmem_shared>>)
        tpu.yield
      }) : () -> ()
      %dma_wait3A_438 = arith.constant 7 : i32
      %dma_wait3A_439 = arith.constant 0 : i32
      %dma_wait3A_440 = tpu.memref_slice %arg8[%dma_wait3A_438, %dma_wait3A_439] : memref<8x128xi32, #tpu.memory_space<vmem>> -> memref<1x128xi32, #tpu.memory_space<vmem>>
      %dma_wait3A_441 = tpu.memref_squeeze %dma_wait3A_440 : memref<1x128xi32, #tpu.memory_space<vmem>> -> memref<128xi32, #tpu.memory_space<vmem>>
      %dma_wait3A_442 = arith.constant 0 : i32
      %dma_wait3A_443 = arith.constant 0 : i32
      %dma_wait3A_444 = tpu.memref_slice %arg2[%dma_wait3A_442, %dma_wait3A_443] : memref<40000x128xf32, #tpu.memory_space<hbm>> -> memref<40000x128xf32, #tpu.memory_space<hbm>>
      tpu.wait_indirect_dma semaphore(%arg15 : memref<!tpu.dma_semaphore, #tpu.memory_space<semaphore_mem>>) src(%dma_wait3A_444 : memref<40000x128xf32, #tpu.memory_space<hbm>>) dst(%arg11 : memref<128x128xf32, #tpu.memory_space<vmem>>)
      %run_scoped3A_445 = arith.constant 7 : i32
      "tpu.region"() ({
        %run_scoped3A_446 = tpu.sem_alloc : memref<!tpu.dma_semaphore, #tpu.memory_space<semaphore_mem>>
        %dma_start3A_447 = arith.constant 0 : i32
        %dma_start3A_448 = tpu.memref_slice %arg9[%run_scoped3A_445, %dma_start3A_447] : memref<8x128xi32, #tpu.memory_space<vmem>> -> memref<1x128xi32, #tpu.memory_space<vmem>>
        %dma_start3A_449 = tpu.memref_squeeze %dma_start3A_448 : memref<1x128xi32, #tpu.memory_space<vmem>> -> memref<128xi32, #tpu.memory_space<vmem>>
        %dma_start3A_450 = arith.constant 0 : i32
        %dma_start3A_451 = arith.constant 0 : i32
        %dma_start3A_452 = tpu.memref_slice %arg13[%dma_start3A_450, %dma_start3A_451] : memref<5120x128xf32, #tpu.memory_space<vmem_shared>> -> memref<5120x128xf32, #tpu.memory_space<vmem_shared>>
        tpu.enqueue_indirect_dma source(%arg11 : memref<128x128xf32, #tpu.memory_space<vmem>>) target(%dma_start3A_452 : memref<5120x128xf32, #tpu.memory_space<vmem_shared>>) offsets(%dma_start3A_449 : memref<128xi32, #tpu.memory_space<vmem>>) semaphore(%run_scoped3A_446 : memref<!tpu.dma_semaphore, #tpu.memory_space<semaphore_mem>>) {add = true}
        %dma_wait3A_453 = arith.constant 0 : i32
        %dma_wait3A_454 = tpu.memref_slice %arg9[%run_scoped3A_445, %dma_wait3A_453] : memref<8x128xi32, #tpu.memory_space<vmem>> -> memref<1x128xi32, #tpu.memory_space<vmem>>
        %dma_wait3A_455 = tpu.memref_squeeze %dma_wait3A_454 : memref<1x128xi32, #tpu.memory_space<vmem>> -> memref<128xi32, #tpu.memory_space<vmem>>
        %dma_wait3A_456 = arith.constant 0 : i32
        %dma_wait3A_457 = arith.constant 0 : i32
        %dma_wait3A_458 = tpu.memref_slice %arg13[%dma_wait3A_456, %dma_wait3A_457] : memref<5120x128xf32, #tpu.memory_space<vmem_shared>> -> memref<5120x128xf32, #tpu.memory_space<vmem_shared>>
        tpu.wait_indirect_dma semaphore(%run_scoped3A_446 : memref<!tpu.dma_semaphore, #tpu.memory_space<semaphore_mem>>) src(%arg11 : memref<128x128xf32, #tpu.memory_space<vmem>>) dst(%dma_wait3A_458 : memref<5120x128xf32, #tpu.memory_space<vmem_shared>>)
        tpu.yield
      }) : () -> ()
    }
    %scan3A_72 = arith.constant 20 : i32
    %barrier3A_73 = arith.constant 0 : index
    tpu.barrier barrier_id(%barrier3A_73)
    %mul3A_74 = arith.constant 2 : i32
    %mul3A_75 = arith.muli %mul3A_74, %add3A_1 : i32
    %add3A_76 = arith.constant 1 : i32
    %add3A_77 = arith.addi %mul3A_75, %add3A_76 : i32
    %mul3A_78 = arith.constant 5120 : i32
    %mul3A_79 = arith.muli %add3A_77, %mul3A_78 : i32
    %mul3A_80 = arith.constant 320 : i32
    %mul3A_81 = arith.muli %arg1, %mul3A_80 : i32
    %add3A_82 = arith.addi %mul3A_79, %mul3A_81 : i32
    %mul3A_83 = arith.constant 320 : i32
    %mul3A_84 = arith.muli %arg1, %mul3A_83 : i32
    %add3A_85 = arith.constant 0 : i32
    %add3A_86 = arith.addi %mul3A_84, %add3A_85 : i32
    "tpu.region"() ({
      %run_scoped3A = tpu.sem_alloc : memref<!tpu.dma_semaphore, #tpu.memory_space<semaphore_mem>>
      %dma_start3A = arith.constant 0 : i32
      %dma_start3A_314 = arith.constant 0 : i32
      %dma_start3A_315 = tpu.memref_slice %arg10[%dma_start3A, %dma_start3A_314] : memref<128x128xf32, #tpu.memory_space<vmem>> -> memref<128x128xf32, #tpu.memory_space<vmem>>
      %dma_start3A_316 = arith.constant 0 : i32
      %dma_start3A_317 = tpu.memref_slice %arg13[%add3A_86, %dma_start3A_316] : memref<5120x128xf32, #tpu.memory_space<vmem_shared>> -> memref<128x128xf32, #tpu.memory_space<vmem_shared>>
      %dma_start3A_318 = arith.constant 0 : i32
      %dma_start3A_319 = arith.constant 0 : i32
      %dma_start3A_320 = tpu.memref_slice %arg10[%dma_start3A_318, %dma_start3A_319] : memref<128x128xf32, #tpu.memory_space<vmem>> -> memref<128x128xf32, #tpu.memory_space<vmem>>
      %dma_start3A_321 = arith.constant 0 : i32
      %dma_start3A_322 = tpu.memref_slice %arg13[%add3A_86, %dma_start3A_321] : memref<5120x128xf32, #tpu.memory_space<vmem_shared>> -> memref<128x128xf32, #tpu.memory_space<vmem_shared>>
      tpu.enqueue_dma source(%dma_start3A_322 : memref<128x128xf32, #tpu.memory_space<vmem_shared>>) target(%dma_start3A_320 : memref<128x128xf32, #tpu.memory_space<vmem>>) target_semaphore(%run_scoped3A : memref<!tpu.dma_semaphore, #tpu.memory_space<semaphore_mem>>)
      %dma_wait3A = arith.constant 0 : i32
      %dma_wait3A_323 = arith.constant 0 : i32
      %dma_wait3A_324 = tpu.memref_slice %arg10[%dma_wait3A, %dma_wait3A_323] : memref<128x128xf32, #tpu.memory_space<vmem>> -> memref<128x128xf32, #tpu.memory_space<vmem>>
      %dma_wait3A_325 = arith.constant 0 : i32
      %dma_wait3A_326 = tpu.memref_slice %arg13[%add3A_86, %dma_wait3A_325] : memref<5120x128xf32, #tpu.memory_space<vmem_shared>> -> memref<128x128xf32, #tpu.memory_space<vmem_shared>>
      %dma_wait3A_327 = arith.constant 0 : i32
      %dma_wait3A_328 = arith.constant 0 : i32
      %dma_wait3A_329 = tpu.memref_slice %arg10[%dma_wait3A_327, %dma_wait3A_328] : memref<128x128xf32, #tpu.memory_space<vmem>> -> memref<128x128xf32, #tpu.memory_space<vmem>>
      %dma_wait3A_330 = arith.constant 0 : i32
      %dma_wait3A_331 = tpu.memref_slice %arg13[%add3A_86, %dma_wait3A_330] : memref<5120x128xf32, #tpu.memory_space<vmem_shared>> -> memref<128x128xf32, #tpu.memory_space<vmem_shared>>
      tpu.wait_dma2 semaphore(%run_scoped3A : memref<!tpu.dma_semaphore, #tpu.memory_space<semaphore_mem>>) src(%dma_wait3A_331 : memref<128x128xf32, #tpu.memory_space<vmem_shared>>) dst(%dma_wait3A_329 : memref<128x128xf32, #tpu.memory_space<vmem>>)
      tpu.yield
    }) : () -> ()
    %add3A_87 = arith.constant 0 : i32
    %add3A_88 = arith.addi %add3A_82, %add3A_87 : i32
    "tpu.region"() ({
      %run_scoped3A = tpu.sem_alloc : memref<!tpu.dma_semaphore, #tpu.memory_space<semaphore_mem>>
      %dma_start3A = arith.constant 0 : i32
      %dma_start3A_314 = arith.constant 0 : i32
      %dma_start3A_315 = tpu.memref_slice %arg10[%dma_start3A, %dma_start3A_314] : memref<128x128xf32, #tpu.memory_space<vmem>> -> memref<128x128xf32, #tpu.memory_space<vmem>>
      %dma_start3A_316 = arith.constant 0 : i32
      %dma_start3A_317 = tpu.memref_slice %arg7[%add3A_88, %dma_start3A_316] : memref<61440x128xf32, #tpu.memory_space<hbm>> -> memref<128x128xf32, #tpu.memory_space<hbm>>
      %dma_start3A_318 = arith.constant 0 : i32
      %dma_start3A_319 = tpu.memref_slice %arg7[%add3A_88, %dma_start3A_318] : memref<61440x128xf32, #tpu.memory_space<hbm>> -> memref<128x128xf32, #tpu.memory_space<hbm>>
      %dma_start3A_320 = arith.constant 0 : i32
      %dma_start3A_321 = arith.constant 0 : i32
      %dma_start3A_322 = tpu.memref_slice %arg10[%dma_start3A_320, %dma_start3A_321] : memref<128x128xf32, #tpu.memory_space<vmem>> -> memref<128x128xf32, #tpu.memory_space<vmem>>
      tpu.enqueue_dma source(%dma_start3A_322 : memref<128x128xf32, #tpu.memory_space<vmem>>) target(%dma_start3A_319 : memref<128x128xf32, #tpu.memory_space<hbm>>) target_semaphore(%run_scoped3A : memref<!tpu.dma_semaphore, #tpu.memory_space<semaphore_mem>>)
      %dma_wait3A = arith.constant 0 : i32
      %dma_wait3A_323 = arith.constant 0 : i32
      %dma_wait3A_324 = tpu.memref_slice %arg10[%dma_wait3A, %dma_wait3A_323] : memref<128x128xf32, #tpu.memory_space<vmem>> -> memref<128x128xf32, #tpu.memory_space<vmem>>
      %dma_wait3A_325 = arith.constant 0 : i32
      %dma_wait3A_326 = tpu.memref_slice %arg7[%add3A_88, %dma_wait3A_325] : memref<61440x128xf32, #tpu.memory_space<hbm>> -> memref<128x128xf32, #tpu.memory_space<hbm>>
      %dma_wait3A_327 = arith.constant 0 : i32
      %dma_wait3A_328 = tpu.memref_slice %arg7[%add3A_88, %dma_wait3A_327] : memref<61440x128xf32, #tpu.memory_space<hbm>> -> memref<128x128xf32, #tpu.memory_space<hbm>>
      %dma_wait3A_329 = arith.constant 0 : i32
      %dma_wait3A_330 = arith.constant 0 : i32
      %dma_wait3A_331 = tpu.memref_slice %arg10[%dma_wait3A_329, %dma_wait3A_330] : memref<128x128xf32, #tpu.memory_space<vmem>> -> memref<128x128xf32, #tpu.memory_space<vmem>>
      tpu.wait_dma2 semaphore(%run_scoped3A : memref<!tpu.dma_semaphore, #tpu.memory_space<semaphore_mem>>) src(%dma_wait3A_331 : memref<128x128xf32, #tpu.memory_space<vmem>>) dst(%dma_wait3A_328 : memref<128x128xf32, #tpu.memory_space<hbm>>)
      tpu.yield
    }) : () -> ()
    %mul3A_89 = arith.constant 320 : i32
    %mul3A_90 = arith.muli %arg1, %mul3A_89 : i32
    %add3A_91 = arith.constant 128 : i32
    %add3A_92 = arith.addi %mul3A_90, %add3A_91 : i32
    "tpu.region"() ({
      %run_scoped3A = tpu.sem_alloc : memref<!tpu.dma_semaphore, #tpu.memory_space<semaphore_mem>>
      %dma_start3A = arith.constant 0 : i32
      %dma_start3A_314 = arith.constant 0 : i32
      %dma_start3A_315 = tpu.memref_slice %arg10[%dma_start3A, %dma_start3A_314] : memref<128x128xf32, #tpu.memory_space<vmem>> -> memref<128x128xf32, #tpu.memory_space<vmem>>
      %dma_start3A_316 = arith.constant 0 : i32
      %dma_start3A_317 = tpu.memref_slice %arg13[%add3A_92, %dma_start3A_316] : memref<5120x128xf32, #tpu.memory_space<vmem_shared>> -> memref<128x128xf32, #tpu.memory_space<vmem_shared>>
      %dma_start3A_318 = arith.constant 0 : i32
      %dma_start3A_319 = arith.constant 0 : i32
      %dma_start3A_320 = tpu.memref_slice %arg10[%dma_start3A_318, %dma_start3A_319] : memref<128x128xf32, #tpu.memory_space<vmem>> -> memref<128x128xf32, #tpu.memory_space<vmem>>
      %dma_start3A_321 = arith.constant 0 : i32
      %dma_start3A_322 = tpu.memref_slice %arg13[%add3A_92, %dma_start3A_321] : memref<5120x128xf32, #tpu.memory_space<vmem_shared>> -> memref<128x128xf32, #tpu.memory_space<vmem_shared>>
      tpu.enqueue_dma source(%dma_start3A_322 : memref<128x128xf32, #tpu.memory_space<vmem_shared>>) target(%dma_start3A_320 : memref<128x128xf32, #tpu.memory_space<vmem>>) target_semaphore(%run_scoped3A : memref<!tpu.dma_semaphore, #tpu.memory_space<semaphore_mem>>)
      %dma_wait3A = arith.constant 0 : i32
      %dma_wait3A_323 = arith.constant 0 : i32
      %dma_wait3A_324 = tpu.memref_slice %arg10[%dma_wait3A, %dma_wait3A_323] : memref<128x128xf32, #tpu.memory_space<vmem>> -> memref<128x128xf32, #tpu.memory_space<vmem>>
      %dma_wait3A_325 = arith.constant 0 : i32
      %dma_wait3A_326 = tpu.memref_slice %arg13[%add3A_92, %dma_wait3A_325] : memref<5120x128xf32, #tpu.memory_space<vmem_shared>> -> memref<128x128xf32, #tpu.memory_space<vmem_shared>>
      %dma_wait3A_327 = arith.constant 0 : i32
      %dma_wait3A_328 = arith.constant 0 : i32
      %dma_wait3A_329 = tpu.memref_slice %arg10[%dma_wait3A_327, %dma_wait3A_328] : memref<128x128xf32, #tpu.memory_space<vmem>> -> memref<128x128xf32, #tpu.memory_space<vmem>>
      %dma_wait3A_330 = arith.constant 0 : i32
      %dma_wait3A_331 = tpu.memref_slice %arg13[%add3A_92, %dma_wait3A_330] : memref<5120x128xf32, #tpu.memory_space<vmem_shared>> -> memref<128x128xf32, #tpu.memory_space<vmem_shared>>
      tpu.wait_dma2 semaphore(%run_scoped3A : memref<!tpu.dma_semaphore, #tpu.memory_space<semaphore_mem>>) src(%dma_wait3A_331 : memref<128x128xf32, #tpu.memory_space<vmem_shared>>) dst(%dma_wait3A_329 : memref<128x128xf32, #tpu.memory_space<vmem>>)
      tpu.yield
    }) : () -> ()
    %add3A_93 = arith.constant 128 : i32
    %add3A_94 = arith.addi %add3A_82, %add3A_93 : i32
    "tpu.region"() ({
      %run_scoped3A = tpu.sem_alloc : memref<!tpu.dma_semaphore, #tpu.memory_space<semaphore_mem>>
      %dma_start3A = arith.constant 0 : i32
      %dma_start3A_314 = arith.constant 0 : i32
      %dma_start3A_315 = tpu.memref_slice %arg10[%dma_start3A, %dma_start3A_314] : memref<128x128xf32, #tpu.memory_space<vmem>> -> memref<128x128xf32, #tpu.memory_space<vmem>>
      %dma_start3A_316 = arith.constant 0 : i32
      %dma_start3A_317 = tpu.memref_slice %arg7[%add3A_94, %dma_start3A_316] : memref<61440x128xf32, #tpu.memory_space<hbm>> -> memref<128x128xf32, #tpu.memory_space<hbm>>
      %dma_start3A_318 = arith.constant 0 : i32
      %dma_start3A_319 = tpu.memref_slice %arg7[%add3A_94, %dma_start3A_318] : memref<61440x128xf32, #tpu.memory_space<hbm>> -> memref<128x128xf32, #tpu.memory_space<hbm>>
      %dma_start3A_320 = arith.constant 0 : i32
      %dma_start3A_321 = arith.constant 0 : i32
      %dma_start3A_322 = tpu.memref_slice %arg10[%dma_start3A_320, %dma_start3A_321] : memref<128x128xf32, #tpu.memory_space<vmem>> -> memref<128x128xf32, #tpu.memory_space<vmem>>
      tpu.enqueue_dma source(%dma_start3A_322 : memref<128x128xf32, #tpu.memory_space<vmem>>) target(%dma_start3A_319 : memref<128x128xf32, #tpu.memory_space<hbm>>) target_semaphore(%run_scoped3A : memref<!tpu.dma_semaphore, #tpu.memory_space<semaphore_mem>>)
      %dma_wait3A = arith.constant 0 : i32
      %dma_wait3A_323 = arith.constant 0 : i32
      %dma_wait3A_324 = tpu.memref_slice %arg10[%dma_wait3A, %dma_wait3A_323] : memref<128x128xf32, #tpu.memory_space<vmem>> -> memref<128x128xf32, #tpu.memory_space<vmem>>
      %dma_wait3A_325 = arith.constant 0 : i32
      %dma_wait3A_326 = tpu.memref_slice %arg7[%add3A_94, %dma_wait3A_325] : memref<61440x128xf32, #tpu.memory_space<hbm>> -> memref<128x128xf32, #tpu.memory_space<hbm>>
      %dma_wait3A_327 = arith.constant 0 : i32
      %dma_wait3A_328 = tpu.memref_slice %arg7[%add3A_94, %dma_wait3A_327] : memref<61440x128xf32, #tpu.memory_space<hbm>> -> memref<128x128xf32, #tpu.memory_space<hbm>>
      %dma_wait3A_329 = arith.constant 0 : i32
      %dma_wait3A_330 = arith.constant 0 : i32
      %dma_wait3A_331 = tpu.memref_slice %arg10[%dma_wait3A_329, %dma_wait3A_330] : memref<128x128xf32, #tpu.memory_space<vmem>> -> memref<128x128xf32, #tpu.memory_space<vmem>>
      tpu.wait_dma2 semaphore(%run_scoped3A : memref<!tpu.dma_semaphore, #tpu.memory_space<semaphore_mem>>) src(%dma_wait3A_331 : memref<128x128xf32, #tpu.memory_space<vmem>>) dst(%dma_wait3A_328 : memref<128x128xf32, #tpu.memory_space<hbm>>)
      tpu.yield
    }) : () -> ()
    %mul3A_95 = arith.constant 320 : i32
    %mul3A_96 = arith.muli %arg1, %mul3A_95 : i32
    %add3A_97 = arith.constant 256 : i32
    %add3A_98 = arith.addi %mul3A_96, %add3A_97 : i32
    "tpu.region"() ({
      %run_scoped3A = tpu.sem_alloc : memref<!tpu.dma_semaphore, #tpu.memory_space<semaphore_mem>>
      %dma_start3A = arith.constant 0 : i32
      %dma_start3A_314 = arith.constant 0 : i32
      %dma_start3A_315 = tpu.memref_slice %arg10[%dma_start3A, %dma_start3A_314] : memref<128x128xf32, #tpu.memory_space<vmem>> -> memref<64x128xf32, #tpu.memory_space<vmem>>
      %dma_start3A_316 = arith.constant 0 : i32
      %dma_start3A_317 = tpu.memref_slice %arg13[%add3A_98, %dma_start3A_316] : memref<5120x128xf32, #tpu.memory_space<vmem_shared>> -> memref<64x128xf32, #tpu.memory_space<vmem_shared>>
      %dma_start3A_318 = arith.constant 0 : i32
      %dma_start3A_319 = arith.constant 0 : i32
      %dma_start3A_320 = tpu.memref_slice %arg10[%dma_start3A_318, %dma_start3A_319] : memref<128x128xf32, #tpu.memory_space<vmem>> -> memref<64x128xf32, #tpu.memory_space<vmem>>
      %dma_start3A_321 = arith.constant 0 : i32
      %dma_start3A_322 = tpu.memref_slice %arg13[%add3A_98, %dma_start3A_321] : memref<5120x128xf32, #tpu.memory_space<vmem_shared>> -> memref<64x128xf32, #tpu.memory_space<vmem_shared>>
      tpu.enqueue_dma source(%dma_start3A_322 : memref<64x128xf32, #tpu.memory_space<vmem_shared>>) target(%dma_start3A_320 : memref<64x128xf32, #tpu.memory_space<vmem>>) target_semaphore(%run_scoped3A : memref<!tpu.dma_semaphore, #tpu.memory_space<semaphore_mem>>)
      %dma_wait3A = arith.constant 0 : i32
      %dma_wait3A_323 = arith.constant 0 : i32
      %dma_wait3A_324 = tpu.memref_slice %arg10[%dma_wait3A, %dma_wait3A_323] : memref<128x128xf32, #tpu.memory_space<vmem>> -> memref<64x128xf32, #tpu.memory_space<vmem>>
      %dma_wait3A_325 = arith.constant 0 : i32
      %dma_wait3A_326 = tpu.memref_slice %arg13[%add3A_98, %dma_wait3A_325] : memref<5120x128xf32, #tpu.memory_space<vmem_shared>> -> memref<64x128xf32, #tpu.memory_space<vmem_shared>>
      %dma_wait3A_327 = arith.constant 0 : i32
      %dma_wait3A_328 = arith.constant 0 : i32
      %dma_wait3A_329 = tpu.memref_slice %arg10[%dma_wait3A_327, %dma_wait3A_328] : memref<128x128xf32, #tpu.memory_space<vmem>> -> memref<64x128xf32, #tpu.memory_space<vmem>>
      %dma_wait3A_330 = arith.constant 0 : i32
      %dma_wait3A_331 = tpu.memref_slice %arg13[%add3A_98, %dma_wait3A_330] : memref<5120x128xf32, #tpu.memory_space<vmem_shared>> -> memref<64x128xf32, #tpu.memory_space<vmem_shared>>
      tpu.wait_dma2 semaphore(%run_scoped3A : memref<!tpu.dma_semaphore, #tpu.memory_space<semaphore_mem>>) src(%dma_wait3A_331 : memref<64x128xf32, #tpu.memory_space<vmem_shared>>) dst(%dma_wait3A_329 : memref<64x128xf32, #tpu.memory_space<vmem>>)
      tpu.yield
    }) : () -> ()
    %add3A_99 = arith.constant 256 : i32
    %add3A_100 = arith.addi %add3A_82, %add3A_99 : i32
    "tpu.region"() ({
      %run_scoped3A = tpu.sem_alloc : memref<!tpu.dma_semaphore, #tpu.memory_space<semaphore_mem>>
      %dma_start3A = arith.constant 0 : i32
      %dma_start3A_314 = arith.constant 0 : i32
      %dma_start3A_315 = tpu.memref_slice %arg10[%dma_start3A, %dma_start3A_314] : memref<128x128xf32, #tpu.memory_space<vmem>> -> memref<64x128xf32, #tpu.memory_space<vmem>>
      %dma_start3A_316 = arith.constant 0 : i32
      %dma_start3A_317 = tpu.memref_slice %arg7[%add3A_100, %dma_start3A_316] : memref<61440x128xf32, #tpu.memory_space<hbm>> -> memref<64x128xf32, #tpu.memory_space<hbm>>
      %dma_start3A_318 = arith.constant 0 : i32
      %dma_start3A_319 = tpu.memref_slice %arg7[%add3A_100, %dma_start3A_318] : memref<61440x128xf32, #tpu.memory_space<hbm>> -> memref<64x128xf32, #tpu.memory_space<hbm>>
      %dma_start3A_320 = arith.constant 0 : i32
      %dma_start3A_321 = arith.constant 0 : i32
      %dma_start3A_322 = tpu.memref_slice %arg10[%dma_start3A_320, %dma_start3A_321] : memref<128x128xf32, #tpu.memory_space<vmem>> -> memref<64x128xf32, #tpu.memory_space<vmem>>
      tpu.enqueue_dma source(%dma_start3A_322 : memref<64x128xf32, #tpu.memory_space<vmem>>) target(%dma_start3A_319 : memref<64x128xf32, #tpu.memory_space<hbm>>) target_semaphore(%run_scoped3A : memref<!tpu.dma_semaphore, #tpu.memory_space<semaphore_mem>>)
      %dma_wait3A = arith.constant 0 : i32
      %dma_wait3A_323 = arith.constant 0 : i32
      %dma_wait3A_324 = tpu.memref_slice %arg10[%dma_wait3A, %dma_wait3A_323] : memref<128x128xf32, #tpu.memory_space<vmem>> -> memref<64x128xf32, #tpu.memory_space<vmem>>
      %dma_wait3A_325 = arith.constant 0 : i32
      %dma_wait3A_326 = tpu.memref_slice %arg7[%add3A_100, %dma_wait3A_325] : memref<61440x128xf32, #tpu.memory_space<hbm>> -> memref<64x128xf32, #tpu.memory_space<hbm>>
      %dma_wait3A_327 = arith.constant 0 : i32
      %dma_wait3A_328 = tpu.memref_slice %arg7[%add3A_100, %dma_wait3A_327] : memref<61440x128xf32, #tpu.memory_space<hbm>> -> memref<64x128xf32, #tpu.memory_space<hbm>>
      %dma_wait3A_329 = arith.constant 0 : i32
      %dma_wait3A_330 = arith.constant 0 : i32
      %dma_wait3A_331 = tpu.memref_slice %arg10[%dma_wait3A_329, %dma_wait3A_330] : memref<128x128xf32, #tpu.memory_space<vmem>> -> memref<64x128xf32, #tpu.memory_space<vmem>>
      tpu.wait_dma2 semaphore(%run_scoped3A : memref<!tpu.dma_semaphore, #tpu.memory_space<semaphore_mem>>) src(%dma_wait3A_331 : memref<64x128xf32, #tpu.memory_space<vmem>>) dst(%dma_wait3A_328 : memref<64x128xf32, #tpu.memory_space<hbm>>)
      tpu.yield
    }) : () -> ()
    %barrier3A_101 = arith.constant 0 : index
    tpu.barrier barrier_id(%barrier3A_101)
    %mul3A_102 = arith.constant 2 : i32
    %mul3A_103 = arith.muli %arg0, %mul3A_102 : i32
    %add3A_104 = arith.constant 1 : i32
    %add3A_105 = arith.addi %mul3A_103, %add3A_104 : i32
    "tpu.region"() ({
      %run_scoped3A = tpu.sem_alloc : memref<!tpu.dma_semaphore, #tpu.memory_space<semaphore_mem>>
      %dma_start3A = arith.constant 0 : i32
      %dma_start3A_314 = arith.constant 0 : i32
      %dma_start3A_315 = tpu.memref_slice %arg10[%dma_start3A, %dma_start3A_314] : memref<128x128xf32, #tpu.memory_space<vmem>> -> memref<80x128xf32, #tpu.memory_space<vmem>>
      %dma_start3A_316 = arith.constant 0 : i32
      %dma_start3A_317 = arith.constant 0 : i32
      %dma_start3A_318 = tpu.memref_slice %arg10[%dma_start3A_316, %dma_start3A_317] : memref<128x128xf32, #tpu.memory_space<vmem>> -> memref<80x128xf32, #tpu.memory_space<vmem>>
      tpu.enqueue_dma source(%arg5 : memref<80x128xf32, #tpu.memory_space<hbm>>) target(%dma_start3A_318 : memref<80x128xf32, #tpu.memory_space<vmem>>) target_semaphore(%run_scoped3A : memref<!tpu.dma_semaphore, #tpu.memory_space<semaphore_mem>>)
      %dma_wait3A = arith.constant 0 : i32
      %dma_wait3A_319 = arith.constant 0 : i32
      %dma_wait3A_320 = tpu.memref_slice %arg10[%dma_wait3A, %dma_wait3A_319] : memref<128x128xf32, #tpu.memory_space<vmem>> -> memref<80x128xf32, #tpu.memory_space<vmem>>
      %dma_wait3A_321 = arith.constant 0 : i32
      %dma_wait3A_322 = arith.constant 0 : i32
      %dma_wait3A_323 = tpu.memref_slice %arg10[%dma_wait3A_321, %dma_wait3A_322] : memref<128x128xf32, #tpu.memory_space<vmem>> -> memref<80x128xf32, #tpu.memory_space<vmem>>
      tpu.wait_dma2 semaphore(%run_scoped3A : memref<!tpu.dma_semaphore, #tpu.memory_space<semaphore_mem>>) src(%arg5 : memref<80x128xf32, #tpu.memory_space<hbm>>) dst(%dma_wait3A_323 : memref<80x128xf32, #tpu.memory_space<vmem>>)
      tpu.yield
    }) : () -> ()
    %mul3A_106 = arith.constant 320 : i32
    %mul3A_107 = arith.muli %arg1, %mul3A_106 : i32
    %add3A_108 = arith.constant 0 : i32
    %add3A_109 = arith.addi %mul3A_107, %add3A_108 : i32
    "tpu.region"() ({
      %run_scoped3A = tpu.sem_alloc : memref<!tpu.dma_semaphore, #tpu.memory_space<semaphore_mem>>
      %dma_start3A = arith.constant 0 : i32
      %dma_start3A_314 = arith.constant 0 : i32
      %dma_start3A_315 = tpu.memref_slice %arg10[%dma_start3A, %dma_start3A_314] : memref<128x128xf32, #tpu.memory_space<vmem>> -> memref<80x128xf32, #tpu.memory_space<vmem>>
      %dma_start3A_316 = arith.constant 0 : i32
      %dma_start3A_317 = tpu.memref_slice %arg13[%add3A_109, %dma_start3A_316] : memref<5120x128xf32, #tpu.memory_space<vmem_shared>> -> memref<80x128xf32, #tpu.memory_space<vmem_shared>>
      %dma_start3A_318 = arith.constant 0 : i32
      %dma_start3A_319 = tpu.memref_slice %arg13[%add3A_109, %dma_start3A_318] : memref<5120x128xf32, #tpu.memory_space<vmem_shared>> -> memref<80x128xf32, #tpu.memory_space<vmem_shared>>
      %dma_start3A_320 = arith.constant 0 : i32
      %dma_start3A_321 = arith.constant 0 : i32
      %dma_start3A_322 = tpu.memref_slice %arg10[%dma_start3A_320, %dma_start3A_321] : memref<128x128xf32, #tpu.memory_space<vmem>> -> memref<80x128xf32, #tpu.memory_space<vmem>>
      tpu.enqueue_dma source(%dma_start3A_322 : memref<80x128xf32, #tpu.memory_space<vmem>>) target(%dma_start3A_319 : memref<80x128xf32, #tpu.memory_space<vmem_shared>>) target_semaphore(%run_scoped3A : memref<!tpu.dma_semaphore, #tpu.memory_space<semaphore_mem>>)
      %dma_wait3A = arith.constant 0 : i32
      %dma_wait3A_323 = arith.constant 0 : i32
      %dma_wait3A_324 = tpu.memref_slice %arg10[%dma_wait3A, %dma_wait3A_323] : memref<128x128xf32, #tpu.memory_space<vmem>> -> memref<80x128xf32, #tpu.memory_space<vmem>>
      %dma_wait3A_325 = arith.constant 0 : i32
      %dma_wait3A_326 = tpu.memref_slice %arg13[%add3A_109, %dma_wait3A_325] : memref<5120x128xf32, #tpu.memory_space<vmem_shared>> -> memref<80x128xf32, #tpu.memory_space<vmem_shared>>
      %dma_wait3A_327 = arith.constant 0 : i32
      %dma_wait3A_328 = tpu.memref_slice %arg13[%add3A_109, %dma_wait3A_327] : memref<5120x128xf32, #tpu.memory_space<vmem_shared>> -> memref<80x128xf32, #tpu.memory_space<vmem_shared>>
      %dma_wait3A_329 = arith.constant 0 : i32
      %dma_wait3A_330 = arith.constant 0 : i32
      %dma_wait3A_331 = tpu.memref_slice %arg10[%dma_wait3A_329, %dma_wait3A_330] : memref<128x128xf32, #tpu.memory_space<vmem>> -> memref<80x128xf32, #tpu.memory_space<vmem>>
      tpu.wait_dma2 semaphore(%run_scoped3A : memref<!tpu.dma_semaphore, #tpu.memory_space<semaphore_mem>>) src(%dma_wait3A_331 : memref<80x128xf32, #tpu.memory_space<vmem>>) dst(%dma_wait3A_328 : memref<80x128xf32, #tpu.memory_space<vmem_shared>>)
      tpu.yield
    }) : () -> ()
    %mul3A_110 = arith.constant 320 : i32
    %mul3A_111 = arith.muli %arg1, %mul3A_110 : i32
    %add3A_112 = arith.constant 80 : i32
    %add3A_113 = arith.addi %mul3A_111, %add3A_112 : i32
    "tpu.region"() ({
      %run_scoped3A = tpu.sem_alloc : memref<!tpu.dma_semaphore, #tpu.memory_space<semaphore_mem>>
      %dma_start3A = arith.constant 0 : i32
      %dma_start3A_314 = arith.constant 0 : i32
      %dma_start3A_315 = tpu.memref_slice %arg10[%dma_start3A, %dma_start3A_314] : memref<128x128xf32, #tpu.memory_space<vmem>> -> memref<80x128xf32, #tpu.memory_space<vmem>>
      %dma_start3A_316 = arith.constant 0 : i32
      %dma_start3A_317 = tpu.memref_slice %arg13[%add3A_113, %dma_start3A_316] : memref<5120x128xf32, #tpu.memory_space<vmem_shared>> -> memref<80x128xf32, #tpu.memory_space<vmem_shared>>
      %dma_start3A_318 = arith.constant 0 : i32
      %dma_start3A_319 = tpu.memref_slice %arg13[%add3A_113, %dma_start3A_318] : memref<5120x128xf32, #tpu.memory_space<vmem_shared>> -> memref<80x128xf32, #tpu.memory_space<vmem_shared>>
      %dma_start3A_320 = arith.constant 0 : i32
      %dma_start3A_321 = arith.constant 0 : i32
      %dma_start3A_322 = tpu.memref_slice %arg10[%dma_start3A_320, %dma_start3A_321] : memref<128x128xf32, #tpu.memory_space<vmem>> -> memref<80x128xf32, #tpu.memory_space<vmem>>
      tpu.enqueue_dma source(%dma_start3A_322 : memref<80x128xf32, #tpu.memory_space<vmem>>) target(%dma_start3A_319 : memref<80x128xf32, #tpu.memory_space<vmem_shared>>) target_semaphore(%run_scoped3A : memref<!tpu.dma_semaphore, #tpu.memory_space<semaphore_mem>>)
      %dma_wait3A = arith.constant 0 : i32
      %dma_wait3A_323 = arith.constant 0 : i32
      %dma_wait3A_324 = tpu.memref_slice %arg10[%dma_wait3A, %dma_wait3A_323] : memref<128x128xf32, #tpu.memory_space<vmem>> -> memref<80x128xf32, #tpu.memory_space<vmem>>
      %dma_wait3A_325 = arith.constant 0 : i32
      %dma_wait3A_326 = tpu.memref_slice %arg13[%add3A_113, %dma_wait3A_325] : memref<5120x128xf32, #tpu.memory_space<vmem_shared>> -> memref<80x128xf32, #tpu.memory_space<vmem_shared>>
      %dma_wait3A_327 = arith.constant 0 : i32
      %dma_wait3A_328 = tpu.memref_slice %arg13[%add3A_113, %dma_wait3A_327] : memref<5120x128xf32, #tpu.memory_space<vmem_shared>> -> memref<80x128xf32, #tpu.memory_space<vmem_shared>>
      %dma_wait3A_329 = arith.constant 0 : i32
      %dma_wait3A_330 = arith.constant 0 : i32
      %dma_wait3A_331 = tpu.memref_slice %arg10[%dma_wait3A_329, %dma_wait3A_330] : memref<128x128xf32, #tpu.memory_space<vmem>> -> memref<80x128xf32, #tpu.memory_space<vmem>>
      tpu.wait_dma2 semaphore(%run_scoped3A : memref<!tpu.dma_semaphore, #tpu.memory_space<semaphore_mem>>) src(%dma_wait3A_331 : memref<80x128xf32, #tpu.memory_space<vmem>>) dst(%dma_wait3A_328 : memref<80x128xf32, #tpu.memory_space<vmem_shared>>)
      tpu.yield
    }) : () -> ()
    %mul3A_114 = arith.constant 320 : i32
    %mul3A_115 = arith.muli %arg1, %mul3A_114 : i32
    %add3A_116 = arith.constant 160 : i32
    %add3A_117 = arith.addi %mul3A_115, %add3A_116 : i32
    "tpu.region"() ({
      %run_scoped3A = tpu.sem_alloc : memref<!tpu.dma_semaphore, #tpu.memory_space<semaphore_mem>>
      %dma_start3A = arith.constant 0 : i32
      %dma_start3A_314 = arith.constant 0 : i32
      %dma_start3A_315 = tpu.memref_slice %arg10[%dma_start3A, %dma_start3A_314] : memref<128x128xf32, #tpu.memory_space<vmem>> -> memref<80x128xf32, #tpu.memory_space<vmem>>
      %dma_start3A_316 = arith.constant 0 : i32
      %dma_start3A_317 = tpu.memref_slice %arg13[%add3A_117, %dma_start3A_316] : memref<5120x128xf32, #tpu.memory_space<vmem_shared>> -> memref<80x128xf32, #tpu.memory_space<vmem_shared>>
      %dma_start3A_318 = arith.constant 0 : i32
      %dma_start3A_319 = tpu.memref_slice %arg13[%add3A_117, %dma_start3A_318] : memref<5120x128xf32, #tpu.memory_space<vmem_shared>> -> memref<80x128xf32, #tpu.memory_space<vmem_shared>>
      %dma_start3A_320 = arith.constant 0 : i32
      %dma_start3A_321 = arith.constant 0 : i32
      %dma_start3A_322 = tpu.memref_slice %arg10[%dma_start3A_320, %dma_start3A_321] : memref<128x128xf32, #tpu.memory_space<vmem>> -> memref<80x128xf32, #tpu.memory_space<vmem>>
      tpu.enqueue_dma source(%dma_start3A_322 : memref<80x128xf32, #tpu.memory_space<vmem>>) target(%dma_start3A_319 : memref<80x128xf32, #tpu.memory_space<vmem_shared>>) target_semaphore(%run_scoped3A : memref<!tpu.dma_semaphore, #tpu.memory_space<semaphore_mem>>)
      %dma_wait3A = arith.constant 0 : i32
      %dma_wait3A_323 = arith.constant 0 : i32
      %dma_wait3A_324 = tpu.memref_slice %arg10[%dma_wait3A, %dma_wait3A_323] : memref<128x128xf32, #tpu.memory_space<vmem>> -> memref<80x128xf32, #tpu.memory_space<vmem>>
      %dma_wait3A_325 = arith.constant 0 : i32
      %dma_wait3A_326 = tpu.memref_slice %arg13[%add3A_117, %dma_wait3A_325] : memref<5120x128xf32, #tpu.memory_space<vmem_shared>> -> memref<80x128xf32, #tpu.memory_space<vmem_shared>>
      %dma_wait3A_327 = arith.constant 0 : i32
      %dma_wait3A_328 = tpu.memref_slice %arg13[%add3A_117, %dma_wait3A_327] : memref<5120x128xf32, #tpu.memory_space<vmem_shared>> -> memref<80x128xf32, #tpu.memory_space<vmem_shared>>
      %dma_wait3A_329 = arith.constant 0 : i32
      %dma_wait3A_330 = arith.constant 0 : i32
      %dma_wait3A_331 = tpu.memref_slice %arg10[%dma_wait3A_329, %dma_wait3A_330] : memref<128x128xf32, #tpu.memory_space<vmem>> -> memref<80x128xf32, #tpu.memory_space<vmem>>
      tpu.wait_dma2 semaphore(%run_scoped3A : memref<!tpu.dma_semaphore, #tpu.memory_space<semaphore_mem>>) src(%dma_wait3A_331 : memref<80x128xf32, #tpu.memory_space<vmem>>) dst(%dma_wait3A_328 : memref<80x128xf32, #tpu.memory_space<vmem_shared>>)
      tpu.yield
    }) : () -> ()
    %mul3A_118 = arith.constant 320 : i32
    %mul3A_119 = arith.muli %arg1, %mul3A_118 : i32
    %add3A_120 = arith.constant 240 : i32
    %add3A_121 = arith.addi %mul3A_119, %add3A_120 : i32
    "tpu.region"() ({
      %run_scoped3A = tpu.sem_alloc : memref<!tpu.dma_semaphore, #tpu.memory_space<semaphore_mem>>
      %dma_start3A = arith.constant 0 : i32
      %dma_start3A_314 = arith.constant 0 : i32
      %dma_start3A_315 = tpu.memref_slice %arg10[%dma_start3A, %dma_start3A_314] : memref<128x128xf32, #tpu.memory_space<vmem>> -> memref<80x128xf32, #tpu.memory_space<vmem>>
      %dma_start3A_316 = arith.constant 0 : i32
      %dma_start3A_317 = tpu.memref_slice %arg13[%add3A_121, %dma_start3A_316] : memref<5120x128xf32, #tpu.memory_space<vmem_shared>> -> memref<80x128xf32, #tpu.memory_space<vmem_shared>>
      %dma_start3A_318 = arith.constant 0 : i32
      %dma_start3A_319 = tpu.memref_slice %arg13[%add3A_121, %dma_start3A_318] : memref<5120x128xf32, #tpu.memory_space<vmem_shared>> -> memref<80x128xf32, #tpu.memory_space<vmem_shared>>
      %dma_start3A_320 = arith.constant 0 : i32
      %dma_start3A_321 = arith.constant 0 : i32
      %dma_start3A_322 = tpu.memref_slice %arg10[%dma_start3A_320, %dma_start3A_321] : memref<128x128xf32, #tpu.memory_space<vmem>> -> memref<80x128xf32, #tpu.memory_space<vmem>>
      tpu.enqueue_dma source(%dma_start3A_322 : memref<80x128xf32, #tpu.memory_space<vmem>>) target(%dma_start3A_319 : memref<80x128xf32, #tpu.memory_space<vmem_shared>>) target_semaphore(%run_scoped3A : memref<!tpu.dma_semaphore, #tpu.memory_space<semaphore_mem>>)
      %dma_wait3A = arith.constant 0 : i32
      %dma_wait3A_323 = arith.constant 0 : i32
      %dma_wait3A_324 = tpu.memref_slice %arg10[%dma_wait3A, %dma_wait3A_323] : memref<128x128xf32, #tpu.memory_space<vmem>> -> memref<80x128xf32, #tpu.memory_space<vmem>>
      %dma_wait3A_325 = arith.constant 0 : i32
      %dma_wait3A_326 = tpu.memref_slice %arg13[%add3A_121, %dma_wait3A_325] : memref<5120x128xf32, #tpu.memory_space<vmem_shared>> -> memref<80x128xf32, #tpu.memory_space<vmem_shared>>
      %dma_wait3A_327 = arith.constant 0 : i32
      %dma_wait3A_328 = tpu.memref_slice %arg13[%add3A_121, %dma_wait3A_327] : memref<5120x128xf32, #tpu.memory_space<vmem_shared>> -> memref<80x128xf32, #tpu.memory_space<vmem_shared>>
      %dma_wait3A_329 = arith.constant 0 : i32
      %dma_wait3A_330 = arith.constant 0 : i32
      %dma_wait3A_331 = tpu.memref_slice %arg10[%dma_wait3A_329, %dma_wait3A_330] : memref<128x128xf32, #tpu.memory_space<vmem>> -> memref<80x128xf32, #tpu.memory_space<vmem>>
      tpu.wait_dma2 semaphore(%run_scoped3A : memref<!tpu.dma_semaphore, #tpu.memory_space<semaphore_mem>>) src(%dma_wait3A_331 : memref<80x128xf32, #tpu.memory_space<vmem>>) dst(%dma_wait3A_328 : memref<80x128xf32, #tpu.memory_space<vmem_shared>>)
      tpu.yield
    }) : () -> ()
    %barrier3A_122 = arith.constant 0 : index
    tpu.barrier barrier_id(%barrier3A_122)
    %scan3A_123 = arith.constant 0 : i32
    %scan3A_124 = arith.constant 20 : i32
    %scan3A_125 = arith.addi %scan3A_123, %scan3A_124 : i32
    %scan3A_126 = arith.constant 1 : i32
    scf.for %scan3A_314 = %scan3A_123 to %scan3A_125 step %scan3A_126  : i32 {
      %mul3A_315 = arith.constant 1 : i32
      %mul3A_316 = arith.muli %scan3A_314, %mul3A_315 : i32
      %add3A_317 = arith.constant 0 : i32
      %add3A_318 = arith.addi %add3A_317, %mul3A_316 : i32
      %mul3A_319 = arith.constant 160 : i32
      %mul3A_320 = arith.muli %arg1, %mul3A_319 : i32
      %mul3A_321 = arith.constant 8 : i32
      %mul3A_322 = arith.muli %add3A_318, %mul3A_321 : i32
      %add3A_323 = arith.addi %mul3A_320, %mul3A_322 : i32
      %mul3A_324 = arith.constant 2560 : i32
      %mul3A_325 = arith.muli %add3A_105, %mul3A_324 : i32
      %add3A_326 = arith.addi %mul3A_325, %add3A_323 : i32
      "tpu.region"() ({
        %run_scoped3A_446 = tpu.sem_alloc : memref<!tpu.dma_semaphore, #tpu.memory_space<semaphore_mem>>
        %dma_start3A_447 = arith.constant 0 : i32
        %dma_start3A_448 = tpu.memref_slice %arg3[%add3A_326, %dma_start3A_447] : memref<10240x128xi32, #tpu.memory_space<hbm>> -> memref<8x128xi32, #tpu.memory_space<hbm>>
        %dma_start3A_449 = arith.constant 0 : i32
        %dma_start3A_450 = tpu.memref_slice %arg3[%add3A_326, %dma_start3A_449] : memref<10240x128xi32, #tpu.memory_space<hbm>> -> memref<8x128xi32, #tpu.memory_space<hbm>>
        tpu.enqueue_dma source(%dma_start3A_450 : memref<8x128xi32, #tpu.memory_space<hbm>>) target(%arg8 : memref<8x128xi32, #tpu.memory_space<vmem>>) target_semaphore(%run_scoped3A_446 : memref<!tpu.dma_semaphore, #tpu.memory_space<semaphore_mem>>)
        %dma_wait3A_451 = arith.constant 0 : i32
        %dma_wait3A_452 = tpu.memref_slice %arg3[%add3A_326, %dma_wait3A_451] : memref<10240x128xi32, #tpu.memory_space<hbm>> -> memref<8x128xi32, #tpu.memory_space<hbm>>
        %dma_wait3A_453 = arith.constant 0 : i32
        %dma_wait3A_454 = tpu.memref_slice %arg3[%add3A_326, %dma_wait3A_453] : memref<10240x128xi32, #tpu.memory_space<hbm>> -> memref<8x128xi32, #tpu.memory_space<hbm>>
        tpu.wait_dma2 semaphore(%run_scoped3A_446 : memref<!tpu.dma_semaphore, #tpu.memory_space<semaphore_mem>>) src(%dma_wait3A_454 : memref<8x128xi32, #tpu.memory_space<hbm>>) dst(%arg8 : memref<8x128xi32, #tpu.memory_space<vmem>>)
        tpu.yield
      }) : () -> ()
      %add3A_327 = arith.constant 0 : i32
      %add3A_328 = arith.addi %add3A_327, %add3A_323 : i32
      "tpu.region"() ({
        %run_scoped3A_446 = tpu.sem_alloc : memref<!tpu.dma_semaphore, #tpu.memory_space<semaphore_mem>>
        %dma_start3A_447 = arith.constant 0 : i32
        %dma_start3A_448 = tpu.memref_slice %arg4[%add3A_328, %dma_start3A_447] : memref<5120x128xi32, #tpu.memory_space<hbm>> -> memref<8x128xi32, #tpu.memory_space<hbm>>
        %dma_start3A_449 = arith.constant 0 : i32
        %dma_start3A_450 = tpu.memref_slice %arg4[%add3A_328, %dma_start3A_449] : memref<5120x128xi32, #tpu.memory_space<hbm>> -> memref<8x128xi32, #tpu.memory_space<hbm>>
        tpu.enqueue_dma source(%dma_start3A_450 : memref<8x128xi32, #tpu.memory_space<hbm>>) target(%arg9 : memref<8x128xi32, #tpu.memory_space<vmem>>) target_semaphore(%run_scoped3A_446 : memref<!tpu.dma_semaphore, #tpu.memory_space<semaphore_mem>>)
        %dma_wait3A_451 = arith.constant 0 : i32
        %dma_wait3A_452 = tpu.memref_slice %arg4[%add3A_328, %dma_wait3A_451] : memref<5120x128xi32, #tpu.memory_space<hbm>> -> memref<8x128xi32, #tpu.memory_space<hbm>>
        %dma_wait3A_453 = arith.constant 0 : i32
        %dma_wait3A_454 = tpu.memref_slice %arg4[%add3A_328, %dma_wait3A_453] : memref<5120x128xi32, #tpu.memory_space<hbm>> -> memref<8x128xi32, #tpu.memory_space<hbm>>
        tpu.wait_dma2 semaphore(%run_scoped3A_446 : memref<!tpu.dma_semaphore, #tpu.memory_space<semaphore_mem>>) src(%dma_wait3A_454 : memref<8x128xi32, #tpu.memory_space<hbm>>) dst(%arg9 : memref<8x128xi32, #tpu.memory_space<vmem>>)
        tpu.yield
      }) : () -> ()
      %dma_start3A = arith.constant 0 : i32
      %dma_start3A_329 = arith.constant 0 : i32
      %dma_start3A_330 = tpu.memref_slice %arg8[%dma_start3A, %dma_start3A_329] : memref<8x128xi32, #tpu.memory_space<vmem>> -> memref<1x128xi32, #tpu.memory_space<vmem>>
      %dma_start3A_331 = tpu.memref_squeeze %dma_start3A_330 : memref<1x128xi32, #tpu.memory_space<vmem>> -> memref<128xi32, #tpu.memory_space<vmem>>
      %dma_start3A_332 = arith.constant 0 : i32
      %dma_start3A_333 = arith.constant 0 : i32
      %dma_start3A_334 = tpu.memref_slice %arg2[%dma_start3A_332, %dma_start3A_333] : memref<40000x128xf32, #tpu.memory_space<hbm>> -> memref<40000x128xf32, #tpu.memory_space<hbm>>
      tpu.enqueue_indirect_dma source(%dma_start3A_334 : memref<40000x128xf32, #tpu.memory_space<hbm>>) target(%arg10 : memref<128x128xf32, #tpu.memory_space<vmem>>) offsets(%dma_start3A_331 : memref<128xi32, #tpu.memory_space<vmem>>) semaphore(%arg14 : memref<!tpu.dma_semaphore, #tpu.memory_space<semaphore_mem>>)
      %dma_start3A_335 = arith.constant 1 : i32
      %dma_start3A_336 = arith.constant 0 : i32
      %dma_start3A_337 = tpu.memref_slice %arg8[%dma_start3A_335, %dma_start3A_336] : memref<8x128xi32, #tpu.memory_space<vmem>> -> memref<1x128xi32, #tpu.memory_space<vmem>>
      %dma_start3A_338 = tpu.memref_squeeze %dma_start3A_337 : memref<1x128xi32, #tpu.memory_space<vmem>> -> memref<128xi32, #tpu.memory_space<vmem>>
      %dma_start3A_339 = arith.constant 0 : i32
      %dma_start3A_340 = arith.constant 0 : i32
      %dma_start3A_341 = tpu.memref_slice %arg2[%dma_start3A_339, %dma_start3A_340] : memref<40000x128xf32, #tpu.memory_space<hbm>> -> memref<40000x128xf32, #tpu.memory_space<hbm>>
      tpu.enqueue_indirect_dma source(%dma_start3A_341 : memref<40000x128xf32, #tpu.memory_space<hbm>>) target(%arg11 : memref<128x128xf32, #tpu.memory_space<vmem>>) offsets(%dma_start3A_338 : memref<128xi32, #tpu.memory_space<vmem>>) semaphore(%arg15 : memref<!tpu.dma_semaphore, #tpu.memory_space<semaphore_mem>>)
      %dma_start3A_342 = arith.constant 2 : i32
      %dma_start3A_343 = arith.constant 0 : i32
      %dma_start3A_344 = tpu.memref_slice %arg8[%dma_start3A_342, %dma_start3A_343] : memref<8x128xi32, #tpu.memory_space<vmem>> -> memref<1x128xi32, #tpu.memory_space<vmem>>
      %dma_start3A_345 = tpu.memref_squeeze %dma_start3A_344 : memref<1x128xi32, #tpu.memory_space<vmem>> -> memref<128xi32, #tpu.memory_space<vmem>>
      %dma_start3A_346 = arith.constant 0 : i32
      %dma_start3A_347 = arith.constant 0 : i32
      %dma_start3A_348 = tpu.memref_slice %arg2[%dma_start3A_346, %dma_start3A_347] : memref<40000x128xf32, #tpu.memory_space<hbm>> -> memref<40000x128xf32, #tpu.memory_space<hbm>>
      tpu.enqueue_indirect_dma source(%dma_start3A_348 : memref<40000x128xf32, #tpu.memory_space<hbm>>) target(%arg12 : memref<128x128xf32, #tpu.memory_space<vmem>>) offsets(%dma_start3A_345 : memref<128xi32, #tpu.memory_space<vmem>>) semaphore(%arg16 : memref<!tpu.dma_semaphore, #tpu.memory_space<semaphore_mem>>)
      %dma_wait3A = arith.constant 0 : i32
      %dma_wait3A_349 = arith.constant 0 : i32
      %dma_wait3A_350 = tpu.memref_slice %arg8[%dma_wait3A, %dma_wait3A_349] : memref<8x128xi32, #tpu.memory_space<vmem>> -> memref<1x128xi32, #tpu.memory_space<vmem>>
      %dma_wait3A_351 = tpu.memref_squeeze %dma_wait3A_350 : memref<1x128xi32, #tpu.memory_space<vmem>> -> memref<128xi32, #tpu.memory_space<vmem>>
      %dma_wait3A_352 = arith.constant 0 : i32
      %dma_wait3A_353 = arith.constant 0 : i32
      %dma_wait3A_354 = tpu.memref_slice %arg2[%dma_wait3A_352, %dma_wait3A_353] : memref<40000x128xf32, #tpu.memory_space<hbm>> -> memref<40000x128xf32, #tpu.memory_space<hbm>>
      tpu.wait_indirect_dma semaphore(%arg14 : memref<!tpu.dma_semaphore, #tpu.memory_space<semaphore_mem>>) src(%dma_wait3A_354 : memref<40000x128xf32, #tpu.memory_space<hbm>>) dst(%arg10 : memref<128x128xf32, #tpu.memory_space<vmem>>)
      %run_scoped3A = arith.constant 0 : i32
      "tpu.region"() ({
        %run_scoped3A_446 = tpu.sem_alloc : memref<!tpu.dma_semaphore, #tpu.memory_space<semaphore_mem>>
        %dma_start3A_447 = arith.constant 0 : i32
        %dma_start3A_448 = tpu.memref_slice %arg9[%run_scoped3A, %dma_start3A_447] : memref<8x128xi32, #tpu.memory_space<vmem>> -> memref<1x128xi32, #tpu.memory_space<vmem>>
        %dma_start3A_449 = tpu.memref_squeeze %dma_start3A_448 : memref<1x128xi32, #tpu.memory_space<vmem>> -> memref<128xi32, #tpu.memory_space<vmem>>
        %dma_start3A_450 = arith.constant 0 : i32
        %dma_start3A_451 = arith.constant 0 : i32
        %dma_start3A_452 = tpu.memref_slice %arg13[%dma_start3A_450, %dma_start3A_451] : memref<5120x128xf32, #tpu.memory_space<vmem_shared>> -> memref<5120x128xf32, #tpu.memory_space<vmem_shared>>
        tpu.enqueue_indirect_dma source(%arg10 : memref<128x128xf32, #tpu.memory_space<vmem>>) target(%dma_start3A_452 : memref<5120x128xf32, #tpu.memory_space<vmem_shared>>) offsets(%dma_start3A_449 : memref<128xi32, #tpu.memory_space<vmem>>) semaphore(%run_scoped3A_446 : memref<!tpu.dma_semaphore, #tpu.memory_space<semaphore_mem>>) {add = true}
        %dma_wait3A_453 = arith.constant 0 : i32
        %dma_wait3A_454 = tpu.memref_slice %arg9[%run_scoped3A, %dma_wait3A_453] : memref<8x128xi32, #tpu.memory_space<vmem>> -> memref<1x128xi32, #tpu.memory_space<vmem>>
        %dma_wait3A_455 = tpu.memref_squeeze %dma_wait3A_454 : memref<1x128xi32, #tpu.memory_space<vmem>> -> memref<128xi32, #tpu.memory_space<vmem>>
        %dma_wait3A_456 = arith.constant 0 : i32
        %dma_wait3A_457 = arith.constant 0 : i32
        %dma_wait3A_458 = tpu.memref_slice %arg13[%dma_wait3A_456, %dma_wait3A_457] : memref<5120x128xf32, #tpu.memory_space<vmem_shared>> -> memref<5120x128xf32, #tpu.memory_space<vmem_shared>>
        tpu.wait_indirect_dma semaphore(%run_scoped3A_446 : memref<!tpu.dma_semaphore, #tpu.memory_space<semaphore_mem>>) src(%arg10 : memref<128x128xf32, #tpu.memory_space<vmem>>) dst(%dma_wait3A_458 : memref<5120x128xf32, #tpu.memory_space<vmem_shared>>)
        tpu.yield
      }) : () -> ()
      %dma_start3A_355 = arith.constant 3 : i32
      %dma_start3A_356 = arith.constant 0 : i32
      %dma_start3A_357 = tpu.memref_slice %arg8[%dma_start3A_355, %dma_start3A_356] : memref<8x128xi32, #tpu.memory_space<vmem>> -> memref<1x128xi32, #tpu.memory_space<vmem>>
      %dma_start3A_358 = tpu.memref_squeeze %dma_start3A_357 : memref<1x128xi32, #tpu.memory_space<vmem>> -> memref<128xi32, #tpu.memory_space<vmem>>
      %dma_start3A_359 = arith.constant 0 : i32
      %dma_start3A_360 = arith.constant 0 : i32
      %dma_start3A_361 = tpu.memref_slice %arg2[%dma_start3A_359, %dma_start3A_360] : memref<40000x128xf32, #tpu.memory_space<hbm>> -> memref<40000x128xf32, #tpu.memory_space<hbm>>
      tpu.enqueue_indirect_dma source(%dma_start3A_361 : memref<40000x128xf32, #tpu.memory_space<hbm>>) target(%arg10 : memref<128x128xf32, #tpu.memory_space<vmem>>) offsets(%dma_start3A_358 : memref<128xi32, #tpu.memory_space<vmem>>) semaphore(%arg14 : memref<!tpu.dma_semaphore, #tpu.memory_space<semaphore_mem>>)
      %dma_wait3A_362 = arith.constant 1 : i32
      %dma_wait3A_363 = arith.constant 0 : i32
      %dma_wait3A_364 = tpu.memref_slice %arg8[%dma_wait3A_362, %dma_wait3A_363] : memref<8x128xi32, #tpu.memory_space<vmem>> -> memref<1x128xi32, #tpu.memory_space<vmem>>
      %dma_wait3A_365 = tpu.memref_squeeze %dma_wait3A_364 : memref<1x128xi32, #tpu.memory_space<vmem>> -> memref<128xi32, #tpu.memory_space<vmem>>
      %dma_wait3A_366 = arith.constant 0 : i32
      %dma_wait3A_367 = arith.constant 0 : i32
      %dma_wait3A_368 = tpu.memref_slice %arg2[%dma_wait3A_366, %dma_wait3A_367] : memref<40000x128xf32, #tpu.memory_space<hbm>> -> memref<40000x128xf32, #tpu.memory_space<hbm>>
      tpu.wait_indirect_dma semaphore(%arg15 : memref<!tpu.dma_semaphore, #tpu.memory_space<semaphore_mem>>) src(%dma_wait3A_368 : memref<40000x128xf32, #tpu.memory_space<hbm>>) dst(%arg11 : memref<128x128xf32, #tpu.memory_space<vmem>>)
      %run_scoped3A_369 = arith.constant 1 : i32
      "tpu.region"() ({
        %run_scoped3A_446 = tpu.sem_alloc : memref<!tpu.dma_semaphore, #tpu.memory_space<semaphore_mem>>
        %dma_start3A_447 = arith.constant 0 : i32
        %dma_start3A_448 = tpu.memref_slice %arg9[%run_scoped3A_369, %dma_start3A_447] : memref<8x128xi32, #tpu.memory_space<vmem>> -> memref<1x128xi32, #tpu.memory_space<vmem>>
        %dma_start3A_449 = tpu.memref_squeeze %dma_start3A_448 : memref<1x128xi32, #tpu.memory_space<vmem>> -> memref<128xi32, #tpu.memory_space<vmem>>
        %dma_start3A_450 = arith.constant 0 : i32
        %dma_start3A_451 = arith.constant 0 : i32
        %dma_start3A_452 = tpu.memref_slice %arg13[%dma_start3A_450, %dma_start3A_451] : memref<5120x128xf32, #tpu.memory_space<vmem_shared>> -> memref<5120x128xf32, #tpu.memory_space<vmem_shared>>
        tpu.enqueue_indirect_dma source(%arg11 : memref<128x128xf32, #tpu.memory_space<vmem>>) target(%dma_start3A_452 : memref<5120x128xf32, #tpu.memory_space<vmem_shared>>) offsets(%dma_start3A_449 : memref<128xi32, #tpu.memory_space<vmem>>) semaphore(%run_scoped3A_446 : memref<!tpu.dma_semaphore, #tpu.memory_space<semaphore_mem>>) {add = true}
        %dma_wait3A_453 = arith.constant 0 : i32
        %dma_wait3A_454 = tpu.memref_slice %arg9[%run_scoped3A_369, %dma_wait3A_453] : memref<8x128xi32, #tpu.memory_space<vmem>> -> memref<1x128xi32, #tpu.memory_space<vmem>>
        %dma_wait3A_455 = tpu.memref_squeeze %dma_wait3A_454 : memref<1x128xi32, #tpu.memory_space<vmem>> -> memref<128xi32, #tpu.memory_space<vmem>>
        %dma_wait3A_456 = arith.constant 0 : i32
        %dma_wait3A_457 = arith.constant 0 : i32
        %dma_wait3A_458 = tpu.memref_slice %arg13[%dma_wait3A_456, %dma_wait3A_457] : memref<5120x128xf32, #tpu.memory_space<vmem_shared>> -> memref<5120x128xf32, #tpu.memory_space<vmem_shared>>
        tpu.wait_indirect_dma semaphore(%run_scoped3A_446 : memref<!tpu.dma_semaphore, #tpu.memory_space<semaphore_mem>>) src(%arg11 : memref<128x128xf32, #tpu.memory_space<vmem>>) dst(%dma_wait3A_458 : memref<5120x128xf32, #tpu.memory_space<vmem_shared>>)
        tpu.yield
      }) : () -> ()
      %dma_start3A_370 = arith.constant 4 : i32
      %dma_start3A_371 = arith.constant 0 : i32
      %dma_start3A_372 = tpu.memref_slice %arg8[%dma_start3A_370, %dma_start3A_371] : memref<8x128xi32, #tpu.memory_space<vmem>> -> memref<1x128xi32, #tpu.memory_space<vmem>>
      %dma_start3A_373 = tpu.memref_squeeze %dma_start3A_372 : memref<1x128xi32, #tpu.memory_space<vmem>> -> memref<128xi32, #tpu.memory_space<vmem>>
      %dma_start3A_374 = arith.constant 0 : i32
      %dma_start3A_375 = arith.constant 0 : i32
      %dma_start3A_376 = tpu.memref_slice %arg2[%dma_start3A_374, %dma_start3A_375] : memref<40000x128xf32, #tpu.memory_space<hbm>> -> memref<40000x128xf32, #tpu.memory_space<hbm>>
      tpu.enqueue_indirect_dma source(%dma_start3A_376 : memref<40000x128xf32, #tpu.memory_space<hbm>>) target(%arg11 : memref<128x128xf32, #tpu.memory_space<vmem>>) offsets(%dma_start3A_373 : memref<128xi32, #tpu.memory_space<vmem>>) semaphore(%arg15 : memref<!tpu.dma_semaphore, #tpu.memory_space<semaphore_mem>>)
      %dma_wait3A_377 = arith.constant 2 : i32
      %dma_wait3A_378 = arith.constant 0 : i32
      %dma_wait3A_379 = tpu.memref_slice %arg8[%dma_wait3A_377, %dma_wait3A_378] : memref<8x128xi32, #tpu.memory_space<vmem>> -> memref<1x128xi32, #tpu.memory_space<vmem>>
      %dma_wait3A_380 = tpu.memref_squeeze %dma_wait3A_379 : memref<1x128xi32, #tpu.memory_space<vmem>> -> memref<128xi32, #tpu.memory_space<vmem>>
      %dma_wait3A_381 = arith.constant 0 : i32
      %dma_wait3A_382 = arith.constant 0 : i32
      %dma_wait3A_383 = tpu.memref_slice %arg2[%dma_wait3A_381, %dma_wait3A_382] : memref<40000x128xf32, #tpu.memory_space<hbm>> -> memref<40000x128xf32, #tpu.memory_space<hbm>>
      tpu.wait_indirect_dma semaphore(%arg16 : memref<!tpu.dma_semaphore, #tpu.memory_space<semaphore_mem>>) src(%dma_wait3A_383 : memref<40000x128xf32, #tpu.memory_space<hbm>>) dst(%arg12 : memref<128x128xf32, #tpu.memory_space<vmem>>)
      %run_scoped3A_384 = arith.constant 2 : i32
      "tpu.region"() ({
        %run_scoped3A_446 = tpu.sem_alloc : memref<!tpu.dma_semaphore, #tpu.memory_space<semaphore_mem>>
        %dma_start3A_447 = arith.constant 0 : i32
        %dma_start3A_448 = tpu.memref_slice %arg9[%run_scoped3A_384, %dma_start3A_447] : memref<8x128xi32, #tpu.memory_space<vmem>> -> memref<1x128xi32, #tpu.memory_space<vmem>>
        %dma_start3A_449 = tpu.memref_squeeze %dma_start3A_448 : memref<1x128xi32, #tpu.memory_space<vmem>> -> memref<128xi32, #tpu.memory_space<vmem>>
        %dma_start3A_450 = arith.constant 0 : i32
        %dma_start3A_451 = arith.constant 0 : i32
        %dma_start3A_452 = tpu.memref_slice %arg13[%dma_start3A_450, %dma_start3A_451] : memref<5120x128xf32, #tpu.memory_space<vmem_shared>> -> memref<5120x128xf32, #tpu.memory_space<vmem_shared>>
        tpu.enqueue_indirect_dma source(%arg12 : memref<128x128xf32, #tpu.memory_space<vmem>>) target(%dma_start3A_452 : memref<5120x128xf32, #tpu.memory_space<vmem_shared>>) offsets(%dma_start3A_449 : memref<128xi32, #tpu.memory_space<vmem>>) semaphore(%run_scoped3A_446 : memref<!tpu.dma_semaphore, #tpu.memory_space<semaphore_mem>>) {add = true}
        %dma_wait3A_453 = arith.constant 0 : i32
        %dma_wait3A_454 = tpu.memref_slice %arg9[%run_scoped3A_384, %dma_wait3A_453] : memref<8x128xi32, #tpu.memory_space<vmem>> -> memref<1x128xi32, #tpu.memory_space<vmem>>
        %dma_wait3A_455 = tpu.memref_squeeze %dma_wait3A_454 : memref<1x128xi32, #tpu.memory_space<vmem>> -> memref<128xi32, #tpu.memory_space<vmem>>
        %dma_wait3A_456 = arith.constant 0 : i32
        %dma_wait3A_457 = arith.constant 0 : i32
        %dma_wait3A_458 = tpu.memref_slice %arg13[%dma_wait3A_456, %dma_wait3A_457] : memref<5120x128xf32, #tpu.memory_space<vmem_shared>> -> memref<5120x128xf32, #tpu.memory_space<vmem_shared>>
        tpu.wait_indirect_dma semaphore(%run_scoped3A_446 : memref<!tpu.dma_semaphore, #tpu.memory_space<semaphore_mem>>) src(%arg12 : memref<128x128xf32, #tpu.memory_space<vmem>>) dst(%dma_wait3A_458 : memref<5120x128xf32, #tpu.memory_space<vmem_shared>>)
        tpu.yield
      }) : () -> ()
      %dma_start3A_385 = arith.constant 5 : i32
      %dma_start3A_386 = arith.constant 0 : i32
      %dma_start3A_387 = tpu.memref_slice %arg8[%dma_start3A_385, %dma_start3A_386] : memref<8x128xi32, #tpu.memory_space<vmem>> -> memref<1x128xi32, #tpu.memory_space<vmem>>
      %dma_start3A_388 = tpu.memref_squeeze %dma_start3A_387 : memref<1x128xi32, #tpu.memory_space<vmem>> -> memref<128xi32, #tpu.memory_space<vmem>>
      %dma_start3A_389 = arith.constant 0 : i32
      %dma_start3A_390 = arith.constant 0 : i32
      %dma_start3A_391 = tpu.memref_slice %arg2[%dma_start3A_389, %dma_start3A_390] : memref<40000x128xf32, #tpu.memory_space<hbm>> -> memref<40000x128xf32, #tpu.memory_space<hbm>>
      tpu.enqueue_indirect_dma source(%dma_start3A_391 : memref<40000x128xf32, #tpu.memory_space<hbm>>) target(%arg12 : memref<128x128xf32, #tpu.memory_space<vmem>>) offsets(%dma_start3A_388 : memref<128xi32, #tpu.memory_space<vmem>>) semaphore(%arg16 : memref<!tpu.dma_semaphore, #tpu.memory_space<semaphore_mem>>)
      %dma_wait3A_392 = arith.constant 3 : i32
      %dma_wait3A_393 = arith.constant 0 : i32
      %dma_wait3A_394 = tpu.memref_slice %arg8[%dma_wait3A_392, %dma_wait3A_393] : memref<8x128xi32, #tpu.memory_space<vmem>> -> memref<1x128xi32, #tpu.memory_space<vmem>>
      %dma_wait3A_395 = tpu.memref_squeeze %dma_wait3A_394 : memref<1x128xi32, #tpu.memory_space<vmem>> -> memref<128xi32, #tpu.memory_space<vmem>>
      %dma_wait3A_396 = arith.constant 0 : i32
      %dma_wait3A_397 = arith.constant 0 : i32
      %dma_wait3A_398 = tpu.memref_slice %arg2[%dma_wait3A_396, %dma_wait3A_397] : memref<40000x128xf32, #tpu.memory_space<hbm>> -> memref<40000x128xf32, #tpu.memory_space<hbm>>
      tpu.wait_indirect_dma semaphore(%arg14 : memref<!tpu.dma_semaphore, #tpu.memory_space<semaphore_mem>>) src(%dma_wait3A_398 : memref<40000x128xf32, #tpu.memory_space<hbm>>) dst(%arg10 : memref<128x128xf32, #tpu.memory_space<vmem>>)
      %run_scoped3A_399 = arith.constant 3 : i32
      "tpu.region"() ({
        %run_scoped3A_446 = tpu.sem_alloc : memref<!tpu.dma_semaphore, #tpu.memory_space<semaphore_mem>>
        %dma_start3A_447 = arith.constant 0 : i32
        %dma_start3A_448 = tpu.memref_slice %arg9[%run_scoped3A_399, %dma_start3A_447] : memref<8x128xi32, #tpu.memory_space<vmem>> -> memref<1x128xi32, #tpu.memory_space<vmem>>
        %dma_start3A_449 = tpu.memref_squeeze %dma_start3A_448 : memref<1x128xi32, #tpu.memory_space<vmem>> -> memref<128xi32, #tpu.memory_space<vmem>>
        %dma_start3A_450 = arith.constant 0 : i32
        %dma_start3A_451 = arith.constant 0 : i32
        %dma_start3A_452 = tpu.memref_slice %arg13[%dma_start3A_450, %dma_start3A_451] : memref<5120x128xf32, #tpu.memory_space<vmem_shared>> -> memref<5120x128xf32, #tpu.memory_space<vmem_shared>>
        tpu.enqueue_indirect_dma source(%arg10 : memref<128x128xf32, #tpu.memory_space<vmem>>) target(%dma_start3A_452 : memref<5120x128xf32, #tpu.memory_space<vmem_shared>>) offsets(%dma_start3A_449 : memref<128xi32, #tpu.memory_space<vmem>>) semaphore(%run_scoped3A_446 : memref<!tpu.dma_semaphore, #tpu.memory_space<semaphore_mem>>) {add = true}
        %dma_wait3A_453 = arith.constant 0 : i32
        %dma_wait3A_454 = tpu.memref_slice %arg9[%run_scoped3A_399, %dma_wait3A_453] : memref<8x128xi32, #tpu.memory_space<vmem>> -> memref<1x128xi32, #tpu.memory_space<vmem>>
        %dma_wait3A_455 = tpu.memref_squeeze %dma_wait3A_454 : memref<1x128xi32, #tpu.memory_space<vmem>> -> memref<128xi32, #tpu.memory_space<vmem>>
        %dma_wait3A_456 = arith.constant 0 : i32
        %dma_wait3A_457 = arith.constant 0 : i32
        %dma_wait3A_458 = tpu.memref_slice %arg13[%dma_wait3A_456, %dma_wait3A_457] : memref<5120x128xf32, #tpu.memory_space<vmem_shared>> -> memref<5120x128xf32, #tpu.memory_space<vmem_shared>>
        tpu.wait_indirect_dma semaphore(%run_scoped3A_446 : memref<!tpu.dma_semaphore, #tpu.memory_space<semaphore_mem>>) src(%arg10 : memref<128x128xf32, #tpu.memory_space<vmem>>) dst(%dma_wait3A_458 : memref<5120x128xf32, #tpu.memory_space<vmem_shared>>)
        tpu.yield
      }) : () -> ()
      %dma_start3A_400 = arith.constant 6 : i32
      %dma_start3A_401 = arith.constant 0 : i32
      %dma_start3A_402 = tpu.memref_slice %arg8[%dma_start3A_400, %dma_start3A_401] : memref<8x128xi32, #tpu.memory_space<vmem>> -> memref<1x128xi32, #tpu.memory_space<vmem>>
      %dma_start3A_403 = tpu.memref_squeeze %dma_start3A_402 : memref<1x128xi32, #tpu.memory_space<vmem>> -> memref<128xi32, #tpu.memory_space<vmem>>
      %dma_start3A_404 = arith.constant 0 : i32
      %dma_start3A_405 = arith.constant 0 : i32
      %dma_start3A_406 = tpu.memref_slice %arg2[%dma_start3A_404, %dma_start3A_405] : memref<40000x128xf32, #tpu.memory_space<hbm>> -> memref<40000x128xf32, #tpu.memory_space<hbm>>
      tpu.enqueue_indirect_dma source(%dma_start3A_406 : memref<40000x128xf32, #tpu.memory_space<hbm>>) target(%arg10 : memref<128x128xf32, #tpu.memory_space<vmem>>) offsets(%dma_start3A_403 : memref<128xi32, #tpu.memory_space<vmem>>) semaphore(%arg14 : memref<!tpu.dma_semaphore, #tpu.memory_space<semaphore_mem>>)
      %dma_wait3A_407 = arith.constant 4 : i32
      %dma_wait3A_408 = arith.constant 0 : i32
      %dma_wait3A_409 = tpu.memref_slice %arg8[%dma_wait3A_407, %dma_wait3A_408] : memref<8x128xi32, #tpu.memory_space<vmem>> -> memref<1x128xi32, #tpu.memory_space<vmem>>
      %dma_wait3A_410 = tpu.memref_squeeze %dma_wait3A_409 : memref<1x128xi32, #tpu.memory_space<vmem>> -> memref<128xi32, #tpu.memory_space<vmem>>
      %dma_wait3A_411 = arith.constant 0 : i32
      %dma_wait3A_412 = arith.constant 0 : i32
      %dma_wait3A_413 = tpu.memref_slice %arg2[%dma_wait3A_411, %dma_wait3A_412] : memref<40000x128xf32, #tpu.memory_space<hbm>> -> memref<40000x128xf32, #tpu.memory_space<hbm>>
      tpu.wait_indirect_dma semaphore(%arg15 : memref<!tpu.dma_semaphore, #tpu.memory_space<semaphore_mem>>) src(%dma_wait3A_413 : memref<40000x128xf32, #tpu.memory_space<hbm>>) dst(%arg11 : memref<128x128xf32, #tpu.memory_space<vmem>>)
      %run_scoped3A_414 = arith.constant 4 : i32
      "tpu.region"() ({
        %run_scoped3A_446 = tpu.sem_alloc : memref<!tpu.dma_semaphore, #tpu.memory_space<semaphore_mem>>
        %dma_start3A_447 = arith.constant 0 : i32
        %dma_start3A_448 = tpu.memref_slice %arg9[%run_scoped3A_414, %dma_start3A_447] : memref<8x128xi32, #tpu.memory_space<vmem>> -> memref<1x128xi32, #tpu.memory_space<vmem>>
        %dma_start3A_449 = tpu.memref_squeeze %dma_start3A_448 : memref<1x128xi32, #tpu.memory_space<vmem>> -> memref<128xi32, #tpu.memory_space<vmem>>
        %dma_start3A_450 = arith.constant 0 : i32
        %dma_start3A_451 = arith.constant 0 : i32
        %dma_start3A_452 = tpu.memref_slice %arg13[%dma_start3A_450, %dma_start3A_451] : memref<5120x128xf32, #tpu.memory_space<vmem_shared>> -> memref<5120x128xf32, #tpu.memory_space<vmem_shared>>
        tpu.enqueue_indirect_dma source(%arg11 : memref<128x128xf32, #tpu.memory_space<vmem>>) target(%dma_start3A_452 : memref<5120x128xf32, #tpu.memory_space<vmem_shared>>) offsets(%dma_start3A_449 : memref<128xi32, #tpu.memory_space<vmem>>) semaphore(%run_scoped3A_446 : memref<!tpu.dma_semaphore, #tpu.memory_space<semaphore_mem>>) {add = true}
        %dma_wait3A_453 = arith.constant 0 : i32
        %dma_wait3A_454 = tpu.memref_slice %arg9[%run_scoped3A_414, %dma_wait3A_453] : memref<8x128xi32, #tpu.memory_space<vmem>> -> memref<1x128xi32, #tpu.memory_space<vmem>>
        %dma_wait3A_455 = tpu.memref_squeeze %dma_wait3A_454 : memref<1x128xi32, #tpu.memory_space<vmem>> -> memref<128xi32, #tpu.memory_space<vmem>>
        %dma_wait3A_456 = arith.constant 0 : i32
        %dma_wait3A_457 = arith.constant 0 : i32
        %dma_wait3A_458 = tpu.memref_slice %arg13[%dma_wait3A_456, %dma_wait3A_457] : memref<5120x128xf32, #tpu.memory_space<vmem_shared>> -> memref<5120x128xf32, #tpu.memory_space<vmem_shared>>
        tpu.wait_indirect_dma semaphore(%run_scoped3A_446 : memref<!tpu.dma_semaphore, #tpu.memory_space<semaphore_mem>>) src(%arg11 : memref<128x128xf32, #tpu.memory_space<vmem>>) dst(%dma_wait3A_458 : memref<5120x128xf32, #tpu.memory_space<vmem_shared>>)
        tpu.yield
      }) : () -> ()
      %dma_start3A_415 = arith.constant 7 : i32
      %dma_start3A_416 = arith.constant 0 : i32
      %dma_start3A_417 = tpu.memref_slice %arg8[%dma_start3A_415, %dma_start3A_416] : memref<8x128xi32, #tpu.memory_space<vmem>> -> memref<1x128xi32, #tpu.memory_space<vmem>>
      %dma_start3A_418 = tpu.memref_squeeze %dma_start3A_417 : memref<1x128xi32, #tpu.memory_space<vmem>> -> memref<128xi32, #tpu.memory_space<vmem>>
      %dma_start3A_419 = arith.constant 0 : i32
      %dma_start3A_420 = arith.constant 0 : i32
      %dma_start3A_421 = tpu.memref_slice %arg2[%dma_start3A_419, %dma_start3A_420] : memref<40000x128xf32, #tpu.memory_space<hbm>> -> memref<40000x128xf32, #tpu.memory_space<hbm>>
      tpu.enqueue_indirect_dma source(%dma_start3A_421 : memref<40000x128xf32, #tpu.memory_space<hbm>>) target(%arg11 : memref<128x128xf32, #tpu.memory_space<vmem>>) offsets(%dma_start3A_418 : memref<128xi32, #tpu.memory_space<vmem>>) semaphore(%arg15 : memref<!tpu.dma_semaphore, #tpu.memory_space<semaphore_mem>>)
      %dma_wait3A_422 = arith.constant 5 : i32
      %dma_wait3A_423 = arith.constant 0 : i32
      %dma_wait3A_424 = tpu.memref_slice %arg8[%dma_wait3A_422, %dma_wait3A_423] : memref<8x128xi32, #tpu.memory_space<vmem>> -> memref<1x128xi32, #tpu.memory_space<vmem>>
      %dma_wait3A_425 = tpu.memref_squeeze %dma_wait3A_424 : memref<1x128xi32, #tpu.memory_space<vmem>> -> memref<128xi32, #tpu.memory_space<vmem>>
      %dma_wait3A_426 = arith.constant 0 : i32
      %dma_wait3A_427 = arith.constant 0 : i32
      %dma_wait3A_428 = tpu.memref_slice %arg2[%dma_wait3A_426, %dma_wait3A_427] : memref<40000x128xf32, #tpu.memory_space<hbm>> -> memref<40000x128xf32, #tpu.memory_space<hbm>>
      tpu.wait_indirect_dma semaphore(%arg16 : memref<!tpu.dma_semaphore, #tpu.memory_space<semaphore_mem>>) src(%dma_wait3A_428 : memref<40000x128xf32, #tpu.memory_space<hbm>>) dst(%arg12 : memref<128x128xf32, #tpu.memory_space<vmem>>)
      %run_scoped3A_429 = arith.constant 5 : i32
      "tpu.region"() ({
        %run_scoped3A_446 = tpu.sem_alloc : memref<!tpu.dma_semaphore, #tpu.memory_space<semaphore_mem>>
        %dma_start3A_447 = arith.constant 0 : i32
        %dma_start3A_448 = tpu.memref_slice %arg9[%run_scoped3A_429, %dma_start3A_447] : memref<8x128xi32, #tpu.memory_space<vmem>> -> memref<1x128xi32, #tpu.memory_space<vmem>>
        %dma_start3A_449 = tpu.memref_squeeze %dma_start3A_448 : memref<1x128xi32, #tpu.memory_space<vmem>> -> memref<128xi32, #tpu.memory_space<vmem>>
        %dma_start3A_450 = arith.constant 0 : i32
        %dma_start3A_451 = arith.constant 0 : i32
        %dma_start3A_452 = tpu.memref_slice %arg13[%dma_start3A_450, %dma_start3A_451] : memref<5120x128xf32, #tpu.memory_space<vmem_shared>> -> memref<5120x128xf32, #tpu.memory_space<vmem_shared>>
        tpu.enqueue_indirect_dma source(%arg12 : memref<128x128xf32, #tpu.memory_space<vmem>>) target(%dma_start3A_452 : memref<5120x128xf32, #tpu.memory_space<vmem_shared>>) offsets(%dma_start3A_449 : memref<128xi32, #tpu.memory_space<vmem>>) semaphore(%run_scoped3A_446 : memref<!tpu.dma_semaphore, #tpu.memory_space<semaphore_mem>>) {add = true}
        %dma_wait3A_453 = arith.constant 0 : i32
        %dma_wait3A_454 = tpu.memref_slice %arg9[%run_scoped3A_429, %dma_wait3A_453] : memref<8x128xi32, #tpu.memory_space<vmem>> -> memref<1x128xi32, #tpu.memory_space<vmem>>
        %dma_wait3A_455 = tpu.memref_squeeze %dma_wait3A_454 : memref<1x128xi32, #tpu.memory_space<vmem>> -> memref<128xi32, #tpu.memory_space<vmem>>
        %dma_wait3A_456 = arith.constant 0 : i32
        %dma_wait3A_457 = arith.constant 0 : i32
        %dma_wait3A_458 = tpu.memref_slice %arg13[%dma_wait3A_456, %dma_wait3A_457] : memref<5120x128xf32, #tpu.memory_space<vmem_shared>> -> memref<5120x128xf32, #tpu.memory_space<vmem_shared>>
        tpu.wait_indirect_dma semaphore(%run_scoped3A_446 : memref<!tpu.dma_semaphore, #tpu.memory_space<semaphore_mem>>) src(%arg12 : memref<128x128xf32, #tpu.memory_space<vmem>>) dst(%dma_wait3A_458 : memref<5120x128xf32, #tpu.memory_space<vmem_shared>>)
        tpu.yield
      }) : () -> ()
      %dma_wait3A_430 = arith.constant 6 : i32
      %dma_wait3A_431 = arith.constant 0 : i32
      %dma_wait3A_432 = tpu.memref_slice %arg8[%dma_wait3A_430, %dma_wait3A_431] : memref<8x128xi32, #tpu.memory_space<vmem>> -> memref<1x128xi32, #tpu.memory_space<vmem>>
      %dma_wait3A_433 = tpu.memref_squeeze %dma_wait3A_432 : memref<1x128xi32, #tpu.memory_space<vmem>> -> memref<128xi32, #tpu.memory_space<vmem>>
      %dma_wait3A_434 = arith.constant 0 : i32
      %dma_wait3A_435 = arith.constant 0 : i32
      %dma_wait3A_436 = tpu.memref_slice %arg2[%dma_wait3A_434, %dma_wait3A_435] : memref<40000x128xf32, #tpu.memory_space<hbm>> -> memref<40000x128xf32, #tpu.memory_space<hbm>>
      tpu.wait_indirect_dma semaphore(%arg14 : memref<!tpu.dma_semaphore, #tpu.memory_space<semaphore_mem>>) src(%dma_wait3A_436 : memref<40000x128xf32, #tpu.memory_space<hbm>>) dst(%arg10 : memref<128x128xf32, #tpu.memory_space<vmem>>)
      %run_scoped3A_437 = arith.constant 6 : i32
      "tpu.region"() ({
        %run_scoped3A_446 = tpu.sem_alloc : memref<!tpu.dma_semaphore, #tpu.memory_space<semaphore_mem>>
        %dma_start3A_447 = arith.constant 0 : i32
        %dma_start3A_448 = tpu.memref_slice %arg9[%run_scoped3A_437, %dma_start3A_447] : memref<8x128xi32, #tpu.memory_space<vmem>> -> memref<1x128xi32, #tpu.memory_space<vmem>>
        %dma_start3A_449 = tpu.memref_squeeze %dma_start3A_448 : memref<1x128xi32, #tpu.memory_space<vmem>> -> memref<128xi32, #tpu.memory_space<vmem>>
        %dma_start3A_450 = arith.constant 0 : i32
        %dma_start3A_451 = arith.constant 0 : i32
        %dma_start3A_452 = tpu.memref_slice %arg13[%dma_start3A_450, %dma_start3A_451] : memref<5120x128xf32, #tpu.memory_space<vmem_shared>> -> memref<5120x128xf32, #tpu.memory_space<vmem_shared>>
        tpu.enqueue_indirect_dma source(%arg10 : memref<128x128xf32, #tpu.memory_space<vmem>>) target(%dma_start3A_452 : memref<5120x128xf32, #tpu.memory_space<vmem_shared>>) offsets(%dma_start3A_449 : memref<128xi32, #tpu.memory_space<vmem>>) semaphore(%run_scoped3A_446 : memref<!tpu.dma_semaphore, #tpu.memory_space<semaphore_mem>>) {add = true}
        %dma_wait3A_453 = arith.constant 0 : i32
        %dma_wait3A_454 = tpu.memref_slice %arg9[%run_scoped3A_437, %dma_wait3A_453] : memref<8x128xi32, #tpu.memory_space<vmem>> -> memref<1x128xi32, #tpu.memory_space<vmem>>
        %dma_wait3A_455 = tpu.memref_squeeze %dma_wait3A_454 : memref<1x128xi32, #tpu.memory_space<vmem>> -> memref<128xi32, #tpu.memory_space<vmem>>
        %dma_wait3A_456 = arith.constant 0 : i32
        %dma_wait3A_457 = arith.constant 0 : i32
        %dma_wait3A_458 = tpu.memref_slice %arg13[%dma_wait3A_456, %dma_wait3A_457] : memref<5120x128xf32, #tpu.memory_space<vmem_shared>> -> memref<5120x128xf32, #tpu.memory_space<vmem_shared>>
        tpu.wait_indirect_dma semaphore(%run_scoped3A_446 : memref<!tpu.dma_semaphore, #tpu.memory_space<semaphore_mem>>) src(%arg10 : memref<128x128xf32, #tpu.memory_space<vmem>>) dst(%dma_wait3A_458 : memref<5120x128xf32, #tpu.memory_space<vmem_shared>>)
        tpu.yield
      }) : () -> ()
      %dma_wait3A_438 = arith.constant 7 : i32
      %dma_wait3A_439 = arith.constant 0 : i32
      %dma_wait3A_440 = tpu.memref_slice %arg8[%dma_wait3A_438, %dma_wait3A_439] : memref<8x128xi32, #tpu.memory_space<vmem>> -> memref<1x128xi32, #tpu.memory_space<vmem>>
      %dma_wait3A_441 = tpu.memref_squeeze %dma_wait3A_440 : memref<1x128xi32, #tpu.memory_space<vmem>> -> memref<128xi32, #tpu.memory_space<vmem>>
      %dma_wait3A_442 = arith.constant 0 : i32
      %dma_wait3A_443 = arith.constant 0 : i32
      %dma_wait3A_444 = tpu.memref_slice %arg2[%dma_wait3A_442, %dma_wait3A_443] : memref<40000x128xf32, #tpu.memory_space<hbm>> -> memref<40000x128xf32, #tpu.memory_space<hbm>>
      tpu.wait_indirect_dma semaphore(%arg15 : memref<!tpu.dma_semaphore, #tpu.memory_space<semaphore_mem>>) src(%dma_wait3A_444 : memref<40000x128xf32, #tpu.memory_space<hbm>>) dst(%arg11 : memref<128x128xf32, #tpu.memory_space<vmem>>)
      %run_scoped3A_445 = arith.constant 7 : i32
      "tpu.region"() ({
        %run_scoped3A_446 = tpu.sem_alloc : memref<!tpu.dma_semaphore, #tpu.memory_space<semaphore_mem>>
        %dma_start3A_447 = arith.constant 0 : i32
        %dma_start3A_448 = tpu.memref_slice %arg9[%run_scoped3A_445, %dma_start3A_447] : memref<8x128xi32, #tpu.memory_space<vmem>> -> memref<1x128xi32, #tpu.memory_space<vmem>>
        %dma_start3A_449 = tpu.memref_squeeze %dma_start3A_448 : memref<1x128xi32, #tpu.memory_space<vmem>> -> memref<128xi32, #tpu.memory_space<vmem>>
        %dma_start3A_450 = arith.constant 0 : i32
        %dma_start3A_451 = arith.constant 0 : i32
        %dma_start3A_452 = tpu.memref_slice %arg13[%dma_start3A_450, %dma_start3A_451] : memref<5120x128xf32, #tpu.memory_space<vmem_shared>> -> memref<5120x128xf32, #tpu.memory_space<vmem_shared>>
        tpu.enqueue_indirect_dma source(%arg11 : memref<128x128xf32, #tpu.memory_space<vmem>>) target(%dma_start3A_452 : memref<5120x128xf32, #tpu.memory_space<vmem_shared>>) offsets(%dma_start3A_449 : memref<128xi32, #tpu.memory_space<vmem>>) semaphore(%run_scoped3A_446 : memref<!tpu.dma_semaphore, #tpu.memory_space<semaphore_mem>>) {add = true}
        %dma_wait3A_453 = arith.constant 0 : i32
        %dma_wait3A_454 = tpu.memref_slice %arg9[%run_scoped3A_445, %dma_wait3A_453] : memref<8x128xi32, #tpu.memory_space<vmem>> -> memref<1x128xi32, #tpu.memory_space<vmem>>
        %dma_wait3A_455 = tpu.memref_squeeze %dma_wait3A_454 : memref<1x128xi32, #tpu.memory_space<vmem>> -> memref<128xi32, #tpu.memory_space<vmem>>
        %dma_wait3A_456 = arith.constant 0 : i32
        %dma_wait3A_457 = arith.constant 0 : i32
        %dma_wait3A_458 = tpu.memref_slice %arg13[%dma_wait3A_456, %dma_wait3A_457] : memref<5120x128xf32, #tpu.memory_space<vmem_shared>> -> memref<5120x128xf32, #tpu.memory_space<vmem_shared>>
        tpu.wait_indirect_dma semaphore(%run_scoped3A_446 : memref<!tpu.dma_semaphore, #tpu.memory_space<semaphore_mem>>) src(%arg11 : memref<128x128xf32, #tpu.memory_space<vmem>>) dst(%dma_wait3A_458 : memref<5120x128xf32, #tpu.memory_space<vmem_shared>>)
        tpu.yield
      }) : () -> ()
    }
    %scan3A_127 = arith.constant 20 : i32
    %barrier3A_128 = arith.constant 0 : index
    tpu.barrier barrier_id(%barrier3A_128)
    %mul3A_129 = arith.constant 2 : i32
    %mul3A_130 = arith.muli %mul3A_129, %add3A_105 : i32
    %add3A_131 = arith.constant 0 : i32
    %add3A_132 = arith.addi %mul3A_130, %add3A_131 : i32
    %mul3A_133 = arith.constant 5120 : i32
    %mul3A_134 = arith.muli %add3A_132, %mul3A_133 : i32
    %mul3A_135 = arith.constant 320 : i32
    %mul3A_136 = arith.muli %arg1, %mul3A_135 : i32
    %add3A_137 = arith.addi %mul3A_134, %mul3A_136 : i32
    %mul3A_138 = arith.constant 320 : i32
    %mul3A_139 = arith.muli %arg1, %mul3A_138 : i32
    %add3A_140 = arith.constant 0 : i32
    %add3A_141 = arith.addi %mul3A_139, %add3A_140 : i32
    "tpu.region"() ({
      %run_scoped3A = tpu.sem_alloc : memref<!tpu.dma_semaphore, #tpu.memory_space<semaphore_mem>>
      %dma_start3A = arith.constant 0 : i32
      %dma_start3A_314 = arith.constant 0 : i32
      %dma_start3A_315 = tpu.memref_slice %arg10[%dma_start3A, %dma_start3A_314] : memref<128x128xf32, #tpu.memory_space<vmem>> -> memref<128x128xf32, #tpu.memory_space<vmem>>
      %dma_start3A_316 = arith.constant 0 : i32
      %dma_start3A_317 = tpu.memref_slice %arg13[%add3A_141, %dma_start3A_316] : memref<5120x128xf32, #tpu.memory_space<vmem_shared>> -> memref<128x128xf32, #tpu.memory_space<vmem_shared>>
      %dma_start3A_318 = arith.constant 0 : i32
      %dma_start3A_319 = arith.constant 0 : i32
      %dma_start3A_320 = tpu.memref_slice %arg10[%dma_start3A_318, %dma_start3A_319] : memref<128x128xf32, #tpu.memory_space<vmem>> -> memref<128x128xf32, #tpu.memory_space<vmem>>
      %dma_start3A_321 = arith.constant 0 : i32
      %dma_start3A_322 = tpu.memref_slice %arg13[%add3A_141, %dma_start3A_321] : memref<5120x128xf32, #tpu.memory_space<vmem_shared>> -> memref<128x128xf32, #tpu.memory_space<vmem_shared>>
      tpu.enqueue_dma source(%dma_start3A_322 : memref<128x128xf32, #tpu.memory_space<vmem_shared>>) target(%dma_start3A_320 : memref<128x128xf32, #tpu.memory_space<vmem>>) target_semaphore(%run_scoped3A : memref<!tpu.dma_semaphore, #tpu.memory_space<semaphore_mem>>)
      %dma_wait3A = arith.constant 0 : i32
      %dma_wait3A_323 = arith.constant 0 : i32
      %dma_wait3A_324 = tpu.memref_slice %arg10[%dma_wait3A, %dma_wait3A_323] : memref<128x128xf32, #tpu.memory_space<vmem>> -> memref<128x128xf32, #tpu.memory_space<vmem>>
      %dma_wait3A_325 = arith.constant 0 : i32
      %dma_wait3A_326 = tpu.memref_slice %arg13[%add3A_141, %dma_wait3A_325] : memref<5120x128xf32, #tpu.memory_space<vmem_shared>> -> memref<128x128xf32, #tpu.memory_space<vmem_shared>>
      %dma_wait3A_327 = arith.constant 0 : i32
      %dma_wait3A_328 = arith.constant 0 : i32
      %dma_wait3A_329 = tpu.memref_slice %arg10[%dma_wait3A_327, %dma_wait3A_328] : memref<128x128xf32, #tpu.memory_space<vmem>> -> memref<128x128xf32, #tpu.memory_space<vmem>>
      %dma_wait3A_330 = arith.constant 0 : i32
      %dma_wait3A_331 = tpu.memref_slice %arg13[%add3A_141, %dma_wait3A_330] : memref<5120x128xf32, #tpu.memory_space<vmem_shared>> -> memref<128x128xf32, #tpu.memory_space<vmem_shared>>
      tpu.wait_dma2 semaphore(%run_scoped3A : memref<!tpu.dma_semaphore, #tpu.memory_space<semaphore_mem>>) src(%dma_wait3A_331 : memref<128x128xf32, #tpu.memory_space<vmem_shared>>) dst(%dma_wait3A_329 : memref<128x128xf32, #tpu.memory_space<vmem>>)
      tpu.yield
    }) : () -> ()
    %add3A_142 = arith.constant 0 : i32
    %add3A_143 = arith.addi %add3A_137, %add3A_142 : i32
    "tpu.region"() ({
      %run_scoped3A = tpu.sem_alloc : memref<!tpu.dma_semaphore, #tpu.memory_space<semaphore_mem>>
      %dma_start3A = arith.constant 0 : i32
      %dma_start3A_314 = arith.constant 0 : i32
      %dma_start3A_315 = tpu.memref_slice %arg10[%dma_start3A, %dma_start3A_314] : memref<128x128xf32, #tpu.memory_space<vmem>> -> memref<128x128xf32, #tpu.memory_space<vmem>>
      %dma_start3A_316 = arith.constant 0 : i32
      %dma_start3A_317 = tpu.memref_slice %arg7[%add3A_143, %dma_start3A_316] : memref<61440x128xf32, #tpu.memory_space<hbm>> -> memref<128x128xf32, #tpu.memory_space<hbm>>
      %dma_start3A_318 = arith.constant 0 : i32
      %dma_start3A_319 = tpu.memref_slice %arg7[%add3A_143, %dma_start3A_318] : memref<61440x128xf32, #tpu.memory_space<hbm>> -> memref<128x128xf32, #tpu.memory_space<hbm>>
      %dma_start3A_320 = arith.constant 0 : i32
      %dma_start3A_321 = arith.constant 0 : i32
      %dma_start3A_322 = tpu.memref_slice %arg10[%dma_start3A_320, %dma_start3A_321] : memref<128x128xf32, #tpu.memory_space<vmem>> -> memref<128x128xf32, #tpu.memory_space<vmem>>
      tpu.enqueue_dma source(%dma_start3A_322 : memref<128x128xf32, #tpu.memory_space<vmem>>) target(%dma_start3A_319 : memref<128x128xf32, #tpu.memory_space<hbm>>) target_semaphore(%run_scoped3A : memref<!tpu.dma_semaphore, #tpu.memory_space<semaphore_mem>>)
      %dma_wait3A = arith.constant 0 : i32
      %dma_wait3A_323 = arith.constant 0 : i32
      %dma_wait3A_324 = tpu.memref_slice %arg10[%dma_wait3A, %dma_wait3A_323] : memref<128x128xf32, #tpu.memory_space<vmem>> -> memref<128x128xf32, #tpu.memory_space<vmem>>
      %dma_wait3A_325 = arith.constant 0 : i32
      %dma_wait3A_326 = tpu.memref_slice %arg7[%add3A_143, %dma_wait3A_325] : memref<61440x128xf32, #tpu.memory_space<hbm>> -> memref<128x128xf32, #tpu.memory_space<hbm>>
      %dma_wait3A_327 = arith.constant 0 : i32
      %dma_wait3A_328 = tpu.memref_slice %arg7[%add3A_143, %dma_wait3A_327] : memref<61440x128xf32, #tpu.memory_space<hbm>> -> memref<128x128xf32, #tpu.memory_space<hbm>>
      %dma_wait3A_329 = arith.constant 0 : i32
      %dma_wait3A_330 = arith.constant 0 : i32
      %dma_wait3A_331 = tpu.memref_slice %arg10[%dma_wait3A_329, %dma_wait3A_330] : memref<128x128xf32, #tpu.memory_space<vmem>> -> memref<128x128xf32, #tpu.memory_space<vmem>>
      tpu.wait_dma2 semaphore(%run_scoped3A : memref<!tpu.dma_semaphore, #tpu.memory_space<semaphore_mem>>) src(%dma_wait3A_331 : memref<128x128xf32, #tpu.memory_space<vmem>>) dst(%dma_wait3A_328 : memref<128x128xf32, #tpu.memory_space<hbm>>)
      tpu.yield
    }) : () -> ()
    %mul3A_144 = arith.constant 320 : i32
    %mul3A_145 = arith.muli %arg1, %mul3A_144 : i32
    %add3A_146 = arith.constant 128 : i32
    %add3A_147 = arith.addi %mul3A_145, %add3A_146 : i32
    "tpu.region"() ({
      %run_scoped3A = tpu.sem_alloc : memref<!tpu.dma_semaphore, #tpu.memory_space<semaphore_mem>>
      %dma_start3A = arith.constant 0 : i32
      %dma_start3A_314 = arith.constant 0 : i32
      %dma_start3A_315 = tpu.memref_slice %arg10[%dma_start3A, %dma_start3A_314] : memref<128x128xf32, #tpu.memory_space<vmem>> -> memref<128x128xf32, #tpu.memory_space<vmem>>
      %dma_start3A_316 = arith.constant 0 : i32
      %dma_start3A_317 = tpu.memref_slice %arg13[%add3A_147, %dma_start3A_316] : memref<5120x128xf32, #tpu.memory_space<vmem_shared>> -> memref<128x128xf32, #tpu.memory_space<vmem_shared>>
      %dma_start3A_318 = arith.constant 0 : i32
      %dma_start3A_319 = arith.constant 0 : i32
      %dma_start3A_320 = tpu.memref_slice %arg10[%dma_start3A_318, %dma_start3A_319] : memref<128x128xf32, #tpu.memory_space<vmem>> -> memref<128x128xf32, #tpu.memory_space<vmem>>
      %dma_start3A_321 = arith.constant 0 : i32
      %dma_start3A_322 = tpu.memref_slice %arg13[%add3A_147, %dma_start3A_321] : memref<5120x128xf32, #tpu.memory_space<vmem_shared>> -> memref<128x128xf32, #tpu.memory_space<vmem_shared>>
      tpu.enqueue_dma source(%dma_start3A_322 : memref<128x128xf32, #tpu.memory_space<vmem_shared>>) target(%dma_start3A_320 : memref<128x128xf32, #tpu.memory_space<vmem>>) target_semaphore(%run_scoped3A : memref<!tpu.dma_semaphore, #tpu.memory_space<semaphore_mem>>)
      %dma_wait3A = arith.constant 0 : i32
      %dma_wait3A_323 = arith.constant 0 : i32
      %dma_wait3A_324 = tpu.memref_slice %arg10[%dma_wait3A, %dma_wait3A_323] : memref<128x128xf32, #tpu.memory_space<vmem>> -> memref<128x128xf32, #tpu.memory_space<vmem>>
      %dma_wait3A_325 = arith.constant 0 : i32
      %dma_wait3A_326 = tpu.memref_slice %arg13[%add3A_147, %dma_wait3A_325] : memref<5120x128xf32, #tpu.memory_space<vmem_shared>> -> memref<128x128xf32, #tpu.memory_space<vmem_shared>>
      %dma_wait3A_327 = arith.constant 0 : i32
      %dma_wait3A_328 = arith.constant 0 : i32
      %dma_wait3A_329 = tpu.memref_slice %arg10[%dma_wait3A_327, %dma_wait3A_328] : memref<128x128xf32, #tpu.memory_space<vmem>> -> memref<128x128xf32, #tpu.memory_space<vmem>>
      %dma_wait3A_330 = arith.constant 0 : i32
      %dma_wait3A_331 = tpu.memref_slice %arg13[%add3A_147, %dma_wait3A_330] : memref<5120x128xf32, #tpu.memory_space<vmem_shared>> -> memref<128x128xf32, #tpu.memory_space<vmem_shared>>
      tpu.wait_dma2 semaphore(%run_scoped3A : memref<!tpu.dma_semaphore, #tpu.memory_space<semaphore_mem>>) src(%dma_wait3A_331 : memref<128x128xf32, #tpu.memory_space<vmem_shared>>) dst(%dma_wait3A_329 : memref<128x128xf32, #tpu.memory_space<vmem>>)
      tpu.yield
    }) : () -> ()
    %add3A_148 = arith.constant 128 : i32
    %add3A_149 = arith.addi %add3A_137, %add3A_148 : i32
    "tpu.region"() ({
      %run_scoped3A = tpu.sem_alloc : memref<!tpu.dma_semaphore, #tpu.memory_space<semaphore_mem>>
      %dma_start3A = arith.constant 0 : i32
      %dma_start3A_314 = arith.constant 0 : i32
      %dma_start3A_315 = tpu.memref_slice %arg10[%dma_start3A, %dma_start3A_314] : memref<128x128xf32, #tpu.memory_space<vmem>> -> memref<128x128xf32, #tpu.memory_space<vmem>>
      %dma_start3A_316 = arith.constant 0 : i32
      %dma_start3A_317 = tpu.memref_slice %arg7[%add3A_149, %dma_start3A_316] : memref<61440x128xf32, #tpu.memory_space<hbm>> -> memref<128x128xf32, #tpu.memory_space<hbm>>
      %dma_start3A_318 = arith.constant 0 : i32
      %dma_start3A_319 = tpu.memref_slice %arg7[%add3A_149, %dma_start3A_318] : memref<61440x128xf32, #tpu.memory_space<hbm>> -> memref<128x128xf32, #tpu.memory_space<hbm>>
      %dma_start3A_320 = arith.constant 0 : i32
      %dma_start3A_321 = arith.constant 0 : i32
      %dma_start3A_322 = tpu.memref_slice %arg10[%dma_start3A_320, %dma_start3A_321] : memref<128x128xf32, #tpu.memory_space<vmem>> -> memref<128x128xf32, #tpu.memory_space<vmem>>
      tpu.enqueue_dma source(%dma_start3A_322 : memref<128x128xf32, #tpu.memory_space<vmem>>) target(%dma_start3A_319 : memref<128x128xf32, #tpu.memory_space<hbm>>) target_semaphore(%run_scoped3A : memref<!tpu.dma_semaphore, #tpu.memory_space<semaphore_mem>>)
      %dma_wait3A = arith.constant 0 : i32
      %dma_wait3A_323 = arith.constant 0 : i32
      %dma_wait3A_324 = tpu.memref_slice %arg10[%dma_wait3A, %dma_wait3A_323] : memref<128x128xf32, #tpu.memory_space<vmem>> -> memref<128x128xf32, #tpu.memory_space<vmem>>
      %dma_wait3A_325 = arith.constant 0 : i32
      %dma_wait3A_326 = tpu.memref_slice %arg7[%add3A_149, %dma_wait3A_325] : memref<61440x128xf32, #tpu.memory_space<hbm>> -> memref<128x128xf32, #tpu.memory_space<hbm>>
      %dma_wait3A_327 = arith.constant 0 : i32
      %dma_wait3A_328 = tpu.memref_slice %arg7[%add3A_149, %dma_wait3A_327] : memref<61440x128xf32, #tpu.memory_space<hbm>> -> memref<128x128xf32, #tpu.memory_space<hbm>>
      %dma_wait3A_329 = arith.constant 0 : i32
      %dma_wait3A_330 = arith.constant 0 : i32
      %dma_wait3A_331 = tpu.memref_slice %arg10[%dma_wait3A_329, %dma_wait3A_330] : memref<128x128xf32, #tpu.memory_space<vmem>> -> memref<128x128xf32, #tpu.memory_space<vmem>>
      tpu.wait_dma2 semaphore(%run_scoped3A : memref<!tpu.dma_semaphore, #tpu.memory_space<semaphore_mem>>) src(%dma_wait3A_331 : memref<128x128xf32, #tpu.memory_space<vmem>>) dst(%dma_wait3A_328 : memref<128x128xf32, #tpu.memory_space<hbm>>)
      tpu.yield
    }) : () -> ()
    %mul3A_150 = arith.constant 320 : i32
    %mul3A_151 = arith.muli %arg1, %mul3A_150 : i32
    %add3A_152 = arith.constant 256 : i32
    %add3A_153 = arith.addi %mul3A_151, %add3A_152 : i32
    "tpu.region"() ({
      %run_scoped3A = tpu.sem_alloc : memref<!tpu.dma_semaphore, #tpu.memory_space<semaphore_mem>>
      %dma_start3A = arith.constant 0 : i32
      %dma_start3A_314 = arith.constant 0 : i32
      %dma_start3A_315 = tpu.memref_slice %arg10[%dma_start3A, %dma_start3A_314] : memref<128x128xf32, #tpu.memory_space<vmem>> -> memref<64x128xf32, #tpu.memory_space<vmem>>
      %dma_start3A_316 = arith.constant 0 : i32
      %dma_start3A_317 = tpu.memref_slice %arg13[%add3A_153, %dma_start3A_316] : memref<5120x128xf32, #tpu.memory_space<vmem_shared>> -> memref<64x128xf32, #tpu.memory_space<vmem_shared>>
      %dma_start3A_318 = arith.constant 0 : i32
      %dma_start3A_319 = arith.constant 0 : i32
      %dma_start3A_320 = tpu.memref_slice %arg10[%dma_start3A_318, %dma_start3A_319] : memref<128x128xf32, #tpu.memory_space<vmem>> -> memref<64x128xf32, #tpu.memory_space<vmem>>
      %dma_start3A_321 = arith.constant 0 : i32
      %dma_start3A_322 = tpu.memref_slice %arg13[%add3A_153, %dma_start3A_321] : memref<5120x128xf32, #tpu.memory_space<vmem_shared>> -> memref<64x128xf32, #tpu.memory_space<vmem_shared>>
      tpu.enqueue_dma source(%dma_start3A_322 : memref<64x128xf32, #tpu.memory_space<vmem_shared>>) target(%dma_start3A_320 : memref<64x128xf32, #tpu.memory_space<vmem>>) target_semaphore(%run_scoped3A : memref<!tpu.dma_semaphore, #tpu.memory_space<semaphore_mem>>)
      %dma_wait3A = arith.constant 0 : i32
      %dma_wait3A_323 = arith.constant 0 : i32
      %dma_wait3A_324 = tpu.memref_slice %arg10[%dma_wait3A, %dma_wait3A_323] : memref<128x128xf32, #tpu.memory_space<vmem>> -> memref<64x128xf32, #tpu.memory_space<vmem>>
      %dma_wait3A_325 = arith.constant 0 : i32
      %dma_wait3A_326 = tpu.memref_slice %arg13[%add3A_153, %dma_wait3A_325] : memref<5120x128xf32, #tpu.memory_space<vmem_shared>> -> memref<64x128xf32, #tpu.memory_space<vmem_shared>>
      %dma_wait3A_327 = arith.constant 0 : i32
      %dma_wait3A_328 = arith.constant 0 : i32
      %dma_wait3A_329 = tpu.memref_slice %arg10[%dma_wait3A_327, %dma_wait3A_328] : memref<128x128xf32, #tpu.memory_space<vmem>> -> memref<64x128xf32, #tpu.memory_space<vmem>>
      %dma_wait3A_330 = arith.constant 0 : i32
      %dma_wait3A_331 = tpu.memref_slice %arg13[%add3A_153, %dma_wait3A_330] : memref<5120x128xf32, #tpu.memory_space<vmem_shared>> -> memref<64x128xf32, #tpu.memory_space<vmem_shared>>
      tpu.wait_dma2 semaphore(%run_scoped3A : memref<!tpu.dma_semaphore, #tpu.memory_space<semaphore_mem>>) src(%dma_wait3A_331 : memref<64x128xf32, #tpu.memory_space<vmem_shared>>) dst(%dma_wait3A_329 : memref<64x128xf32, #tpu.memory_space<vmem>>)
      tpu.yield
    }) : () -> ()
    %add3A_154 = arith.constant 256 : i32
    %add3A_155 = arith.addi %add3A_137, %add3A_154 : i32
    "tpu.region"() ({
      %run_scoped3A = tpu.sem_alloc : memref<!tpu.dma_semaphore, #tpu.memory_space<semaphore_mem>>
      %dma_start3A = arith.constant 0 : i32
      %dma_start3A_314 = arith.constant 0 : i32
      %dma_start3A_315 = tpu.memref_slice %arg10[%dma_start3A, %dma_start3A_314] : memref<128x128xf32, #tpu.memory_space<vmem>> -> memref<64x128xf32, #tpu.memory_space<vmem>>
      %dma_start3A_316 = arith.constant 0 : i32
      %dma_start3A_317 = tpu.memref_slice %arg7[%add3A_155, %dma_start3A_316] : memref<61440x128xf32, #tpu.memory_space<hbm>> -> memref<64x128xf32, #tpu.memory_space<hbm>>
      %dma_start3A_318 = arith.constant 0 : i32
      %dma_start3A_319 = tpu.memref_slice %arg7[%add3A_155, %dma_start3A_318] : memref<61440x128xf32, #tpu.memory_space<hbm>> -> memref<64x128xf32, #tpu.memory_space<hbm>>
      %dma_start3A_320 = arith.constant 0 : i32
      %dma_start3A_321 = arith.constant 0 : i32
      %dma_start3A_322 = tpu.memref_slice %arg10[%dma_start3A_320, %dma_start3A_321] : memref<128x128xf32, #tpu.memory_space<vmem>> -> memref<64x128xf32, #tpu.memory_space<vmem>>
      tpu.enqueue_dma source(%dma_start3A_322 : memref<64x128xf32, #tpu.memory_space<vmem>>) target(%dma_start3A_319 : memref<64x128xf32, #tpu.memory_space<hbm>>) target_semaphore(%run_scoped3A : memref<!tpu.dma_semaphore, #tpu.memory_space<semaphore_mem>>)
      %dma_wait3A = arith.constant 0 : i32
      %dma_wait3A_323 = arith.constant 0 : i32
      %dma_wait3A_324 = tpu.memref_slice %arg10[%dma_wait3A, %dma_wait3A_323] : memref<128x128xf32, #tpu.memory_space<vmem>> -> memref<64x128xf32, #tpu.memory_space<vmem>>
      %dma_wait3A_325 = arith.constant 0 : i32
      %dma_wait3A_326 = tpu.memref_slice %arg7[%add3A_155, %dma_wait3A_325] : memref<61440x128xf32, #tpu.memory_space<hbm>> -> memref<64x128xf32, #tpu.memory_space<hbm>>
      %dma_wait3A_327 = arith.constant 0 : i32
      %dma_wait3A_328 = tpu.memref_slice %arg7[%add3A_155, %dma_wait3A_327] : memref<61440x128xf32, #tpu.memory_space<hbm>> -> memref<64x128xf32, #tpu.memory_space<hbm>>
      %dma_wait3A_329 = arith.constant 0 : i32
      %dma_wait3A_330 = arith.constant 0 : i32
      %dma_wait3A_331 = tpu.memref_slice %arg10[%dma_wait3A_329, %dma_wait3A_330] : memref<128x128xf32, #tpu.memory_space<vmem>> -> memref<64x128xf32, #tpu.memory_space<vmem>>
      tpu.wait_dma2 semaphore(%run_scoped3A : memref<!tpu.dma_semaphore, #tpu.memory_space<semaphore_mem>>) src(%dma_wait3A_331 : memref<64x128xf32, #tpu.memory_space<vmem>>) dst(%dma_wait3A_328 : memref<64x128xf32, #tpu.memory_space<hbm>>)
      tpu.yield
    }) : () -> ()
    %barrier3A_156 = arith.constant 0 : index
    tpu.barrier barrier_id(%barrier3A_156)
    "tpu.region"() ({
      %run_scoped3A = tpu.sem_alloc : memref<!tpu.dma_semaphore, #tpu.memory_space<semaphore_mem>>
      %dma_start3A = arith.constant 0 : i32
      %dma_start3A_314 = arith.constant 0 : i32
      %dma_start3A_315 = tpu.memref_slice %arg10[%dma_start3A, %dma_start3A_314] : memref<128x128xf32, #tpu.memory_space<vmem>> -> memref<80x128xf32, #tpu.memory_space<vmem>>
      %dma_start3A_316 = arith.constant 0 : i32
      %dma_start3A_317 = arith.constant 0 : i32
      %dma_start3A_318 = tpu.memref_slice %arg10[%dma_start3A_316, %dma_start3A_317] : memref<128x128xf32, #tpu.memory_space<vmem>> -> memref<80x128xf32, #tpu.memory_space<vmem>>
      tpu.enqueue_dma source(%arg5 : memref<80x128xf32, #tpu.memory_space<hbm>>) target(%dma_start3A_318 : memref<80x128xf32, #tpu.memory_space<vmem>>) target_semaphore(%run_scoped3A : memref<!tpu.dma_semaphore, #tpu.memory_space<semaphore_mem>>)
      %dma_wait3A = arith.constant 0 : i32
      %dma_wait3A_319 = arith.constant 0 : i32
      %dma_wait3A_320 = tpu.memref_slice %arg10[%dma_wait3A, %dma_wait3A_319] : memref<128x128xf32, #tpu.memory_space<vmem>> -> memref<80x128xf32, #tpu.memory_space<vmem>>
      %dma_wait3A_321 = arith.constant 0 : i32
      %dma_wait3A_322 = arith.constant 0 : i32
      %dma_wait3A_323 = tpu.memref_slice %arg10[%dma_wait3A_321, %dma_wait3A_322] : memref<128x128xf32, #tpu.memory_space<vmem>> -> memref<80x128xf32, #tpu.memory_space<vmem>>
      tpu.wait_dma2 semaphore(%run_scoped3A : memref<!tpu.dma_semaphore, #tpu.memory_space<semaphore_mem>>) src(%arg5 : memref<80x128xf32, #tpu.memory_space<hbm>>) dst(%dma_wait3A_323 : memref<80x128xf32, #tpu.memory_space<vmem>>)
      tpu.yield
    }) : () -> ()
    %mul3A_157 = arith.constant 320 : i32
    %mul3A_158 = arith.muli %arg1, %mul3A_157 : i32
    %add3A_159 = arith.constant 0 : i32
    %add3A_160 = arith.addi %mul3A_158, %add3A_159 : i32
    "tpu.region"() ({
      %run_scoped3A = tpu.sem_alloc : memref<!tpu.dma_semaphore, #tpu.memory_space<semaphore_mem>>
      %dma_start3A = arith.constant 0 : i32
      %dma_start3A_314 = arith.constant 0 : i32
      %dma_start3A_315 = tpu.memref_slice %arg10[%dma_start3A, %dma_start3A_314] : memref<128x128xf32, #tpu.memory_space<vmem>> -> memref<80x128xf32, #tpu.memory_space<vmem>>
      %dma_start3A_316 = arith.constant 0 : i32
      %dma_start3A_317 = tpu.memref_slice %arg13[%add3A_160, %dma_start3A_316] : memref<5120x128xf32, #tpu.memory_space<vmem_shared>> -> memref<80x128xf32, #tpu.memory_space<vmem_shared>>
      %dma_start3A_318 = arith.constant 0 : i32
      %dma_start3A_319 = tpu.memref_slice %arg13[%add3A_160, %dma_start3A_318] : memref<5120x128xf32, #tpu.memory_space<vmem_shared>> -> memref<80x128xf32, #tpu.memory_space<vmem_shared>>
      %dma_start3A_320 = arith.constant 0 : i32
      %dma_start3A_321 = arith.constant 0 : i32
      %dma_start3A_322 = tpu.memref_slice %arg10[%dma_start3A_320, %dma_start3A_321] : memref<128x128xf32, #tpu.memory_space<vmem>> -> memref<80x128xf32, #tpu.memory_space<vmem>>
      tpu.enqueue_dma source(%dma_start3A_322 : memref<80x128xf32, #tpu.memory_space<vmem>>) target(%dma_start3A_319 : memref<80x128xf32, #tpu.memory_space<vmem_shared>>) target_semaphore(%run_scoped3A : memref<!tpu.dma_semaphore, #tpu.memory_space<semaphore_mem>>)
      %dma_wait3A = arith.constant 0 : i32
      %dma_wait3A_323 = arith.constant 0 : i32
      %dma_wait3A_324 = tpu.memref_slice %arg10[%dma_wait3A, %dma_wait3A_323] : memref<128x128xf32, #tpu.memory_space<vmem>> -> memref<80x128xf32, #tpu.memory_space<vmem>>
      %dma_wait3A_325 = arith.constant 0 : i32
      %dma_wait3A_326 = tpu.memref_slice %arg13[%add3A_160, %dma_wait3A_325] : memref<5120x128xf32, #tpu.memory_space<vmem_shared>> -> memref<80x128xf32, #tpu.memory_space<vmem_shared>>
      %dma_wait3A_327 = arith.constant 0 : i32
      %dma_wait3A_328 = tpu.memref_slice %arg13[%add3A_160, %dma_wait3A_327] : memref<5120x128xf32, #tpu.memory_space<vmem_shared>> -> memref<80x128xf32, #tpu.memory_space<vmem_shared>>
      %dma_wait3A_329 = arith.constant 0 : i32
      %dma_wait3A_330 = arith.constant 0 : i32
      %dma_wait3A_331 = tpu.memref_slice %arg10[%dma_wait3A_329, %dma_wait3A_330] : memref<128x128xf32, #tpu.memory_space<vmem>> -> memref<80x128xf32, #tpu.memory_space<vmem>>
      tpu.wait_dma2 semaphore(%run_scoped3A : memref<!tpu.dma_semaphore, #tpu.memory_space<semaphore_mem>>) src(%dma_wait3A_331 : memref<80x128xf32, #tpu.memory_space<vmem>>) dst(%dma_wait3A_328 : memref<80x128xf32, #tpu.memory_space<vmem_shared>>)
      tpu.yield
    }) : () -> ()
    %mul3A_161 = arith.constant 320 : i32
    %mul3A_162 = arith.muli %arg1, %mul3A_161 : i32
    %add3A_163 = arith.constant 80 : i32
    %add3A_164 = arith.addi %mul3A_162, %add3A_163 : i32
    "tpu.region"() ({
      %run_scoped3A = tpu.sem_alloc : memref<!tpu.dma_semaphore, #tpu.memory_space<semaphore_mem>>
      %dma_start3A = arith.constant 0 : i32
      %dma_start3A_314 = arith.constant 0 : i32
      %dma_start3A_315 = tpu.memref_slice %arg10[%dma_start3A, %dma_start3A_314] : memref<128x128xf32, #tpu.memory_space<vmem>> -> memref<80x128xf32, #tpu.memory_space<vmem>>
      %dma_start3A_316 = arith.constant 0 : i32
      %dma_start3A_317 = tpu.memref_slice %arg13[%add3A_164, %dma_start3A_316] : memref<5120x128xf32, #tpu.memory_space<vmem_shared>> -> memref<80x128xf32, #tpu.memory_space<vmem_shared>>
      %dma_start3A_318 = arith.constant 0 : i32
      %dma_start3A_319 = tpu.memref_slice %arg13[%add3A_164, %dma_start3A_318] : memref<5120x128xf32, #tpu.memory_space<vmem_shared>> -> memref<80x128xf32, #tpu.memory_space<vmem_shared>>
      %dma_start3A_320 = arith.constant 0 : i32
      %dma_start3A_321 = arith.constant 0 : i32
      %dma_start3A_322 = tpu.memref_slice %arg10[%dma_start3A_320, %dma_start3A_321] : memref<128x128xf32, #tpu.memory_space<vmem>> -> memref<80x128xf32, #tpu.memory_space<vmem>>
      tpu.enqueue_dma source(%dma_start3A_322 : memref<80x128xf32, #tpu.memory_space<vmem>>) target(%dma_start3A_319 : memref<80x128xf32, #tpu.memory_space<vmem_shared>>) target_semaphore(%run_scoped3A : memref<!tpu.dma_semaphore, #tpu.memory_space<semaphore_mem>>)
      %dma_wait3A = arith.constant 0 : i32
      %dma_wait3A_323 = arith.constant 0 : i32
      %dma_wait3A_324 = tpu.memref_slice %arg10[%dma_wait3A, %dma_wait3A_323] : memref<128x128xf32, #tpu.memory_space<vmem>> -> memref<80x128xf32, #tpu.memory_space<vmem>>
      %dma_wait3A_325 = arith.constant 0 : i32
      %dma_wait3A_326 = tpu.memref_slice %arg13[%add3A_164, %dma_wait3A_325] : memref<5120x128xf32, #tpu.memory_space<vmem_shared>> -> memref<80x128xf32, #tpu.memory_space<vmem_shared>>
      %dma_wait3A_327 = arith.constant 0 : i32
      %dma_wait3A_328 = tpu.memref_slice %arg13[%add3A_164, %dma_wait3A_327] : memref<5120x128xf32, #tpu.memory_space<vmem_shared>> -> memref<80x128xf32, #tpu.memory_space<vmem_shared>>
      %dma_wait3A_329 = arith.constant 0 : i32
      %dma_wait3A_330 = arith.constant 0 : i32
      %dma_wait3A_331 = tpu.memref_slice %arg10[%dma_wait3A_329, %dma_wait3A_330] : memref<128x128xf32, #tpu.memory_space<vmem>> -> memref<80x128xf32, #tpu.memory_space<vmem>>
      tpu.wait_dma2 semaphore(%run_scoped3A : memref<!tpu.dma_semaphore, #tpu.memory_space<semaphore_mem>>) src(%dma_wait3A_331 : memref<80x128xf32, #tpu.memory_space<vmem>>) dst(%dma_wait3A_328 : memref<80x128xf32, #tpu.memory_space<vmem_shared>>)
      tpu.yield
    }) : () -> ()
    %mul3A_165 = arith.constant 320 : i32
    %mul3A_166 = arith.muli %arg1, %mul3A_165 : i32
    %add3A_167 = arith.constant 160 : i32
    %add3A_168 = arith.addi %mul3A_166, %add3A_167 : i32
    "tpu.region"() ({
      %run_scoped3A = tpu.sem_alloc : memref<!tpu.dma_semaphore, #tpu.memory_space<semaphore_mem>>
      %dma_start3A = arith.constant 0 : i32
      %dma_start3A_314 = arith.constant 0 : i32
      %dma_start3A_315 = tpu.memref_slice %arg10[%dma_start3A, %dma_start3A_314] : memref<128x128xf32, #tpu.memory_space<vmem>> -> memref<80x128xf32, #tpu.memory_space<vmem>>
      %dma_start3A_316 = arith.constant 0 : i32
      %dma_start3A_317 = tpu.memref_slice %arg13[%add3A_168, %dma_start3A_316] : memref<5120x128xf32, #tpu.memory_space<vmem_shared>> -> memref<80x128xf32, #tpu.memory_space<vmem_shared>>
      %dma_start3A_318 = arith.constant 0 : i32
      %dma_start3A_319 = tpu.memref_slice %arg13[%add3A_168, %dma_start3A_318] : memref<5120x128xf32, #tpu.memory_space<vmem_shared>> -> memref<80x128xf32, #tpu.memory_space<vmem_shared>>
      %dma_start3A_320 = arith.constant 0 : i32
      %dma_start3A_321 = arith.constant 0 : i32
      %dma_start3A_322 = tpu.memref_slice %arg10[%dma_start3A_320, %dma_start3A_321] : memref<128x128xf32, #tpu.memory_space<vmem>> -> memref<80x128xf32, #tpu.memory_space<vmem>>
      tpu.enqueue_dma source(%dma_start3A_322 : memref<80x128xf32, #tpu.memory_space<vmem>>) target(%dma_start3A_319 : memref<80x128xf32, #tpu.memory_space<vmem_shared>>) target_semaphore(%run_scoped3A : memref<!tpu.dma_semaphore, #tpu.memory_space<semaphore_mem>>)
      %dma_wait3A = arith.constant 0 : i32
      %dma_wait3A_323 = arith.constant 0 : i32
      %dma_wait3A_324 = tpu.memref_slice %arg10[%dma_wait3A, %dma_wait3A_323] : memref<128x128xf32, #tpu.memory_space<vmem>> -> memref<80x128xf32, #tpu.memory_space<vmem>>
      %dma_wait3A_325 = arith.constant 0 : i32
      %dma_wait3A_326 = tpu.memref_slice %arg13[%add3A_168, %dma_wait3A_325] : memref<5120x128xf32, #tpu.memory_space<vmem_shared>> -> memref<80x128xf32, #tpu.memory_space<vmem_shared>>
      %dma_wait3A_327 = arith.constant 0 : i32
      %dma_wait3A_328 = tpu.memref_slice %arg13[%add3A_168, %dma_wait3A_327] : memref<5120x128xf32, #tpu.memory_space<vmem_shared>> -> memref<80x128xf32, #tpu.memory_space<vmem_shared>>
      %dma_wait3A_329 = arith.constant 0 : i32
      %dma_wait3A_330 = arith.constant 0 : i32
      %dma_wait3A_331 = tpu.memref_slice %arg10[%dma_wait3A_329, %dma_wait3A_330] : memref<128x128xf32, #tpu.memory_space<vmem>> -> memref<80x128xf32, #tpu.memory_space<vmem>>
      tpu.wait_dma2 semaphore(%run_scoped3A : memref<!tpu.dma_semaphore, #tpu.memory_space<semaphore_mem>>) src(%dma_wait3A_331 : memref<80x128xf32, #tpu.memory_space<vmem>>) dst(%dma_wait3A_328 : memref<80x128xf32, #tpu.memory_space<vmem_shared>>)
      tpu.yield
    }) : () -> ()
    %mul3A_169 = arith.constant 320 : i32
    %mul3A_170 = arith.muli %arg1, %mul3A_169 : i32
    %add3A_171 = arith.constant 240 : i32
    %add3A_172 = arith.addi %mul3A_170, %add3A_171 : i32
    "tpu.region"() ({
      %run_scoped3A = tpu.sem_alloc : memref<!tpu.dma_semaphore, #tpu.memory_space<semaphore_mem>>
      %dma_start3A = arith.constant 0 : i32
      %dma_start3A_314 = arith.constant 0 : i32
      %dma_start3A_315 = tpu.memref_slice %arg10[%dma_start3A, %dma_start3A_314] : memref<128x128xf32, #tpu.memory_space<vmem>> -> memref<80x128xf32, #tpu.memory_space<vmem>>
      %dma_start3A_316 = arith.constant 0 : i32
      %dma_start3A_317 = tpu.memref_slice %arg13[%add3A_172, %dma_start3A_316] : memref<5120x128xf32, #tpu.memory_space<vmem_shared>> -> memref<80x128xf32, #tpu.memory_space<vmem_shared>>
      %dma_start3A_318 = arith.constant 0 : i32
      %dma_start3A_319 = tpu.memref_slice %arg13[%add3A_172, %dma_start3A_318] : memref<5120x128xf32, #tpu.memory_space<vmem_shared>> -> memref<80x128xf32, #tpu.memory_space<vmem_shared>>
      %dma_start3A_320 = arith.constant 0 : i32
      %dma_start3A_321 = arith.constant 0 : i32
      %dma_start3A_322 = tpu.memref_slice %arg10[%dma_start3A_320, %dma_start3A_321] : memref<128x128xf32, #tpu.memory_space<vmem>> -> memref<80x128xf32, #tpu.memory_space<vmem>>
      tpu.enqueue_dma source(%dma_start3A_322 : memref<80x128xf32, #tpu.memory_space<vmem>>) target(%dma_start3A_319 : memref<80x128xf32, #tpu.memory_space<vmem_shared>>) target_semaphore(%run_scoped3A : memref<!tpu.dma_semaphore, #tpu.memory_space<semaphore_mem>>)
      %dma_wait3A = arith.constant 0 : i32
      %dma_wait3A_323 = arith.constant 0 : i32
      %dma_wait3A_324 = tpu.memref_slice %arg10[%dma_wait3A, %dma_wait3A_323] : memref<128x128xf32, #tpu.memory_space<vmem>> -> memref<80x128xf32, #tpu.memory_space<vmem>>
      %dma_wait3A_325 = arith.constant 0 : i32
      %dma_wait3A_326 = tpu.memref_slice %arg13[%add3A_172, %dma_wait3A_325] : memref<5120x128xf32, #tpu.memory_space<vmem_shared>> -> memref<80x128xf32, #tpu.memory_space<vmem_shared>>
      %dma_wait3A_327 = arith.constant 0 : i32
      %dma_wait3A_328 = tpu.memref_slice %arg13[%add3A_172, %dma_wait3A_327] : memref<5120x128xf32, #tpu.memory_space<vmem_shared>> -> memref<80x128xf32, #tpu.memory_space<vmem_shared>>
      %dma_wait3A_329 = arith.constant 0 : i32
      %dma_wait3A_330 = arith.constant 0 : i32
      %dma_wait3A_331 = tpu.memref_slice %arg10[%dma_wait3A_329, %dma_wait3A_330] : memref<128x128xf32, #tpu.memory_space<vmem>> -> memref<80x128xf32, #tpu.memory_space<vmem>>
      tpu.wait_dma2 semaphore(%run_scoped3A : memref<!tpu.dma_semaphore, #tpu.memory_space<semaphore_mem>>) src(%dma_wait3A_331 : memref<80x128xf32, #tpu.memory_space<vmem>>) dst(%dma_wait3A_328 : memref<80x128xf32, #tpu.memory_space<vmem_shared>>)
      tpu.yield
    }) : () -> ()
    %barrier3A_173 = arith.constant 0 : index
    tpu.barrier barrier_id(%barrier3A_173)
    %scan3A_174 = arith.constant 0 : i32
    %scan3A_175 = arith.constant 20 : i32
    %scan3A_176 = arith.addi %scan3A_174, %scan3A_175 : i32
    %scan3A_177 = arith.constant 1 : i32
    scf.for %scan3A_314 = %scan3A_174 to %scan3A_176 step %scan3A_177  : i32 {
      %mul3A_315 = arith.constant 1 : i32
      %mul3A_316 = arith.muli %scan3A_314, %mul3A_315 : i32
      %add3A_317 = arith.constant 0 : i32
      %add3A_318 = arith.addi %add3A_317, %mul3A_316 : i32
      %mul3A_319 = arith.constant 160 : i32
      %mul3A_320 = arith.muli %arg1, %mul3A_319 : i32
      %mul3A_321 = arith.constant 8 : i32
      %mul3A_322 = arith.muli %add3A_318, %mul3A_321 : i32
      %add3A_323 = arith.addi %mul3A_320, %mul3A_322 : i32
      %mul3A_324 = arith.constant 2560 : i32
      %mul3A_325 = arith.muli %add3A_105, %mul3A_324 : i32
      %add3A_326 = arith.addi %mul3A_325, %add3A_323 : i32
      "tpu.region"() ({
        %run_scoped3A_446 = tpu.sem_alloc : memref<!tpu.dma_semaphore, #tpu.memory_space<semaphore_mem>>
        %dma_start3A_447 = arith.constant 0 : i32
        %dma_start3A_448 = tpu.memref_slice %arg3[%add3A_326, %dma_start3A_447] : memref<10240x128xi32, #tpu.memory_space<hbm>> -> memref<8x128xi32, #tpu.memory_space<hbm>>
        %dma_start3A_449 = arith.constant 0 : i32
        %dma_start3A_450 = tpu.memref_slice %arg3[%add3A_326, %dma_start3A_449] : memref<10240x128xi32, #tpu.memory_space<hbm>> -> memref<8x128xi32, #tpu.memory_space<hbm>>
        tpu.enqueue_dma source(%dma_start3A_450 : memref<8x128xi32, #tpu.memory_space<hbm>>) target(%arg8 : memref<8x128xi32, #tpu.memory_space<vmem>>) target_semaphore(%run_scoped3A_446 : memref<!tpu.dma_semaphore, #tpu.memory_space<semaphore_mem>>)
        %dma_wait3A_451 = arith.constant 0 : i32
        %dma_wait3A_452 = tpu.memref_slice %arg3[%add3A_326, %dma_wait3A_451] : memref<10240x128xi32, #tpu.memory_space<hbm>> -> memref<8x128xi32, #tpu.memory_space<hbm>>
        %dma_wait3A_453 = arith.constant 0 : i32
        %dma_wait3A_454 = tpu.memref_slice %arg3[%add3A_326, %dma_wait3A_453] : memref<10240x128xi32, #tpu.memory_space<hbm>> -> memref<8x128xi32, #tpu.memory_space<hbm>>
        tpu.wait_dma2 semaphore(%run_scoped3A_446 : memref<!tpu.dma_semaphore, #tpu.memory_space<semaphore_mem>>) src(%dma_wait3A_454 : memref<8x128xi32, #tpu.memory_space<hbm>>) dst(%arg8 : memref<8x128xi32, #tpu.memory_space<vmem>>)
        tpu.yield
      }) : () -> ()
      %add3A_327 = arith.constant 2560 : i32
      %add3A_328 = arith.addi %add3A_327, %add3A_323 : i32
      "tpu.region"() ({
        %run_scoped3A_446 = tpu.sem_alloc : memref<!tpu.dma_semaphore, #tpu.memory_space<semaphore_mem>>
        %dma_start3A_447 = arith.constant 0 : i32
        %dma_start3A_448 = tpu.memref_slice %arg4[%add3A_328, %dma_start3A_447] : memref<5120x128xi32, #tpu.memory_space<hbm>> -> memref<8x128xi32, #tpu.memory_space<hbm>>
        %dma_start3A_449 = arith.constant 0 : i32
        %dma_start3A_450 = tpu.memref_slice %arg4[%add3A_328, %dma_start3A_449] : memref<5120x128xi32, #tpu.memory_space<hbm>> -> memref<8x128xi32, #tpu.memory_space<hbm>>
        tpu.enqueue_dma source(%dma_start3A_450 : memref<8x128xi32, #tpu.memory_space<hbm>>) target(%arg9 : memref<8x128xi32, #tpu.memory_space<vmem>>) target_semaphore(%run_scoped3A_446 : memref<!tpu.dma_semaphore, #tpu.memory_space<semaphore_mem>>)
        %dma_wait3A_451 = arith.constant 0 : i32
        %dma_wait3A_452 = tpu.memref_slice %arg4[%add3A_328, %dma_wait3A_451] : memref<5120x128xi32, #tpu.memory_space<hbm>> -> memref<8x128xi32, #tpu.memory_space<hbm>>
        %dma_wait3A_453 = arith.constant 0 : i32
        %dma_wait3A_454 = tpu.memref_slice %arg4[%add3A_328, %dma_wait3A_453] : memref<5120x128xi32, #tpu.memory_space<hbm>> -> memref<8x128xi32, #tpu.memory_space<hbm>>
        tpu.wait_dma2 semaphore(%run_scoped3A_446 : memref<!tpu.dma_semaphore, #tpu.memory_space<semaphore_mem>>) src(%dma_wait3A_454 : memref<8x128xi32, #tpu.memory_space<hbm>>) dst(%arg9 : memref<8x128xi32, #tpu.memory_space<vmem>>)
        tpu.yield
      }) : () -> ()
      %dma_start3A = arith.constant 0 : i32
      %dma_start3A_329 = arith.constant 0 : i32
      %dma_start3A_330 = tpu.memref_slice %arg8[%dma_start3A, %dma_start3A_329] : memref<8x128xi32, #tpu.memory_space<vmem>> -> memref<1x128xi32, #tpu.memory_space<vmem>>
      %dma_start3A_331 = tpu.memref_squeeze %dma_start3A_330 : memref<1x128xi32, #tpu.memory_space<vmem>> -> memref<128xi32, #tpu.memory_space<vmem>>
      %dma_start3A_332 = arith.constant 0 : i32
      %dma_start3A_333 = arith.constant 0 : i32
      %dma_start3A_334 = tpu.memref_slice %arg2[%dma_start3A_332, %dma_start3A_333] : memref<40000x128xf32, #tpu.memory_space<hbm>> -> memref<40000x128xf32, #tpu.memory_space<hbm>>
      tpu.enqueue_indirect_dma source(%dma_start3A_334 : memref<40000x128xf32, #tpu.memory_space<hbm>>) target(%arg10 : memref<128x128xf32, #tpu.memory_space<vmem>>) offsets(%dma_start3A_331 : memref<128xi32, #tpu.memory_space<vmem>>) semaphore(%arg14 : memref<!tpu.dma_semaphore, #tpu.memory_space<semaphore_mem>>)
      %dma_start3A_335 = arith.constant 1 : i32
      %dma_start3A_336 = arith.constant 0 : i32
      %dma_start3A_337 = tpu.memref_slice %arg8[%dma_start3A_335, %dma_start3A_336] : memref<8x128xi32, #tpu.memory_space<vmem>> -> memref<1x128xi32, #tpu.memory_space<vmem>>
      %dma_start3A_338 = tpu.memref_squeeze %dma_start3A_337 : memref<1x128xi32, #tpu.memory_space<vmem>> -> memref<128xi32, #tpu.memory_space<vmem>>
      %dma_start3A_339 = arith.constant 0 : i32
      %dma_start3A_340 = arith.constant 0 : i32
      %dma_start3A_341 = tpu.memref_slice %arg2[%dma_start3A_339, %dma_start3A_340] : memref<40000x128xf32, #tpu.memory_space<hbm>> -> memref<40000x128xf32, #tpu.memory_space<hbm>>
      tpu.enqueue_indirect_dma source(%dma_start3A_341 : memref<40000x128xf32, #tpu.memory_space<hbm>>) target(%arg11 : memref<128x128xf32, #tpu.memory_space<vmem>>) offsets(%dma_start3A_338 : memref<128xi32, #tpu.memory_space<vmem>>) semaphore(%arg15 : memref<!tpu.dma_semaphore, #tpu.memory_space<semaphore_mem>>)
      %dma_start3A_342 = arith.constant 2 : i32
      %dma_start3A_343 = arith.constant 0 : i32
      %dma_start3A_344 = tpu.memref_slice %arg8[%dma_start3A_342, %dma_start3A_343] : memref<8x128xi32, #tpu.memory_space<vmem>> -> memref<1x128xi32, #tpu.memory_space<vmem>>
      %dma_start3A_345 = tpu.memref_squeeze %dma_start3A_344 : memref<1x128xi32, #tpu.memory_space<vmem>> -> memref<128xi32, #tpu.memory_space<vmem>>
      %dma_start3A_346 = arith.constant 0 : i32
      %dma_start3A_347 = arith.constant 0 : i32
      %dma_start3A_348 = tpu.memref_slice %arg2[%dma_start3A_346, %dma_start3A_347] : memref<40000x128xf32, #tpu.memory_space<hbm>> -> memref<40000x128xf32, #tpu.memory_space<hbm>>
      tpu.enqueue_indirect_dma source(%dma_start3A_348 : memref<40000x128xf32, #tpu.memory_space<hbm>>) target(%arg12 : memref<128x128xf32, #tpu.memory_space<vmem>>) offsets(%dma_start3A_345 : memref<128xi32, #tpu.memory_space<vmem>>) semaphore(%arg16 : memref<!tpu.dma_semaphore, #tpu.memory_space<semaphore_mem>>)
      %dma_wait3A = arith.constant 0 : i32
      %dma_wait3A_349 = arith.constant 0 : i32
      %dma_wait3A_350 = tpu.memref_slice %arg8[%dma_wait3A, %dma_wait3A_349] : memref<8x128xi32, #tpu.memory_space<vmem>> -> memref<1x128xi32, #tpu.memory_space<vmem>>
      %dma_wait3A_351 = tpu.memref_squeeze %dma_wait3A_350 : memref<1x128xi32, #tpu.memory_space<vmem>> -> memref<128xi32, #tpu.memory_space<vmem>>
      %dma_wait3A_352 = arith.constant 0 : i32
      %dma_wait3A_353 = arith.constant 0 : i32
      %dma_wait3A_354 = tpu.memref_slice %arg2[%dma_wait3A_352, %dma_wait3A_353] : memref<40000x128xf32, #tpu.memory_space<hbm>> -> memref<40000x128xf32, #tpu.memory_space<hbm>>
      tpu.wait_indirect_dma semaphore(%arg14 : memref<!tpu.dma_semaphore, #tpu.memory_space<semaphore_mem>>) src(%dma_wait3A_354 : memref<40000x128xf32, #tpu.memory_space<hbm>>) dst(%arg10 : memref<128x128xf32, #tpu.memory_space<vmem>>)
      %run_scoped3A = arith.constant 0 : i32
      "tpu.region"() ({
        %run_scoped3A_446 = tpu.sem_alloc : memref<!tpu.dma_semaphore, #tpu.memory_space<semaphore_mem>>
        %dma_start3A_447 = arith.constant 0 : i32
        %dma_start3A_448 = tpu.memref_slice %arg9[%run_scoped3A, %dma_start3A_447] : memref<8x128xi32, #tpu.memory_space<vmem>> -> memref<1x128xi32, #tpu.memory_space<vmem>>
        %dma_start3A_449 = tpu.memref_squeeze %dma_start3A_448 : memref<1x128xi32, #tpu.memory_space<vmem>> -> memref<128xi32, #tpu.memory_space<vmem>>
        %dma_start3A_450 = arith.constant 0 : i32
        %dma_start3A_451 = arith.constant 0 : i32
        %dma_start3A_452 = tpu.memref_slice %arg13[%dma_start3A_450, %dma_start3A_451] : memref<5120x128xf32, #tpu.memory_space<vmem_shared>> -> memref<5120x128xf32, #tpu.memory_space<vmem_shared>>
        tpu.enqueue_indirect_dma source(%arg10 : memref<128x128xf32, #tpu.memory_space<vmem>>) target(%dma_start3A_452 : memref<5120x128xf32, #tpu.memory_space<vmem_shared>>) offsets(%dma_start3A_449 : memref<128xi32, #tpu.memory_space<vmem>>) semaphore(%run_scoped3A_446 : memref<!tpu.dma_semaphore, #tpu.memory_space<semaphore_mem>>) {add = true}
        %dma_wait3A_453 = arith.constant 0 : i32
        %dma_wait3A_454 = tpu.memref_slice %arg9[%run_scoped3A, %dma_wait3A_453] : memref<8x128xi32, #tpu.memory_space<vmem>> -> memref<1x128xi32, #tpu.memory_space<vmem>>
        %dma_wait3A_455 = tpu.memref_squeeze %dma_wait3A_454 : memref<1x128xi32, #tpu.memory_space<vmem>> -> memref<128xi32, #tpu.memory_space<vmem>>
        %dma_wait3A_456 = arith.constant 0 : i32
        %dma_wait3A_457 = arith.constant 0 : i32
        %dma_wait3A_458 = tpu.memref_slice %arg13[%dma_wait3A_456, %dma_wait3A_457] : memref<5120x128xf32, #tpu.memory_space<vmem_shared>> -> memref<5120x128xf32, #tpu.memory_space<vmem_shared>>
        tpu.wait_indirect_dma semaphore(%run_scoped3A_446 : memref<!tpu.dma_semaphore, #tpu.memory_space<semaphore_mem>>) src(%arg10 : memref<128x128xf32, #tpu.memory_space<vmem>>) dst(%dma_wait3A_458 : memref<5120x128xf32, #tpu.memory_space<vmem_shared>>)
        tpu.yield
      }) : () -> ()
      %dma_start3A_355 = arith.constant 3 : i32
      %dma_start3A_356 = arith.constant 0 : i32
      %dma_start3A_357 = tpu.memref_slice %arg8[%dma_start3A_355, %dma_start3A_356] : memref<8x128xi32, #tpu.memory_space<vmem>> -> memref<1x128xi32, #tpu.memory_space<vmem>>
      %dma_start3A_358 = tpu.memref_squeeze %dma_start3A_357 : memref<1x128xi32, #tpu.memory_space<vmem>> -> memref<128xi32, #tpu.memory_space<vmem>>
      %dma_start3A_359 = arith.constant 0 : i32
      %dma_start3A_360 = arith.constant 0 : i32
      %dma_start3A_361 = tpu.memref_slice %arg2[%dma_start3A_359, %dma_start3A_360] : memref<40000x128xf32, #tpu.memory_space<hbm>> -> memref<40000x128xf32, #tpu.memory_space<hbm>>
      tpu.enqueue_indirect_dma source(%dma_start3A_361 : memref<40000x128xf32, #tpu.memory_space<hbm>>) target(%arg10 : memref<128x128xf32, #tpu.memory_space<vmem>>) offsets(%dma_start3A_358 : memref<128xi32, #tpu.memory_space<vmem>>) semaphore(%arg14 : memref<!tpu.dma_semaphore, #tpu.memory_space<semaphore_mem>>)
      %dma_wait3A_362 = arith.constant 1 : i32
      %dma_wait3A_363 = arith.constant 0 : i32
      %dma_wait3A_364 = tpu.memref_slice %arg8[%dma_wait3A_362, %dma_wait3A_363] : memref<8x128xi32, #tpu.memory_space<vmem>> -> memref<1x128xi32, #tpu.memory_space<vmem>>
      %dma_wait3A_365 = tpu.memref_squeeze %dma_wait3A_364 : memref<1x128xi32, #tpu.memory_space<vmem>> -> memref<128xi32, #tpu.memory_space<vmem>>
      %dma_wait3A_366 = arith.constant 0 : i32
      %dma_wait3A_367 = arith.constant 0 : i32
      %dma_wait3A_368 = tpu.memref_slice %arg2[%dma_wait3A_366, %dma_wait3A_367] : memref<40000x128xf32, #tpu.memory_space<hbm>> -> memref<40000x128xf32, #tpu.memory_space<hbm>>
      tpu.wait_indirect_dma semaphore(%arg15 : memref<!tpu.dma_semaphore, #tpu.memory_space<semaphore_mem>>) src(%dma_wait3A_368 : memref<40000x128xf32, #tpu.memory_space<hbm>>) dst(%arg11 : memref<128x128xf32, #tpu.memory_space<vmem>>)
      %run_scoped3A_369 = arith.constant 1 : i32
      "tpu.region"() ({
        %run_scoped3A_446 = tpu.sem_alloc : memref<!tpu.dma_semaphore, #tpu.memory_space<semaphore_mem>>
        %dma_start3A_447 = arith.constant 0 : i32
        %dma_start3A_448 = tpu.memref_slice %arg9[%run_scoped3A_369, %dma_start3A_447] : memref<8x128xi32, #tpu.memory_space<vmem>> -> memref<1x128xi32, #tpu.memory_space<vmem>>
        %dma_start3A_449 = tpu.memref_squeeze %dma_start3A_448 : memref<1x128xi32, #tpu.memory_space<vmem>> -> memref<128xi32, #tpu.memory_space<vmem>>
        %dma_start3A_450 = arith.constant 0 : i32
        %dma_start3A_451 = arith.constant 0 : i32
        %dma_start3A_452 = tpu.memref_slice %arg13[%dma_start3A_450, %dma_start3A_451] : memref<5120x128xf32, #tpu.memory_space<vmem_shared>> -> memref<5120x128xf32, #tpu.memory_space<vmem_shared>>
        tpu.enqueue_indirect_dma source(%arg11 : memref<128x128xf32, #tpu.memory_space<vmem>>) target(%dma_start3A_452 : memref<5120x128xf32, #tpu.memory_space<vmem_shared>>) offsets(%dma_start3A_449 : memref<128xi32, #tpu.memory_space<vmem>>) semaphore(%run_scoped3A_446 : memref<!tpu.dma_semaphore, #tpu.memory_space<semaphore_mem>>) {add = true}
        %dma_wait3A_453 = arith.constant 0 : i32
        %dma_wait3A_454 = tpu.memref_slice %arg9[%run_scoped3A_369, %dma_wait3A_453] : memref<8x128xi32, #tpu.memory_space<vmem>> -> memref<1x128xi32, #tpu.memory_space<vmem>>
        %dma_wait3A_455 = tpu.memref_squeeze %dma_wait3A_454 : memref<1x128xi32, #tpu.memory_space<vmem>> -> memref<128xi32, #tpu.memory_space<vmem>>
        %dma_wait3A_456 = arith.constant 0 : i32
        %dma_wait3A_457 = arith.constant 0 : i32
        %dma_wait3A_458 = tpu.memref_slice %arg13[%dma_wait3A_456, %dma_wait3A_457] : memref<5120x128xf32, #tpu.memory_space<vmem_shared>> -> memref<5120x128xf32, #tpu.memory_space<vmem_shared>>
        tpu.wait_indirect_dma semaphore(%run_scoped3A_446 : memref<!tpu.dma_semaphore, #tpu.memory_space<semaphore_mem>>) src(%arg11 : memref<128x128xf32, #tpu.memory_space<vmem>>) dst(%dma_wait3A_458 : memref<5120x128xf32, #tpu.memory_space<vmem_shared>>)
        tpu.yield
      }) : () -> ()
      %dma_start3A_370 = arith.constant 4 : i32
      %dma_start3A_371 = arith.constant 0 : i32
      %dma_start3A_372 = tpu.memref_slice %arg8[%dma_start3A_370, %dma_start3A_371] : memref<8x128xi32, #tpu.memory_space<vmem>> -> memref<1x128xi32, #tpu.memory_space<vmem>>
      %dma_start3A_373 = tpu.memref_squeeze %dma_start3A_372 : memref<1x128xi32, #tpu.memory_space<vmem>> -> memref<128xi32, #tpu.memory_space<vmem>>
      %dma_start3A_374 = arith.constant 0 : i32
      %dma_start3A_375 = arith.constant 0 : i32
      %dma_start3A_376 = tpu.memref_slice %arg2[%dma_start3A_374, %dma_start3A_375] : memref<40000x128xf32, #tpu.memory_space<hbm>> -> memref<40000x128xf32, #tpu.memory_space<hbm>>
      tpu.enqueue_indirect_dma source(%dma_start3A_376 : memref<40000x128xf32, #tpu.memory_space<hbm>>) target(%arg11 : memref<128x128xf32, #tpu.memory_space<vmem>>) offsets(%dma_start3A_373 : memref<128xi32, #tpu.memory_space<vmem>>) semaphore(%arg15 : memref<!tpu.dma_semaphore, #tpu.memory_space<semaphore_mem>>)
      %dma_wait3A_377 = arith.constant 2 : i32
      %dma_wait3A_378 = arith.constant 0 : i32
      %dma_wait3A_379 = tpu.memref_slice %arg8[%dma_wait3A_377, %dma_wait3A_378] : memref<8x128xi32, #tpu.memory_space<vmem>> -> memref<1x128xi32, #tpu.memory_space<vmem>>
      %dma_wait3A_380 = tpu.memref_squeeze %dma_wait3A_379 : memref<1x128xi32, #tpu.memory_space<vmem>> -> memref<128xi32, #tpu.memory_space<vmem>>
      %dma_wait3A_381 = arith.constant 0 : i32
      %dma_wait3A_382 = arith.constant 0 : i32
      %dma_wait3A_383 = tpu.memref_slice %arg2[%dma_wait3A_381, %dma_wait3A_382] : memref<40000x128xf32, #tpu.memory_space<hbm>> -> memref<40000x128xf32, #tpu.memory_space<hbm>>
      tpu.wait_indirect_dma semaphore(%arg16 : memref<!tpu.dma_semaphore, #tpu.memory_space<semaphore_mem>>) src(%dma_wait3A_383 : memref<40000x128xf32, #tpu.memory_space<hbm>>) dst(%arg12 : memref<128x128xf32, #tpu.memory_space<vmem>>)
      %run_scoped3A_384 = arith.constant 2 : i32
      "tpu.region"() ({
        %run_scoped3A_446 = tpu.sem_alloc : memref<!tpu.dma_semaphore, #tpu.memory_space<semaphore_mem>>
        %dma_start3A_447 = arith.constant 0 : i32
        %dma_start3A_448 = tpu.memref_slice %arg9[%run_scoped3A_384, %dma_start3A_447] : memref<8x128xi32, #tpu.memory_space<vmem>> -> memref<1x128xi32, #tpu.memory_space<vmem>>
        %dma_start3A_449 = tpu.memref_squeeze %dma_start3A_448 : memref<1x128xi32, #tpu.memory_space<vmem>> -> memref<128xi32, #tpu.memory_space<vmem>>
        %dma_start3A_450 = arith.constant 0 : i32
        %dma_start3A_451 = arith.constant 0 : i32
        %dma_start3A_452 = tpu.memref_slice %arg13[%dma_start3A_450, %dma_start3A_451] : memref<5120x128xf32, #tpu.memory_space<vmem_shared>> -> memref<5120x128xf32, #tpu.memory_space<vmem_shared>>
        tpu.enqueue_indirect_dma source(%arg12 : memref<128x128xf32, #tpu.memory_space<vmem>>) target(%dma_start3A_452 : memref<5120x128xf32, #tpu.memory_space<vmem_shared>>) offsets(%dma_start3A_449 : memref<128xi32, #tpu.memory_space<vmem>>) semaphore(%run_scoped3A_446 : memref<!tpu.dma_semaphore, #tpu.memory_space<semaphore_mem>>) {add = true}
        %dma_wait3A_453 = arith.constant 0 : i32
        %dma_wait3A_454 = tpu.memref_slice %arg9[%run_scoped3A_384, %dma_wait3A_453] : memref<8x128xi32, #tpu.memory_space<vmem>> -> memref<1x128xi32, #tpu.memory_space<vmem>>
        %dma_wait3A_455 = tpu.memref_squeeze %dma_wait3A_454 : memref<1x128xi32, #tpu.memory_space<vmem>> -> memref<128xi32, #tpu.memory_space<vmem>>
        %dma_wait3A_456 = arith.constant 0 : i32
        %dma_wait3A_457 = arith.constant 0 : i32
        %dma_wait3A_458 = tpu.memref_slice %arg13[%dma_wait3A_456, %dma_wait3A_457] : memref<5120x128xf32, #tpu.memory_space<vmem_shared>> -> memref<5120x128xf32, #tpu.memory_space<vmem_shared>>
        tpu.wait_indirect_dma semaphore(%run_scoped3A_446 : memref<!tpu.dma_semaphore, #tpu.memory_space<semaphore_mem>>) src(%arg12 : memref<128x128xf32, #tpu.memory_space<vmem>>) dst(%dma_wait3A_458 : memref<5120x128xf32, #tpu.memory_space<vmem_shared>>)
        tpu.yield
      }) : () -> ()
      %dma_start3A_385 = arith.constant 5 : i32
      %dma_start3A_386 = arith.constant 0 : i32
      %dma_start3A_387 = tpu.memref_slice %arg8[%dma_start3A_385, %dma_start3A_386] : memref<8x128xi32, #tpu.memory_space<vmem>> -> memref<1x128xi32, #tpu.memory_space<vmem>>
      %dma_start3A_388 = tpu.memref_squeeze %dma_start3A_387 : memref<1x128xi32, #tpu.memory_space<vmem>> -> memref<128xi32, #tpu.memory_space<vmem>>
      %dma_start3A_389 = arith.constant 0 : i32
      %dma_start3A_390 = arith.constant 0 : i32
      %dma_start3A_391 = tpu.memref_slice %arg2[%dma_start3A_389, %dma_start3A_390] : memref<40000x128xf32, #tpu.memory_space<hbm>> -> memref<40000x128xf32, #tpu.memory_space<hbm>>
      tpu.enqueue_indirect_dma source(%dma_start3A_391 : memref<40000x128xf32, #tpu.memory_space<hbm>>) target(%arg12 : memref<128x128xf32, #tpu.memory_space<vmem>>) offsets(%dma_start3A_388 : memref<128xi32, #tpu.memory_space<vmem>>) semaphore(%arg16 : memref<!tpu.dma_semaphore, #tpu.memory_space<semaphore_mem>>)
      %dma_wait3A_392 = arith.constant 3 : i32
      %dma_wait3A_393 = arith.constant 0 : i32
      %dma_wait3A_394 = tpu.memref_slice %arg8[%dma_wait3A_392, %dma_wait3A_393] : memref<8x128xi32, #tpu.memory_space<vmem>> -> memref<1x128xi32, #tpu.memory_space<vmem>>
      %dma_wait3A_395 = tpu.memref_squeeze %dma_wait3A_394 : memref<1x128xi32, #tpu.memory_space<vmem>> -> memref<128xi32, #tpu.memory_space<vmem>>
      %dma_wait3A_396 = arith.constant 0 : i32
      %dma_wait3A_397 = arith.constant 0 : i32
      %dma_wait3A_398 = tpu.memref_slice %arg2[%dma_wait3A_396, %dma_wait3A_397] : memref<40000x128xf32, #tpu.memory_space<hbm>> -> memref<40000x128xf32, #tpu.memory_space<hbm>>
      tpu.wait_indirect_dma semaphore(%arg14 : memref<!tpu.dma_semaphore, #tpu.memory_space<semaphore_mem>>) src(%dma_wait3A_398 : memref<40000x128xf32, #tpu.memory_space<hbm>>) dst(%arg10 : memref<128x128xf32, #tpu.memory_space<vmem>>)
      %run_scoped3A_399 = arith.constant 3 : i32
      "tpu.region"() ({
        %run_scoped3A_446 = tpu.sem_alloc : memref<!tpu.dma_semaphore, #tpu.memory_space<semaphore_mem>>
        %dma_start3A_447 = arith.constant 0 : i32
        %dma_start3A_448 = tpu.memref_slice %arg9[%run_scoped3A_399, %dma_start3A_447] : memref<8x128xi32, #tpu.memory_space<vmem>> -> memref<1x128xi32, #tpu.memory_space<vmem>>
        %dma_start3A_449 = tpu.memref_squeeze %dma_start3A_448 : memref<1x128xi32, #tpu.memory_space<vmem>> -> memref<128xi32, #tpu.memory_space<vmem>>
        %dma_start3A_450 = arith.constant 0 : i32
        %dma_start3A_451 = arith.constant 0 : i32
        %dma_start3A_452 = tpu.memref_slice %arg13[%dma_start3A_450, %dma_start3A_451] : memref<5120x128xf32, #tpu.memory_space<vmem_shared>> -> memref<5120x128xf32, #tpu.memory_space<vmem_shared>>
        tpu.enqueue_indirect_dma source(%arg10 : memref<128x128xf32, #tpu.memory_space<vmem>>) target(%dma_start3A_452 : memref<5120x128xf32, #tpu.memory_space<vmem_shared>>) offsets(%dma_start3A_449 : memref<128xi32, #tpu.memory_space<vmem>>) semaphore(%run_scoped3A_446 : memref<!tpu.dma_semaphore, #tpu.memory_space<semaphore_mem>>) {add = true}
        %dma_wait3A_453 = arith.constant 0 : i32
        %dma_wait3A_454 = tpu.memref_slice %arg9[%run_scoped3A_399, %dma_wait3A_453] : memref<8x128xi32, #tpu.memory_space<vmem>> -> memref<1x128xi32, #tpu.memory_space<vmem>>
        %dma_wait3A_455 = tpu.memref_squeeze %dma_wait3A_454 : memref<1x128xi32, #tpu.memory_space<vmem>> -> memref<128xi32, #tpu.memory_space<vmem>>
        %dma_wait3A_456 = arith.constant 0 : i32
        %dma_wait3A_457 = arith.constant 0 : i32
        %dma_wait3A_458 = tpu.memref_slice %arg13[%dma_wait3A_456, %dma_wait3A_457] : memref<5120x128xf32, #tpu.memory_space<vmem_shared>> -> memref<5120x128xf32, #tpu.memory_space<vmem_shared>>
        tpu.wait_indirect_dma semaphore(%run_scoped3A_446 : memref<!tpu.dma_semaphore, #tpu.memory_space<semaphore_mem>>) src(%arg10 : memref<128x128xf32, #tpu.memory_space<vmem>>) dst(%dma_wait3A_458 : memref<5120x128xf32, #tpu.memory_space<vmem_shared>>)
        tpu.yield
      }) : () -> ()
      %dma_start3A_400 = arith.constant 6 : i32
      %dma_start3A_401 = arith.constant 0 : i32
      %dma_start3A_402 = tpu.memref_slice %arg8[%dma_start3A_400, %dma_start3A_401] : memref<8x128xi32, #tpu.memory_space<vmem>> -> memref<1x128xi32, #tpu.memory_space<vmem>>
      %dma_start3A_403 = tpu.memref_squeeze %dma_start3A_402 : memref<1x128xi32, #tpu.memory_space<vmem>> -> memref<128xi32, #tpu.memory_space<vmem>>
      %dma_start3A_404 = arith.constant 0 : i32
      %dma_start3A_405 = arith.constant 0 : i32
      %dma_start3A_406 = tpu.memref_slice %arg2[%dma_start3A_404, %dma_start3A_405] : memref<40000x128xf32, #tpu.memory_space<hbm>> -> memref<40000x128xf32, #tpu.memory_space<hbm>>
      tpu.enqueue_indirect_dma source(%dma_start3A_406 : memref<40000x128xf32, #tpu.memory_space<hbm>>) target(%arg10 : memref<128x128xf32, #tpu.memory_space<vmem>>) offsets(%dma_start3A_403 : memref<128xi32, #tpu.memory_space<vmem>>) semaphore(%arg14 : memref<!tpu.dma_semaphore, #tpu.memory_space<semaphore_mem>>)
      %dma_wait3A_407 = arith.constant 4 : i32
      %dma_wait3A_408 = arith.constant 0 : i32
      %dma_wait3A_409 = tpu.memref_slice %arg8[%dma_wait3A_407, %dma_wait3A_408] : memref<8x128xi32, #tpu.memory_space<vmem>> -> memref<1x128xi32, #tpu.memory_space<vmem>>
      %dma_wait3A_410 = tpu.memref_squeeze %dma_wait3A_409 : memref<1x128xi32, #tpu.memory_space<vmem>> -> memref<128xi32, #tpu.memory_space<vmem>>
      %dma_wait3A_411 = arith.constant 0 : i32
      %dma_wait3A_412 = arith.constant 0 : i32
      %dma_wait3A_413 = tpu.memref_slice %arg2[%dma_wait3A_411, %dma_wait3A_412] : memref<40000x128xf32, #tpu.memory_space<hbm>> -> memref<40000x128xf32, #tpu.memory_space<hbm>>
      tpu.wait_indirect_dma semaphore(%arg15 : memref<!tpu.dma_semaphore, #tpu.memory_space<semaphore_mem>>) src(%dma_wait3A_413 : memref<40000x128xf32, #tpu.memory_space<hbm>>) dst(%arg11 : memref<128x128xf32, #tpu.memory_space<vmem>>)
      %run_scoped3A_414 = arith.constant 4 : i32
      "tpu.region"() ({
        %run_scoped3A_446 = tpu.sem_alloc : memref<!tpu.dma_semaphore, #tpu.memory_space<semaphore_mem>>
        %dma_start3A_447 = arith.constant 0 : i32
        %dma_start3A_448 = tpu.memref_slice %arg9[%run_scoped3A_414, %dma_start3A_447] : memref<8x128xi32, #tpu.memory_space<vmem>> -> memref<1x128xi32, #tpu.memory_space<vmem>>
        %dma_start3A_449 = tpu.memref_squeeze %dma_start3A_448 : memref<1x128xi32, #tpu.memory_space<vmem>> -> memref<128xi32, #tpu.memory_space<vmem>>
        %dma_start3A_450 = arith.constant 0 : i32
        %dma_start3A_451 = arith.constant 0 : i32
        %dma_start3A_452 = tpu.memref_slice %arg13[%dma_start3A_450, %dma_start3A_451] : memref<5120x128xf32, #tpu.memory_space<vmem_shared>> -> memref<5120x128xf32, #tpu.memory_space<vmem_shared>>
        tpu.enqueue_indirect_dma source(%arg11 : memref<128x128xf32, #tpu.memory_space<vmem>>) target(%dma_start3A_452 : memref<5120x128xf32, #tpu.memory_space<vmem_shared>>) offsets(%dma_start3A_449 : memref<128xi32, #tpu.memory_space<vmem>>) semaphore(%run_scoped3A_446 : memref<!tpu.dma_semaphore, #tpu.memory_space<semaphore_mem>>) {add = true}
        %dma_wait3A_453 = arith.constant 0 : i32
        %dma_wait3A_454 = tpu.memref_slice %arg9[%run_scoped3A_414, %dma_wait3A_453] : memref<8x128xi32, #tpu.memory_space<vmem>> -> memref<1x128xi32, #tpu.memory_space<vmem>>
        %dma_wait3A_455 = tpu.memref_squeeze %dma_wait3A_454 : memref<1x128xi32, #tpu.memory_space<vmem>> -> memref<128xi32, #tpu.memory_space<vmem>>
        %dma_wait3A_456 = arith.constant 0 : i32
        %dma_wait3A_457 = arith.constant 0 : i32
        %dma_wait3A_458 = tpu.memref_slice %arg13[%dma_wait3A_456, %dma_wait3A_457] : memref<5120x128xf32, #tpu.memory_space<vmem_shared>> -> memref<5120x128xf32, #tpu.memory_space<vmem_shared>>
        tpu.wait_indirect_dma semaphore(%run_scoped3A_446 : memref<!tpu.dma_semaphore, #tpu.memory_space<semaphore_mem>>) src(%arg11 : memref<128x128xf32, #tpu.memory_space<vmem>>) dst(%dma_wait3A_458 : memref<5120x128xf32, #tpu.memory_space<vmem_shared>>)
        tpu.yield
      }) : () -> ()
      %dma_start3A_415 = arith.constant 7 : i32
      %dma_start3A_416 = arith.constant 0 : i32
      %dma_start3A_417 = tpu.memref_slice %arg8[%dma_start3A_415, %dma_start3A_416] : memref<8x128xi32, #tpu.memory_space<vmem>> -> memref<1x128xi32, #tpu.memory_space<vmem>>
      %dma_start3A_418 = tpu.memref_squeeze %dma_start3A_417 : memref<1x128xi32, #tpu.memory_space<vmem>> -> memref<128xi32, #tpu.memory_space<vmem>>
      %dma_start3A_419 = arith.constant 0 : i32
      %dma_start3A_420 = arith.constant 0 : i32
      %dma_start3A_421 = tpu.memref_slice %arg2[%dma_start3A_419, %dma_start3A_420] : memref<40000x128xf32, #tpu.memory_space<hbm>> -> memref<40000x128xf32, #tpu.memory_space<hbm>>
      tpu.enqueue_indirect_dma source(%dma_start3A_421 : memref<40000x128xf32, #tpu.memory_space<hbm>>) target(%arg11 : memref<128x128xf32, #tpu.memory_space<vmem>>) offsets(%dma_start3A_418 : memref<128xi32, #tpu.memory_space<vmem>>) semaphore(%arg15 : memref<!tpu.dma_semaphore, #tpu.memory_space<semaphore_mem>>)
      %dma_wait3A_422 = arith.constant 5 : i32
      %dma_wait3A_423 = arith.constant 0 : i32
      %dma_wait3A_424 = tpu.memref_slice %arg8[%dma_wait3A_422, %dma_wait3A_423] : memref<8x128xi32, #tpu.memory_space<vmem>> -> memref<1x128xi32, #tpu.memory_space<vmem>>
      %dma_wait3A_425 = tpu.memref_squeeze %dma_wait3A_424 : memref<1x128xi32, #tpu.memory_space<vmem>> -> memref<128xi32, #tpu.memory_space<vmem>>
      %dma_wait3A_426 = arith.constant 0 : i32
      %dma_wait3A_427 = arith.constant 0 : i32
      %dma_wait3A_428 = tpu.memref_slice %arg2[%dma_wait3A_426, %dma_wait3A_427] : memref<40000x128xf32, #tpu.memory_space<hbm>> -> memref<40000x128xf32, #tpu.memory_space<hbm>>
      tpu.wait_indirect_dma semaphore(%arg16 : memref<!tpu.dma_semaphore, #tpu.memory_space<semaphore_mem>>) src(%dma_wait3A_428 : memref<40000x128xf32, #tpu.memory_space<hbm>>) dst(%arg12 : memref<128x128xf32, #tpu.memory_space<vmem>>)
      %run_scoped3A_429 = arith.constant 5 : i32
      "tpu.region"() ({
        %run_scoped3A_446 = tpu.sem_alloc : memref<!tpu.dma_semaphore, #tpu.memory_space<semaphore_mem>>
        %dma_start3A_447 = arith.constant 0 : i32
        %dma_start3A_448 = tpu.memref_slice %arg9[%run_scoped3A_429, %dma_start3A_447] : memref<8x128xi32, #tpu.memory_space<vmem>> -> memref<1x128xi32, #tpu.memory_space<vmem>>
        %dma_start3A_449 = tpu.memref_squeeze %dma_start3A_448 : memref<1x128xi32, #tpu.memory_space<vmem>> -> memref<128xi32, #tpu.memory_space<vmem>>
        %dma_start3A_450 = arith.constant 0 : i32
        %dma_start3A_451 = arith.constant 0 : i32
        %dma_start3A_452 = tpu.memref_slice %arg13[%dma_start3A_450, %dma_start3A_451] : memref<5120x128xf32, #tpu.memory_space<vmem_shared>> -> memref<5120x128xf32, #tpu.memory_space<vmem_shared>>
        tpu.enqueue_indirect_dma source(%arg12 : memref<128x128xf32, #tpu.memory_space<vmem>>) target(%dma_start3A_452 : memref<5120x128xf32, #tpu.memory_space<vmem_shared>>) offsets(%dma_start3A_449 : memref<128xi32, #tpu.memory_space<vmem>>) semaphore(%run_scoped3A_446 : memref<!tpu.dma_semaphore, #tpu.memory_space<semaphore_mem>>) {add = true}
        %dma_wait3A_453 = arith.constant 0 : i32
        %dma_wait3A_454 = tpu.memref_slice %arg9[%run_scoped3A_429, %dma_wait3A_453] : memref<8x128xi32, #tpu.memory_space<vmem>> -> memref<1x128xi32, #tpu.memory_space<vmem>>
        %dma_wait3A_455 = tpu.memref_squeeze %dma_wait3A_454 : memref<1x128xi32, #tpu.memory_space<vmem>> -> memref<128xi32, #tpu.memory_space<vmem>>
        %dma_wait3A_456 = arith.constant 0 : i32
        %dma_wait3A_457 = arith.constant 0 : i32
        %dma_wait3A_458 = tpu.memref_slice %arg13[%dma_wait3A_456, %dma_wait3A_457] : memref<5120x128xf32, #tpu.memory_space<vmem_shared>> -> memref<5120x128xf32, #tpu.memory_space<vmem_shared>>
        tpu.wait_indirect_dma semaphore(%run_scoped3A_446 : memref<!tpu.dma_semaphore, #tpu.memory_space<semaphore_mem>>) src(%arg12 : memref<128x128xf32, #tpu.memory_space<vmem>>) dst(%dma_wait3A_458 : memref<5120x128xf32, #tpu.memory_space<vmem_shared>>)
        tpu.yield
      }) : () -> ()
      %dma_wait3A_430 = arith.constant 6 : i32
      %dma_wait3A_431 = arith.constant 0 : i32
      %dma_wait3A_432 = tpu.memref_slice %arg8[%dma_wait3A_430, %dma_wait3A_431] : memref<8x128xi32, #tpu.memory_space<vmem>> -> memref<1x128xi32, #tpu.memory_space<vmem>>
      %dma_wait3A_433 = tpu.memref_squeeze %dma_wait3A_432 : memref<1x128xi32, #tpu.memory_space<vmem>> -> memref<128xi32, #tpu.memory_space<vmem>>
      %dma_wait3A_434 = arith.constant 0 : i32
      %dma_wait3A_435 = arith.constant 0 : i32
      %dma_wait3A_436 = tpu.memref_slice %arg2[%dma_wait3A_434, %dma_wait3A_435] : memref<40000x128xf32, #tpu.memory_space<hbm>> -> memref<40000x128xf32, #tpu.memory_space<hbm>>
      tpu.wait_indirect_dma semaphore(%arg14 : memref<!tpu.dma_semaphore, #tpu.memory_space<semaphore_mem>>) src(%dma_wait3A_436 : memref<40000x128xf32, #tpu.memory_space<hbm>>) dst(%arg10 : memref<128x128xf32, #tpu.memory_space<vmem>>)
      %run_scoped3A_437 = arith.constant 6 : i32
      "tpu.region"() ({
        %run_scoped3A_446 = tpu.sem_alloc : memref<!tpu.dma_semaphore, #tpu.memory_space<semaphore_mem>>
        %dma_start3A_447 = arith.constant 0 : i32
        %dma_start3A_448 = tpu.memref_slice %arg9[%run_scoped3A_437, %dma_start3A_447] : memref<8x128xi32, #tpu.memory_space<vmem>> -> memref<1x128xi32, #tpu.memory_space<vmem>>
        %dma_start3A_449 = tpu.memref_squeeze %dma_start3A_448 : memref<1x128xi32, #tpu.memory_space<vmem>> -> memref<128xi32, #tpu.memory_space<vmem>>
        %dma_start3A_450 = arith.constant 0 : i32
        %dma_start3A_451 = arith.constant 0 : i32
        %dma_start3A_452 = tpu.memref_slice %arg13[%dma_start3A_450, %dma_start3A_451] : memref<5120x128xf32, #tpu.memory_space<vmem_shared>> -> memref<5120x128xf32, #tpu.memory_space<vmem_shared>>
        tpu.enqueue_indirect_dma source(%arg10 : memref<128x128xf32, #tpu.memory_space<vmem>>) target(%dma_start3A_452 : memref<5120x128xf32, #tpu.memory_space<vmem_shared>>) offsets(%dma_start3A_449 : memref<128xi32, #tpu.memory_space<vmem>>) semaphore(%run_scoped3A_446 : memref<!tpu.dma_semaphore, #tpu.memory_space<semaphore_mem>>) {add = true}
        %dma_wait3A_453 = arith.constant 0 : i32
        %dma_wait3A_454 = tpu.memref_slice %arg9[%run_scoped3A_437, %dma_wait3A_453] : memref<8x128xi32, #tpu.memory_space<vmem>> -> memref<1x128xi32, #tpu.memory_space<vmem>>
        %dma_wait3A_455 = tpu.memref_squeeze %dma_wait3A_454 : memref<1x128xi32, #tpu.memory_space<vmem>> -> memref<128xi32, #tpu.memory_space<vmem>>
        %dma_wait3A_456 = arith.constant 0 : i32
        %dma_wait3A_457 = arith.constant 0 : i32
        %dma_wait3A_458 = tpu.memref_slice %arg13[%dma_wait3A_456, %dma_wait3A_457] : memref<5120x128xf32, #tpu.memory_space<vmem_shared>> -> memref<5120x128xf32, #tpu.memory_space<vmem_shared>>
        tpu.wait_indirect_dma semaphore(%run_scoped3A_446 : memref<!tpu.dma_semaphore, #tpu.memory_space<semaphore_mem>>) src(%arg10 : memref<128x128xf32, #tpu.memory_space<vmem>>) dst(%dma_wait3A_458 : memref<5120x128xf32, #tpu.memory_space<vmem_shared>>)
        tpu.yield
      }) : () -> ()
      %dma_wait3A_438 = arith.constant 7 : i32
      %dma_wait3A_439 = arith.constant 0 : i32
      %dma_wait3A_440 = tpu.memref_slice %arg8[%dma_wait3A_438, %dma_wait3A_439] : memref<8x128xi32, #tpu.memory_space<vmem>> -> memref<1x128xi32, #tpu.memory_space<vmem>>
      %dma_wait3A_441 = tpu.memref_squeeze %dma_wait3A_440 : memref<1x128xi32, #tpu.memory_space<vmem>> -> memref<128xi32, #tpu.memory_space<vmem>>
      %dma_wait3A_442 = arith.constant 0 : i32
      %dma_wait3A_443 = arith.constant 0 : i32
      %dma_wait3A_444 = tpu.memref_slice %arg2[%dma_wait3A_442, %dma_wait3A_443] : memref<40000x128xf32, #tpu.memory_space<hbm>> -> memref<40000x128xf32, #tpu.memory_space<hbm>>
      tpu.wait_indirect_dma semaphore(%arg15 : memref<!tpu.dma_semaphore, #tpu.memory_space<semaphore_mem>>) src(%dma_wait3A_444 : memref<40000x128xf32, #tpu.memory_space<hbm>>) dst(%arg11 : memref<128x128xf32, #tpu.memory_space<vmem>>)
      %run_scoped3A_445 = arith.constant 7 : i32
      "tpu.region"() ({
        %run_scoped3A_446 = tpu.sem_alloc : memref<!tpu.dma_semaphore, #tpu.memory_space<semaphore_mem>>
        %dma_start3A_447 = arith.constant 0 : i32
        %dma_start3A_448 = tpu.memref_slice %arg9[%run_scoped3A_445, %dma_start3A_447] : memref<8x128xi32, #tpu.memory_space<vmem>> -> memref<1x128xi32, #tpu.memory_space<vmem>>
        %dma_start3A_449 = tpu.memref_squeeze %dma_start3A_448 : memref<1x128xi32, #tpu.memory_space<vmem>> -> memref<128xi32, #tpu.memory_space<vmem>>
        %dma_start3A_450 = arith.constant 0 : i32
        %dma_start3A_451 = arith.constant 0 : i32
        %dma_start3A_452 = tpu.memref_slice %arg13[%dma_start3A_450, %dma_start3A_451] : memref<5120x128xf32, #tpu.memory_space<vmem_shared>> -> memref<5120x128xf32, #tpu.memory_space<vmem_shared>>
        tpu.enqueue_indirect_dma source(%arg11 : memref<128x128xf32, #tpu.memory_space<vmem>>) target(%dma_start3A_452 : memref<5120x128xf32, #tpu.memory_space<vmem_shared>>) offsets(%dma_start3A_449 : memref<128xi32, #tpu.memory_space<vmem>>) semaphore(%run_scoped3A_446 : memref<!tpu.dma_semaphore, #tpu.memory_space<semaphore_mem>>) {add = true}
        %dma_wait3A_453 = arith.constant 0 : i32
        %dma_wait3A_454 = tpu.memref_slice %arg9[%run_scoped3A_445, %dma_wait3A_453] : memref<8x128xi32, #tpu.memory_space<vmem>> -> memref<1x128xi32, #tpu.memory_space<vmem>>
        %dma_wait3A_455 = tpu.memref_squeeze %dma_wait3A_454 : memref<1x128xi32, #tpu.memory_space<vmem>> -> memref<128xi32, #tpu.memory_space<vmem>>
        %dma_wait3A_456 = arith.constant 0 : i32
        %dma_wait3A_457 = arith.constant 0 : i32
        %dma_wait3A_458 = tpu.memref_slice %arg13[%dma_wait3A_456, %dma_wait3A_457] : memref<5120x128xf32, #tpu.memory_space<vmem_shared>> -> memref<5120x128xf32, #tpu.memory_space<vmem_shared>>
        tpu.wait_indirect_dma semaphore(%run_scoped3A_446 : memref<!tpu.dma_semaphore, #tpu.memory_space<semaphore_mem>>) src(%arg11 : memref<128x128xf32, #tpu.memory_space<vmem>>) dst(%dma_wait3A_458 : memref<5120x128xf32, #tpu.memory_space<vmem_shared>>)
        tpu.yield
      }) : () -> ()
    }
    %scan3A_178 = arith.constant 20 : i32
    %barrier3A_179 = arith.constant 0 : index
    tpu.barrier barrier_id(%barrier3A_179)
    %mul3A_180 = arith.constant 2 : i32
    %mul3A_181 = arith.muli %mul3A_180, %add3A_105 : i32
    %add3A_182 = arith.constant 1 : i32
    %add3A_183 = arith.addi %mul3A_181, %add3A_182 : i32
    %mul3A_184 = arith.constant 5120 : i32
    %mul3A_185 = arith.muli %add3A_183, %mul3A_184 : i32
    %mul3A_186 = arith.constant 320 : i32
    %mul3A_187 = arith.muli %arg1, %mul3A_186 : i32
    %add3A_188 = arith.addi %mul3A_185, %mul3A_187 : i32
    %mul3A_189 = arith.constant 320 : i32
    %mul3A_190 = arith.muli %arg1, %mul3A_189 : i32
    %add3A_191 = arith.constant 0 : i32
    %add3A_192 = arith.addi %mul3A_190, %add3A_191 : i32
    "tpu.region"() ({
      %run_scoped3A = tpu.sem_alloc : memref<!tpu.dma_semaphore, #tpu.memory_space<semaphore_mem>>
      %dma_start3A = arith.constant 0 : i32
      %dma_start3A_314 = arith.constant 0 : i32
      %dma_start3A_315 = tpu.memref_slice %arg10[%dma_start3A, %dma_start3A_314] : memref<128x128xf32, #tpu.memory_space<vmem>> -> memref<128x128xf32, #tpu.memory_space<vmem>>
      %dma_start3A_316 = arith.constant 0 : i32
      %dma_start3A_317 = tpu.memref_slice %arg13[%add3A_192, %dma_start3A_316] : memref<5120x128xf32, #tpu.memory_space<vmem_shared>> -> memref<128x128xf32, #tpu.memory_space<vmem_shared>>
      %dma_start3A_318 = arith.constant 0 : i32
      %dma_start3A_319 = arith.constant 0 : i32
      %dma_start3A_320 = tpu.memref_slice %arg10[%dma_start3A_318, %dma_start3A_319] : memref<128x128xf32, #tpu.memory_space<vmem>> -> memref<128x128xf32, #tpu.memory_space<vmem>>
      %dma_start3A_321 = arith.constant 0 : i32
      %dma_start3A_322 = tpu.memref_slice %arg13[%add3A_192, %dma_start3A_321] : memref<5120x128xf32, #tpu.memory_space<vmem_shared>> -> memref<128x128xf32, #tpu.memory_space<vmem_shared>>
      tpu.enqueue_dma source(%dma_start3A_322 : memref<128x128xf32, #tpu.memory_space<vmem_shared>>) target(%dma_start3A_320 : memref<128x128xf32, #tpu.memory_space<vmem>>) target_semaphore(%run_scoped3A : memref<!tpu.dma_semaphore, #tpu.memory_space<semaphore_mem>>)
      %dma_wait3A = arith.constant 0 : i32
      %dma_wait3A_323 = arith.constant 0 : i32
      %dma_wait3A_324 = tpu.memref_slice %arg10[%dma_wait3A, %dma_wait3A_323] : memref<128x128xf32, #tpu.memory_space<vmem>> -> memref<128x128xf32, #tpu.memory_space<vmem>>
      %dma_wait3A_325 = arith.constant 0 : i32
      %dma_wait3A_326 = tpu.memref_slice %arg13[%add3A_192, %dma_wait3A_325] : memref<5120x128xf32, #tpu.memory_space<vmem_shared>> -> memref<128x128xf32, #tpu.memory_space<vmem_shared>>
      %dma_wait3A_327 = arith.constant 0 : i32
      %dma_wait3A_328 = arith.constant 0 : i32
      %dma_wait3A_329 = tpu.memref_slice %arg10[%dma_wait3A_327, %dma_wait3A_328] : memref<128x128xf32, #tpu.memory_space<vmem>> -> memref<128x128xf32, #tpu.memory_space<vmem>>
      %dma_wait3A_330 = arith.constant 0 : i32
      %dma_wait3A_331 = tpu.memref_slice %arg13[%add3A_192, %dma_wait3A_330] : memref<5120x128xf32, #tpu.memory_space<vmem_shared>> -> memref<128x128xf32, #tpu.memory_space<vmem_shared>>
      tpu.wait_dma2 semaphore(%run_scoped3A : memref<!tpu.dma_semaphore, #tpu.memory_space<semaphore_mem>>) src(%dma_wait3A_331 : memref<128x128xf32, #tpu.memory_space<vmem_shared>>) dst(%dma_wait3A_329 : memref<128x128xf32, #tpu.memory_space<vmem>>)
      tpu.yield
    }) : () -> ()
    %add3A_193 = arith.constant 0 : i32
    %add3A_194 = arith.addi %add3A_188, %add3A_193 : i32
    "tpu.region"() ({
      %run_scoped3A = tpu.sem_alloc : memref<!tpu.dma_semaphore, #tpu.memory_space<semaphore_mem>>
      %dma_start3A = arith.constant 0 : i32
      %dma_start3A_314 = arith.constant 0 : i32
      %dma_start3A_315 = tpu.memref_slice %arg10[%dma_start3A, %dma_start3A_314] : memref<128x128xf32, #tpu.memory_space<vmem>> -> memref<128x128xf32, #tpu.memory_space<vmem>>
      %dma_start3A_316 = arith.constant 0 : i32
      %dma_start3A_317 = tpu.memref_slice %arg7[%add3A_194, %dma_start3A_316] : memref<61440x128xf32, #tpu.memory_space<hbm>> -> memref<128x128xf32, #tpu.memory_space<hbm>>
      %dma_start3A_318 = arith.constant 0 : i32
      %dma_start3A_319 = tpu.memref_slice %arg7[%add3A_194, %dma_start3A_318] : memref<61440x128xf32, #tpu.memory_space<hbm>> -> memref<128x128xf32, #tpu.memory_space<hbm>>
      %dma_start3A_320 = arith.constant 0 : i32
      %dma_start3A_321 = arith.constant 0 : i32
      %dma_start3A_322 = tpu.memref_slice %arg10[%dma_start3A_320, %dma_start3A_321] : memref<128x128xf32, #tpu.memory_space<vmem>> -> memref<128x128xf32, #tpu.memory_space<vmem>>
      tpu.enqueue_dma source(%dma_start3A_322 : memref<128x128xf32, #tpu.memory_space<vmem>>) target(%dma_start3A_319 : memref<128x128xf32, #tpu.memory_space<hbm>>) target_semaphore(%run_scoped3A : memref<!tpu.dma_semaphore, #tpu.memory_space<semaphore_mem>>)
      %dma_wait3A = arith.constant 0 : i32
      %dma_wait3A_323 = arith.constant 0 : i32
      %dma_wait3A_324 = tpu.memref_slice %arg10[%dma_wait3A, %dma_wait3A_323] : memref<128x128xf32, #tpu.memory_space<vmem>> -> memref<128x128xf32, #tpu.memory_space<vmem>>
      %dma_wait3A_325 = arith.constant 0 : i32
      %dma_wait3A_326 = tpu.memref_slice %arg7[%add3A_194, %dma_wait3A_325] : memref<61440x128xf32, #tpu.memory_space<hbm>> -> memref<128x128xf32, #tpu.memory_space<hbm>>
      %dma_wait3A_327 = arith.constant 0 : i32
      %dma_wait3A_328 = tpu.memref_slice %arg7[%add3A_194, %dma_wait3A_327] : memref<61440x128xf32, #tpu.memory_space<hbm>> -> memref<128x128xf32, #tpu.memory_space<hbm>>
      %dma_wait3A_329 = arith.constant 0 : i32
      %dma_wait3A_330 = arith.constant 0 : i32
      %dma_wait3A_331 = tpu.memref_slice %arg10[%dma_wait3A_329, %dma_wait3A_330] : memref<128x128xf32, #tpu.memory_space<vmem>> -> memref<128x128xf32, #tpu.memory_space<vmem>>
      tpu.wait_dma2 semaphore(%run_scoped3A : memref<!tpu.dma_semaphore, #tpu.memory_space<semaphore_mem>>) src(%dma_wait3A_331 : memref<128x128xf32, #tpu.memory_space<vmem>>) dst(%dma_wait3A_328 : memref<128x128xf32, #tpu.memory_space<hbm>>)
      tpu.yield
    }) : () -> ()
    %mul3A_195 = arith.constant 320 : i32
    %mul3A_196 = arith.muli %arg1, %mul3A_195 : i32
    %add3A_197 = arith.constant 128 : i32
    %add3A_198 = arith.addi %mul3A_196, %add3A_197 : i32
    "tpu.region"() ({
      %run_scoped3A = tpu.sem_alloc : memref<!tpu.dma_semaphore, #tpu.memory_space<semaphore_mem>>
      %dma_start3A = arith.constant 0 : i32
      %dma_start3A_314 = arith.constant 0 : i32
      %dma_start3A_315 = tpu.memref_slice %arg10[%dma_start3A, %dma_start3A_314] : memref<128x128xf32, #tpu.memory_space<vmem>> -> memref<128x128xf32, #tpu.memory_space<vmem>>
      %dma_start3A_316 = arith.constant 0 : i32
      %dma_start3A_317 = tpu.memref_slice %arg13[%add3A_198, %dma_start3A_316] : memref<5120x128xf32, #tpu.memory_space<vmem_shared>> -> memref<128x128xf32, #tpu.memory_space<vmem_shared>>
      %dma_start3A_318 = arith.constant 0 : i32
      %dma_start3A_319 = arith.constant 0 : i32
      %dma_start3A_320 = tpu.memref_slice %arg10[%dma_start3A_318, %dma_start3A_319] : memref<128x128xf32, #tpu.memory_space<vmem>> -> memref<128x128xf32, #tpu.memory_space<vmem>>
      %dma_start3A_321 = arith.constant 0 : i32
      %dma_start3A_322 = tpu.memref_slice %arg13[%add3A_198, %dma_start3A_321] : memref<5120x128xf32, #tpu.memory_space<vmem_shared>> -> memref<128x128xf32, #tpu.memory_space<vmem_shared>>
      tpu.enqueue_dma source(%dma_start3A_322 : memref<128x128xf32, #tpu.memory_space<vmem_shared>>) target(%dma_start3A_320 : memref<128x128xf32, #tpu.memory_space<vmem>>) target_semaphore(%run_scoped3A : memref<!tpu.dma_semaphore, #tpu.memory_space<semaphore_mem>>)
      %dma_wait3A = arith.constant 0 : i32
      %dma_wait3A_323 = arith.constant 0 : i32
      %dma_wait3A_324 = tpu.memref_slice %arg10[%dma_wait3A, %dma_wait3A_323] : memref<128x128xf32, #tpu.memory_space<vmem>> -> memref<128x128xf32, #tpu.memory_space<vmem>>
      %dma_wait3A_325 = arith.constant 0 : i32
      %dma_wait3A_326 = tpu.memref_slice %arg13[%add3A_198, %dma_wait3A_325] : memref<5120x128xf32, #tpu.memory_space<vmem_shared>> -> memref<128x128xf32, #tpu.memory_space<vmem_shared>>
      %dma_wait3A_327 = arith.constant 0 : i32
      %dma_wait3A_328 = arith.constant 0 : i32
      %dma_wait3A_329 = tpu.memref_slice %arg10[%dma_wait3A_327, %dma_wait3A_328] : memref<128x128xf32, #tpu.memory_space<vmem>> -> memref<128x128xf32, #tpu.memory_space<vmem>>
      %dma_wait3A_330 = arith.constant 0 : i32
      %dma_wait3A_331 = tpu.memref_slice %arg13[%add3A_198, %dma_wait3A_330] : memref<5120x128xf32, #tpu.memory_space<vmem_shared>> -> memref<128x128xf32, #tpu.memory_space<vmem_shared>>
      tpu.wait_dma2 semaphore(%run_scoped3A : memref<!tpu.dma_semaphore, #tpu.memory_space<semaphore_mem>>) src(%dma_wait3A_331 : memref<128x128xf32, #tpu.memory_space<vmem_shared>>) dst(%dma_wait3A_329 : memref<128x128xf32, #tpu.memory_space<vmem>>)
      tpu.yield
    }) : () -> ()
    %add3A_199 = arith.constant 128 : i32
    %add3A_200 = arith.addi %add3A_188, %add3A_199 : i32
    "tpu.region"() ({
      %run_scoped3A = tpu.sem_alloc : memref<!tpu.dma_semaphore, #tpu.memory_space<semaphore_mem>>
      %dma_start3A = arith.constant 0 : i32
      %dma_start3A_314 = arith.constant 0 : i32
      %dma_start3A_315 = tpu.memref_slice %arg10[%dma_start3A, %dma_start3A_314] : memref<128x128xf32, #tpu.memory_space<vmem>> -> memref<128x128xf32, #tpu.memory_space<vmem>>
      %dma_start3A_316 = arith.constant 0 : i32
      %dma_start3A_317 = tpu.memref_slice %arg7[%add3A_200, %dma_start3A_316] : memref<61440x128xf32, #tpu.memory_space<hbm>> -> memref<128x128xf32, #tpu.memory_space<hbm>>
      %dma_start3A_318 = arith.constant 0 : i32
      %dma_start3A_319 = tpu.memref_slice %arg7[%add3A_200, %dma_start3A_318] : memref<61440x128xf32, #tpu.memory_space<hbm>> -> memref<128x128xf32, #tpu.memory_space<hbm>>
      %dma_start3A_320 = arith.constant 0 : i32
      %dma_start3A_321 = arith.constant 0 : i32
      %dma_start3A_322 = tpu.memref_slice %arg10[%dma_start3A_320, %dma_start3A_321] : memref<128x128xf32, #tpu.memory_space<vmem>> -> memref<128x128xf32, #tpu.memory_space<vmem>>
      tpu.enqueue_dma source(%dma_start3A_322 : memref<128x128xf32, #tpu.memory_space<vmem>>) target(%dma_start3A_319 : memref<128x128xf32, #tpu.memory_space<hbm>>) target_semaphore(%run_scoped3A : memref<!tpu.dma_semaphore, #tpu.memory_space<semaphore_mem>>)
      %dma_wait3A = arith.constant 0 : i32
      %dma_wait3A_323 = arith.constant 0 : i32
      %dma_wait3A_324 = tpu.memref_slice %arg10[%dma_wait3A, %dma_wait3A_323] : memref<128x128xf32, #tpu.memory_space<vmem>> -> memref<128x128xf32, #tpu.memory_space<vmem>>
      %dma_wait3A_325 = arith.constant 0 : i32
      %dma_wait3A_326 = tpu.memref_slice %arg7[%add3A_200, %dma_wait3A_325] : memref<61440x128xf32, #tpu.memory_space<hbm>> -> memref<128x128xf32, #tpu.memory_space<hbm>>
      %dma_wait3A_327 = arith.constant 0 : i32
      %dma_wait3A_328 = tpu.memref_slice %arg7[%add3A_200, %dma_wait3A_327] : memref<61440x128xf32, #tpu.memory_space<hbm>> -> memref<128x128xf32, #tpu.memory_space<hbm>>
      %dma_wait3A_329 = arith.constant 0 : i32
      %dma_wait3A_330 = arith.constant 0 : i32
      %dma_wait3A_331 = tpu.memref_slice %arg10[%dma_wait3A_329, %dma_wait3A_330] : memref<128x128xf32, #tpu.memory_space<vmem>> -> memref<128x128xf32, #tpu.memory_space<vmem>>
      tpu.wait_dma2 semaphore(%run_scoped3A : memref<!tpu.dma_semaphore, #tpu.memory_space<semaphore_mem>>) src(%dma_wait3A_331 : memref<128x128xf32, #tpu.memory_space<vmem>>) dst(%dma_wait3A_328 : memref<128x128xf32, #tpu.memory_space<hbm>>)
      tpu.yield
    }) : () -> ()
    %mul3A_201 = arith.constant 320 : i32
    %mul3A_202 = arith.muli %arg1, %mul3A_201 : i32
    %add3A_203 = arith.constant 256 : i32
    %add3A_204 = arith.addi %mul3A_202, %add3A_203 : i32
    "tpu.region"() ({
      %run_scoped3A = tpu.sem_alloc : memref<!tpu.dma_semaphore, #tpu.memory_space<semaphore_mem>>
      %dma_start3A = arith.constant 0 : i32
      %dma_start3A_314 = arith.constant 0 : i32
      %dma_start3A_315 = tpu.memref_slice %arg10[%dma_start3A, %dma_start3A_314] : memref<128x128xf32, #tpu.memory_space<vmem>> -> memref<64x128xf32, #tpu.memory_space<vmem>>
      %dma_start3A_316 = arith.constant 0 : i32
      %dma_start3A_317 = tpu.memref_slice %arg13[%add3A_204, %dma_start3A_316] : memref<5120x128xf32, #tpu.memory_space<vmem_shared>> -> memref<64x128xf32, #tpu.memory_space<vmem_shared>>
      %dma_start3A_318 = arith.constant 0 : i32
      %dma_start3A_319 = arith.constant 0 : i32
      %dma_start3A_320 = tpu.memref_slice %arg10[%dma_start3A_318, %dma_start3A_319] : memref<128x128xf32, #tpu.memory_space<vmem>> -> memref<64x128xf32, #tpu.memory_space<vmem>>
      %dma_start3A_321 = arith.constant 0 : i32
      %dma_start3A_322 = tpu.memref_slice %arg13[%add3A_204, %dma_start3A_321] : memref<5120x128xf32, #tpu.memory_space<vmem_shared>> -> memref<64x128xf32, #tpu.memory_space<vmem_shared>>
      tpu.enqueue_dma source(%dma_start3A_322 : memref<64x128xf32, #tpu.memory_space<vmem_shared>>) target(%dma_start3A_320 : memref<64x128xf32, #tpu.memory_space<vmem>>) target_semaphore(%run_scoped3A : memref<!tpu.dma_semaphore, #tpu.memory_space<semaphore_mem>>)
      %dma_wait3A = arith.constant 0 : i32
      %dma_wait3A_323 = arith.constant 0 : i32
      %dma_wait3A_324 = tpu.memref_slice %arg10[%dma_wait3A, %dma_wait3A_323] : memref<128x128xf32, #tpu.memory_space<vmem>> -> memref<64x128xf32, #tpu.memory_space<vmem>>
      %dma_wait3A_325 = arith.constant 0 : i32
      %dma_wait3A_326 = tpu.memref_slice %arg13[%add3A_204, %dma_wait3A_325] : memref<5120x128xf32, #tpu.memory_space<vmem_shared>> -> memref<64x128xf32, #tpu.memory_space<vmem_shared>>
      %dma_wait3A_327 = arith.constant 0 : i32
      %dma_wait3A_328 = arith.constant 0 : i32
      %dma_wait3A_329 = tpu.memref_slice %arg10[%dma_wait3A_327, %dma_wait3A_328] : memref<128x128xf32, #tpu.memory_space<vmem>> -> memref<64x128xf32, #tpu.memory_space<vmem>>
      %dma_wait3A_330 = arith.constant 0 : i32
      %dma_wait3A_331 = tpu.memref_slice %arg13[%add3A_204, %dma_wait3A_330] : memref<5120x128xf32, #tpu.memory_space<vmem_shared>> -> memref<64x128xf32, #tpu.memory_space<vmem_shared>>
      tpu.wait_dma2 semaphore(%run_scoped3A : memref<!tpu.dma_semaphore, #tpu.memory_space<semaphore_mem>>) src(%dma_wait3A_331 : memref<64x128xf32, #tpu.memory_space<vmem_shared>>) dst(%dma_wait3A_329 : memref<64x128xf32, #tpu.memory_space<vmem>>)
      tpu.yield
    }) : () -> ()
    %add3A_205 = arith.constant 256 : i32
    %add3A_206 = arith.addi %add3A_188, %add3A_205 : i32
    "tpu.region"() ({
      %run_scoped3A = tpu.sem_alloc : memref<!tpu.dma_semaphore, #tpu.memory_space<semaphore_mem>>
      %dma_start3A = arith.constant 0 : i32
      %dma_start3A_314 = arith.constant 0 : i32
      %dma_start3A_315 = tpu.memref_slice %arg10[%dma_start3A, %dma_start3A_314] : memref<128x128xf32, #tpu.memory_space<vmem>> -> memref<64x128xf32, #tpu.memory_space<vmem>>
      %dma_start3A_316 = arith.constant 0 : i32
      %dma_start3A_317 = tpu.memref_slice %arg7[%add3A_206, %dma_start3A_316] : memref<61440x128xf32, #tpu.memory_space<hbm>> -> memref<64x128xf32, #tpu.memory_space<hbm>>
      %dma_start3A_318 = arith.constant 0 : i32
      %dma_start3A_319 = tpu.memref_slice %arg7[%add3A_206, %dma_start3A_318] : memref<61440x128xf32, #tpu.memory_space<hbm>> -> memref<64x128xf32, #tpu.memory_space<hbm>>
      %dma_start3A_320 = arith.constant 0 : i32
      %dma_start3A_321 = arith.constant 0 : i32
      %dma_start3A_322 = tpu.memref_slice %arg10[%dma_start3A_320, %dma_start3A_321] : memref<128x128xf32, #tpu.memory_space<vmem>> -> memref<64x128xf32, #tpu.memory_space<vmem>>
      tpu.enqueue_dma source(%dma_start3A_322 : memref<64x128xf32, #tpu.memory_space<vmem>>) target(%dma_start3A_319 : memref<64x128xf32, #tpu.memory_space<hbm>>) target_semaphore(%run_scoped3A : memref<!tpu.dma_semaphore, #tpu.memory_space<semaphore_mem>>)
      %dma_wait3A = arith.constant 0 : i32
      %dma_wait3A_323 = arith.constant 0 : i32
      %dma_wait3A_324 = tpu.memref_slice %arg10[%dma_wait3A, %dma_wait3A_323] : memref<128x128xf32, #tpu.memory_space<vmem>> -> memref<64x128xf32, #tpu.memory_space<vmem>>
      %dma_wait3A_325 = arith.constant 0 : i32
      %dma_wait3A_326 = tpu.memref_slice %arg7[%add3A_206, %dma_wait3A_325] : memref<61440x128xf32, #tpu.memory_space<hbm>> -> memref<64x128xf32, #tpu.memory_space<hbm>>
      %dma_wait3A_327 = arith.constant 0 : i32
      %dma_wait3A_328 = tpu.memref_slice %arg7[%add3A_206, %dma_wait3A_327] : memref<61440x128xf32, #tpu.memory_space<hbm>> -> memref<64x128xf32, #tpu.memory_space<hbm>>
      %dma_wait3A_329 = arith.constant 0 : i32
      %dma_wait3A_330 = arith.constant 0 : i32
      %dma_wait3A_331 = tpu.memref_slice %arg10[%dma_wait3A_329, %dma_wait3A_330] : memref<128x128xf32, #tpu.memory_space<vmem>> -> memref<64x128xf32, #tpu.memory_space<vmem>>
      tpu.wait_dma2 semaphore(%run_scoped3A : memref<!tpu.dma_semaphore, #tpu.memory_space<semaphore_mem>>) src(%dma_wait3A_331 : memref<64x128xf32, #tpu.memory_space<vmem>>) dst(%dma_wait3A_328 : memref<64x128xf32, #tpu.memory_space<hbm>>)
      tpu.yield
    }) : () -> ()
    %barrier3A_207 = arith.constant 0 : index
    tpu.barrier barrier_id(%barrier3A_207)
    "tpu.region"() ({
      %run_scoped3A = tpu.sem_alloc : memref<!tpu.dma_semaphore, #tpu.memory_space<semaphore_mem>>
      %dma_start3A = arith.constant 0 : i32
      %dma_start3A_314 = arith.constant 0 : i32
      %dma_start3A_315 = tpu.memref_slice %arg10[%dma_start3A, %dma_start3A_314] : memref<128x128xf32, #tpu.memory_space<vmem>> -> memref<80x128xf32, #tpu.memory_space<vmem>>
      %dma_start3A_316 = arith.constant 0 : i32
      %dma_start3A_317 = arith.constant 0 : i32
      %dma_start3A_318 = tpu.memref_slice %arg10[%dma_start3A_316, %dma_start3A_317] : memref<128x128xf32, #tpu.memory_space<vmem>> -> memref<80x128xf32, #tpu.memory_space<vmem>>
      tpu.enqueue_dma source(%arg5 : memref<80x128xf32, #tpu.memory_space<hbm>>) target(%dma_start3A_318 : memref<80x128xf32, #tpu.memory_space<vmem>>) target_semaphore(%run_scoped3A : memref<!tpu.dma_semaphore, #tpu.memory_space<semaphore_mem>>)
      %dma_wait3A = arith.constant 0 : i32
      %dma_wait3A_319 = arith.constant 0 : i32
      %dma_wait3A_320 = tpu.memref_slice %arg10[%dma_wait3A, %dma_wait3A_319] : memref<128x128xf32, #tpu.memory_space<vmem>> -> memref<80x128xf32, #tpu.memory_space<vmem>>
      %dma_wait3A_321 = arith.constant 0 : i32
      %dma_wait3A_322 = arith.constant 0 : i32
      %dma_wait3A_323 = tpu.memref_slice %arg10[%dma_wait3A_321, %dma_wait3A_322] : memref<128x128xf32, #tpu.memory_space<vmem>> -> memref<80x128xf32, #tpu.memory_space<vmem>>
      tpu.wait_dma2 semaphore(%run_scoped3A : memref<!tpu.dma_semaphore, #tpu.memory_space<semaphore_mem>>) src(%arg5 : memref<80x128xf32, #tpu.memory_space<hbm>>) dst(%dma_wait3A_323 : memref<80x128xf32, #tpu.memory_space<vmem>>)
      tpu.yield
    }) : () -> ()
    %mul3A_208 = arith.constant 320 : i32
    %mul3A_209 = arith.muli %arg1, %mul3A_208 : i32
    %add3A_210 = arith.constant 0 : i32
    %add3A_211 = arith.addi %mul3A_209, %add3A_210 : i32
    "tpu.region"() ({
      %run_scoped3A = tpu.sem_alloc : memref<!tpu.dma_semaphore, #tpu.memory_space<semaphore_mem>>
      %dma_start3A = arith.constant 0 : i32
      %dma_start3A_314 = arith.constant 0 : i32
      %dma_start3A_315 = tpu.memref_slice %arg10[%dma_start3A, %dma_start3A_314] : memref<128x128xf32, #tpu.memory_space<vmem>> -> memref<80x128xf32, #tpu.memory_space<vmem>>
      %dma_start3A_316 = arith.constant 0 : i32
      %dma_start3A_317 = tpu.memref_slice %arg13[%add3A_211, %dma_start3A_316] : memref<5120x128xf32, #tpu.memory_space<vmem_shared>> -> memref<80x128xf32, #tpu.memory_space<vmem_shared>>
      %dma_start3A_318 = arith.constant 0 : i32
      %dma_start3A_319 = tpu.memref_slice %arg13[%add3A_211, %dma_start3A_318] : memref<5120x128xf32, #tpu.memory_space<vmem_shared>> -> memref<80x128xf32, #tpu.memory_space<vmem_shared>>
      %dma_start3A_320 = arith.constant 0 : i32
      %dma_start3A_321 = arith.constant 0 : i32
      %dma_start3A_322 = tpu.memref_slice %arg10[%dma_start3A_320, %dma_start3A_321] : memref<128x128xf32, #tpu.memory_space<vmem>> -> memref<80x128xf32, #tpu.memory_space<vmem>>
      tpu.enqueue_dma source(%dma_start3A_322 : memref<80x128xf32, #tpu.memory_space<vmem>>) target(%dma_start3A_319 : memref<80x128xf32, #tpu.memory_space<vmem_shared>>) target_semaphore(%run_scoped3A : memref<!tpu.dma_semaphore, #tpu.memory_space<semaphore_mem>>)
      %dma_wait3A = arith.constant 0 : i32
      %dma_wait3A_323 = arith.constant 0 : i32
      %dma_wait3A_324 = tpu.memref_slice %arg10[%dma_wait3A, %dma_wait3A_323] : memref<128x128xf32, #tpu.memory_space<vmem>> -> memref<80x128xf32, #tpu.memory_space<vmem>>
      %dma_wait3A_325 = arith.constant 0 : i32
      %dma_wait3A_326 = tpu.memref_slice %arg13[%add3A_211, %dma_wait3A_325] : memref<5120x128xf32, #tpu.memory_space<vmem_shared>> -> memref<80x128xf32, #tpu.memory_space<vmem_shared>>
      %dma_wait3A_327 = arith.constant 0 : i32
      %dma_wait3A_328 = tpu.memref_slice %arg13[%add3A_211, %dma_wait3A_327] : memref<5120x128xf32, #tpu.memory_space<vmem_shared>> -> memref<80x128xf32, #tpu.memory_space<vmem_shared>>
      %dma_wait3A_329 = arith.constant 0 : i32
      %dma_wait3A_330 = arith.constant 0 : i32
      %dma_wait3A_331 = tpu.memref_slice %arg10[%dma_wait3A_329, %dma_wait3A_330] : memref<128x128xf32, #tpu.memory_space<vmem>> -> memref<80x128xf32, #tpu.memory_space<vmem>>
      tpu.wait_dma2 semaphore(%run_scoped3A : memref<!tpu.dma_semaphore, #tpu.memory_space<semaphore_mem>>) src(%dma_wait3A_331 : memref<80x128xf32, #tpu.memory_space<vmem>>) dst(%dma_wait3A_328 : memref<80x128xf32, #tpu.memory_space<vmem_shared>>)
      tpu.yield
    }) : () -> ()
    %mul3A_212 = arith.constant 320 : i32
    %mul3A_213 = arith.muli %arg1, %mul3A_212 : i32
    %add3A_214 = arith.constant 80 : i32
    %add3A_215 = arith.addi %mul3A_213, %add3A_214 : i32
    "tpu.region"() ({
      %run_scoped3A = tpu.sem_alloc : memref<!tpu.dma_semaphore, #tpu.memory_space<semaphore_mem>>
      %dma_start3A = arith.constant 0 : i32
      %dma_start3A_314 = arith.constant 0 : i32
      %dma_start3A_315 = tpu.memref_slice %arg10[%dma_start3A, %dma_start3A_314] : memref<128x128xf32, #tpu.memory_space<vmem>> -> memref<80x128xf32, #tpu.memory_space<vmem>>
      %dma_start3A_316 = arith.constant 0 : i32
      %dma_start3A_317 = tpu.memref_slice %arg13[%add3A_215, %dma_start3A_316] : memref<5120x128xf32, #tpu.memory_space<vmem_shared>> -> memref<80x128xf32, #tpu.memory_space<vmem_shared>>
      %dma_start3A_318 = arith.constant 0 : i32
      %dma_start3A_319 = tpu.memref_slice %arg13[%add3A_215, %dma_start3A_318] : memref<5120x128xf32, #tpu.memory_space<vmem_shared>> -> memref<80x128xf32, #tpu.memory_space<vmem_shared>>
      %dma_start3A_320 = arith.constant 0 : i32
      %dma_start3A_321 = arith.constant 0 : i32
      %dma_start3A_322 = tpu.memref_slice %arg10[%dma_start3A_320, %dma_start3A_321] : memref<128x128xf32, #tpu.memory_space<vmem>> -> memref<80x128xf32, #tpu.memory_space<vmem>>
      tpu.enqueue_dma source(%dma_start3A_322 : memref<80x128xf32, #tpu.memory_space<vmem>>) target(%dma_start3A_319 : memref<80x128xf32, #tpu.memory_space<vmem_shared>>) target_semaphore(%run_scoped3A : memref<!tpu.dma_semaphore, #tpu.memory_space<semaphore_mem>>)
      %dma_wait3A = arith.constant 0 : i32
      %dma_wait3A_323 = arith.constant 0 : i32
      %dma_wait3A_324 = tpu.memref_slice %arg10[%dma_wait3A, %dma_wait3A_323] : memref<128x128xf32, #tpu.memory_space<vmem>> -> memref<80x128xf32, #tpu.memory_space<vmem>>
      %dma_wait3A_325 = arith.constant 0 : i32
      %dma_wait3A_326 = tpu.memref_slice %arg13[%add3A_215, %dma_wait3A_325] : memref<5120x128xf32, #tpu.memory_space<vmem_shared>> -> memref<80x128xf32, #tpu.memory_space<vmem_shared>>
      %dma_wait3A_327 = arith.constant 0 : i32
      %dma_wait3A_328 = tpu.memref_slice %arg13[%add3A_215, %dma_wait3A_327] : memref<5120x128xf32, #tpu.memory_space<vmem_shared>> -> memref<80x128xf32, #tpu.memory_space<vmem_shared>>
      %dma_wait3A_329 = arith.constant 0 : i32
      %dma_wait3A_330 = arith.constant 0 : i32
      %dma_wait3A_331 = tpu.memref_slice %arg10[%dma_wait3A_329, %dma_wait3A_330] : memref<128x128xf32, #tpu.memory_space<vmem>> -> memref<80x128xf32, #tpu.memory_space<vmem>>
      tpu.wait_dma2 semaphore(%run_scoped3A : memref<!tpu.dma_semaphore, #tpu.memory_space<semaphore_mem>>) src(%dma_wait3A_331 : memref<80x128xf32, #tpu.memory_space<vmem>>) dst(%dma_wait3A_328 : memref<80x128xf32, #tpu.memory_space<vmem_shared>>)
      tpu.yield
    }) : () -> ()
    %mul3A_216 = arith.constant 320 : i32
    %mul3A_217 = arith.muli %arg1, %mul3A_216 : i32
    %add3A_218 = arith.constant 160 : i32
    %add3A_219 = arith.addi %mul3A_217, %add3A_218 : i32
    "tpu.region"() ({
      %run_scoped3A = tpu.sem_alloc : memref<!tpu.dma_semaphore, #tpu.memory_space<semaphore_mem>>
      %dma_start3A = arith.constant 0 : i32
      %dma_start3A_314 = arith.constant 0 : i32
      %dma_start3A_315 = tpu.memref_slice %arg10[%dma_start3A, %dma_start3A_314] : memref<128x128xf32, #tpu.memory_space<vmem>> -> memref<80x128xf32, #tpu.memory_space<vmem>>
      %dma_start3A_316 = arith.constant 0 : i32
      %dma_start3A_317 = tpu.memref_slice %arg13[%add3A_219, %dma_start3A_316] : memref<5120x128xf32, #tpu.memory_space<vmem_shared>> -> memref<80x128xf32, #tpu.memory_space<vmem_shared>>
      %dma_start3A_318 = arith.constant 0 : i32
      %dma_start3A_319 = tpu.memref_slice %arg13[%add3A_219, %dma_start3A_318] : memref<5120x128xf32, #tpu.memory_space<vmem_shared>> -> memref<80x128xf32, #tpu.memory_space<vmem_shared>>
      %dma_start3A_320 = arith.constant 0 : i32
      %dma_start3A_321 = arith.constant 0 : i32
      %dma_start3A_322 = tpu.memref_slice %arg10[%dma_start3A_320, %dma_start3A_321] : memref<128x128xf32, #tpu.memory_space<vmem>> -> memref<80x128xf32, #tpu.memory_space<vmem>>
      tpu.enqueue_dma source(%dma_start3A_322 : memref<80x128xf32, #tpu.memory_space<vmem>>) target(%dma_start3A_319 : memref<80x128xf32, #tpu.memory_space<vmem_shared>>) target_semaphore(%run_scoped3A : memref<!tpu.dma_semaphore, #tpu.memory_space<semaphore_mem>>)
      %dma_wait3A = arith.constant 0 : i32
      %dma_wait3A_323 = arith.constant 0 : i32
      %dma_wait3A_324 = tpu.memref_slice %arg10[%dma_wait3A, %dma_wait3A_323] : memref<128x128xf32, #tpu.memory_space<vmem>> -> memref<80x128xf32, #tpu.memory_space<vmem>>
      %dma_wait3A_325 = arith.constant 0 : i32
      %dma_wait3A_326 = tpu.memref_slice %arg13[%add3A_219, %dma_wait3A_325] : memref<5120x128xf32, #tpu.memory_space<vmem_shared>> -> memref<80x128xf32, #tpu.memory_space<vmem_shared>>
      %dma_wait3A_327 = arith.constant 0 : i32
      %dma_wait3A_328 = tpu.memref_slice %arg13[%add3A_219, %dma_wait3A_327] : memref<5120x128xf32, #tpu.memory_space<vmem_shared>> -> memref<80x128xf32, #tpu.memory_space<vmem_shared>>
      %dma_wait3A_329 = arith.constant 0 : i32
      %dma_wait3A_330 = arith.constant 0 : i32
      %dma_wait3A_331 = tpu.memref_slice %arg10[%dma_wait3A_329, %dma_wait3A_330] : memref<128x128xf32, #tpu.memory_space<vmem>> -> memref<80x128xf32, #tpu.memory_space<vmem>>
      tpu.wait_dma2 semaphore(%run_scoped3A : memref<!tpu.dma_semaphore, #tpu.memory_space<semaphore_mem>>) src(%dma_wait3A_331 : memref<80x128xf32, #tpu.memory_space<vmem>>) dst(%dma_wait3A_328 : memref<80x128xf32, #tpu.memory_space<vmem_shared>>)
      tpu.yield
    }) : () -> ()
    %mul3A_220 = arith.constant 320 : i32
    %mul3A_221 = arith.muli %arg1, %mul3A_220 : i32
    %add3A_222 = arith.constant 240 : i32
    %add3A_223 = arith.addi %mul3A_221, %add3A_222 : i32
    "tpu.region"() ({
      %run_scoped3A = tpu.sem_alloc : memref<!tpu.dma_semaphore, #tpu.memory_space<semaphore_mem>>
      %dma_start3A = arith.constant 0 : i32
      %dma_start3A_314 = arith.constant 0 : i32
      %dma_start3A_315 = tpu.memref_slice %arg10[%dma_start3A, %dma_start3A_314] : memref<128x128xf32, #tpu.memory_space<vmem>> -> memref<80x128xf32, #tpu.memory_space<vmem>>
      %dma_start3A_316 = arith.constant 0 : i32
      %dma_start3A_317 = tpu.memref_slice %arg13[%add3A_223, %dma_start3A_316] : memref<5120x128xf32, #tpu.memory_space<vmem_shared>> -> memref<80x128xf32, #tpu.memory_space<vmem_shared>>
      %dma_start3A_318 = arith.constant 0 : i32
      %dma_start3A_319 = tpu.memref_slice %arg13[%add3A_223, %dma_start3A_318] : memref<5120x128xf32, #tpu.memory_space<vmem_shared>> -> memref<80x128xf32, #tpu.memory_space<vmem_shared>>
      %dma_start3A_320 = arith.constant 0 : i32
      %dma_start3A_321 = arith.constant 0 : i32
      %dma_start3A_322 = tpu.memref_slice %arg10[%dma_start3A_320, %dma_start3A_321] : memref<128x128xf32, #tpu.memory_space<vmem>> -> memref<80x128xf32, #tpu.memory_space<vmem>>
      tpu.enqueue_dma source(%dma_start3A_322 : memref<80x128xf32, #tpu.memory_space<vmem>>) target(%dma_start3A_319 : memref<80x128xf32, #tpu.memory_space<vmem_shared>>) target_semaphore(%run_scoped3A : memref<!tpu.dma_semaphore, #tpu.memory_space<semaphore_mem>>)
      %dma_wait3A = arith.constant 0 : i32
      %dma_wait3A_323 = arith.constant 0 : i32
      %dma_wait3A_324 = tpu.memref_slice %arg10[%dma_wait3A, %dma_wait3A_323] : memref<128x128xf32, #tpu.memory_space<vmem>> -> memref<80x128xf32, #tpu.memory_space<vmem>>
      %dma_wait3A_325 = arith.constant 0 : i32
      %dma_wait3A_326 = tpu.memref_slice %arg13[%add3A_223, %dma_wait3A_325] : memref<5120x128xf32, #tpu.memory_space<vmem_shared>> -> memref<80x128xf32, #tpu.memory_space<vmem_shared>>
      %dma_wait3A_327 = arith.constant 0 : i32
      %dma_wait3A_328 = tpu.memref_slice %arg13[%add3A_223, %dma_wait3A_327] : memref<5120x128xf32, #tpu.memory_space<vmem_shared>> -> memref<80x128xf32, #tpu.memory_space<vmem_shared>>
      %dma_wait3A_329 = arith.constant 0 : i32
      %dma_wait3A_330 = arith.constant 0 : i32
      %dma_wait3A_331 = tpu.memref_slice %arg10[%dma_wait3A_329, %dma_wait3A_330] : memref<128x128xf32, #tpu.memory_space<vmem>> -> memref<80x128xf32, #tpu.memory_space<vmem>>
      tpu.wait_dma2 semaphore(%run_scoped3A : memref<!tpu.dma_semaphore, #tpu.memory_space<semaphore_mem>>) src(%dma_wait3A_331 : memref<80x128xf32, #tpu.memory_space<vmem>>) dst(%dma_wait3A_328 : memref<80x128xf32, #tpu.memory_space<vmem_shared>>)
      tpu.yield
    }) : () -> ()
    "tpu.region"() ({
      %run_scoped3A = tpu.sem_alloc : memref<!tpu.dma_semaphore, #tpu.memory_space<semaphore_mem>>
      tpu.enqueue_dma source(%arg6 : memref<128x128xf32, #tpu.memory_space<hbm>>) target(%arg10 : memref<128x128xf32, #tpu.memory_space<vmem>>) target_semaphore(%run_scoped3A : memref<!tpu.dma_semaphore, #tpu.memory_space<semaphore_mem>>)
      tpu.wait_dma2 semaphore(%run_scoped3A : memref<!tpu.dma_semaphore, #tpu.memory_space<semaphore_mem>>) src(%arg6 : memref<128x128xf32, #tpu.memory_space<hbm>>) dst(%arg10 : memref<128x128xf32, #tpu.memory_space<vmem>>)
      tpu.yield
    }) : () -> ()
    %barrier3A_224 = arith.constant 0 : index
    tpu.barrier barrier_id(%barrier3A_224)
    %scan3A_225 = arith.constant 0 : i32
    %scan3A_226 = arith.constant 10 : i32
    %scan3A_227 = arith.addi %scan3A_225, %scan3A_226 : i32
    %scan3A_228 = arith.constant 1 : i32
    scf.for %scan3A_314 = %scan3A_225 to %scan3A_227 step %scan3A_228  : i32 {
      %mul3A_315 = arith.constant 1 : i32
      %mul3A_316 = arith.muli %scan3A_314, %mul3A_315 : i32
      %add3A_317 = arith.constant 0 : i32
      %add3A_318 = arith.addi %add3A_317, %mul3A_316 : i32
      %mul3A_319 = arith.constant 1280 : i32
      %mul3A_320 = arith.muli %arg0, %mul3A_319 : i32
      %add3A_321 = arith.constant 0 : i32
      %add3A_322 = arith.addi %add3A_321, %mul3A_320 : i32
      %mul3A_323 = arith.constant 80 : i32
      %mul3A_324 = arith.muli %arg1, %mul3A_323 : i32
      %add3A_325 = arith.addi %add3A_322, %mul3A_324 : i32
      %mul3A_326 = arith.constant 8 : i32
      %mul3A_327 = arith.muli %add3A_318, %mul3A_326 : i32
      %add3A_328 = arith.addi %add3A_325, %mul3A_327 : i32
      "tpu.region"() ({
        %run_scoped3A = tpu.sem_alloc : memref<!tpu.dma_semaphore, #tpu.memory_space<semaphore_mem>>
        %dma_start3A_439 = arith.constant 0 : i32
        %dma_start3A_440 = tpu.memref_slice %arg4[%add3A_328, %dma_start3A_439] : memref<5120x128xi32, #tpu.memory_space<hbm>> -> memref<8x128xi32, #tpu.memory_space<hbm>>
        %dma_start3A_441 = arith.constant 0 : i32
        %dma_start3A_442 = tpu.memref_slice %arg4[%add3A_328, %dma_start3A_441] : memref<5120x128xi32, #tpu.memory_space<hbm>> -> memref<8x128xi32, #tpu.memory_space<hbm>>
        tpu.enqueue_dma source(%dma_start3A_442 : memref<8x128xi32, #tpu.memory_space<hbm>>) target(%arg9 : memref<8x128xi32, #tpu.memory_space<vmem>>) target_semaphore(%run_scoped3A : memref<!tpu.dma_semaphore, #tpu.memory_space<semaphore_mem>>)
        %dma_wait3A_443 = arith.constant 0 : i32
        %dma_wait3A_444 = tpu.memref_slice %arg4[%add3A_328, %dma_wait3A_443] : memref<5120x128xi32, #tpu.memory_space<hbm>> -> memref<8x128xi32, #tpu.memory_space<hbm>>
        %dma_wait3A_445 = arith.constant 0 : i32
        %dma_wait3A_446 = tpu.memref_slice %arg4[%add3A_328, %dma_wait3A_445] : memref<5120x128xi32, #tpu.memory_space<hbm>> -> memref<8x128xi32, #tpu.memory_space<hbm>>
        tpu.wait_dma2 semaphore(%run_scoped3A : memref<!tpu.dma_semaphore, #tpu.memory_space<semaphore_mem>>) src(%dma_wait3A_446 : memref<8x128xi32, #tpu.memory_space<hbm>>) dst(%arg9 : memref<8x128xi32, #tpu.memory_space<vmem>>)
        tpu.yield
      }) : () -> ()
      %dma_start3A = arith.constant 0 : i32
      %dma_start3A_329 = arith.constant 0 : i32
      %dma_start3A_330 = tpu.memref_slice %arg9[%dma_start3A, %dma_start3A_329] : memref<8x128xi32, #tpu.memory_space<vmem>> -> memref<1x128xi32, #tpu.memory_space<vmem>>
      %dma_start3A_331 = tpu.memref_squeeze %dma_start3A_330 : memref<1x128xi32, #tpu.memory_space<vmem>> -> memref<128xi32, #tpu.memory_space<vmem>>
      %dma_start3A_332 = arith.constant 0 : i32
      %dma_start3A_333 = arith.constant 0 : i32
      %dma_start3A_334 = tpu.memref_slice %arg13[%dma_start3A_332, %dma_start3A_333] : memref<5120x128xf32, #tpu.memory_space<vmem_shared>> -> memref<5120x128xf32, #tpu.memory_space<vmem_shared>>
      tpu.enqueue_indirect_dma source(%arg10 : memref<128x128xf32, #tpu.memory_space<vmem>>) target(%dma_start3A_334 : memref<5120x128xf32, #tpu.memory_space<vmem_shared>>) offsets(%dma_start3A_331 : memref<128xi32, #tpu.memory_space<vmem>>) semaphore(%arg17 : memref<!tpu.dma_semaphore, #tpu.memory_space<semaphore_mem>>) {add = true}
      %dma_start3A_335 = arith.constant 1 : i32
      %dma_start3A_336 = arith.constant 0 : i32
      %dma_start3A_337 = tpu.memref_slice %arg9[%dma_start3A_335, %dma_start3A_336] : memref<8x128xi32, #tpu.memory_space<vmem>> -> memref<1x128xi32, #tpu.memory_space<vmem>>
      %dma_start3A_338 = tpu.memref_squeeze %dma_start3A_337 : memref<1x128xi32, #tpu.memory_space<vmem>> -> memref<128xi32, #tpu.memory_space<vmem>>
      %dma_start3A_339 = arith.constant 0 : i32
      %dma_start3A_340 = arith.constant 0 : i32
      %dma_start3A_341 = tpu.memref_slice %arg13[%dma_start3A_339, %dma_start3A_340] : memref<5120x128xf32, #tpu.memory_space<vmem_shared>> -> memref<5120x128xf32, #tpu.memory_space<vmem_shared>>
      tpu.enqueue_indirect_dma source(%arg10 : memref<128x128xf32, #tpu.memory_space<vmem>>) target(%dma_start3A_341 : memref<5120x128xf32, #tpu.memory_space<vmem_shared>>) offsets(%dma_start3A_338 : memref<128xi32, #tpu.memory_space<vmem>>) semaphore(%arg17 : memref<!tpu.dma_semaphore, #tpu.memory_space<semaphore_mem>>) {add = true}
      %dma_start3A_342 = arith.constant 2 : i32
      %dma_start3A_343 = arith.constant 0 : i32
      %dma_start3A_344 = tpu.memref_slice %arg9[%dma_start3A_342, %dma_start3A_343] : memref<8x128xi32, #tpu.memory_space<vmem>> -> memref<1x128xi32, #tpu.memory_space<vmem>>
      %dma_start3A_345 = tpu.memref_squeeze %dma_start3A_344 : memref<1x128xi32, #tpu.memory_space<vmem>> -> memref<128xi32, #tpu.memory_space<vmem>>
      %dma_start3A_346 = arith.constant 0 : i32
      %dma_start3A_347 = arith.constant 0 : i32
      %dma_start3A_348 = tpu.memref_slice %arg13[%dma_start3A_346, %dma_start3A_347] : memref<5120x128xf32, #tpu.memory_space<vmem_shared>> -> memref<5120x128xf32, #tpu.memory_space<vmem_shared>>
      tpu.enqueue_indirect_dma source(%arg10 : memref<128x128xf32, #tpu.memory_space<vmem>>) target(%dma_start3A_348 : memref<5120x128xf32, #tpu.memory_space<vmem_shared>>) offsets(%dma_start3A_345 : memref<128xi32, #tpu.memory_space<vmem>>) semaphore(%arg17 : memref<!tpu.dma_semaphore, #tpu.memory_space<semaphore_mem>>) {add = true}
      %dma_start3A_349 = arith.constant 3 : i32
      %dma_start3A_350 = arith.constant 0 : i32
      %dma_start3A_351 = tpu.memref_slice %arg9[%dma_start3A_349, %dma_start3A_350] : memref<8x128xi32, #tpu.memory_space<vmem>> -> memref<1x128xi32, #tpu.memory_space<vmem>>
      %dma_start3A_352 = tpu.memref_squeeze %dma_start3A_351 : memref<1x128xi32, #tpu.memory_space<vmem>> -> memref<128xi32, #tpu.memory_space<vmem>>
      %dma_start3A_353 = arith.constant 0 : i32
      %dma_start3A_354 = arith.constant 0 : i32
      %dma_start3A_355 = tpu.memref_slice %arg13[%dma_start3A_353, %dma_start3A_354] : memref<5120x128xf32, #tpu.memory_space<vmem_shared>> -> memref<5120x128xf32, #tpu.memory_space<vmem_shared>>
      tpu.enqueue_indirect_dma source(%arg10 : memref<128x128xf32, #tpu.memory_space<vmem>>) target(%dma_start3A_355 : memref<5120x128xf32, #tpu.memory_space<vmem_shared>>) offsets(%dma_start3A_352 : memref<128xi32, #tpu.memory_space<vmem>>) semaphore(%arg17 : memref<!tpu.dma_semaphore, #tpu.memory_space<semaphore_mem>>) {add = true}
      %dma_start3A_356 = arith.constant 4 : i32
      %dma_start3A_357 = arith.constant 0 : i32
      %dma_start3A_358 = tpu.memref_slice %arg9[%dma_start3A_356, %dma_start3A_357] : memref<8x128xi32, #tpu.memory_space<vmem>> -> memref<1x128xi32, #tpu.memory_space<vmem>>
      %dma_start3A_359 = tpu.memref_squeeze %dma_start3A_358 : memref<1x128xi32, #tpu.memory_space<vmem>> -> memref<128xi32, #tpu.memory_space<vmem>>
      %dma_start3A_360 = arith.constant 0 : i32
      %dma_start3A_361 = arith.constant 0 : i32
      %dma_start3A_362 = tpu.memref_slice %arg13[%dma_start3A_360, %dma_start3A_361] : memref<5120x128xf32, #tpu.memory_space<vmem_shared>> -> memref<5120x128xf32, #tpu.memory_space<vmem_shared>>
      tpu.enqueue_indirect_dma source(%arg10 : memref<128x128xf32, #tpu.memory_space<vmem>>) target(%dma_start3A_362 : memref<5120x128xf32, #tpu.memory_space<vmem_shared>>) offsets(%dma_start3A_359 : memref<128xi32, #tpu.memory_space<vmem>>) semaphore(%arg17 : memref<!tpu.dma_semaphore, #tpu.memory_space<semaphore_mem>>) {add = true}
      %dma_start3A_363 = arith.constant 5 : i32
      %dma_start3A_364 = arith.constant 0 : i32
      %dma_start3A_365 = tpu.memref_slice %arg9[%dma_start3A_363, %dma_start3A_364] : memref<8x128xi32, #tpu.memory_space<vmem>> -> memref<1x128xi32, #tpu.memory_space<vmem>>
      %dma_start3A_366 = tpu.memref_squeeze %dma_start3A_365 : memref<1x128xi32, #tpu.memory_space<vmem>> -> memref<128xi32, #tpu.memory_space<vmem>>
      %dma_start3A_367 = arith.constant 0 : i32
      %dma_start3A_368 = arith.constant 0 : i32
      %dma_start3A_369 = tpu.memref_slice %arg13[%dma_start3A_367, %dma_start3A_368] : memref<5120x128xf32, #tpu.memory_space<vmem_shared>> -> memref<5120x128xf32, #tpu.memory_space<vmem_shared>>
      tpu.enqueue_indirect_dma source(%arg10 : memref<128x128xf32, #tpu.memory_space<vmem>>) target(%dma_start3A_369 : memref<5120x128xf32, #tpu.memory_space<vmem_shared>>) offsets(%dma_start3A_366 : memref<128xi32, #tpu.memory_space<vmem>>) semaphore(%arg17 : memref<!tpu.dma_semaphore, #tpu.memory_space<semaphore_mem>>) {add = true}
      %dma_start3A_370 = arith.constant 6 : i32
      %dma_start3A_371 = arith.constant 0 : i32
      %dma_start3A_372 = tpu.memref_slice %arg9[%dma_start3A_370, %dma_start3A_371] : memref<8x128xi32, #tpu.memory_space<vmem>> -> memref<1x128xi32, #tpu.memory_space<vmem>>
      %dma_start3A_373 = tpu.memref_squeeze %dma_start3A_372 : memref<1x128xi32, #tpu.memory_space<vmem>> -> memref<128xi32, #tpu.memory_space<vmem>>
      %dma_start3A_374 = arith.constant 0 : i32
      %dma_start3A_375 = arith.constant 0 : i32
      %dma_start3A_376 = tpu.memref_slice %arg13[%dma_start3A_374, %dma_start3A_375] : memref<5120x128xf32, #tpu.memory_space<vmem_shared>> -> memref<5120x128xf32, #tpu.memory_space<vmem_shared>>
      tpu.enqueue_indirect_dma source(%arg10 : memref<128x128xf32, #tpu.memory_space<vmem>>) target(%dma_start3A_376 : memref<5120x128xf32, #tpu.memory_space<vmem_shared>>) offsets(%dma_start3A_373 : memref<128xi32, #tpu.memory_space<vmem>>) semaphore(%arg17 : memref<!tpu.dma_semaphore, #tpu.memory_space<semaphore_mem>>) {add = true}
      %dma_start3A_377 = arith.constant 7 : i32
      %dma_start3A_378 = arith.constant 0 : i32
      %dma_start3A_379 = tpu.memref_slice %arg9[%dma_start3A_377, %dma_start3A_378] : memref<8x128xi32, #tpu.memory_space<vmem>> -> memref<1x128xi32, #tpu.memory_space<vmem>>
      %dma_start3A_380 = tpu.memref_squeeze %dma_start3A_379 : memref<1x128xi32, #tpu.memory_space<vmem>> -> memref<128xi32, #tpu.memory_space<vmem>>
      %dma_start3A_381 = arith.constant 0 : i32
      %dma_start3A_382 = arith.constant 0 : i32
      %dma_start3A_383 = tpu.memref_slice %arg13[%dma_start3A_381, %dma_start3A_382] : memref<5120x128xf32, #tpu.memory_space<vmem_shared>> -> memref<5120x128xf32, #tpu.memory_space<vmem_shared>>
      tpu.enqueue_indirect_dma source(%arg10 : memref<128x128xf32, #tpu.memory_space<vmem>>) target(%dma_start3A_383 : memref<5120x128xf32, #tpu.memory_space<vmem_shared>>) offsets(%dma_start3A_380 : memref<128xi32, #tpu.memory_space<vmem>>) semaphore(%arg17 : memref<!tpu.dma_semaphore, #tpu.memory_space<semaphore_mem>>) {add = true}
      %dma_wait3A = arith.constant 0 : i32
      %dma_wait3A_384 = arith.constant 0 : i32
      %dma_wait3A_385 = tpu.memref_slice %arg9[%dma_wait3A, %dma_wait3A_384] : memref<8x128xi32, #tpu.memory_space<vmem>> -> memref<1x128xi32, #tpu.memory_space<vmem>>
      %dma_wait3A_386 = tpu.memref_squeeze %dma_wait3A_385 : memref<1x128xi32, #tpu.memory_space<vmem>> -> memref<128xi32, #tpu.memory_space<vmem>>
      %dma_wait3A_387 = arith.constant 0 : i32
      %dma_wait3A_388 = arith.constant 0 : i32
      %dma_wait3A_389 = tpu.memref_slice %arg13[%dma_wait3A_387, %dma_wait3A_388] : memref<5120x128xf32, #tpu.memory_space<vmem_shared>> -> memref<5120x128xf32, #tpu.memory_space<vmem_shared>>
      tpu.wait_indirect_dma semaphore(%arg17 : memref<!tpu.dma_semaphore, #tpu.memory_space<semaphore_mem>>) src(%arg10 : memref<128x128xf32, #tpu.memory_space<vmem>>) dst(%dma_wait3A_389 : memref<5120x128xf32, #tpu.memory_space<vmem_shared>>)
      %dma_wait3A_390 = arith.constant 1 : i32
      %dma_wait3A_391 = arith.constant 0 : i32
      %dma_wait3A_392 = tpu.memref_slice %arg9[%dma_wait3A_390, %dma_wait3A_391] : memref<8x128xi32, #tpu.memory_space<vmem>> -> memref<1x128xi32, #tpu.memory_space<vmem>>
      %dma_wait3A_393 = tpu.memref_squeeze %dma_wait3A_392 : memref<1x128xi32, #tpu.memory_space<vmem>> -> memref<128xi32, #tpu.memory_space<vmem>>
      %dma_wait3A_394 = arith.constant 0 : i32
      %dma_wait3A_395 = arith.constant 0 : i32
      %dma_wait3A_396 = tpu.memref_slice %arg13[%dma_wait3A_394, %dma_wait3A_395] : memref<5120x128xf32, #tpu.memory_space<vmem_shared>> -> memref<5120x128xf32, #tpu.memory_space<vmem_shared>>
      tpu.wait_indirect_dma semaphore(%arg17 : memref<!tpu.dma_semaphore, #tpu.memory_space<semaphore_mem>>) src(%arg10 : memref<128x128xf32, #tpu.memory_space<vmem>>) dst(%dma_wait3A_396 : memref<5120x128xf32, #tpu.memory_space<vmem_shared>>)
      %dma_wait3A_397 = arith.constant 2 : i32
      %dma_wait3A_398 = arith.constant 0 : i32
      %dma_wait3A_399 = tpu.memref_slice %arg9[%dma_wait3A_397, %dma_wait3A_398] : memref<8x128xi32, #tpu.memory_space<vmem>> -> memref<1x128xi32, #tpu.memory_space<vmem>>
      %dma_wait3A_400 = tpu.memref_squeeze %dma_wait3A_399 : memref<1x128xi32, #tpu.memory_space<vmem>> -> memref<128xi32, #tpu.memory_space<vmem>>
      %dma_wait3A_401 = arith.constant 0 : i32
      %dma_wait3A_402 = arith.constant 0 : i32
      %dma_wait3A_403 = tpu.memref_slice %arg13[%dma_wait3A_401, %dma_wait3A_402] : memref<5120x128xf32, #tpu.memory_space<vmem_shared>> -> memref<5120x128xf32, #tpu.memory_space<vmem_shared>>
      tpu.wait_indirect_dma semaphore(%arg17 : memref<!tpu.dma_semaphore, #tpu.memory_space<semaphore_mem>>) src(%arg10 : memref<128x128xf32, #tpu.memory_space<vmem>>) dst(%dma_wait3A_403 : memref<5120x128xf32, #tpu.memory_space<vmem_shared>>)
      %dma_wait3A_404 = arith.constant 3 : i32
      %dma_wait3A_405 = arith.constant 0 : i32
      %dma_wait3A_406 = tpu.memref_slice %arg9[%dma_wait3A_404, %dma_wait3A_405] : memref<8x128xi32, #tpu.memory_space<vmem>> -> memref<1x128xi32, #tpu.memory_space<vmem>>
      %dma_wait3A_407 = tpu.memref_squeeze %dma_wait3A_406 : memref<1x128xi32, #tpu.memory_space<vmem>> -> memref<128xi32, #tpu.memory_space<vmem>>
      %dma_wait3A_408 = arith.constant 0 : i32
      %dma_wait3A_409 = arith.constant 0 : i32
      %dma_wait3A_410 = tpu.memref_slice %arg13[%dma_wait3A_408, %dma_wait3A_409] : memref<5120x128xf32, #tpu.memory_space<vmem_shared>> -> memref<5120x128xf32, #tpu.memory_space<vmem_shared>>
      tpu.wait_indirect_dma semaphore(%arg17 : memref<!tpu.dma_semaphore, #tpu.memory_space<semaphore_mem>>) src(%arg10 : memref<128x128xf32, #tpu.memory_space<vmem>>) dst(%dma_wait3A_410 : memref<5120x128xf32, #tpu.memory_space<vmem_shared>>)
      %dma_wait3A_411 = arith.constant 4 : i32
      %dma_wait3A_412 = arith.constant 0 : i32
      %dma_wait3A_413 = tpu.memref_slice %arg9[%dma_wait3A_411, %dma_wait3A_412] : memref<8x128xi32, #tpu.memory_space<vmem>> -> memref<1x128xi32, #tpu.memory_space<vmem>>
      %dma_wait3A_414 = tpu.memref_squeeze %dma_wait3A_413 : memref<1x128xi32, #tpu.memory_space<vmem>> -> memref<128xi32, #tpu.memory_space<vmem>>
      %dma_wait3A_415 = arith.constant 0 : i32
      %dma_wait3A_416 = arith.constant 0 : i32
      %dma_wait3A_417 = tpu.memref_slice %arg13[%dma_wait3A_415, %dma_wait3A_416] : memref<5120x128xf32, #tpu.memory_space<vmem_shared>> -> memref<5120x128xf32, #tpu.memory_space<vmem_shared>>
      tpu.wait_indirect_dma semaphore(%arg17 : memref<!tpu.dma_semaphore, #tpu.memory_space<semaphore_mem>>) src(%arg10 : memref<128x128xf32, #tpu.memory_space<vmem>>) dst(%dma_wait3A_417 : memref<5120x128xf32, #tpu.memory_space<vmem_shared>>)
      %dma_wait3A_418 = arith.constant 5 : i32
      %dma_wait3A_419 = arith.constant 0 : i32
      %dma_wait3A_420 = tpu.memref_slice %arg9[%dma_wait3A_418, %dma_wait3A_419] : memref<8x128xi32, #tpu.memory_space<vmem>> -> memref<1x128xi32, #tpu.memory_space<vmem>>
      %dma_wait3A_421 = tpu.memref_squeeze %dma_wait3A_420 : memref<1x128xi32, #tpu.memory_space<vmem>> -> memref<128xi32, #tpu.memory_space<vmem>>
      %dma_wait3A_422 = arith.constant 0 : i32
      %dma_wait3A_423 = arith.constant 0 : i32
      %dma_wait3A_424 = tpu.memref_slice %arg13[%dma_wait3A_422, %dma_wait3A_423] : memref<5120x128xf32, #tpu.memory_space<vmem_shared>> -> memref<5120x128xf32, #tpu.memory_space<vmem_shared>>
      tpu.wait_indirect_dma semaphore(%arg17 : memref<!tpu.dma_semaphore, #tpu.memory_space<semaphore_mem>>) src(%arg10 : memref<128x128xf32, #tpu.memory_space<vmem>>) dst(%dma_wait3A_424 : memref<5120x128xf32, #tpu.memory_space<vmem_shared>>)
      %dma_wait3A_425 = arith.constant 6 : i32
      %dma_wait3A_426 = arith.constant 0 : i32
      %dma_wait3A_427 = tpu.memref_slice %arg9[%dma_wait3A_425, %dma_wait3A_426] : memref<8x128xi32, #tpu.memory_space<vmem>> -> memref<1x128xi32, #tpu.memory_space<vmem>>
      %dma_wait3A_428 = tpu.memref_squeeze %dma_wait3A_427 : memref<1x128xi32, #tpu.memory_space<vmem>> -> memref<128xi32, #tpu.memory_space<vmem>>
      %dma_wait3A_429 = arith.constant 0 : i32
      %dma_wait3A_430 = arith.constant 0 : i32
      %dma_wait3A_431 = tpu.memref_slice %arg13[%dma_wait3A_429, %dma_wait3A_430] : memref<5120x128xf32, #tpu.memory_space<vmem_shared>> -> memref<5120x128xf32, #tpu.memory_space<vmem_shared>>
      tpu.wait_indirect_dma semaphore(%arg17 : memref<!tpu.dma_semaphore, #tpu.memory_space<semaphore_mem>>) src(%arg10 : memref<128x128xf32, #tpu.memory_space<vmem>>) dst(%dma_wait3A_431 : memref<5120x128xf32, #tpu.memory_space<vmem_shared>>)
      %dma_wait3A_432 = arith.constant 7 : i32
      %dma_wait3A_433 = arith.constant 0 : i32
      %dma_wait3A_434 = tpu.memref_slice %arg9[%dma_wait3A_432, %dma_wait3A_433] : memref<8x128xi32, #tpu.memory_space<vmem>> -> memref<1x128xi32, #tpu.memory_space<vmem>>
      %dma_wait3A_435 = tpu.memref_squeeze %dma_wait3A_434 : memref<1x128xi32, #tpu.memory_space<vmem>> -> memref<128xi32, #tpu.memory_space<vmem>>
      %dma_wait3A_436 = arith.constant 0 : i32
      %dma_wait3A_437 = arith.constant 0 : i32
      %dma_wait3A_438 = tpu.memref_slice %arg13[%dma_wait3A_436, %dma_wait3A_437] : memref<5120x128xf32, #tpu.memory_space<vmem_shared>> -> memref<5120x128xf32, #tpu.memory_space<vmem_shared>>
      tpu.wait_indirect_dma semaphore(%arg17 : memref<!tpu.dma_semaphore, #tpu.memory_space<semaphore_mem>>) src(%arg10 : memref<128x128xf32, #tpu.memory_space<vmem>>) dst(%dma_wait3A_438 : memref<5120x128xf32, #tpu.memory_space<vmem_shared>>)
    }
    %scan3A_229 = arith.constant 10 : i32
    %barrier3A_230 = arith.constant 0 : index
    tpu.barrier barrier_id(%barrier3A_230)
    %mul3A_231 = arith.constant 2 : i32
    %mul3A_232 = arith.muli %mul3A_231, %arg0 : i32
    %add3A_233 = arith.constant 8 : i32
    %add3A_234 = arith.addi %add3A_233, %mul3A_232 : i32
    %add3A_235 = arith.constant 0 : i32
    %add3A_236 = arith.addi %add3A_234, %add3A_235 : i32
    %mul3A_237 = arith.constant 5120 : i32
    %mul3A_238 = arith.muli %add3A_236, %mul3A_237 : i32
    %mul3A_239 = arith.constant 320 : i32
    %mul3A_240 = arith.muli %arg1, %mul3A_239 : i32
    %add3A_241 = arith.addi %mul3A_238, %mul3A_240 : i32
    %mul3A_242 = arith.constant 320 : i32
    %mul3A_243 = arith.muli %arg1, %mul3A_242 : i32
    %add3A_244 = arith.constant 0 : i32
    %add3A_245 = arith.addi %mul3A_243, %add3A_244 : i32
    "tpu.region"() ({
      %run_scoped3A = tpu.sem_alloc : memref<!tpu.dma_semaphore, #tpu.memory_space<semaphore_mem>>
      %dma_start3A = arith.constant 0 : i32
      %dma_start3A_314 = arith.constant 0 : i32
      %dma_start3A_315 = tpu.memref_slice %arg10[%dma_start3A, %dma_start3A_314] : memref<128x128xf32, #tpu.memory_space<vmem>> -> memref<128x128xf32, #tpu.memory_space<vmem>>
      %dma_start3A_316 = arith.constant 0 : i32
      %dma_start3A_317 = tpu.memref_slice %arg13[%add3A_245, %dma_start3A_316] : memref<5120x128xf32, #tpu.memory_space<vmem_shared>> -> memref<128x128xf32, #tpu.memory_space<vmem_shared>>
      %dma_start3A_318 = arith.constant 0 : i32
      %dma_start3A_319 = arith.constant 0 : i32
      %dma_start3A_320 = tpu.memref_slice %arg10[%dma_start3A_318, %dma_start3A_319] : memref<128x128xf32, #tpu.memory_space<vmem>> -> memref<128x128xf32, #tpu.memory_space<vmem>>
      %dma_start3A_321 = arith.constant 0 : i32
      %dma_start3A_322 = tpu.memref_slice %arg13[%add3A_245, %dma_start3A_321] : memref<5120x128xf32, #tpu.memory_space<vmem_shared>> -> memref<128x128xf32, #tpu.memory_space<vmem_shared>>
      tpu.enqueue_dma source(%dma_start3A_322 : memref<128x128xf32, #tpu.memory_space<vmem_shared>>) target(%dma_start3A_320 : memref<128x128xf32, #tpu.memory_space<vmem>>) target_semaphore(%run_scoped3A : memref<!tpu.dma_semaphore, #tpu.memory_space<semaphore_mem>>)
      %dma_wait3A = arith.constant 0 : i32
      %dma_wait3A_323 = arith.constant 0 : i32
      %dma_wait3A_324 = tpu.memref_slice %arg10[%dma_wait3A, %dma_wait3A_323] : memref<128x128xf32, #tpu.memory_space<vmem>> -> memref<128x128xf32, #tpu.memory_space<vmem>>
      %dma_wait3A_325 = arith.constant 0 : i32
      %dma_wait3A_326 = tpu.memref_slice %arg13[%add3A_245, %dma_wait3A_325] : memref<5120x128xf32, #tpu.memory_space<vmem_shared>> -> memref<128x128xf32, #tpu.memory_space<vmem_shared>>
      %dma_wait3A_327 = arith.constant 0 : i32
      %dma_wait3A_328 = arith.constant 0 : i32
      %dma_wait3A_329 = tpu.memref_slice %arg10[%dma_wait3A_327, %dma_wait3A_328] : memref<128x128xf32, #tpu.memory_space<vmem>> -> memref<128x128xf32, #tpu.memory_space<vmem>>
      %dma_wait3A_330 = arith.constant 0 : i32
      %dma_wait3A_331 = tpu.memref_slice %arg13[%add3A_245, %dma_wait3A_330] : memref<5120x128xf32, #tpu.memory_space<vmem_shared>> -> memref<128x128xf32, #tpu.memory_space<vmem_shared>>
      tpu.wait_dma2 semaphore(%run_scoped3A : memref<!tpu.dma_semaphore, #tpu.memory_space<semaphore_mem>>) src(%dma_wait3A_331 : memref<128x128xf32, #tpu.memory_space<vmem_shared>>) dst(%dma_wait3A_329 : memref<128x128xf32, #tpu.memory_space<vmem>>)
      tpu.yield
    }) : () -> ()
    %add3A_246 = arith.constant 0 : i32
    %add3A_247 = arith.addi %add3A_241, %add3A_246 : i32
    "tpu.region"() ({
      %run_scoped3A = tpu.sem_alloc : memref<!tpu.dma_semaphore, #tpu.memory_space<semaphore_mem>>
      %dma_start3A = arith.constant 0 : i32
      %dma_start3A_314 = arith.constant 0 : i32
      %dma_start3A_315 = tpu.memref_slice %arg10[%dma_start3A, %dma_start3A_314] : memref<128x128xf32, #tpu.memory_space<vmem>> -> memref<128x128xf32, #tpu.memory_space<vmem>>
      %dma_start3A_316 = arith.constant 0 : i32
      %dma_start3A_317 = tpu.memref_slice %arg7[%add3A_247, %dma_start3A_316] : memref<61440x128xf32, #tpu.memory_space<hbm>> -> memref<128x128xf32, #tpu.memory_space<hbm>>
      %dma_start3A_318 = arith.constant 0 : i32
      %dma_start3A_319 = tpu.memref_slice %arg7[%add3A_247, %dma_start3A_318] : memref<61440x128xf32, #tpu.memory_space<hbm>> -> memref<128x128xf32, #tpu.memory_space<hbm>>
      %dma_start3A_320 = arith.constant 0 : i32
      %dma_start3A_321 = arith.constant 0 : i32
      %dma_start3A_322 = tpu.memref_slice %arg10[%dma_start3A_320, %dma_start3A_321] : memref<128x128xf32, #tpu.memory_space<vmem>> -> memref<128x128xf32, #tpu.memory_space<vmem>>
      tpu.enqueue_dma source(%dma_start3A_322 : memref<128x128xf32, #tpu.memory_space<vmem>>) target(%dma_start3A_319 : memref<128x128xf32, #tpu.memory_space<hbm>>) target_semaphore(%run_scoped3A : memref<!tpu.dma_semaphore, #tpu.memory_space<semaphore_mem>>)
      %dma_wait3A = arith.constant 0 : i32
      %dma_wait3A_323 = arith.constant 0 : i32
      %dma_wait3A_324 = tpu.memref_slice %arg10[%dma_wait3A, %dma_wait3A_323] : memref<128x128xf32, #tpu.memory_space<vmem>> -> memref<128x128xf32, #tpu.memory_space<vmem>>
      %dma_wait3A_325 = arith.constant 0 : i32
      %dma_wait3A_326 = tpu.memref_slice %arg7[%add3A_247, %dma_wait3A_325] : memref<61440x128xf32, #tpu.memory_space<hbm>> -> memref<128x128xf32, #tpu.memory_space<hbm>>
      %dma_wait3A_327 = arith.constant 0 : i32
      %dma_wait3A_328 = tpu.memref_slice %arg7[%add3A_247, %dma_wait3A_327] : memref<61440x128xf32, #tpu.memory_space<hbm>> -> memref<128x128xf32, #tpu.memory_space<hbm>>
      %dma_wait3A_329 = arith.constant 0 : i32
      %dma_wait3A_330 = arith.constant 0 : i32
      %dma_wait3A_331 = tpu.memref_slice %arg10[%dma_wait3A_329, %dma_wait3A_330] : memref<128x128xf32, #tpu.memory_space<vmem>> -> memref<128x128xf32, #tpu.memory_space<vmem>>
      tpu.wait_dma2 semaphore(%run_scoped3A : memref<!tpu.dma_semaphore, #tpu.memory_space<semaphore_mem>>) src(%dma_wait3A_331 : memref<128x128xf32, #tpu.memory_space<vmem>>) dst(%dma_wait3A_328 : memref<128x128xf32, #tpu.memory_space<hbm>>)
      tpu.yield
    }) : () -> ()
    %mul3A_248 = arith.constant 320 : i32
    %mul3A_249 = arith.muli %arg1, %mul3A_248 : i32
    %add3A_250 = arith.constant 128 : i32
    %add3A_251 = arith.addi %mul3A_249, %add3A_250 : i32
    "tpu.region"() ({
      %run_scoped3A = tpu.sem_alloc : memref<!tpu.dma_semaphore, #tpu.memory_space<semaphore_mem>>
      %dma_start3A = arith.constant 0 : i32
      %dma_start3A_314 = arith.constant 0 : i32
      %dma_start3A_315 = tpu.memref_slice %arg10[%dma_start3A, %dma_start3A_314] : memref<128x128xf32, #tpu.memory_space<vmem>> -> memref<128x128xf32, #tpu.memory_space<vmem>>
      %dma_start3A_316 = arith.constant 0 : i32
      %dma_start3A_317 = tpu.memref_slice %arg13[%add3A_251, %dma_start3A_316] : memref<5120x128xf32, #tpu.memory_space<vmem_shared>> -> memref<128x128xf32, #tpu.memory_space<vmem_shared>>
      %dma_start3A_318 = arith.constant 0 : i32
      %dma_start3A_319 = arith.constant 0 : i32
      %dma_start3A_320 = tpu.memref_slice %arg10[%dma_start3A_318, %dma_start3A_319] : memref<128x128xf32, #tpu.memory_space<vmem>> -> memref<128x128xf32, #tpu.memory_space<vmem>>
      %dma_start3A_321 = arith.constant 0 : i32
      %dma_start3A_322 = tpu.memref_slice %arg13[%add3A_251, %dma_start3A_321] : memref<5120x128xf32, #tpu.memory_space<vmem_shared>> -> memref<128x128xf32, #tpu.memory_space<vmem_shared>>
      tpu.enqueue_dma source(%dma_start3A_322 : memref<128x128xf32, #tpu.memory_space<vmem_shared>>) target(%dma_start3A_320 : memref<128x128xf32, #tpu.memory_space<vmem>>) target_semaphore(%run_scoped3A : memref<!tpu.dma_semaphore, #tpu.memory_space<semaphore_mem>>)
      %dma_wait3A = arith.constant 0 : i32
      %dma_wait3A_323 = arith.constant 0 : i32
      %dma_wait3A_324 = tpu.memref_slice %arg10[%dma_wait3A, %dma_wait3A_323] : memref<128x128xf32, #tpu.memory_space<vmem>> -> memref<128x128xf32, #tpu.memory_space<vmem>>
      %dma_wait3A_325 = arith.constant 0 : i32
      %dma_wait3A_326 = tpu.memref_slice %arg13[%add3A_251, %dma_wait3A_325] : memref<5120x128xf32, #tpu.memory_space<vmem_shared>> -> memref<128x128xf32, #tpu.memory_space<vmem_shared>>
      %dma_wait3A_327 = arith.constant 0 : i32
      %dma_wait3A_328 = arith.constant 0 : i32
      %dma_wait3A_329 = tpu.memref_slice %arg10[%dma_wait3A_327, %dma_wait3A_328] : memref<128x128xf32, #tpu.memory_space<vmem>> -> memref<128x128xf32, #tpu.memory_space<vmem>>
      %dma_wait3A_330 = arith.constant 0 : i32
      %dma_wait3A_331 = tpu.memref_slice %arg13[%add3A_251, %dma_wait3A_330] : memref<5120x128xf32, #tpu.memory_space<vmem_shared>> -> memref<128x128xf32, #tpu.memory_space<vmem_shared>>
      tpu.wait_dma2 semaphore(%run_scoped3A : memref<!tpu.dma_semaphore, #tpu.memory_space<semaphore_mem>>) src(%dma_wait3A_331 : memref<128x128xf32, #tpu.memory_space<vmem_shared>>) dst(%dma_wait3A_329 : memref<128x128xf32, #tpu.memory_space<vmem>>)
      tpu.yield
    }) : () -> ()
    %add3A_252 = arith.constant 128 : i32
    %add3A_253 = arith.addi %add3A_241, %add3A_252 : i32
    "tpu.region"() ({
      %run_scoped3A = tpu.sem_alloc : memref<!tpu.dma_semaphore, #tpu.memory_space<semaphore_mem>>
      %dma_start3A = arith.constant 0 : i32
      %dma_start3A_314 = arith.constant 0 : i32
      %dma_start3A_315 = tpu.memref_slice %arg10[%dma_start3A, %dma_start3A_314] : memref<128x128xf32, #tpu.memory_space<vmem>> -> memref<128x128xf32, #tpu.memory_space<vmem>>
      %dma_start3A_316 = arith.constant 0 : i32
      %dma_start3A_317 = tpu.memref_slice %arg7[%add3A_253, %dma_start3A_316] : memref<61440x128xf32, #tpu.memory_space<hbm>> -> memref<128x128xf32, #tpu.memory_space<hbm>>
      %dma_start3A_318 = arith.constant 0 : i32
      %dma_start3A_319 = tpu.memref_slice %arg7[%add3A_253, %dma_start3A_318] : memref<61440x128xf32, #tpu.memory_space<hbm>> -> memref<128x128xf32, #tpu.memory_space<hbm>>
      %dma_start3A_320 = arith.constant 0 : i32
      %dma_start3A_321 = arith.constant 0 : i32
      %dma_start3A_322 = tpu.memref_slice %arg10[%dma_start3A_320, %dma_start3A_321] : memref<128x128xf32, #tpu.memory_space<vmem>> -> memref<128x128xf32, #tpu.memory_space<vmem>>
      tpu.enqueue_dma source(%dma_start3A_322 : memref<128x128xf32, #tpu.memory_space<vmem>>) target(%dma_start3A_319 : memref<128x128xf32, #tpu.memory_space<hbm>>) target_semaphore(%run_scoped3A : memref<!tpu.dma_semaphore, #tpu.memory_space<semaphore_mem>>)
      %dma_wait3A = arith.constant 0 : i32
      %dma_wait3A_323 = arith.constant 0 : i32
      %dma_wait3A_324 = tpu.memref_slice %arg10[%dma_wait3A, %dma_wait3A_323] : memref<128x128xf32, #tpu.memory_space<vmem>> -> memref<128x128xf32, #tpu.memory_space<vmem>>
      %dma_wait3A_325 = arith.constant 0 : i32
      %dma_wait3A_326 = tpu.memref_slice %arg7[%add3A_253, %dma_wait3A_325] : memref<61440x128xf32, #tpu.memory_space<hbm>> -> memref<128x128xf32, #tpu.memory_space<hbm>>
      %dma_wait3A_327 = arith.constant 0 : i32
      %dma_wait3A_328 = tpu.memref_slice %arg7[%add3A_253, %dma_wait3A_327] : memref<61440x128xf32, #tpu.memory_space<hbm>> -> memref<128x128xf32, #tpu.memory_space<hbm>>
      %dma_wait3A_329 = arith.constant 0 : i32
      %dma_wait3A_330 = arith.constant 0 : i32
      %dma_wait3A_331 = tpu.memref_slice %arg10[%dma_wait3A_329, %dma_wait3A_330] : memref<128x128xf32, #tpu.memory_space<vmem>> -> memref<128x128xf32, #tpu.memory_space<vmem>>
      tpu.wait_dma2 semaphore(%run_scoped3A : memref<!tpu.dma_semaphore, #tpu.memory_space<semaphore_mem>>) src(%dma_wait3A_331 : memref<128x128xf32, #tpu.memory_space<vmem>>) dst(%dma_wait3A_328 : memref<128x128xf32, #tpu.memory_space<hbm>>)
      tpu.yield
    }) : () -> ()
    %mul3A_254 = arith.constant 320 : i32
    %mul3A_255 = arith.muli %arg1, %mul3A_254 : i32
    %add3A_256 = arith.constant 256 : i32
    %add3A_257 = arith.addi %mul3A_255, %add3A_256 : i32
    "tpu.region"() ({
      %run_scoped3A = tpu.sem_alloc : memref<!tpu.dma_semaphore, #tpu.memory_space<semaphore_mem>>
      %dma_start3A = arith.constant 0 : i32
      %dma_start3A_314 = arith.constant 0 : i32
      %dma_start3A_315 = tpu.memref_slice %arg10[%dma_start3A, %dma_start3A_314] : memref<128x128xf32, #tpu.memory_space<vmem>> -> memref<64x128xf32, #tpu.memory_space<vmem>>
      %dma_start3A_316 = arith.constant 0 : i32
      %dma_start3A_317 = tpu.memref_slice %arg13[%add3A_257, %dma_start3A_316] : memref<5120x128xf32, #tpu.memory_space<vmem_shared>> -> memref<64x128xf32, #tpu.memory_space<vmem_shared>>
      %dma_start3A_318 = arith.constant 0 : i32
      %dma_start3A_319 = arith.constant 0 : i32
      %dma_start3A_320 = tpu.memref_slice %arg10[%dma_start3A_318, %dma_start3A_319] : memref<128x128xf32, #tpu.memory_space<vmem>> -> memref<64x128xf32, #tpu.memory_space<vmem>>
      %dma_start3A_321 = arith.constant 0 : i32
      %dma_start3A_322 = tpu.memref_slice %arg13[%add3A_257, %dma_start3A_321] : memref<5120x128xf32, #tpu.memory_space<vmem_shared>> -> memref<64x128xf32, #tpu.memory_space<vmem_shared>>
      tpu.enqueue_dma source(%dma_start3A_322 : memref<64x128xf32, #tpu.memory_space<vmem_shared>>) target(%dma_start3A_320 : memref<64x128xf32, #tpu.memory_space<vmem>>) target_semaphore(%run_scoped3A : memref<!tpu.dma_semaphore, #tpu.memory_space<semaphore_mem>>)
      %dma_wait3A = arith.constant 0 : i32
      %dma_wait3A_323 = arith.constant 0 : i32
      %dma_wait3A_324 = tpu.memref_slice %arg10[%dma_wait3A, %dma_wait3A_323] : memref<128x128xf32, #tpu.memory_space<vmem>> -> memref<64x128xf32, #tpu.memory_space<vmem>>
      %dma_wait3A_325 = arith.constant 0 : i32
      %dma_wait3A_326 = tpu.memref_slice %arg13[%add3A_257, %dma_wait3A_325] : memref<5120x128xf32, #tpu.memory_space<vmem_shared>> -> memref<64x128xf32, #tpu.memory_space<vmem_shared>>
      %dma_wait3A_327 = arith.constant 0 : i32
      %dma_wait3A_328 = arith.constant 0 : i32
      %dma_wait3A_329 = tpu.memref_slice %arg10[%dma_wait3A_327, %dma_wait3A_328] : memref<128x128xf32, #tpu.memory_space<vmem>> -> memref<64x128xf32, #tpu.memory_space<vmem>>
      %dma_wait3A_330 = arith.constant 0 : i32
      %dma_wait3A_331 = tpu.memref_slice %arg13[%add3A_257, %dma_wait3A_330] : memref<5120x128xf32, #tpu.memory_space<vmem_shared>> -> memref<64x128xf32, #tpu.memory_space<vmem_shared>>
      tpu.wait_dma2 semaphore(%run_scoped3A : memref<!tpu.dma_semaphore, #tpu.memory_space<semaphore_mem>>) src(%dma_wait3A_331 : memref<64x128xf32, #tpu.memory_space<vmem_shared>>) dst(%dma_wait3A_329 : memref<64x128xf32, #tpu.memory_space<vmem>>)
      tpu.yield
    }) : () -> ()
    %add3A_258 = arith.constant 256 : i32
    %add3A_259 = arith.addi %add3A_241, %add3A_258 : i32
    "tpu.region"() ({
      %run_scoped3A = tpu.sem_alloc : memref<!tpu.dma_semaphore, #tpu.memory_space<semaphore_mem>>
      %dma_start3A = arith.constant 0 : i32
      %dma_start3A_314 = arith.constant 0 : i32
      %dma_start3A_315 = tpu.memref_slice %arg10[%dma_start3A, %dma_start3A_314] : memref<128x128xf32, #tpu.memory_space<vmem>> -> memref<64x128xf32, #tpu.memory_space<vmem>>
      %dma_start3A_316 = arith.constant 0 : i32
      %dma_start3A_317 = tpu.memref_slice %arg7[%add3A_259, %dma_start3A_316] : memref<61440x128xf32, #tpu.memory_space<hbm>> -> memref<64x128xf32, #tpu.memory_space<hbm>>
      %dma_start3A_318 = arith.constant 0 : i32
      %dma_start3A_319 = tpu.memref_slice %arg7[%add3A_259, %dma_start3A_318] : memref<61440x128xf32, #tpu.memory_space<hbm>> -> memref<64x128xf32, #tpu.memory_space<hbm>>
      %dma_start3A_320 = arith.constant 0 : i32
      %dma_start3A_321 = arith.constant 0 : i32
      %dma_start3A_322 = tpu.memref_slice %arg10[%dma_start3A_320, %dma_start3A_321] : memref<128x128xf32, #tpu.memory_space<vmem>> -> memref<64x128xf32, #tpu.memory_space<vmem>>
      tpu.enqueue_dma source(%dma_start3A_322 : memref<64x128xf32, #tpu.memory_space<vmem>>) target(%dma_start3A_319 : memref<64x128xf32, #tpu.memory_space<hbm>>) target_semaphore(%run_scoped3A : memref<!tpu.dma_semaphore, #tpu.memory_space<semaphore_mem>>)
      %dma_wait3A = arith.constant 0 : i32
      %dma_wait3A_323 = arith.constant 0 : i32
      %dma_wait3A_324 = tpu.memref_slice %arg10[%dma_wait3A, %dma_wait3A_323] : memref<128x128xf32, #tpu.memory_space<vmem>> -> memref<64x128xf32, #tpu.memory_space<vmem>>
      %dma_wait3A_325 = arith.constant 0 : i32
      %dma_wait3A_326 = tpu.memref_slice %arg7[%add3A_259, %dma_wait3A_325] : memref<61440x128xf32, #tpu.memory_space<hbm>> -> memref<64x128xf32, #tpu.memory_space<hbm>>
      %dma_wait3A_327 = arith.constant 0 : i32
      %dma_wait3A_328 = tpu.memref_slice %arg7[%add3A_259, %dma_wait3A_327] : memref<61440x128xf32, #tpu.memory_space<hbm>> -> memref<64x128xf32, #tpu.memory_space<hbm>>
      %dma_wait3A_329 = arith.constant 0 : i32
      %dma_wait3A_330 = arith.constant 0 : i32
      %dma_wait3A_331 = tpu.memref_slice %arg10[%dma_wait3A_329, %dma_wait3A_330] : memref<128x128xf32, #tpu.memory_space<vmem>> -> memref<64x128xf32, #tpu.memory_space<vmem>>
      tpu.wait_dma2 semaphore(%run_scoped3A : memref<!tpu.dma_semaphore, #tpu.memory_space<semaphore_mem>>) src(%dma_wait3A_331 : memref<64x128xf32, #tpu.memory_space<vmem>>) dst(%dma_wait3A_328 : memref<64x128xf32, #tpu.memory_space<hbm>>)
      tpu.yield
    }) : () -> ()
    %barrier3A_260 = arith.constant 0 : index
    tpu.barrier barrier_id(%barrier3A_260)
    "tpu.region"() ({
      %run_scoped3A = tpu.sem_alloc : memref<!tpu.dma_semaphore, #tpu.memory_space<semaphore_mem>>
      %dma_start3A = arith.constant 0 : i32
      %dma_start3A_314 = arith.constant 0 : i32
      %dma_start3A_315 = tpu.memref_slice %arg10[%dma_start3A, %dma_start3A_314] : memref<128x128xf32, #tpu.memory_space<vmem>> -> memref<80x128xf32, #tpu.memory_space<vmem>>
      %dma_start3A_316 = arith.constant 0 : i32
      %dma_start3A_317 = arith.constant 0 : i32
      %dma_start3A_318 = tpu.memref_slice %arg10[%dma_start3A_316, %dma_start3A_317] : memref<128x128xf32, #tpu.memory_space<vmem>> -> memref<80x128xf32, #tpu.memory_space<vmem>>
      tpu.enqueue_dma source(%arg5 : memref<80x128xf32, #tpu.memory_space<hbm>>) target(%dma_start3A_318 : memref<80x128xf32, #tpu.memory_space<vmem>>) target_semaphore(%run_scoped3A : memref<!tpu.dma_semaphore, #tpu.memory_space<semaphore_mem>>)
      %dma_wait3A = arith.constant 0 : i32
      %dma_wait3A_319 = arith.constant 0 : i32
      %dma_wait3A_320 = tpu.memref_slice %arg10[%dma_wait3A, %dma_wait3A_319] : memref<128x128xf32, #tpu.memory_space<vmem>> -> memref<80x128xf32, #tpu.memory_space<vmem>>
      %dma_wait3A_321 = arith.constant 0 : i32
      %dma_wait3A_322 = arith.constant 0 : i32
      %dma_wait3A_323 = tpu.memref_slice %arg10[%dma_wait3A_321, %dma_wait3A_322] : memref<128x128xf32, #tpu.memory_space<vmem>> -> memref<80x128xf32, #tpu.memory_space<vmem>>
      tpu.wait_dma2 semaphore(%run_scoped3A : memref<!tpu.dma_semaphore, #tpu.memory_space<semaphore_mem>>) src(%arg5 : memref<80x128xf32, #tpu.memory_space<hbm>>) dst(%dma_wait3A_323 : memref<80x128xf32, #tpu.memory_space<vmem>>)
      tpu.yield
    }) : () -> ()
    %mul3A_261 = arith.constant 320 : i32
    %mul3A_262 = arith.muli %arg1, %mul3A_261 : i32
    %add3A_263 = arith.constant 0 : i32
    %add3A_264 = arith.addi %mul3A_262, %add3A_263 : i32
    "tpu.region"() ({
      %run_scoped3A = tpu.sem_alloc : memref<!tpu.dma_semaphore, #tpu.memory_space<semaphore_mem>>
      %dma_start3A = arith.constant 0 : i32
      %dma_start3A_314 = arith.constant 0 : i32
      %dma_start3A_315 = tpu.memref_slice %arg10[%dma_start3A, %dma_start3A_314] : memref<128x128xf32, #tpu.memory_space<vmem>> -> memref<80x128xf32, #tpu.memory_space<vmem>>
      %dma_start3A_316 = arith.constant 0 : i32
      %dma_start3A_317 = tpu.memref_slice %arg13[%add3A_264, %dma_start3A_316] : memref<5120x128xf32, #tpu.memory_space<vmem_shared>> -> memref<80x128xf32, #tpu.memory_space<vmem_shared>>
      %dma_start3A_318 = arith.constant 0 : i32
      %dma_start3A_319 = tpu.memref_slice %arg13[%add3A_264, %dma_start3A_318] : memref<5120x128xf32, #tpu.memory_space<vmem_shared>> -> memref<80x128xf32, #tpu.memory_space<vmem_shared>>
      %dma_start3A_320 = arith.constant 0 : i32
      %dma_start3A_321 = arith.constant 0 : i32
      %dma_start3A_322 = tpu.memref_slice %arg10[%dma_start3A_320, %dma_start3A_321] : memref<128x128xf32, #tpu.memory_space<vmem>> -> memref<80x128xf32, #tpu.memory_space<vmem>>
      tpu.enqueue_dma source(%dma_start3A_322 : memref<80x128xf32, #tpu.memory_space<vmem>>) target(%dma_start3A_319 : memref<80x128xf32, #tpu.memory_space<vmem_shared>>) target_semaphore(%run_scoped3A : memref<!tpu.dma_semaphore, #tpu.memory_space<semaphore_mem>>)
      %dma_wait3A = arith.constant 0 : i32
      %dma_wait3A_323 = arith.constant 0 : i32
      %dma_wait3A_324 = tpu.memref_slice %arg10[%dma_wait3A, %dma_wait3A_323] : memref<128x128xf32, #tpu.memory_space<vmem>> -> memref<80x128xf32, #tpu.memory_space<vmem>>
      %dma_wait3A_325 = arith.constant 0 : i32
      %dma_wait3A_326 = tpu.memref_slice %arg13[%add3A_264, %dma_wait3A_325] : memref<5120x128xf32, #tpu.memory_space<vmem_shared>> -> memref<80x128xf32, #tpu.memory_space<vmem_shared>>
      %dma_wait3A_327 = arith.constant 0 : i32
      %dma_wait3A_328 = tpu.memref_slice %arg13[%add3A_264, %dma_wait3A_327] : memref<5120x128xf32, #tpu.memory_space<vmem_shared>> -> memref<80x128xf32, #tpu.memory_space<vmem_shared>>
      %dma_wait3A_329 = arith.constant 0 : i32
      %dma_wait3A_330 = arith.constant 0 : i32
      %dma_wait3A_331 = tpu.memref_slice %arg10[%dma_wait3A_329, %dma_wait3A_330] : memref<128x128xf32, #tpu.memory_space<vmem>> -> memref<80x128xf32, #tpu.memory_space<vmem>>
      tpu.wait_dma2 semaphore(%run_scoped3A : memref<!tpu.dma_semaphore, #tpu.memory_space<semaphore_mem>>) src(%dma_wait3A_331 : memref<80x128xf32, #tpu.memory_space<vmem>>) dst(%dma_wait3A_328 : memref<80x128xf32, #tpu.memory_space<vmem_shared>>)
      tpu.yield
    }) : () -> ()
    %mul3A_265 = arith.constant 320 : i32
    %mul3A_266 = arith.muli %arg1, %mul3A_265 : i32
    %add3A_267 = arith.constant 80 : i32
    %add3A_268 = arith.addi %mul3A_266, %add3A_267 : i32
    "tpu.region"() ({
      %run_scoped3A = tpu.sem_alloc : memref<!tpu.dma_semaphore, #tpu.memory_space<semaphore_mem>>
      %dma_start3A = arith.constant 0 : i32
      %dma_start3A_314 = arith.constant 0 : i32
      %dma_start3A_315 = tpu.memref_slice %arg10[%dma_start3A, %dma_start3A_314] : memref<128x128xf32, #tpu.memory_space<vmem>> -> memref<80x128xf32, #tpu.memory_space<vmem>>
      %dma_start3A_316 = arith.constant 0 : i32
      %dma_start3A_317 = tpu.memref_slice %arg13[%add3A_268, %dma_start3A_316] : memref<5120x128xf32, #tpu.memory_space<vmem_shared>> -> memref<80x128xf32, #tpu.memory_space<vmem_shared>>
      %dma_start3A_318 = arith.constant 0 : i32
      %dma_start3A_319 = tpu.memref_slice %arg13[%add3A_268, %dma_start3A_318] : memref<5120x128xf32, #tpu.memory_space<vmem_shared>> -> memref<80x128xf32, #tpu.memory_space<vmem_shared>>
      %dma_start3A_320 = arith.constant 0 : i32
      %dma_start3A_321 = arith.constant 0 : i32
      %dma_start3A_322 = tpu.memref_slice %arg10[%dma_start3A_320, %dma_start3A_321] : memref<128x128xf32, #tpu.memory_space<vmem>> -> memref<80x128xf32, #tpu.memory_space<vmem>>
      tpu.enqueue_dma source(%dma_start3A_322 : memref<80x128xf32, #tpu.memory_space<vmem>>) target(%dma_start3A_319 : memref<80x128xf32, #tpu.memory_space<vmem_shared>>) target_semaphore(%run_scoped3A : memref<!tpu.dma_semaphore, #tpu.memory_space<semaphore_mem>>)
      %dma_wait3A = arith.constant 0 : i32
      %dma_wait3A_323 = arith.constant 0 : i32
      %dma_wait3A_324 = tpu.memref_slice %arg10[%dma_wait3A, %dma_wait3A_323] : memref<128x128xf32, #tpu.memory_space<vmem>> -> memref<80x128xf32, #tpu.memory_space<vmem>>
      %dma_wait3A_325 = arith.constant 0 : i32
      %dma_wait3A_326 = tpu.memref_slice %arg13[%add3A_268, %dma_wait3A_325] : memref<5120x128xf32, #tpu.memory_space<vmem_shared>> -> memref<80x128xf32, #tpu.memory_space<vmem_shared>>
      %dma_wait3A_327 = arith.constant 0 : i32
      %dma_wait3A_328 = tpu.memref_slice %arg13[%add3A_268, %dma_wait3A_327] : memref<5120x128xf32, #tpu.memory_space<vmem_shared>> -> memref<80x128xf32, #tpu.memory_space<vmem_shared>>
      %dma_wait3A_329 = arith.constant 0 : i32
      %dma_wait3A_330 = arith.constant 0 : i32
      %dma_wait3A_331 = tpu.memref_slice %arg10[%dma_wait3A_329, %dma_wait3A_330] : memref<128x128xf32, #tpu.memory_space<vmem>> -> memref<80x128xf32, #tpu.memory_space<vmem>>
      tpu.wait_dma2 semaphore(%run_scoped3A : memref<!tpu.dma_semaphore, #tpu.memory_space<semaphore_mem>>) src(%dma_wait3A_331 : memref<80x128xf32, #tpu.memory_space<vmem>>) dst(%dma_wait3A_328 : memref<80x128xf32, #tpu.memory_space<vmem_shared>>)
      tpu.yield
    }) : () -> ()
    %mul3A_269 = arith.constant 320 : i32
    %mul3A_270 = arith.muli %arg1, %mul3A_269 : i32
    %add3A_271 = arith.constant 160 : i32
    %add3A_272 = arith.addi %mul3A_270, %add3A_271 : i32
    "tpu.region"() ({
      %run_scoped3A = tpu.sem_alloc : memref<!tpu.dma_semaphore, #tpu.memory_space<semaphore_mem>>
      %dma_start3A = arith.constant 0 : i32
      %dma_start3A_314 = arith.constant 0 : i32
      %dma_start3A_315 = tpu.memref_slice %arg10[%dma_start3A, %dma_start3A_314] : memref<128x128xf32, #tpu.memory_space<vmem>> -> memref<80x128xf32, #tpu.memory_space<vmem>>
      %dma_start3A_316 = arith.constant 0 : i32
      %dma_start3A_317 = tpu.memref_slice %arg13[%add3A_272, %dma_start3A_316] : memref<5120x128xf32, #tpu.memory_space<vmem_shared>> -> memref<80x128xf32, #tpu.memory_space<vmem_shared>>
      %dma_start3A_318 = arith.constant 0 : i32
      %dma_start3A_319 = tpu.memref_slice %arg13[%add3A_272, %dma_start3A_318] : memref<5120x128xf32, #tpu.memory_space<vmem_shared>> -> memref<80x128xf32, #tpu.memory_space<vmem_shared>>
      %dma_start3A_320 = arith.constant 0 : i32
      %dma_start3A_321 = arith.constant 0 : i32
      %dma_start3A_322 = tpu.memref_slice %arg10[%dma_start3A_320, %dma_start3A_321] : memref<128x128xf32, #tpu.memory_space<vmem>> -> memref<80x128xf32, #tpu.memory_space<vmem>>
      tpu.enqueue_dma source(%dma_start3A_322 : memref<80x128xf32, #tpu.memory_space<vmem>>) target(%dma_start3A_319 : memref<80x128xf32, #tpu.memory_space<vmem_shared>>) target_semaphore(%run_scoped3A : memref<!tpu.dma_semaphore, #tpu.memory_space<semaphore_mem>>)
      %dma_wait3A = arith.constant 0 : i32
      %dma_wait3A_323 = arith.constant 0 : i32
      %dma_wait3A_324 = tpu.memref_slice %arg10[%dma_wait3A, %dma_wait3A_323] : memref<128x128xf32, #tpu.memory_space<vmem>> -> memref<80x128xf32, #tpu.memory_space<vmem>>
      %dma_wait3A_325 = arith.constant 0 : i32
      %dma_wait3A_326 = tpu.memref_slice %arg13[%add3A_272, %dma_wait3A_325] : memref<5120x128xf32, #tpu.memory_space<vmem_shared>> -> memref<80x128xf32, #tpu.memory_space<vmem_shared>>
      %dma_wait3A_327 = arith.constant 0 : i32
      %dma_wait3A_328 = tpu.memref_slice %arg13[%add3A_272, %dma_wait3A_327] : memref<5120x128xf32, #tpu.memory_space<vmem_shared>> -> memref<80x128xf32, #tpu.memory_space<vmem_shared>>
      %dma_wait3A_329 = arith.constant 0 : i32
      %dma_wait3A_330 = arith.constant 0 : i32
      %dma_wait3A_331 = tpu.memref_slice %arg10[%dma_wait3A_329, %dma_wait3A_330] : memref<128x128xf32, #tpu.memory_space<vmem>> -> memref<80x128xf32, #tpu.memory_space<vmem>>
      tpu.wait_dma2 semaphore(%run_scoped3A : memref<!tpu.dma_semaphore, #tpu.memory_space<semaphore_mem>>) src(%dma_wait3A_331 : memref<80x128xf32, #tpu.memory_space<vmem>>) dst(%dma_wait3A_328 : memref<80x128xf32, #tpu.memory_space<vmem_shared>>)
      tpu.yield
    }) : () -> ()
    %mul3A_273 = arith.constant 320 : i32
    %mul3A_274 = arith.muli %arg1, %mul3A_273 : i32
    %add3A_275 = arith.constant 240 : i32
    %add3A_276 = arith.addi %mul3A_274, %add3A_275 : i32
    "tpu.region"() ({
      %run_scoped3A = tpu.sem_alloc : memref<!tpu.dma_semaphore, #tpu.memory_space<semaphore_mem>>
      %dma_start3A = arith.constant 0 : i32
      %dma_start3A_314 = arith.constant 0 : i32
      %dma_start3A_315 = tpu.memref_slice %arg10[%dma_start3A, %dma_start3A_314] : memref<128x128xf32, #tpu.memory_space<vmem>> -> memref<80x128xf32, #tpu.memory_space<vmem>>
      %dma_start3A_316 = arith.constant 0 : i32
      %dma_start3A_317 = tpu.memref_slice %arg13[%add3A_276, %dma_start3A_316] : memref<5120x128xf32, #tpu.memory_space<vmem_shared>> -> memref<80x128xf32, #tpu.memory_space<vmem_shared>>
      %dma_start3A_318 = arith.constant 0 : i32
      %dma_start3A_319 = tpu.memref_slice %arg13[%add3A_276, %dma_start3A_318] : memref<5120x128xf32, #tpu.memory_space<vmem_shared>> -> memref<80x128xf32, #tpu.memory_space<vmem_shared>>
      %dma_start3A_320 = arith.constant 0 : i32
      %dma_start3A_321 = arith.constant 0 : i32
      %dma_start3A_322 = tpu.memref_slice %arg10[%dma_start3A_320, %dma_start3A_321] : memref<128x128xf32, #tpu.memory_space<vmem>> -> memref<80x128xf32, #tpu.memory_space<vmem>>
      tpu.enqueue_dma source(%dma_start3A_322 : memref<80x128xf32, #tpu.memory_space<vmem>>) target(%dma_start3A_319 : memref<80x128xf32, #tpu.memory_space<vmem_shared>>) target_semaphore(%run_scoped3A : memref<!tpu.dma_semaphore, #tpu.memory_space<semaphore_mem>>)
      %dma_wait3A = arith.constant 0 : i32
      %dma_wait3A_323 = arith.constant 0 : i32
      %dma_wait3A_324 = tpu.memref_slice %arg10[%dma_wait3A, %dma_wait3A_323] : memref<128x128xf32, #tpu.memory_space<vmem>> -> memref<80x128xf32, #tpu.memory_space<vmem>>
      %dma_wait3A_325 = arith.constant 0 : i32
      %dma_wait3A_326 = tpu.memref_slice %arg13[%add3A_276, %dma_wait3A_325] : memref<5120x128xf32, #tpu.memory_space<vmem_shared>> -> memref<80x128xf32, #tpu.memory_space<vmem_shared>>
      %dma_wait3A_327 = arith.constant 0 : i32
      %dma_wait3A_328 = tpu.memref_slice %arg13[%add3A_276, %dma_wait3A_327] : memref<5120x128xf32, #tpu.memory_space<vmem_shared>> -> memref<80x128xf32, #tpu.memory_space<vmem_shared>>
      %dma_wait3A_329 = arith.constant 0 : i32
      %dma_wait3A_330 = arith.constant 0 : i32
      %dma_wait3A_331 = tpu.memref_slice %arg10[%dma_wait3A_329, %dma_wait3A_330] : memref<128x128xf32, #tpu.memory_space<vmem>> -> memref<80x128xf32, #tpu.memory_space<vmem>>
      tpu.wait_dma2 semaphore(%run_scoped3A : memref<!tpu.dma_semaphore, #tpu.memory_space<semaphore_mem>>) src(%dma_wait3A_331 : memref<80x128xf32, #tpu.memory_space<vmem>>) dst(%dma_wait3A_328 : memref<80x128xf32, #tpu.memory_space<vmem_shared>>)
      tpu.yield
    }) : () -> ()
    "tpu.region"() ({
      %run_scoped3A = tpu.sem_alloc : memref<!tpu.dma_semaphore, #tpu.memory_space<semaphore_mem>>
      tpu.enqueue_dma source(%arg6 : memref<128x128xf32, #tpu.memory_space<hbm>>) target(%arg10 : memref<128x128xf32, #tpu.memory_space<vmem>>) target_semaphore(%run_scoped3A : memref<!tpu.dma_semaphore, #tpu.memory_space<semaphore_mem>>)
      tpu.wait_dma2 semaphore(%run_scoped3A : memref<!tpu.dma_semaphore, #tpu.memory_space<semaphore_mem>>) src(%arg6 : memref<128x128xf32, #tpu.memory_space<hbm>>) dst(%arg10 : memref<128x128xf32, #tpu.memory_space<vmem>>)
      tpu.yield
    }) : () -> ()
    %barrier3A_277 = arith.constant 0 : index
    tpu.barrier barrier_id(%barrier3A_277)
    %scan3A_278 = arith.constant 0 : i32
    %scan3A_279 = arith.constant 10 : i32
    %scan3A_280 = arith.addi %scan3A_278, %scan3A_279 : i32
    %scan3A_281 = arith.constant 1 : i32
    scf.for %scan3A_314 = %scan3A_278 to %scan3A_280 step %scan3A_281  : i32 {
      %mul3A_315 = arith.constant 1 : i32
      %mul3A_316 = arith.muli %scan3A_314, %mul3A_315 : i32
      %add3A_317 = arith.constant 0 : i32
      %add3A_318 = arith.addi %add3A_317, %mul3A_316 : i32
      %mul3A_319 = arith.constant 1280 : i32
      %mul3A_320 = arith.muli %arg0, %mul3A_319 : i32
      %add3A_321 = arith.constant 2560 : i32
      %add3A_322 = arith.addi %add3A_321, %mul3A_320 : i32
      %mul3A_323 = arith.constant 80 : i32
      %mul3A_324 = arith.muli %arg1, %mul3A_323 : i32
      %add3A_325 = arith.addi %add3A_322, %mul3A_324 : i32
      %mul3A_326 = arith.constant 8 : i32
      %mul3A_327 = arith.muli %add3A_318, %mul3A_326 : i32
      %add3A_328 = arith.addi %add3A_325, %mul3A_327 : i32
      "tpu.region"() ({
        %run_scoped3A = tpu.sem_alloc : memref<!tpu.dma_semaphore, #tpu.memory_space<semaphore_mem>>
        %dma_start3A_439 = arith.constant 0 : i32
        %dma_start3A_440 = tpu.memref_slice %arg4[%add3A_328, %dma_start3A_439] : memref<5120x128xi32, #tpu.memory_space<hbm>> -> memref<8x128xi32, #tpu.memory_space<hbm>>
        %dma_start3A_441 = arith.constant 0 : i32
        %dma_start3A_442 = tpu.memref_slice %arg4[%add3A_328, %dma_start3A_441] : memref<5120x128xi32, #tpu.memory_space<hbm>> -> memref<8x128xi32, #tpu.memory_space<hbm>>
        tpu.enqueue_dma source(%dma_start3A_442 : memref<8x128xi32, #tpu.memory_space<hbm>>) target(%arg9 : memref<8x128xi32, #tpu.memory_space<vmem>>) target_semaphore(%run_scoped3A : memref<!tpu.dma_semaphore, #tpu.memory_space<semaphore_mem>>)
        %dma_wait3A_443 = arith.constant 0 : i32
        %dma_wait3A_444 = tpu.memref_slice %arg4[%add3A_328, %dma_wait3A_443] : memref<5120x128xi32, #tpu.memory_space<hbm>> -> memref<8x128xi32, #tpu.memory_space<hbm>>
        %dma_wait3A_445 = arith.constant 0 : i32
        %dma_wait3A_446 = tpu.memref_slice %arg4[%add3A_328, %dma_wait3A_445] : memref<5120x128xi32, #tpu.memory_space<hbm>> -> memref<8x128xi32, #tpu.memory_space<hbm>>
        tpu.wait_dma2 semaphore(%run_scoped3A : memref<!tpu.dma_semaphore, #tpu.memory_space<semaphore_mem>>) src(%dma_wait3A_446 : memref<8x128xi32, #tpu.memory_space<hbm>>) dst(%arg9 : memref<8x128xi32, #tpu.memory_space<vmem>>)
        tpu.yield
      }) : () -> ()
      %dma_start3A = arith.constant 0 : i32
      %dma_start3A_329 = arith.constant 0 : i32
      %dma_start3A_330 = tpu.memref_slice %arg9[%dma_start3A, %dma_start3A_329] : memref<8x128xi32, #tpu.memory_space<vmem>> -> memref<1x128xi32, #tpu.memory_space<vmem>>
      %dma_start3A_331 = tpu.memref_squeeze %dma_start3A_330 : memref<1x128xi32, #tpu.memory_space<vmem>> -> memref<128xi32, #tpu.memory_space<vmem>>
      %dma_start3A_332 = arith.constant 0 : i32
      %dma_start3A_333 = arith.constant 0 : i32
      %dma_start3A_334 = tpu.memref_slice %arg13[%dma_start3A_332, %dma_start3A_333] : memref<5120x128xf32, #tpu.memory_space<vmem_shared>> -> memref<5120x128xf32, #tpu.memory_space<vmem_shared>>
      tpu.enqueue_indirect_dma source(%arg10 : memref<128x128xf32, #tpu.memory_space<vmem>>) target(%dma_start3A_334 : memref<5120x128xf32, #tpu.memory_space<vmem_shared>>) offsets(%dma_start3A_331 : memref<128xi32, #tpu.memory_space<vmem>>) semaphore(%arg17 : memref<!tpu.dma_semaphore, #tpu.memory_space<semaphore_mem>>) {add = true}
      %dma_start3A_335 = arith.constant 1 : i32
      %dma_start3A_336 = arith.constant 0 : i32
      %dma_start3A_337 = tpu.memref_slice %arg9[%dma_start3A_335, %dma_start3A_336] : memref<8x128xi32, #tpu.memory_space<vmem>> -> memref<1x128xi32, #tpu.memory_space<vmem>>
      %dma_start3A_338 = tpu.memref_squeeze %dma_start3A_337 : memref<1x128xi32, #tpu.memory_space<vmem>> -> memref<128xi32, #tpu.memory_space<vmem>>
      %dma_start3A_339 = arith.constant 0 : i32
      %dma_start3A_340 = arith.constant 0 : i32
      %dma_start3A_341 = tpu.memref_slice %arg13[%dma_start3A_339, %dma_start3A_340] : memref<5120x128xf32, #tpu.memory_space<vmem_shared>> -> memref<5120x128xf32, #tpu.memory_space<vmem_shared>>
      tpu.enqueue_indirect_dma source(%arg10 : memref<128x128xf32, #tpu.memory_space<vmem>>) target(%dma_start3A_341 : memref<5120x128xf32, #tpu.memory_space<vmem_shared>>) offsets(%dma_start3A_338 : memref<128xi32, #tpu.memory_space<vmem>>) semaphore(%arg17 : memref<!tpu.dma_semaphore, #tpu.memory_space<semaphore_mem>>) {add = true}
      %dma_start3A_342 = arith.constant 2 : i32
      %dma_start3A_343 = arith.constant 0 : i32
      %dma_start3A_344 = tpu.memref_slice %arg9[%dma_start3A_342, %dma_start3A_343] : memref<8x128xi32, #tpu.memory_space<vmem>> -> memref<1x128xi32, #tpu.memory_space<vmem>>
      %dma_start3A_345 = tpu.memref_squeeze %dma_start3A_344 : memref<1x128xi32, #tpu.memory_space<vmem>> -> memref<128xi32, #tpu.memory_space<vmem>>
      %dma_start3A_346 = arith.constant 0 : i32
      %dma_start3A_347 = arith.constant 0 : i32
      %dma_start3A_348 = tpu.memref_slice %arg13[%dma_start3A_346, %dma_start3A_347] : memref<5120x128xf32, #tpu.memory_space<vmem_shared>> -> memref<5120x128xf32, #tpu.memory_space<vmem_shared>>
      tpu.enqueue_indirect_dma source(%arg10 : memref<128x128xf32, #tpu.memory_space<vmem>>) target(%dma_start3A_348 : memref<5120x128xf32, #tpu.memory_space<vmem_shared>>) offsets(%dma_start3A_345 : memref<128xi32, #tpu.memory_space<vmem>>) semaphore(%arg17 : memref<!tpu.dma_semaphore, #tpu.memory_space<semaphore_mem>>) {add = true}
      %dma_start3A_349 = arith.constant 3 : i32
      %dma_start3A_350 = arith.constant 0 : i32
      %dma_start3A_351 = tpu.memref_slice %arg9[%dma_start3A_349, %dma_start3A_350] : memref<8x128xi32, #tpu.memory_space<vmem>> -> memref<1x128xi32, #tpu.memory_space<vmem>>
      %dma_start3A_352 = tpu.memref_squeeze %dma_start3A_351 : memref<1x128xi32, #tpu.memory_space<vmem>> -> memref<128xi32, #tpu.memory_space<vmem>>
      %dma_start3A_353 = arith.constant 0 : i32
      %dma_start3A_354 = arith.constant 0 : i32
      %dma_start3A_355 = tpu.memref_slice %arg13[%dma_start3A_353, %dma_start3A_354] : memref<5120x128xf32, #tpu.memory_space<vmem_shared>> -> memref<5120x128xf32, #tpu.memory_space<vmem_shared>>
      tpu.enqueue_indirect_dma source(%arg10 : memref<128x128xf32, #tpu.memory_space<vmem>>) target(%dma_start3A_355 : memref<5120x128xf32, #tpu.memory_space<vmem_shared>>) offsets(%dma_start3A_352 : memref<128xi32, #tpu.memory_space<vmem>>) semaphore(%arg17 : memref<!tpu.dma_semaphore, #tpu.memory_space<semaphore_mem>>) {add = true}
      %dma_start3A_356 = arith.constant 4 : i32
      %dma_start3A_357 = arith.constant 0 : i32
      %dma_start3A_358 = tpu.memref_slice %arg9[%dma_start3A_356, %dma_start3A_357] : memref<8x128xi32, #tpu.memory_space<vmem>> -> memref<1x128xi32, #tpu.memory_space<vmem>>
      %dma_start3A_359 = tpu.memref_squeeze %dma_start3A_358 : memref<1x128xi32, #tpu.memory_space<vmem>> -> memref<128xi32, #tpu.memory_space<vmem>>
      %dma_start3A_360 = arith.constant 0 : i32
      %dma_start3A_361 = arith.constant 0 : i32
      %dma_start3A_362 = tpu.memref_slice %arg13[%dma_start3A_360, %dma_start3A_361] : memref<5120x128xf32, #tpu.memory_space<vmem_shared>> -> memref<5120x128xf32, #tpu.memory_space<vmem_shared>>
      tpu.enqueue_indirect_dma source(%arg10 : memref<128x128xf32, #tpu.memory_space<vmem>>) target(%dma_start3A_362 : memref<5120x128xf32, #tpu.memory_space<vmem_shared>>) offsets(%dma_start3A_359 : memref<128xi32, #tpu.memory_space<vmem>>) semaphore(%arg17 : memref<!tpu.dma_semaphore, #tpu.memory_space<semaphore_mem>>) {add = true}
      %dma_start3A_363 = arith.constant 5 : i32
      %dma_start3A_364 = arith.constant 0 : i32
      %dma_start3A_365 = tpu.memref_slice %arg9[%dma_start3A_363, %dma_start3A_364] : memref<8x128xi32, #tpu.memory_space<vmem>> -> memref<1x128xi32, #tpu.memory_space<vmem>>
      %dma_start3A_366 = tpu.memref_squeeze %dma_start3A_365 : memref<1x128xi32, #tpu.memory_space<vmem>> -> memref<128xi32, #tpu.memory_space<vmem>>
      %dma_start3A_367 = arith.constant 0 : i32
      %dma_start3A_368 = arith.constant 0 : i32
      %dma_start3A_369 = tpu.memref_slice %arg13[%dma_start3A_367, %dma_start3A_368] : memref<5120x128xf32, #tpu.memory_space<vmem_shared>> -> memref<5120x128xf32, #tpu.memory_space<vmem_shared>>
      tpu.enqueue_indirect_dma source(%arg10 : memref<128x128xf32, #tpu.memory_space<vmem>>) target(%dma_start3A_369 : memref<5120x128xf32, #tpu.memory_space<vmem_shared>>) offsets(%dma_start3A_366 : memref<128xi32, #tpu.memory_space<vmem>>) semaphore(%arg17 : memref<!tpu.dma_semaphore, #tpu.memory_space<semaphore_mem>>) {add = true}
      %dma_start3A_370 = arith.constant 6 : i32
      %dma_start3A_371 = arith.constant 0 : i32
      %dma_start3A_372 = tpu.memref_slice %arg9[%dma_start3A_370, %dma_start3A_371] : memref<8x128xi32, #tpu.memory_space<vmem>> -> memref<1x128xi32, #tpu.memory_space<vmem>>
      %dma_start3A_373 = tpu.memref_squeeze %dma_start3A_372 : memref<1x128xi32, #tpu.memory_space<vmem>> -> memref<128xi32, #tpu.memory_space<vmem>>
      %dma_start3A_374 = arith.constant 0 : i32
      %dma_start3A_375 = arith.constant 0 : i32
      %dma_start3A_376 = tpu.memref_slice %arg13[%dma_start3A_374, %dma_start3A_375] : memref<5120x128xf32, #tpu.memory_space<vmem_shared>> -> memref<5120x128xf32, #tpu.memory_space<vmem_shared>>
      tpu.enqueue_indirect_dma source(%arg10 : memref<128x128xf32, #tpu.memory_space<vmem>>) target(%dma_start3A_376 : memref<5120x128xf32, #tpu.memory_space<vmem_shared>>) offsets(%dma_start3A_373 : memref<128xi32, #tpu.memory_space<vmem>>) semaphore(%arg17 : memref<!tpu.dma_semaphore, #tpu.memory_space<semaphore_mem>>) {add = true}
      %dma_start3A_377 = arith.constant 7 : i32
      %dma_start3A_378 = arith.constant 0 : i32
      %dma_start3A_379 = tpu.memref_slice %arg9[%dma_start3A_377, %dma_start3A_378] : memref<8x128xi32, #tpu.memory_space<vmem>> -> memref<1x128xi32, #tpu.memory_space<vmem>>
      %dma_start3A_380 = tpu.memref_squeeze %dma_start3A_379 : memref<1x128xi32, #tpu.memory_space<vmem>> -> memref<128xi32, #tpu.memory_space<vmem>>
      %dma_start3A_381 = arith.constant 0 : i32
      %dma_start3A_382 = arith.constant 0 : i32
      %dma_start3A_383 = tpu.memref_slice %arg13[%dma_start3A_381, %dma_start3A_382] : memref<5120x128xf32, #tpu.memory_space<vmem_shared>> -> memref<5120x128xf32, #tpu.memory_space<vmem_shared>>
      tpu.enqueue_indirect_dma source(%arg10 : memref<128x128xf32, #tpu.memory_space<vmem>>) target(%dma_start3A_383 : memref<5120x128xf32, #tpu.memory_space<vmem_shared>>) offsets(%dma_start3A_380 : memref<128xi32, #tpu.memory_space<vmem>>) semaphore(%arg17 : memref<!tpu.dma_semaphore, #tpu.memory_space<semaphore_mem>>) {add = true}
      %dma_wait3A = arith.constant 0 : i32
      %dma_wait3A_384 = arith.constant 0 : i32
      %dma_wait3A_385 = tpu.memref_slice %arg9[%dma_wait3A, %dma_wait3A_384] : memref<8x128xi32, #tpu.memory_space<vmem>> -> memref<1x128xi32, #tpu.memory_space<vmem>>
      %dma_wait3A_386 = tpu.memref_squeeze %dma_wait3A_385 : memref<1x128xi32, #tpu.memory_space<vmem>> -> memref<128xi32, #tpu.memory_space<vmem>>
      %dma_wait3A_387 = arith.constant 0 : i32
      %dma_wait3A_388 = arith.constant 0 : i32
      %dma_wait3A_389 = tpu.memref_slice %arg13[%dma_wait3A_387, %dma_wait3A_388] : memref<5120x128xf32, #tpu.memory_space<vmem_shared>> -> memref<5120x128xf32, #tpu.memory_space<vmem_shared>>
      tpu.wait_indirect_dma semaphore(%arg17 : memref<!tpu.dma_semaphore, #tpu.memory_space<semaphore_mem>>) src(%arg10 : memref<128x128xf32, #tpu.memory_space<vmem>>) dst(%dma_wait3A_389 : memref<5120x128xf32, #tpu.memory_space<vmem_shared>>)
      %dma_wait3A_390 = arith.constant 1 : i32
      %dma_wait3A_391 = arith.constant 0 : i32
      %dma_wait3A_392 = tpu.memref_slice %arg9[%dma_wait3A_390, %dma_wait3A_391] : memref<8x128xi32, #tpu.memory_space<vmem>> -> memref<1x128xi32, #tpu.memory_space<vmem>>
      %dma_wait3A_393 = tpu.memref_squeeze %dma_wait3A_392 : memref<1x128xi32, #tpu.memory_space<vmem>> -> memref<128xi32, #tpu.memory_space<vmem>>
      %dma_wait3A_394 = arith.constant 0 : i32
      %dma_wait3A_395 = arith.constant 0 : i32
      %dma_wait3A_396 = tpu.memref_slice %arg13[%dma_wait3A_394, %dma_wait3A_395] : memref<5120x128xf32, #tpu.memory_space<vmem_shared>> -> memref<5120x128xf32, #tpu.memory_space<vmem_shared>>
      tpu.wait_indirect_dma semaphore(%arg17 : memref<!tpu.dma_semaphore, #tpu.memory_space<semaphore_mem>>) src(%arg10 : memref<128x128xf32, #tpu.memory_space<vmem>>) dst(%dma_wait3A_396 : memref<5120x128xf32, #tpu.memory_space<vmem_shared>>)
      %dma_wait3A_397 = arith.constant 2 : i32
      %dma_wait3A_398 = arith.constant 0 : i32
      %dma_wait3A_399 = tpu.memref_slice %arg9[%dma_wait3A_397, %dma_wait3A_398] : memref<8x128xi32, #tpu.memory_space<vmem>> -> memref<1x128xi32, #tpu.memory_space<vmem>>
      %dma_wait3A_400 = tpu.memref_squeeze %dma_wait3A_399 : memref<1x128xi32, #tpu.memory_space<vmem>> -> memref<128xi32, #tpu.memory_space<vmem>>
      %dma_wait3A_401 = arith.constant 0 : i32
      %dma_wait3A_402 = arith.constant 0 : i32
      %dma_wait3A_403 = tpu.memref_slice %arg13[%dma_wait3A_401, %dma_wait3A_402] : memref<5120x128xf32, #tpu.memory_space<vmem_shared>> -> memref<5120x128xf32, #tpu.memory_space<vmem_shared>>
      tpu.wait_indirect_dma semaphore(%arg17 : memref<!tpu.dma_semaphore, #tpu.memory_space<semaphore_mem>>) src(%arg10 : memref<128x128xf32, #tpu.memory_space<vmem>>) dst(%dma_wait3A_403 : memref<5120x128xf32, #tpu.memory_space<vmem_shared>>)
      %dma_wait3A_404 = arith.constant 3 : i32
      %dma_wait3A_405 = arith.constant 0 : i32
      %dma_wait3A_406 = tpu.memref_slice %arg9[%dma_wait3A_404, %dma_wait3A_405] : memref<8x128xi32, #tpu.memory_space<vmem>> -> memref<1x128xi32, #tpu.memory_space<vmem>>
      %dma_wait3A_407 = tpu.memref_squeeze %dma_wait3A_406 : memref<1x128xi32, #tpu.memory_space<vmem>> -> memref<128xi32, #tpu.memory_space<vmem>>
      %dma_wait3A_408 = arith.constant 0 : i32
      %dma_wait3A_409 = arith.constant 0 : i32
      %dma_wait3A_410 = tpu.memref_slice %arg13[%dma_wait3A_408, %dma_wait3A_409] : memref<5120x128xf32, #tpu.memory_space<vmem_shared>> -> memref<5120x128xf32, #tpu.memory_space<vmem_shared>>
      tpu.wait_indirect_dma semaphore(%arg17 : memref<!tpu.dma_semaphore, #tpu.memory_space<semaphore_mem>>) src(%arg10 : memref<128x128xf32, #tpu.memory_space<vmem>>) dst(%dma_wait3A_410 : memref<5120x128xf32, #tpu.memory_space<vmem_shared>>)
      %dma_wait3A_411 = arith.constant 4 : i32
      %dma_wait3A_412 = arith.constant 0 : i32
      %dma_wait3A_413 = tpu.memref_slice %arg9[%dma_wait3A_411, %dma_wait3A_412] : memref<8x128xi32, #tpu.memory_space<vmem>> -> memref<1x128xi32, #tpu.memory_space<vmem>>
      %dma_wait3A_414 = tpu.memref_squeeze %dma_wait3A_413 : memref<1x128xi32, #tpu.memory_space<vmem>> -> memref<128xi32, #tpu.memory_space<vmem>>
      %dma_wait3A_415 = arith.constant 0 : i32
      %dma_wait3A_416 = arith.constant 0 : i32
      %dma_wait3A_417 = tpu.memref_slice %arg13[%dma_wait3A_415, %dma_wait3A_416] : memref<5120x128xf32, #tpu.memory_space<vmem_shared>> -> memref<5120x128xf32, #tpu.memory_space<vmem_shared>>
      tpu.wait_indirect_dma semaphore(%arg17 : memref<!tpu.dma_semaphore, #tpu.memory_space<semaphore_mem>>) src(%arg10 : memref<128x128xf32, #tpu.memory_space<vmem>>) dst(%dma_wait3A_417 : memref<5120x128xf32, #tpu.memory_space<vmem_shared>>)
      %dma_wait3A_418 = arith.constant 5 : i32
      %dma_wait3A_419 = arith.constant 0 : i32
      %dma_wait3A_420 = tpu.memref_slice %arg9[%dma_wait3A_418, %dma_wait3A_419] : memref<8x128xi32, #tpu.memory_space<vmem>> -> memref<1x128xi32, #tpu.memory_space<vmem>>
      %dma_wait3A_421 = tpu.memref_squeeze %dma_wait3A_420 : memref<1x128xi32, #tpu.memory_space<vmem>> -> memref<128xi32, #tpu.memory_space<vmem>>
      %dma_wait3A_422 = arith.constant 0 : i32
      %dma_wait3A_423 = arith.constant 0 : i32
      %dma_wait3A_424 = tpu.memref_slice %arg13[%dma_wait3A_422, %dma_wait3A_423] : memref<5120x128xf32, #tpu.memory_space<vmem_shared>> -> memref<5120x128xf32, #tpu.memory_space<vmem_shared>>
      tpu.wait_indirect_dma semaphore(%arg17 : memref<!tpu.dma_semaphore, #tpu.memory_space<semaphore_mem>>) src(%arg10 : memref<128x128xf32, #tpu.memory_space<vmem>>) dst(%dma_wait3A_424 : memref<5120x128xf32, #tpu.memory_space<vmem_shared>>)
      %dma_wait3A_425 = arith.constant 6 : i32
      %dma_wait3A_426 = arith.constant 0 : i32
      %dma_wait3A_427 = tpu.memref_slice %arg9[%dma_wait3A_425, %dma_wait3A_426] : memref<8x128xi32, #tpu.memory_space<vmem>> -> memref<1x128xi32, #tpu.memory_space<vmem>>
      %dma_wait3A_428 = tpu.memref_squeeze %dma_wait3A_427 : memref<1x128xi32, #tpu.memory_space<vmem>> -> memref<128xi32, #tpu.memory_space<vmem>>
      %dma_wait3A_429 = arith.constant 0 : i32
      %dma_wait3A_430 = arith.constant 0 : i32
      %dma_wait3A_431 = tpu.memref_slice %arg13[%dma_wait3A_429, %dma_wait3A_430] : memref<5120x128xf32, #tpu.memory_space<vmem_shared>> -> memref<5120x128xf32, #tpu.memory_space<vmem_shared>>
      tpu.wait_indirect_dma semaphore(%arg17 : memref<!tpu.dma_semaphore, #tpu.memory_space<semaphore_mem>>) src(%arg10 : memref<128x128xf32, #tpu.memory_space<vmem>>) dst(%dma_wait3A_431 : memref<5120x128xf32, #tpu.memory_space<vmem_shared>>)
      %dma_wait3A_432 = arith.constant 7 : i32
      %dma_wait3A_433 = arith.constant 0 : i32
      %dma_wait3A_434 = tpu.memref_slice %arg9[%dma_wait3A_432, %dma_wait3A_433] : memref<8x128xi32, #tpu.memory_space<vmem>> -> memref<1x128xi32, #tpu.memory_space<vmem>>
      %dma_wait3A_435 = tpu.memref_squeeze %dma_wait3A_434 : memref<1x128xi32, #tpu.memory_space<vmem>> -> memref<128xi32, #tpu.memory_space<vmem>>
      %dma_wait3A_436 = arith.constant 0 : i32
      %dma_wait3A_437 = arith.constant 0 : i32
      %dma_wait3A_438 = tpu.memref_slice %arg13[%dma_wait3A_436, %dma_wait3A_437] : memref<5120x128xf32, #tpu.memory_space<vmem_shared>> -> memref<5120x128xf32, #tpu.memory_space<vmem_shared>>
      tpu.wait_indirect_dma semaphore(%arg17 : memref<!tpu.dma_semaphore, #tpu.memory_space<semaphore_mem>>) src(%arg10 : memref<128x128xf32, #tpu.memory_space<vmem>>) dst(%dma_wait3A_438 : memref<5120x128xf32, #tpu.memory_space<vmem_shared>>)
    }
    %scan3A_282 = arith.constant 10 : i32
    %barrier3A_283 = arith.constant 0 : index
    tpu.barrier barrier_id(%barrier3A_283)
    %mul3A_284 = arith.constant 2 : i32
    %mul3A_285 = arith.muli %mul3A_284, %arg0 : i32
    %add3A_286 = arith.constant 8 : i32
    %add3A_287 = arith.addi %add3A_286, %mul3A_285 : i32
    %add3A_288 = arith.constant 1 : i32
    %add3A_289 = arith.addi %add3A_287, %add3A_288 : i32
    %mul3A_290 = arith.constant 5120 : i32
    %mul3A_291 = arith.muli %add3A_289, %mul3A_290 : i32
    %mul3A_292 = arith.constant 320 : i32
    %mul3A_293 = arith.muli %arg1, %mul3A_292 : i32
    %add3A_294 = arith.addi %mul3A_291, %mul3A_293 : i32
    %mul3A_295 = arith.constant 320 : i32
    %mul3A_296 = arith.muli %arg1, %mul3A_295 : i32
    %add3A_297 = arith.constant 0 : i32
    %add3A_298 = arith.addi %mul3A_296, %add3A_297 : i32
    "tpu.region"() ({
      %run_scoped3A = tpu.sem_alloc : memref<!tpu.dma_semaphore, #tpu.memory_space<semaphore_mem>>
      %dma_start3A = arith.constant 0 : i32
      %dma_start3A_314 = arith.constant 0 : i32
      %dma_start3A_315 = tpu.memref_slice %arg10[%dma_start3A, %dma_start3A_314] : memref<128x128xf32, #tpu.memory_space<vmem>> -> memref<128x128xf32, #tpu.memory_space<vmem>>
      %dma_start3A_316 = arith.constant 0 : i32
      %dma_start3A_317 = tpu.memref_slice %arg13[%add3A_298, %dma_start3A_316] : memref<5120x128xf32, #tpu.memory_space<vmem_shared>> -> memref<128x128xf32, #tpu.memory_space<vmem_shared>>
      %dma_start3A_318 = arith.constant 0 : i32
      %dma_start3A_319 = arith.constant 0 : i32
      %dma_start3A_320 = tpu.memref_slice %arg10[%dma_start3A_318, %dma_start3A_319] : memref<128x128xf32, #tpu.memory_space<vmem>> -> memref<128x128xf32, #tpu.memory_space<vmem>>
      %dma_start3A_321 = arith.constant 0 : i32
      %dma_start3A_322 = tpu.memref_slice %arg13[%add3A_298, %dma_start3A_321] : memref<5120x128xf32, #tpu.memory_space<vmem_shared>> -> memref<128x128xf32, #tpu.memory_space<vmem_shared>>
      tpu.enqueue_dma source(%dma_start3A_322 : memref<128x128xf32, #tpu.memory_space<vmem_shared>>) target(%dma_start3A_320 : memref<128x128xf32, #tpu.memory_space<vmem>>) target_semaphore(%run_scoped3A : memref<!tpu.dma_semaphore, #tpu.memory_space<semaphore_mem>>)
      %dma_wait3A = arith.constant 0 : i32
      %dma_wait3A_323 = arith.constant 0 : i32
      %dma_wait3A_324 = tpu.memref_slice %arg10[%dma_wait3A, %dma_wait3A_323] : memref<128x128xf32, #tpu.memory_space<vmem>> -> memref<128x128xf32, #tpu.memory_space<vmem>>
      %dma_wait3A_325 = arith.constant 0 : i32
      %dma_wait3A_326 = tpu.memref_slice %arg13[%add3A_298, %dma_wait3A_325] : memref<5120x128xf32, #tpu.memory_space<vmem_shared>> -> memref<128x128xf32, #tpu.memory_space<vmem_shared>>
      %dma_wait3A_327 = arith.constant 0 : i32
      %dma_wait3A_328 = arith.constant 0 : i32
      %dma_wait3A_329 = tpu.memref_slice %arg10[%dma_wait3A_327, %dma_wait3A_328] : memref<128x128xf32, #tpu.memory_space<vmem>> -> memref<128x128xf32, #tpu.memory_space<vmem>>
      %dma_wait3A_330 = arith.constant 0 : i32
      %dma_wait3A_331 = tpu.memref_slice %arg13[%add3A_298, %dma_wait3A_330] : memref<5120x128xf32, #tpu.memory_space<vmem_shared>> -> memref<128x128xf32, #tpu.memory_space<vmem_shared>>
      tpu.wait_dma2 semaphore(%run_scoped3A : memref<!tpu.dma_semaphore, #tpu.memory_space<semaphore_mem>>) src(%dma_wait3A_331 : memref<128x128xf32, #tpu.memory_space<vmem_shared>>) dst(%dma_wait3A_329 : memref<128x128xf32, #tpu.memory_space<vmem>>)
      tpu.yield
    }) : () -> ()
    %add3A_299 = arith.constant 0 : i32
    %add3A_300 = arith.addi %add3A_294, %add3A_299 : i32
    "tpu.region"() ({
      %run_scoped3A = tpu.sem_alloc : memref<!tpu.dma_semaphore, #tpu.memory_space<semaphore_mem>>
      %dma_start3A = arith.constant 0 : i32
      %dma_start3A_314 = arith.constant 0 : i32
      %dma_start3A_315 = tpu.memref_slice %arg10[%dma_start3A, %dma_start3A_314] : memref<128x128xf32, #tpu.memory_space<vmem>> -> memref<128x128xf32, #tpu.memory_space<vmem>>
      %dma_start3A_316 = arith.constant 0 : i32
      %dma_start3A_317 = tpu.memref_slice %arg7[%add3A_300, %dma_start3A_316] : memref<61440x128xf32, #tpu.memory_space<hbm>> -> memref<128x128xf32, #tpu.memory_space<hbm>>
      %dma_start3A_318 = arith.constant 0 : i32
      %dma_start3A_319 = tpu.memref_slice %arg7[%add3A_300, %dma_start3A_318] : memref<61440x128xf32, #tpu.memory_space<hbm>> -> memref<128x128xf32, #tpu.memory_space<hbm>>
      %dma_start3A_320 = arith.constant 0 : i32
      %dma_start3A_321 = arith.constant 0 : i32
      %dma_start3A_322 = tpu.memref_slice %arg10[%dma_start3A_320, %dma_start3A_321] : memref<128x128xf32, #tpu.memory_space<vmem>> -> memref<128x128xf32, #tpu.memory_space<vmem>>
      tpu.enqueue_dma source(%dma_start3A_322 : memref<128x128xf32, #tpu.memory_space<vmem>>) target(%dma_start3A_319 : memref<128x128xf32, #tpu.memory_space<hbm>>) target_semaphore(%run_scoped3A : memref<!tpu.dma_semaphore, #tpu.memory_space<semaphore_mem>>)
      %dma_wait3A = arith.constant 0 : i32
      %dma_wait3A_323 = arith.constant 0 : i32
      %dma_wait3A_324 = tpu.memref_slice %arg10[%dma_wait3A, %dma_wait3A_323] : memref<128x128xf32, #tpu.memory_space<vmem>> -> memref<128x128xf32, #tpu.memory_space<vmem>>
      %dma_wait3A_325 = arith.constant 0 : i32
      %dma_wait3A_326 = tpu.memref_slice %arg7[%add3A_300, %dma_wait3A_325] : memref<61440x128xf32, #tpu.memory_space<hbm>> -> memref<128x128xf32, #tpu.memory_space<hbm>>
      %dma_wait3A_327 = arith.constant 0 : i32
      %dma_wait3A_328 = tpu.memref_slice %arg7[%add3A_300, %dma_wait3A_327] : memref<61440x128xf32, #tpu.memory_space<hbm>> -> memref<128x128xf32, #tpu.memory_space<hbm>>
      %dma_wait3A_329 = arith.constant 0 : i32
      %dma_wait3A_330 = arith.constant 0 : i32
      %dma_wait3A_331 = tpu.memref_slice %arg10[%dma_wait3A_329, %dma_wait3A_330] : memref<128x128xf32, #tpu.memory_space<vmem>> -> memref<128x128xf32, #tpu.memory_space<vmem>>
      tpu.wait_dma2 semaphore(%run_scoped3A : memref<!tpu.dma_semaphore, #tpu.memory_space<semaphore_mem>>) src(%dma_wait3A_331 : memref<128x128xf32, #tpu.memory_space<vmem>>) dst(%dma_wait3A_328 : memref<128x128xf32, #tpu.memory_space<hbm>>)
      tpu.yield
    }) : () -> ()
    %mul3A_301 = arith.constant 320 : i32
    %mul3A_302 = arith.muli %arg1, %mul3A_301 : i32
    %add3A_303 = arith.constant 128 : i32
    %add3A_304 = arith.addi %mul3A_302, %add3A_303 : i32
    "tpu.region"() ({
      %run_scoped3A = tpu.sem_alloc : memref<!tpu.dma_semaphore, #tpu.memory_space<semaphore_mem>>
      %dma_start3A = arith.constant 0 : i32
      %dma_start3A_314 = arith.constant 0 : i32
      %dma_start3A_315 = tpu.memref_slice %arg10[%dma_start3A, %dma_start3A_314] : memref<128x128xf32, #tpu.memory_space<vmem>> -> memref<128x128xf32, #tpu.memory_space<vmem>>
      %dma_start3A_316 = arith.constant 0 : i32
      %dma_start3A_317 = tpu.memref_slice %arg13[%add3A_304, %dma_start3A_316] : memref<5120x128xf32, #tpu.memory_space<vmem_shared>> -> memref<128x128xf32, #tpu.memory_space<vmem_shared>>
      %dma_start3A_318 = arith.constant 0 : i32
      %dma_start3A_319 = arith.constant 0 : i32
      %dma_start3A_320 = tpu.memref_slice %arg10[%dma_start3A_318, %dma_start3A_319] : memref<128x128xf32, #tpu.memory_space<vmem>> -> memref<128x128xf32, #tpu.memory_space<vmem>>
      %dma_start3A_321 = arith.constant 0 : i32
      %dma_start3A_322 = tpu.memref_slice %arg13[%add3A_304, %dma_start3A_321] : memref<5120x128xf32, #tpu.memory_space<vmem_shared>> -> memref<128x128xf32, #tpu.memory_space<vmem_shared>>
      tpu.enqueue_dma source(%dma_start3A_322 : memref<128x128xf32, #tpu.memory_space<vmem_shared>>) target(%dma_start3A_320 : memref<128x128xf32, #tpu.memory_space<vmem>>) target_semaphore(%run_scoped3A : memref<!tpu.dma_semaphore, #tpu.memory_space<semaphore_mem>>)
      %dma_wait3A = arith.constant 0 : i32
      %dma_wait3A_323 = arith.constant 0 : i32
      %dma_wait3A_324 = tpu.memref_slice %arg10[%dma_wait3A, %dma_wait3A_323] : memref<128x128xf32, #tpu.memory_space<vmem>> -> memref<128x128xf32, #tpu.memory_space<vmem>>
      %dma_wait3A_325 = arith.constant 0 : i32
      %dma_wait3A_326 = tpu.memref_slice %arg13[%add3A_304, %dma_wait3A_325] : memref<5120x128xf32, #tpu.memory_space<vmem_shared>> -> memref<128x128xf32, #tpu.memory_space<vmem_shared>>
      %dma_wait3A_327 = arith.constant 0 : i32
      %dma_wait3A_328 = arith.constant 0 : i32
      %dma_wait3A_329 = tpu.memref_slice %arg10[%dma_wait3A_327, %dma_wait3A_328] : memref<128x128xf32, #tpu.memory_space<vmem>> -> memref<128x128xf32, #tpu.memory_space<vmem>>
      %dma_wait3A_330 = arith.constant 0 : i32
      %dma_wait3A_331 = tpu.memref_slice %arg13[%add3A_304, %dma_wait3A_330] : memref<5120x128xf32, #tpu.memory_space<vmem_shared>> -> memref<128x128xf32, #tpu.memory_space<vmem_shared>>
      tpu.wait_dma2 semaphore(%run_scoped3A : memref<!tpu.dma_semaphore, #tpu.memory_space<semaphore_mem>>) src(%dma_wait3A_331 : memref<128x128xf32, #tpu.memory_space<vmem_shared>>) dst(%dma_wait3A_329 : memref<128x128xf32, #tpu.memory_space<vmem>>)
      tpu.yield
    }) : () -> ()
    %add3A_305 = arith.constant 128 : i32
    %add3A_306 = arith.addi %add3A_294, %add3A_305 : i32
    "tpu.region"() ({
      %run_scoped3A = tpu.sem_alloc : memref<!tpu.dma_semaphore, #tpu.memory_space<semaphore_mem>>
      %dma_start3A = arith.constant 0 : i32
      %dma_start3A_314 = arith.constant 0 : i32
      %dma_start3A_315 = tpu.memref_slice %arg10[%dma_start3A, %dma_start3A_314] : memref<128x128xf32, #tpu.memory_space<vmem>> -> memref<128x128xf32, #tpu.memory_space<vmem>>
      %dma_start3A_316 = arith.constant 0 : i32
      %dma_start3A_317 = tpu.memref_slice %arg7[%add3A_306, %dma_start3A_316] : memref<61440x128xf32, #tpu.memory_space<hbm>> -> memref<128x128xf32, #tpu.memory_space<hbm>>
      %dma_start3A_318 = arith.constant 0 : i32
      %dma_start3A_319 = tpu.memref_slice %arg7[%add3A_306, %dma_start3A_318] : memref<61440x128xf32, #tpu.memory_space<hbm>> -> memref<128x128xf32, #tpu.memory_space<hbm>>
      %dma_start3A_320 = arith.constant 0 : i32
      %dma_start3A_321 = arith.constant 0 : i32
      %dma_start3A_322 = tpu.memref_slice %arg10[%dma_start3A_320, %dma_start3A_321] : memref<128x128xf32, #tpu.memory_space<vmem>> -> memref<128x128xf32, #tpu.memory_space<vmem>>
      tpu.enqueue_dma source(%dma_start3A_322 : memref<128x128xf32, #tpu.memory_space<vmem>>) target(%dma_start3A_319 : memref<128x128xf32, #tpu.memory_space<hbm>>) target_semaphore(%run_scoped3A : memref<!tpu.dma_semaphore, #tpu.memory_space<semaphore_mem>>)
      %dma_wait3A = arith.constant 0 : i32
      %dma_wait3A_323 = arith.constant 0 : i32
      %dma_wait3A_324 = tpu.memref_slice %arg10[%dma_wait3A, %dma_wait3A_323] : memref<128x128xf32, #tpu.memory_space<vmem>> -> memref<128x128xf32, #tpu.memory_space<vmem>>
      %dma_wait3A_325 = arith.constant 0 : i32
      %dma_wait3A_326 = tpu.memref_slice %arg7[%add3A_306, %dma_wait3A_325] : memref<61440x128xf32, #tpu.memory_space<hbm>> -> memref<128x128xf32, #tpu.memory_space<hbm>>
      %dma_wait3A_327 = arith.constant 0 : i32
      %dma_wait3A_328 = tpu.memref_slice %arg7[%add3A_306, %dma_wait3A_327] : memref<61440x128xf32, #tpu.memory_space<hbm>> -> memref<128x128xf32, #tpu.memory_space<hbm>>
      %dma_wait3A_329 = arith.constant 0 : i32
      %dma_wait3A_330 = arith.constant 0 : i32
      %dma_wait3A_331 = tpu.memref_slice %arg10[%dma_wait3A_329, %dma_wait3A_330] : memref<128x128xf32, #tpu.memory_space<vmem>> -> memref<128x128xf32, #tpu.memory_space<vmem>>
      tpu.wait_dma2 semaphore(%run_scoped3A : memref<!tpu.dma_semaphore, #tpu.memory_space<semaphore_mem>>) src(%dma_wait3A_331 : memref<128x128xf32, #tpu.memory_space<vmem>>) dst(%dma_wait3A_328 : memref<128x128xf32, #tpu.memory_space<hbm>>)
      tpu.yield
    }) : () -> ()
    %mul3A_307 = arith.constant 320 : i32
    %mul3A_308 = arith.muli %arg1, %mul3A_307 : i32
    %add3A_309 = arith.constant 256 : i32
    %add3A_310 = arith.addi %mul3A_308, %add3A_309 : i32
    "tpu.region"() ({
      %run_scoped3A = tpu.sem_alloc : memref<!tpu.dma_semaphore, #tpu.memory_space<semaphore_mem>>
      %dma_start3A = arith.constant 0 : i32
      %dma_start3A_314 = arith.constant 0 : i32
      %dma_start3A_315 = tpu.memref_slice %arg10[%dma_start3A, %dma_start3A_314] : memref<128x128xf32, #tpu.memory_space<vmem>> -> memref<64x128xf32, #tpu.memory_space<vmem>>
      %dma_start3A_316 = arith.constant 0 : i32
      %dma_start3A_317 = tpu.memref_slice %arg13[%add3A_310, %dma_start3A_316] : memref<5120x128xf32, #tpu.memory_space<vmem_shared>> -> memref<64x128xf32, #tpu.memory_space<vmem_shared>>
      %dma_start3A_318 = arith.constant 0 : i32
      %dma_start3A_319 = arith.constant 0 : i32
      %dma_start3A_320 = tpu.memref_slice %arg10[%dma_start3A_318, %dma_start3A_319] : memref<128x128xf32, #tpu.memory_space<vmem>> -> memref<64x128xf32, #tpu.memory_space<vmem>>
      %dma_start3A_321 = arith.constant 0 : i32
      %dma_start3A_322 = tpu.memref_slice %arg13[%add3A_310, %dma_start3A_321] : memref<5120x128xf32, #tpu.memory_space<vmem_shared>> -> memref<64x128xf32, #tpu.memory_space<vmem_shared>>
      tpu.enqueue_dma source(%dma_start3A_322 : memref<64x128xf32, #tpu.memory_space<vmem_shared>>) target(%dma_start3A_320 : memref<64x128xf32, #tpu.memory_space<vmem>>) target_semaphore(%run_scoped3A : memref<!tpu.dma_semaphore, #tpu.memory_space<semaphore_mem>>)
      %dma_wait3A = arith.constant 0 : i32
      %dma_wait3A_323 = arith.constant 0 : i32
      %dma_wait3A_324 = tpu.memref_slice %arg10[%dma_wait3A, %dma_wait3A_323] : memref<128x128xf32, #tpu.memory_space<vmem>> -> memref<64x128xf32, #tpu.memory_space<vmem>>
      %dma_wait3A_325 = arith.constant 0 : i32
      %dma_wait3A_326 = tpu.memref_slice %arg13[%add3A_310, %dma_wait3A_325] : memref<5120x128xf32, #tpu.memory_space<vmem_shared>> -> memref<64x128xf32, #tpu.memory_space<vmem_shared>>
      %dma_wait3A_327 = arith.constant 0 : i32
      %dma_wait3A_328 = arith.constant 0 : i32
      %dma_wait3A_329 = tpu.memref_slice %arg10[%dma_wait3A_327, %dma_wait3A_328] : memref<128x128xf32, #tpu.memory_space<vmem>> -> memref<64x128xf32, #tpu.memory_space<vmem>>
      %dma_wait3A_330 = arith.constant 0 : i32
      %dma_wait3A_331 = tpu.memref_slice %arg13[%add3A_310, %dma_wait3A_330] : memref<5120x128xf32, #tpu.memory_space<vmem_shared>> -> memref<64x128xf32, #tpu.memory_space<vmem_shared>>
      tpu.wait_dma2 semaphore(%run_scoped3A : memref<!tpu.dma_semaphore, #tpu.memory_space<semaphore_mem>>) src(%dma_wait3A_331 : memref<64x128xf32, #tpu.memory_space<vmem_shared>>) dst(%dma_wait3A_329 : memref<64x128xf32, #tpu.memory_space<vmem>>)
      tpu.yield
    }) : () -> ()
    %add3A_311 = arith.constant 256 : i32
    %add3A_312 = arith.addi %add3A_294, %add3A_311 : i32
    "tpu.region"() ({
      %run_scoped3A = tpu.sem_alloc : memref<!tpu.dma_semaphore, #tpu.memory_space<semaphore_mem>>
      %dma_start3A = arith.constant 0 : i32
      %dma_start3A_314 = arith.constant 0 : i32
      %dma_start3A_315 = tpu.memref_slice %arg10[%dma_start3A, %dma_start3A_314] : memref<128x128xf32, #tpu.memory_space<vmem>> -> memref<64x128xf32, #tpu.memory_space<vmem>>
      %dma_start3A_316 = arith.constant 0 : i32
      %dma_start3A_317 = tpu.memref_slice %arg7[%add3A_312, %dma_start3A_316] : memref<61440x128xf32, #tpu.memory_space<hbm>> -> memref<64x128xf32, #tpu.memory_space<hbm>>
      %dma_start3A_318 = arith.constant 0 : i32
      %dma_start3A_319 = tpu.memref_slice %arg7[%add3A_312, %dma_start3A_318] : memref<61440x128xf32, #tpu.memory_space<hbm>> -> memref<64x128xf32, #tpu.memory_space<hbm>>
      %dma_start3A_320 = arith.constant 0 : i32
      %dma_start3A_321 = arith.constant 0 : i32
      %dma_start3A_322 = tpu.memref_slice %arg10[%dma_start3A_320, %dma_start3A_321] : memref<128x128xf32, #tpu.memory_space<vmem>> -> memref<64x128xf32, #tpu.memory_space<vmem>>
      tpu.enqueue_dma source(%dma_start3A_322 : memref<64x128xf32, #tpu.memory_space<vmem>>) target(%dma_start3A_319 : memref<64x128xf32, #tpu.memory_space<hbm>>) target_semaphore(%run_scoped3A : memref<!tpu.dma_semaphore, #tpu.memory_space<semaphore_mem>>)
      %dma_wait3A = arith.constant 0 : i32
      %dma_wait3A_323 = arith.constant 0 : i32
      %dma_wait3A_324 = tpu.memref_slice %arg10[%dma_wait3A, %dma_wait3A_323] : memref<128x128xf32, #tpu.memory_space<vmem>> -> memref<64x128xf32, #tpu.memory_space<vmem>>
      %dma_wait3A_325 = arith.constant 0 : i32
      %dma_wait3A_326 = tpu.memref_slice %arg7[%add3A_312, %dma_wait3A_325] : memref<61440x128xf32, #tpu.memory_space<hbm>> -> memref<64x128xf32, #tpu.memory_space<hbm>>
      %dma_wait3A_327 = arith.constant 0 : i32
      %dma_wait3A_328 = tpu.memref_slice %arg7[%add3A_312, %dma_wait3A_327] : memref<61440x128xf32, #tpu.memory_space<hbm>> -> memref<64x128xf32, #tpu.memory_space<hbm>>
      %dma_wait3A_329 = arith.constant 0 : i32
      %dma_wait3A_330 = arith.constant 0 : i32
      %dma_wait3A_331 = tpu.memref_slice %arg10[%dma_wait3A_329, %dma_wait3A_330] : memref<128x128xf32, #tpu.memory_space<vmem>> -> memref<64x128xf32, #tpu.memory_space<vmem>>
      tpu.wait_dma2 semaphore(%run_scoped3A : memref<!tpu.dma_semaphore, #tpu.memory_space<semaphore_mem>>) src(%dma_wait3A_331 : memref<64x128xf32, #tpu.memory_space<vmem>>) dst(%dma_wait3A_328 : memref<64x128xf32, #tpu.memory_space<hbm>>)
      tpu.yield
    }) : () -> ()
    %barrier3A_313 = arith.constant 0 : index
    tpu.barrier barrier_id(%barrier3A_313)
    return
  }
}

module attributes {stable_mosaic.version = 14 : i64} {
  func.func @_norm_body(%arg0: i32, %arg1: memref<1x10000x128xf32, #tpu.memory_space<vmem>>, %arg2: memref<1x10000x128xf32, #tpu.memory_space<vmem>>, %arg3: memref<1x1x128xf32, #tpu.memory_space<vmem>>, %arg4: memref<1x1x128xf32, #tpu.memory_space<vmem>>) attributes {dimension_semantics = [#tpu.dimension_semantics<arbitrary>], iteration_bounds = array<i64: 4>, scalar_prefetch = 0 : i64, scratch_operands = 0 : i64, tpu.core_type = #tpu.core_type<tc>, window_params = [{transform_indices = @transform_0, window_bounds = array<i64: 1, 10000, 128>}, {transform_indices = @transform_1, window_bounds = array<i64: 1, 10000, 128>}, {transform_indices = @transform_2, window_bounds = array<i64: 1, 1, 128>}, {transform_indices = @transform_3, window_bounds = array<i64: 1, 1, 128>}]} {
    %get3A = arith.constant 0 : index
    %get3A_0 = arith.constant 0 : index
    %get3A_1 = arith.constant 0 : index
    %get3A_2 = vector.load %arg1[%get3A, %get3A_0, %get3A_1] : memref<1x10000x128xf32, #tpu.memory_space<vmem>>, vector<1x10000x128xf32>
    %get3A_3 = vector.shape_cast %get3A_2 : vector<1x10000x128xf32> to vector<10000x128xf32>
    %reduce_sum3A = arith.constant dense<0.000000e+00> : vector<128xf32>
    %reduce_sum3A_4 = vector.multi_reduction <add>, %get3A_3, %reduce_sum3A [0] : vector<10000x128xf32> to vector<128xf32>
    %broadcast_in_dim3A = vector.shape_cast %reduce_sum3A_4 : vector<128xf32> to vector<1x128xf32>
    %div3A = arith.constant 1.000000e+04 : f32
    %div3A_5 = vector.broadcast %div3A : f32 to vector<1x128xf32>
    %div3A_6 = arith.divf %broadcast_in_dim3A, %div3A_5 : vector<1x128xf32>
    %sub3A = vector.broadcast %div3A_6 : vector<1x128xf32> to vector<10000x128xf32>
    %sub3A_7 = arith.subf %get3A_3, %sub3A : vector<10000x128xf32>
    %mul3A = arith.mulf %sub3A_7, %sub3A_7 : vector<10000x128xf32>
    %reduce_sum3A_8 = arith.constant dense<0.000000e+00> : vector<128xf32>
    %reduce_sum3A_9 = vector.multi_reduction <add>, %mul3A, %reduce_sum3A_8 [0] : vector<10000x128xf32> to vector<128xf32>
    %broadcast_in_dim3A_10 = vector.shape_cast %reduce_sum3A_9 : vector<128xf32> to vector<1x128xf32>
    %div3A_11 = arith.constant 1.000000e+04 : f32
    %div3A_12 = vector.broadcast %div3A_11 : f32 to vector<1x128xf32>
    %div3A_13 = arith.divf %broadcast_in_dim3A_10, %div3A_12 : vector<1x128xf32>
    %add3A = arith.constant 9.99999974E-6 : f32
    %add3A_14 = vector.broadcast %add3A : f32 to vector<1x128xf32>
    %add3A_15 = arith.addf %div3A_13, %add3A_14 : vector<1x128xf32>
    %rsqrt3A = math.rsqrt %add3A_15 : vector<1x128xf32>
    %mul3A_16 = vector.broadcast %rsqrt3A : vector<1x128xf32> to vector<10000x128xf32>
    %mul3A_17 = arith.mulf %sub3A_7, %mul3A_16 : vector<10000x128xf32>
    %swap3A = arith.constant 0 : index
    %swap3A_18 = arith.constant 0 : index
    %swap3A_19 = arith.constant 0 : index
    %swap3A_20 = vector.load %arg2[%swap3A, %swap3A_18, %swap3A_19] : memref<1x10000x128xf32, #tpu.memory_space<vmem>>, vector<1x10000x128xf32>
    %swap3A_21 = vector.shape_cast %swap3A_20 : vector<1x10000x128xf32> to vector<10000x128xf32>
    %swap3A_22 = vector.shape_cast %mul3A_17 : vector<10000x128xf32> to vector<1x10000x128xf32>
    tpu.vector_store %arg2[%swap3A, %swap3A_18, %swap3A_19], %swap3A_22 {strides = array<i32>} : memref<1x10000x128xf32, #tpu.memory_space<vmem>>, vector<1x10000x128xf32>,
    %swap3A_23 = arith.constant 0 : index
    %swap3A_24 = arith.constant 0 : index
    %swap3A_25 = arith.constant 0 : index
    %swap3A_26 = vector.load %arg3[%swap3A_23, %swap3A_24, %swap3A_25] : memref<1x1x128xf32, #tpu.memory_space<vmem>>, vector<1x1x128xf32>
    %swap3A_27 = vector.shape_cast %swap3A_26 : vector<1x1x128xf32> to vector<1x128xf32>
    %swap3A_28 = vector.shape_cast %div3A_6 : vector<1x128xf32> to vector<1x1x128xf32>
    tpu.vector_store %arg3[%swap3A_23, %swap3A_24, %swap3A_25], %swap3A_28 {strides = array<i32>} : memref<1x1x128xf32, #tpu.memory_space<vmem>>, vector<1x1x128xf32>,
    %swap3A_29 = arith.constant 0 : index
    %swap3A_30 = arith.constant 0 : index
    %swap3A_31 = arith.constant 0 : index
    %swap3A_32 = vector.load %arg4[%swap3A_29, %swap3A_30, %swap3A_31] : memref<1x1x128xf32, #tpu.memory_space<vmem>>, vector<1x1x128xf32>
    %swap3A_33 = vector.shape_cast %swap3A_32 : vector<1x1x128xf32> to vector<1x128xf32>
    %swap3A_34 = vector.shape_cast %rsqrt3A : vector<1x128xf32> to vector<1x1x128xf32>
    tpu.vector_store %arg4[%swap3A_29, %swap3A_30, %swap3A_31], %swap3A_34 {strides = array<i32>} : memref<1x1x128xf32, #tpu.memory_space<vmem>>, vector<1x1x128xf32>,
    return
  }
  func.func @transform_0(%arg0: i32) -> (i32, i32, i32) {
    %c0_i32 = arith.constant 0 : i32
    %c0_i32_0 = arith.constant 0 : i32
    %c0_i32_1 = arith.constant 0 : i32
    return %arg0, %c0_i32, %c0_i32_0 : i32, i32, i32
  }
  func.func @transform_1(%arg0: i32) -> (i32, i32, i32) {
    %c0_i32 = arith.constant 0 : i32
    %c0_i32_0 = arith.constant 0 : i32
    %c0_i32_1 = arith.constant 0 : i32
    return %arg0, %c0_i32, %c0_i32_0 : i32, i32, i32
  }
  func.func @transform_2(%arg0: i32) -> (i32, i32, i32) {
    %c0_i32 = arith.constant 0 : i32
    %c0_i32_0 = arith.constant 0 : i32
    %c0_i32_1 = arith.constant 0 : i32
    return %arg0, %c0_i32, %c0_i32_0 : i32, i32, i32
  }
  func.func @transform_3(%arg0: i32) -> (i32, i32, i32) {
    %c0_i32 = arith.constant 0 : i32
    %c0_i32_0 = arith.constant 0 : i32
    %c0_i32_1 = arith.constant 0 : i32
    return %arg0, %c0_i32, %c0_i32_0 : i32, i32, i32
  }
}

module attributes {stable_mosaic.version = 14 : i64} {
  func.func @_post_body(%arg0: i32, %arg1: i32, %arg2: memref<1x1000x128xf32, #tpu.memory_space<vmem>>, %arg3: memref<1x1x128xf32, #tpu.memory_space<vmem>>, %arg4: memref<1x1x128xf32, #tpu.memory_space<vmem>>, %arg5: memref<1x1000x128xf32, #tpu.memory_space<vmem>>, %arg6: memref<1x1000x128xf32, #tpu.memory_space<vmem>>, %arg7: memref<1x1000x128xf32, #tpu.memory_space<vmem>>, %arg8: memref<128x128xf32, #tpu.memory_space<vmem>>, %arg9: memref<1x128xf32, #tpu.memory_space<vmem>>, %arg10: memref<128x128xf32, #tpu.memory_space<vmem>>, %arg11: memref<128x16xf32, #tpu.memory_space<vmem>>, %arg12: memref<1x16xf32, #tpu.memory_space<vmem>>, %arg13: memref<16x128xf32, #tpu.memory_space<vmem>>, %arg14: memref<1x128xf32, #tpu.memory_space<vmem>>, %arg15: memref<1x1000x128xf32, #tpu.memory_space<vmem>>) attributes {dimension_semantics = [#tpu.dimension_semantics<arbitrary>, #tpu.dimension_semantics<arbitrary>], iteration_bounds = array<i64: 4, 10>, scalar_prefetch = 0 : i64, scratch_operands = 0 : i64, tpu.core_type = #tpu.core_type<tc>, window_params = [{transform_indices = @transform_0, window_bounds = array<i64: 1, 1000, 128>}, {transform_indices = @transform_1, window_bounds = array<i64: 1, 1, 128>}, {transform_indices = @transform_2, window_bounds = array<i64: 1, 1, 128>}, {transform_indices = @transform_3, window_bounds = array<i64: 1, 1000, 128>}, {transform_indices = @transform_4, window_bounds = array<i64: 1, 1000, 128>}, {transform_indices = @transform_5, window_bounds = array<i64: 1, 1000, 128>}, {pipeline_mode = #tpu.pipeline_mode<synchronous>, transform_indices = @transform_6, window_bounds = array<i64: 128, 128>}, {pipeline_mode = #tpu.pipeline_mode<synchronous>, transform_indices = @transform_7, window_bounds = array<i64: 1, 128>}, {pipeline_mode = #tpu.pipeline_mode<synchronous>, transform_indices = @transform_8, window_bounds = array<i64: 128, 128>}, {pipeline_mode = #tpu.pipeline_mode<synchronous>, transform_indices = @transform_9, window_bounds = array<i64: 128, 16>}, {pipeline_mode = #tpu.pipeline_mode<synchronous>, transform_indices = @transform_10, window_bounds = array<i64: 1, 16>}, {pipeline_mode = #tpu.pipeline_mode<synchronous>, transform_indices = @transform_11, window_bounds = array<i64: 16, 128>}, {pipeline_mode = #tpu.pipeline_mode<synchronous>, transform_indices = @transform_12, window_bounds = array<i64: 1, 128>}, {transform_indices = @transform_13, window_bounds = array<i64: 1, 1000, 128>}]} {
    %get3A = arith.constant 0 : index
    %get3A_0 = arith.constant 0 : index
    %get3A_1 = arith.constant 0 : index
    %get3A_2 = vector.load %arg2[%get3A, %get3A_0, %get3A_1] : memref<1x1000x128xf32, #tpu.memory_space<vmem>>, vector<1x1000x128xf32>
    %get3A_3 = vector.shape_cast %get3A_2 : vector<1x1000x128xf32> to vector<1000x128xf32>
    %get3A_4 = arith.constant 0 : index
    %get3A_5 = arith.constant 0 : index
    %get3A_6 = arith.constant 0 : index
    %get3A_7 = vector.load %arg3[%get3A_4, %get3A_5, %get3A_6] : memref<1x1x128xf32, #tpu.memory_space<vmem>>, vector<1x1x128xf32>
    %get3A_8 = vector.shape_cast %get3A_7 : vector<1x1x128xf32> to vector<1x128xf32>
    %sub3A = vector.broadcast %get3A_8 : vector<1x128xf32> to vector<1000x128xf32>
    %sub3A_9 = arith.subf %get3A_3, %sub3A : vector<1000x128xf32>
    %get3A_10 = arith.constant 0 : index
    %get3A_11 = arith.constant 0 : index
    %get3A_12 = arith.constant 0 : index
    %get3A_13 = vector.load %arg4[%get3A_10, %get3A_11, %get3A_12] : memref<1x1x128xf32, #tpu.memory_space<vmem>>, vector<1x1x128xf32>
    %get3A_14 = vector.shape_cast %get3A_13 : vector<1x1x128xf32> to vector<1x128xf32>
    %mul3A = vector.broadcast %get3A_14 : vector<1x128xf32> to vector<1000x128xf32>
    %mul3A_15 = arith.mulf %sub3A_9, %mul3A : vector<1000x128xf32>
    %get3A_16 = arith.constant 0 : index
    %get3A_17 = arith.constant 0 : index
    %get3A_18 = arith.constant 0 : index
    %get3A_19 = vector.load %arg6[%get3A_16, %get3A_17, %get3A_18] : memref<1x1000x128xf32, #tpu.memory_space<vmem>>, vector<1x1000x1xf32>
    %get3A_20 = vector.shape_cast %get3A_19 : vector<1x1000x1xf32> to vector<1000xf32>
    %get3A_21 = arith.constant 0 : index
    %get3A_22 = arith.constant 0 : index
    %get3A_23 = arith.constant 0 : index
    %get3A_24 = vector.load %arg7[%get3A_21, %get3A_22, %get3A_23] : memref<1x1000x128xf32, #tpu.memory_space<vmem>>, vector<1x1000x1xf32>
    %get3A_25 = vector.shape_cast %get3A_24 : vector<1x1000x1xf32> to vector<1000xf32>
    %add3A = arith.addf %get3A_20, %get3A_25 : vector<1000xf32>
    %max3A = arith.constant 1.000000e+00 : f32
    %max3A_26 = vector.broadcast %max3A : f32 to vector<1000xf32>
    %max3A_27 = arith.maximumf %add3A, %max3A_26 : vector<1000xf32>
    %get3A_28 = arith.constant 0 : index
    %get3A_29 = arith.constant 0 : index
    %get3A_30 = arith.constant 0 : index
    %get3A_31 = vector.load %arg5[%get3A_28, %get3A_29, %get3A_30] : memref<1x1000x128xf32, #tpu.memory_space<vmem>>, vector<1x1000x128xf32>
    %get3A_32 = vector.shape_cast %get3A_31 : vector<1x1000x128xf32> to vector<1000x128xf32>
    %div3A = arith.constant 1.000000e+00 : f32
    %div3A_33 = vector.broadcast %div3A : f32 to vector<1000xf32>
    %div3A_34 = arith.divf %div3A_33, %max3A_27 : vector<1000xf32>
    %broadcast_in_dim3A = vector.shape_cast %div3A_34 : vector<1000xf32> to vector<1000x1xf32>
    %mul3A_35 = vector.broadcast %broadcast_in_dim3A : vector<1000x1xf32> to vector<1000x128xf32>
    %mul3A_36 = arith.mulf %get3A_32, %mul3A_35 : vector<1000x128xf32>
    %get3A_37 = arith.constant 0 : index
    %get3A_38 = arith.constant 0 : index
    %get3A_39 = vector.load %arg8[%get3A_37, %get3A_38] : memref<128x128xf32, #tpu.memory_space<vmem>>, vector<128x128xf32>
    %dot_general3A = arith.constant dense<0.000000e+00> : vector<1000x128xf32>
    %dot_general3A_40 = tpu.matmul %mul3A_36, %get3A_39, %dot_general3A {dimension_numbers = #tpu.dot_dimension_numbers<[1], [0], [0], [1], [0, 0, 1, 1], [], []>, precision = #tpu.contract_precision<fp32>, transpose_lhs_hint = false} : vector<1000x128xf32>, vector<128x128xf32>, vector<1000x128xf32> -> vector<1000x128xf32>
    %get3A_41 = arith.constant 0 : index
    %get3A_42 = arith.constant 0 : index
    %get3A_43 = vector.load %arg9[%get3A_41, %get3A_42] : memref<1x128xf32, #tpu.memory_space<vmem>>, vector<1x128xf32>
    %add3A_44 = vector.broadcast %get3A_43 : vector<1x128xf32> to vector<1000x128xf32>
    %add3A_45 = arith.addf %dot_general3A_40, %add3A_44 : vector<1000x128xf32>
    %get3A_46 = arith.constant 0 : index
    %get3A_47 = arith.constant 0 : index
    %get3A_48 = vector.load %arg10[%get3A_46, %get3A_47] : memref<128x128xf32, #tpu.memory_space<vmem>>, vector<128x128xf32>
    %dot_general3A_49 = arith.constant dense<0.000000e+00> : vector<1000x128xf32>
    %dot_general3A_50 = tpu.matmul %mul3A_15, %get3A_48, %dot_general3A_49 {dimension_numbers = #tpu.dot_dimension_numbers<[1], [0], [0], [1], [0, 0, 1, 1], [], []>, precision = #tpu.contract_precision<fp32>, transpose_lhs_hint = false} : vector<1000x128xf32>, vector<128x128xf32>, vector<1000x128xf32> -> vector<1000x128xf32>
    %add3A_51 = arith.addf %add3A_45, %dot_general3A_50 : vector<1000x128xf32>
    %get3A_52 = arith.constant 0 : index
    %get3A_53 = arith.constant 0 : index
    %get3A_54 = vector.load %arg11[%get3A_52, %get3A_53] : memref<128x16xf32, #tpu.memory_space<vmem>>, vector<128x16xf32>
    %dot_general3A_55 = arith.constant dense<0.000000e+00> : vector<1000x16xf32>
    %dot_general3A_56 = tpu.matmul %add3A_51, %get3A_54, %dot_general3A_55 {dimension_numbers = #tpu.dot_dimension_numbers<[1], [0], [0], [1], [0, 0, 1, 1], [], []>, precision = #tpu.contract_precision<fp32>, transpose_lhs_hint = false} : vector<1000x128xf32>, vector<128x16xf32>, vector<1000x16xf32> -> vector<1000x16xf32>
    %get3A_57 = arith.constant 0 : index
    %get3A_58 = arith.constant 0 : index
    %get3A_59 = vector.load %arg12[%get3A_57, %get3A_58] : memref<1x16xf32, #tpu.memory_space<vmem>>, vector<1x16xf32>
    %add3A_60 = vector.broadcast %get3A_59 : vector<1x16xf32> to vector<1000x16xf32>
    %add3A_61 = arith.addf %dot_general3A_56, %add3A_60 : vector<1000x16xf32>
    %max3A_62 = arith.constant 0.000000e+00 : f32
    %max3A_63 = vector.broadcast %max3A_62 : f32 to vector<1000x16xf32>
    %max3A_64 = arith.maximumf %add3A_61, %max3A_63 : vector<1000x16xf32>
    %get3A_65 = arith.constant 0 : index
    %get3A_66 = arith.constant 0 : index
    %get3A_67 = vector.load %arg13[%get3A_65, %get3A_66] : memref<16x128xf32, #tpu.memory_space<vmem>>, vector<16x128xf32>
    %dot_general3A_68 = arith.constant dense<0.000000e+00> : vector<1000x128xf32>
    %dot_general3A_69 = tpu.matmul %max3A_64, %get3A_67, %dot_general3A_68 {dimension_numbers = #tpu.dot_dimension_numbers<[1], [0], [0], [1], [0, 0, 1, 1], [], []>, precision = #tpu.contract_precision<fp32>, transpose_lhs_hint = false} : vector<1000x16xf32>, vector<16x128xf32>, vector<1000x128xf32> -> vector<1000x128xf32>
    %get3A_70 = arith.constant 0 : index
    %get3A_71 = arith.constant 0 : index
    %get3A_72 = vector.load %arg14[%get3A_70, %get3A_71] : memref<1x128xf32, #tpu.memory_space<vmem>>, vector<1x128xf32>
    %add3A_73 = vector.broadcast %get3A_72 : vector<1x128xf32> to vector<1000x128xf32>
    %add3A_74 = arith.addf %dot_general3A_69, %add3A_73 : vector<1000x128xf32>
    %logistic3A = arith.negf %add3A_74 : vector<1000x128xf32>
    %logistic3A_75 = math.exp %logistic3A : vector<1000x128xf32>
    %logistic3A_76 = arith.constant 1.000000e+00 : f32
    %logistic3A_77 = vector.broadcast %logistic3A_76 : f32 to vector<1000x128xf32>
    %logistic3A_78 = arith.addf %logistic3A_77, %logistic3A_75 : vector<1000x128xf32>
    %logistic3A_79 = arith.divf %logistic3A_77, %logistic3A_78 : vector<1000x128xf32>
    %mul3A_80 = arith.mulf %logistic3A_79, %add3A_51 : vector<1000x128xf32>
    %add3A_81 = arith.addf %mul3A_80, %get3A_3 : vector<1000x128xf32>
    %max3A_82 = arith.constant 0.000000e+00 : f32
    %max3A_83 = vector.broadcast %max3A_82 : f32 to vector<1000x128xf32>
    %max3A_84 = arith.maximumf %add3A_81, %max3A_83 : vector<1000x128xf32>
    %swap3A = arith.constant 0 : index
    %swap3A_85 = arith.constant 0 : index
    %swap3A_86 = arith.constant 0 : index
    %swap3A_87 = vector.load %arg15[%swap3A, %swap3A_85, %swap3A_86] : memref<1x1000x128xf32, #tpu.memory_space<vmem>>, vector<1x1000x128xf32>
    %swap3A_88 = vector.shape_cast %swap3A_87 : vector<1x1000x128xf32> to vector<1000x128xf32>
    %swap3A_89 = vector.shape_cast %max3A_84 : vector<1000x128xf32> to vector<1x1000x128xf32>
    tpu.vector_store %arg15[%swap3A, %swap3A_85, %swap3A_86], %swap3A_89 {strides = array<i32>} : memref<1x1000x128xf32, #tpu.memory_space<vmem>>, vector<1x1000x128xf32>,
    return
  }
  func.func @transform_0(%arg0: i32, %arg1: i32) -> (i32, i32, i32) {
    %c0_i32 = arith.constant 0 : i32
    %c0_i32_0 = arith.constant 0 : i32
    return %arg0, %arg1, %c0_i32 : i32, i32, i32
  }
  func.func @transform_1(%arg0: i32, %arg1: i32) -> (i32, i32, i32) {
    %c0_i32 = arith.constant 0 : i32
    %c0_i32_0 = arith.constant 0 : i32
    %c0_i32_1 = arith.constant 0 : i32
    return %arg0, %c0_i32, %c0_i32_0 : i32, i32, i32
  }
  func.func @transform_2(%arg0: i32, %arg1: i32) -> (i32, i32, i32) {
    %c0_i32 = arith.constant 0 : i32
    %c0_i32_0 = arith.constant 0 : i32
    %c0_i32_1 = arith.constant 0 : i32
    return %arg0, %c0_i32, %c0_i32_0 : i32, i32, i32
  }
  func.func @transform_3(%arg0: i32, %arg1: i32) -> (i32, i32, i32) {
    %mul3A = arith.constant 2 : i32
    %mul3A_0 = arith.muli %mul3A, %arg0 : i32
    %jit3A = arith.constant 5 : i32
    %div3A = arith.divsi %arg1, %jit3A : i32
    %sign3A = arith.constant 0 : i32
    %sign3A_1 = arith.cmpi sgt, %arg1, %sign3A : i32
    %sign3A_2 = arith.extui %sign3A_1 : i1 to i32
    %sign3A_3 = arith.constant 0 : i32
    %sign3A_4 = arith.cmpi slt, %arg1, %sign3A_3 : i32
    %sign3A_5 = arith.extui %sign3A_4 : i1 to i32
    %sign3A_6 = arith.subi %sign3A_2, %sign3A_5 : i32
    %sign3A_7 = arith.constant 0 : i32
    %sign3A_8 = arith.cmpi sgt, %jit3A, %sign3A_7 : i32
    %sign3A_9 = arith.extui %sign3A_8 : i1 to i32
    %sign3A_10 = arith.constant 0 : i32
    %sign3A_11 = arith.cmpi slt, %jit3A, %sign3A_10 : i32
    %sign3A_12 = arith.extui %sign3A_11 : i1 to i32
    %sign3A_13 = arith.subi %sign3A_9, %sign3A_12 : i32
    %ne3A = arith.cmpi ne, %sign3A_6, %sign3A_13 : i32
    %rem3A = arith.remsi %arg1, %jit3A : i32
    %ne3A_14 = arith.constant 0 : i32
    %ne3A_15 = arith.cmpi ne, %rem3A, %ne3A_14 : i32
    %and3A = arith.andi %ne3A, %ne3A_15 : i1
    %sub3A = arith.constant 1 : i32
    %sub3A_16 = arith.subi %div3A, %sub3A : i32
    %select_n3A = arith.select %and3A, %sub3A_16, %div3A : i32
    %add3A = arith.addi %mul3A_0, %select_n3A : i32
    %jit3A_17 = arith.constant 5 : i32
    %eq3A = arith.constant 0 : i32
    %eq3A_18 = arith.cmpi eq, %jit3A_17, %eq3A : i32
    %jit3A_19 = arith.constant 1 : i32
    %select_n3A_20 = arith.select %eq3A_18, %jit3A_19, %jit3A_17 : i32
    %rem3A_21 = arith.remsi %arg1, %select_n3A_20 : i32
    %ne3A_22 = arith.constant 0 : i32
    %ne3A_23 = arith.cmpi ne, %rem3A_21, %ne3A_22 : i32
    %lt3A = arith.constant 0 : i32
    %lt3A_24 = arith.cmpi slt, %rem3A_21, %lt3A : i32
    %lt3A_25 = arith.constant 0 : i32
    %lt3A_26 = arith.cmpi slt, %select_n3A_20, %lt3A_25 : i32
    %ne3A_27 = arith.xori %lt3A_24, %lt3A_26 : i1
    %and3A_28 = arith.andi %ne3A_27, %ne3A_23 : i1
    %add3A_29 = arith.addi %rem3A_21, %select_n3A_20 : i32
    %select_n3A_30 = arith.select %and3A_28, %add3A_29, %rem3A_21 : i32
    %c0_i32 = arith.constant 0 : i32
    %c0_i32_31 = arith.constant 0 : i32
    return %add3A, %select_n3A_30, %c0_i32 : i32, i32, i32
  }
  func.func @transform_4(%arg0: i32, %arg1: i32) -> (i32, i32, i32) {
    %jit3A = arith.constant 5 : i32
    %div3A = arith.divsi %arg1, %jit3A : i32
    %sign3A = arith.constant 0 : i32
    %sign3A_0 = arith.cmpi sgt, %arg1, %sign3A : i32
    %sign3A_1 = arith.extui %sign3A_0 : i1 to i32
    %sign3A_2 = arith.constant 0 : i32
    %sign3A_3 = arith.cmpi slt, %arg1, %sign3A_2 : i32
    %sign3A_4 = arith.extui %sign3A_3 : i1 to i32
    %sign3A_5 = arith.subi %sign3A_1, %sign3A_4 : i32
    %sign3A_6 = arith.constant 0 : i32
    %sign3A_7 = arith.cmpi sgt, %jit3A, %sign3A_6 : i32
    %sign3A_8 = arith.extui %sign3A_7 : i1 to i32
    %sign3A_9 = arith.constant 0 : i32
    %sign3A_10 = arith.cmpi slt, %jit3A, %sign3A_9 : i32
    %sign3A_11 = arith.extui %sign3A_10 : i1 to i32
    %sign3A_12 = arith.subi %sign3A_8, %sign3A_11 : i32
    %ne3A = arith.cmpi ne, %sign3A_5, %sign3A_12 : i32
    %rem3A = arith.remsi %arg1, %jit3A : i32
    %ne3A_13 = arith.constant 0 : i32
    %ne3A_14 = arith.cmpi ne, %rem3A, %ne3A_13 : i32
    %and3A = arith.andi %ne3A, %ne3A_14 : i1
    %sub3A = arith.constant 1 : i32
    %sub3A_15 = arith.subi %div3A, %sub3A : i32
    %select_n3A = arith.select %and3A, %sub3A_15, %div3A : i32
    %add3A = arith.constant 8 : i32
    %add3A_16 = arith.addi %add3A, %select_n3A : i32
    %jit3A_17 = arith.constant 5 : i32
    %eq3A = arith.constant 0 : i32
    %eq3A_18 = arith.cmpi eq, %jit3A_17, %eq3A : i32
    %jit3A_19 = arith.constant 1 : i32
    %select_n3A_20 = arith.select %eq3A_18, %jit3A_19, %jit3A_17 : i32
    %rem3A_21 = arith.remsi %arg1, %select_n3A_20 : i32
    %ne3A_22 = arith.constant 0 : i32
    %ne3A_23 = arith.cmpi ne, %rem3A_21, %ne3A_22 : i32
    %lt3A = arith.constant 0 : i32
    %lt3A_24 = arith.cmpi slt, %rem3A_21, %lt3A : i32
    %lt3A_25 = arith.constant 0 : i32
    %lt3A_26 = arith.cmpi slt, %select_n3A_20, %lt3A_25 : i32
    %ne3A_27 = arith.xori %lt3A_24, %lt3A_26 : i1
    %and3A_28 = arith.andi %ne3A_27, %ne3A_23 : i1
    %add3A_29 = arith.addi %rem3A_21, %select_n3A_20 : i32
    %select_n3A_30 = arith.select %and3A_28, %add3A_29, %rem3A_21 : i32
    %c0_i32 = arith.constant 0 : i32
    %c0_i32_31 = arith.constant 0 : i32
    return %add3A_16, %select_n3A_30, %c0_i32 : i32, i32, i32
  }
  func.func @transform_5(%arg0: i32, %arg1: i32) -> (i32, i32, i32) {
    %jit3A = arith.constant 5 : i32
    %div3A = arith.divsi %arg1, %jit3A : i32
    %sign3A = arith.constant 0 : i32
    %sign3A_0 = arith.cmpi sgt, %arg1, %sign3A : i32
    %sign3A_1 = arith.extui %sign3A_0 : i1 to i32
    %sign3A_2 = arith.constant 0 : i32
    %sign3A_3 = arith.cmpi slt, %arg1, %sign3A_2 : i32
    %sign3A_4 = arith.extui %sign3A_3 : i1 to i32
    %sign3A_5 = arith.subi %sign3A_1, %sign3A_4 : i32
    %sign3A_6 = arith.constant 0 : i32
    %sign3A_7 = arith.cmpi sgt, %jit3A, %sign3A_6 : i32
    %sign3A_8 = arith.extui %sign3A_7 : i1 to i32
    %sign3A_9 = arith.constant 0 : i32
    %sign3A_10 = arith.cmpi slt, %jit3A, %sign3A_9 : i32
    %sign3A_11 = arith.extui %sign3A_10 : i1 to i32
    %sign3A_12 = arith.subi %sign3A_8, %sign3A_11 : i32
    %ne3A = arith.cmpi ne, %sign3A_5, %sign3A_12 : i32
    %rem3A = arith.remsi %arg1, %jit3A : i32
    %ne3A_13 = arith.constant 0 : i32
    %ne3A_14 = arith.cmpi ne, %rem3A, %ne3A_13 : i32
    %and3A = arith.andi %ne3A, %ne3A_14 : i1
    %sub3A = arith.constant 1 : i32
    %sub3A_15 = arith.subi %div3A, %sub3A : i32
    %select_n3A = arith.select %and3A, %sub3A_15, %div3A : i32
    %add3A = arith.constant 10 : i32
    %add3A_16 = arith.addi %add3A, %select_n3A : i32
    %jit3A_17 = arith.constant 5 : i32
    %eq3A = arith.constant 0 : i32
    %eq3A_18 = arith.cmpi eq, %jit3A_17, %eq3A : i32
    %jit3A_19 = arith.constant 1 : i32
    %select_n3A_20 = arith.select %eq3A_18, %jit3A_19, %jit3A_17 : i32
    %rem3A_21 = arith.remsi %arg1, %select_n3A_20 : i32
    %ne3A_22 = arith.constant 0 : i32
    %ne3A_23 = arith.cmpi ne, %rem3A_21, %ne3A_22 : i32
    %lt3A = arith.constant 0 : i32
    %lt3A_24 = arith.cmpi slt, %rem3A_21, %lt3A : i32
    %lt3A_25 = arith.constant 0 : i32
    %lt3A_26 = arith.cmpi slt, %select_n3A_20, %lt3A_25 : i32
    %ne3A_27 = arith.xori %lt3A_24, %lt3A_26 : i1
    %and3A_28 = arith.andi %ne3A_27, %ne3A_23 : i1
    %add3A_29 = arith.addi %rem3A_21, %select_n3A_20 : i32
    %select_n3A_30 = arith.select %and3A_28, %add3A_29, %rem3A_21 : i32
    %c0_i32 = arith.constant 0 : i32
    %c0_i32_31 = arith.constant 0 : i32
    return %add3A_16, %select_n3A_30, %c0_i32 : i32, i32, i32
  }
  func.func @transform_6(%arg0: i32, %arg1: i32) -> (i32, i32) {
    %c0_i32 = arith.constant 0 : i32
    %c0_i32_0 = arith.constant 0 : i32
    %c0_i32_1 = arith.constant 0 : i32
    return %c0_i32, %c0_i32_0 : i32, i32
  }
  func.func @transform_7(%arg0: i32, %arg1: i32) -> (i32, i32) {
    %c0_i32 = arith.constant 0 : i32
    %c0_i32_0 = arith.constant 0 : i32
    %c0_i32_1 = arith.constant 0 : i32
    return %c0_i32, %c0_i32_0 : i32, i32
  }
  func.func @transform_8(%arg0: i32, %arg1: i32) -> (i32, i32) {
    %c0_i32 = arith.constant 0 : i32
    %c0_i32_0 = arith.constant 0 : i32
    %c0_i32_1 = arith.constant 0 : i32
    return %c0_i32, %c0_i32_0 : i32, i32
  }
  func.func @transform_9(%arg0: i32, %arg1: i32) -> (i32, i32) {
    %c0_i32 = arith.constant 0 : i32
    %c0_i32_0 = arith.constant 0 : i32
    %c0_i32_1 = arith.constant 0 : i32
    return %c0_i32, %c0_i32_0 : i32, i32
  }
  func.func @transform_10(%arg0: i32, %arg1: i32) -> (i32, i32) {
    %c0_i32 = arith.constant 0 : i32
    %c0_i32_0 = arith.constant 0 : i32
    %c0_i32_1 = arith.constant 0 : i32
    return %c0_i32, %c0_i32_0 : i32, i32
  }
  func.func @transform_11(%arg0: i32, %arg1: i32) -> (i32, i32) {
    %c0_i32 = arith.constant 0 : i32
    %c0_i32_0 = arith.constant 0 : i32
    %c0_i32_1 = arith.constant 0 : i32
    return %c0_i32, %c0_i32_0 : i32, i32
  }
  func.func @transform_12(%arg0: i32, %arg1: i32) -> (i32, i32) {
    %c0_i32 = arith.constant 0 : i32
    %c0_i32_0 = arith.constant 0 : i32
    %c0_i32_1 = arith.constant 0 : i32
    return %c0_i32, %c0_i32_0 : i32, i32
  }
  func.func @transform_13(%arg0: i32, %arg1: i32) -> (i32, i32, i32) {
    %c0_i32 = arith.constant 0 : i32
    %c0_i32_0 = arith.constant 0 : i32
    return %arg0, %arg1, %c0_i32 : i32, i32, i32
  }
}

</mosaic_0001>

<sc_bundles>
// kernel: kernel.5.cloned.1.call-start
scs
__scs_entry_jumppad:
0x0: {  	(pc) =	sbr.rel $0x88, $3  }
0x1: {  	(tag) =	ssettag $0x0;
	lr =	simm.s32 $0x1  }
0x2: {  	[smem:$0x3F98] =	sst lr;
	_ =	strace $0xD0000000  }
0x3: {  	_ = 	snop  }
0x4: {  	_ = 	snop  }
0x5: {  	_ = 	snop  }
0x6: {  	_ = 	snop  }
0x7: {  	_ = 	snop  }
__scs_overlays_trampoline_lowered:
0x8: {  	[smem:$0x3FA7] =	sst s0  }
0x9: {  	[smem:$0x3FA8] =	sst s1  }
0xa: {  	[smem:$0x3FA9] =	sst s2  }
0xb: {  	[smem:$0x3FAA] =	sst s3  }
0xc: {  	[smem:$0x3FAB] =	sst s4  }
0xd: {  	[smem:$0x3FAC] =	sst s5  }
0xe: {  	[smem:$0x3FAD] =	sst s6  }
0xf: {  	[smem:$0x3FAE] =	sst s7  }
0x10: {  	[smem:$0x3FAF] =	sst s8  }
0x11: {  	[smem:$0x3FB0] =	sst s9;
	s0 =	simm.s32 @!p0 $0x0  }
0x12: {  	s1 =	sld [smem:$0x3F96];
	s0 =	simm.s32 @p0 $0x1  }
0x13: {  	[smem:$0x3FB1] =	sst s0;
	s0 =	simm.s32 @!p1 $0x0  }
0x14: {  	s2 =	sld [smem:$0x3F95];
	s0 =	simm.s32 @p1 $0x1  }
0x15: {  	[smem:$0x3FB2] =	sst s0;
	s0 =	simm.s32 @!p2 $0x0  }
0x16: {  	s3 =	sld [smem:$0x3FDB];
	s0 =	simm.s32 @p2 $0x1  }
0x17: {  	s4 =	simm.s32 $0x1BF5;
	[smem:$0x3FB4] =	sst s0  }
0x18: {  	s0 =	sld [smem:$0x3F97];
	_ =	swait.ge [sflag:s4], $0x0  }
0x19: {  	s7 =	sld [smem:$0x3F98]  }
0x1a: {  	s8 =	sadd.s32 $0xFFFFE003, lr  }
0x1b: {  	s9 =	sadd.s32 $0xFFFFFEF7, lr;
	s5 =	simm.s32 $0xFFFFFFFF;
	p2 =	slt.u32 s8, $0xFFFFF086  }
0x1c: {  	p1 =	slt.u32 s9, $0xF7A;
	s5 =	simm.s32 @!p2 $0x0  }
0x1d: {  	s5 =	simm.s32 @p1 $0x1;
	p0 =	seq.s32 s7, s2  }
0x1e: {  	s7 =	smul.u32 @!p0 $0xF7A, s2;
	p2 =	seq.s32 @!p0 s5, $0x0  }
0x1f: {  	s9 =	smul.u32 $0xF7A, s1;
	s8 =	simm.s32 @!p0 $0x1BF5;
	p2 =	por !p2, p0  }
0x20: {  	[sflag:s8] =	ssyncset.s32 @!p0 $0xFFFFF086;
	s6 =	sadd.s32 @!p0 s3, s7;
	s7 =	simm.s32 @!p0 $0x108  }
0x21: {  	s3 =	sadd.s32 s3, s9;
	s6 =	sadd.s32 @!p0 $0x88, s6;
	s7 =	simm.s32 @p2 $0x1082  }
0x22: {  	[simem:s7], [sflag:s8] =	dma.local @!p0 [hbm:s6], $0xF7A  }
0x23: {  	s9 =	sor.u32 $0xD0000000, s2;
	s6 =	simm.s32 $0x108;
	_ =	swait.ge @!p0 [sflag:s8], $0x0  }
0x24: {  	s3 =	sadd.s32 $0x88, s3;
	s6 =	simm.s32 @!p1 $0x1082;
	[sflag:s4] =	ssyncset.s32 $0xFFFFF086  }
0x25: {  	[simem:s6], [sflag:s4] =	dma.local [hbm:s3], $0xF7A  }
0x26: {  	[smem:$0x3F98] =	sst s1;
	(tag) =	ssettag s2;
	_ =	strace s9  }
0x27: {  	s1 =	sld [smem:$0x3FA8]  }
0x28: {  	s2 =	sld [smem:$0x3FA9]  }
0x29: {  	s4 =	sld [smem:$0x3FAB]  }
0x2a: {  	p0 =	seq.s32 s5, $0x0;
	s5 =	sld [smem:$0x3FAC]  }
0x2b: {  	s6 =	sld [smem:$0x3FAD]  }
0x2c: {  	s7 =	sld [smem:$0x3FAE]  }
0x2d: {  	s3 =	simm.s32 $0x108;
	s8 =	sld [smem:$0x3FAF]  }
0x2e: {  	s3 =	simm.s32 @!p0 $0x1082;
	s9 =	sld [smem:$0x3FB0]  }
0x2f: {  	lr =	sadd.s32 s0, s3;
	s0 =	sld [smem:$0x3FA7]  }
0x30: {  	s3 =	sld [smem:$0x3FAA]  }
0x31: {  	[smem:$0x3FB3] =	sst s10  }
0x32: {  	s10 =	sld [smem:$0x3FB1];
	_ =	sdelay $0x3  }
0x33: {  	p0 =	seq.s32 s10, $0x1;
	s10 =	sld [smem:$0x3FB3];
	_ =	sdelay $0x3  }
0x34: {  	[smem:$0x3FB3] =	sst s10  }
0x35: {  	s10 =	sld [smem:$0x3FB2];
	_ =	sdelay $0x3  }
0x36: {  	p1 =	seq.s32 s10, $0x1;
	s10 =	sld [smem:$0x3FB3];
	_ =	sdelay $0x3  }
0x37: {  	[smem:$0x3FB3] =	sst s10  }
0x38: {  	s10 =	sld [smem:$0x3FB4]  }
0x39: {  	_ = 	snop;
	(pc) =	sbr.ind lr, $3  }
0x3a: {  	_ = 	snop  }
0x3b: {  	_ = 	snop  }
0x3c: {  	p2 =	seq.s32 s10, $0x1;
	s10 =	sld [smem:$0x3FB3]  }
0x3d: {  	_ =	shalt  }
0x3e: {  	_ =	shalt  }
0x3f: {  	_ =	shalt  }
0x40: {  	_ =	shalt  }
0x41: {  	_ =	shalt  }
0x42: {  	_ =	shalt  }
0x43: {  	_ =	shalt  }
0x44: {  	_ =	shalt  }
0x45: {  	_ =	shalt  }
0x46: {  	_ =	shalt  }
0x47: {  	_ =	shalt  }
0x48: {  	_ =	shalt  }
0x49: {  	_ =	shalt  }
0x4a: {  	_ =	shalt  }
0x4b: {  	_ =	shalt  }
0x4c: {  	_ =	shalt  }
0x4d: {  	_ =	shalt  }
0x4e: {  	_ =	shalt  }
0x4f: {  	_ =	shalt  }
0x50: {  	_ =	shalt  }
0x51: {  	_ =	shalt  }
0x52: {  	_ =	shalt  }
0x53: {  	_ =	shalt  }
0x54: {  	_ =	shalt  }
0x55: {  	_ =	shalt  }
0x56: {  	_ =	shalt  }
0x57: {  	_ =	shalt  }
0x58: {  	_ =	shalt  }
0x59: {  	_ =	shalt  }
0x5a: {  	_ =	shalt  }
0x5b: {  	_ =	shalt  }
0x5c: {  	_ =	shalt  }
0x5d: {  	_ =	shalt  }
0x5e: {  	_ =	shalt  }
0x5f: {  	_ =	shalt  }
0x60: {  	_ =	shalt  }
0x61: {  	_ =	shalt  }
0x62: {  	_ =	shalt  }
0x63: {  	_ =	shalt  }
0x64: {  	_ =	shalt  }
0x65: {  	_ =	shalt  }
0x66: {  	_ =	shalt  }
0x67: {  	_ =	shalt  }
0x68: {  	_ =	shalt  }
0x69: {  	_ =	shalt  }
0x6a: {  	_ =	shalt  }
0x6b: {  	_ =	shalt  }
0x6c: {  	_ =	shalt  }
0x6d: {  	_ =	shalt  }
0x6e: {  	_ =	shalt  }
0x6f: {  	_ =	shalt  }
0x70: {  	_ =	shalt  }
0x71: {  	_ =	shalt  }
0x72: {  	_ =	shalt  }
0x73: {  	_ =	shalt  }
0x74: {  	_ =	shalt  }
0x75: {  	_ =	shalt  }
0x76: {  	_ =	shalt  }
0x77: {  	_ =	shalt  }
0x78: {  	_ =	shalt  }
0x79: {  	_ =	shalt  }
0x7a: {  	_ =	shalt  }
0x7b: {  	_ =	shalt  }
0x7c: {  	_ =	shalt  }
0x7d: {  	_ =	shalt  }
0x7e: {  	_ =	shalt  }
0x7f: {  	_ =	shalt  }
0x80: {  	_ =	shalt  }
0x81: {  	_ =	shalt  }
0x82: {  	_ =	shalt  }
0x83: {  	_ =	shalt  }
0x84: {  	_ =	shalt  }
0x85: {  	_ =	shalt  }
0x86: {  	_ =	shalt  }
0x87: {  	_ =	shalt  }
.Lfunc_end0:
.L_simem_size_0:
called_computation_lowered:
.L_overlay_start_0:
0x88: {  	s2 =	sld [smem:$0x3FD9]  }
0x89: {  	s3 =	sld [smem:$0x3FFE];
	_ =	sdelay $0x1  }
0x8a: {  	s1 =	srdreg.scid  }
0x8b: {  	s0 =	sand.u32 $0x1, s1  }
0x8c: {  	s17 =	sshll.u32 s0, $0xA;
	s2 =	sadd.s32 s3, s2  }
0x8d: {  	s2 =	sadd.s32 s2, s17  }
0x8e: {  	[smem:$0x3FBF] =	sst s2  }
0x8f: {  	_ = 	snop  }
0x90: {  	s2 =	sld [smem:$0x3FD0];
	(tm) =	ssettm $0x1  }
0x91: {  	s18 =	sld [smem:$0x3FFB];
	_ =	sdelay $0x3  }
0x92: {  	_ =	strace s18  }
0x93: {  	s3 =	sld [smem:$0x3FFC];
	_ =	sdelay $0x3  }
0x94: {  	_ =	strace s3  }
0x95: {  	s3 =	sld [smem:$0x3FFD];
	_ =	sdelay $0x3  }
0x96: {  	_ =	strace s3  }
0x97: {  	_ =	strace $0x8FFFFFFF  }
0x98: {  	s19 =	sld [smem:$0x3FDB];
	_ =	sdelay $0x1  }
0x99: {  	s4 =	simm.s32 $_scs_section_size  }
0x9a: {  	s5 =	simm.s32 $_size__tile_overlayer_lowered;
	s6 =	simm.s32 $_tile_overlayer_lowered  }
0x9b: {  	s22 =	simm.s32 $0x1BFF;
	s21 =	sshll.u32 s6, $0x1;
	s3 =	sadd.s32 s4, s19  }
0x9c: {  	s7 =	simm.s32 $0x0;
	s20 =	sshll.u32 s5, $0x1;
	s5 =	sadd.s32 s21, s3  }
0x9d: {  	[timem:s7], [sflag:s22] =	dma.local [hbm:s5], s20  }
0x9e: {  	_ =	swait.ge [sflag:s22], s20  }
0x9f: {  	s4 =	ssub.s32 $0x0, s20;
	[sflag:s22] =	ssyncset.done $0x0  }
0xa0: {  	[sflag:s22] =	ssyncadd.s32 s4;
	_ =	sdelay $0x1  }
0xa1: {  	s23 =	simm.s32 $0x1B8B  }
0xa2: {  	_ =	swait.ge [sflag:s23], $0x1  }
0xa3: {  	[sflag:s23] =	ssyncset.done $0x0  }
0xa4: {  	s25 =	simm.s32 $0x1B8E;
	s24 =	sld [smem:$0x3FFE];
	[sflag:s23] =	ssyncadd.s32 $0xFFFFFFFF  }
0xa5: {  	s26 =	simm.s32 $execute0_lowered;
	[smem:$0x3FD2] =	sst s25  }
0xa6: {  	s5 =	sshll.u32 s26, $0x1;
	_ =	strace $0x80000046;
	[dreg:$0x1] =	wrdreg $0xFFFFFFFF  }
0xa7: {  	s28 =	simm.s32 $_size_execute0_lowered;
	s3 =	sadd.s32 s3, s5;
	[dreg:$0x0] =	wrdreg $0x0  }
0xa8: {  	s5 =	sshll.u32 s28, $0x1;
	[dreg:$0x2] =	wrdreg s3  }
0xa9: {  	[dreg:$0x3] =	wrdreg s5  }
0xaa: {  	[dreg:$0x4] =	wrdreg $0xC0  }
0xab: {  	_ =	task [dreg:s7], $0x5FFFF  }
0xac: {  	[dreg:$0x1] =	wrdreg $0xFFFFFFFF  }
0xad: {  	[dreg:$0x0] =	wrdreg $0x60  }
0xae: {  	[dreg:$0x2] =	wrdreg s2  }
0xaf: {  	[dreg:$0x3] =	wrdreg s24  }
0xb0: {  	[dreg:$0x4] =	wrdreg $0xC8000  }
0xb1: {  	[dreg:$0x5] =	wrdreg $0x9  }
0xb2: {  	_ =	task.clear_ibuf [dreg:s7], $0x6FFFF;
	_ =	strace $0x90000046  }
0xb3: {  	s29 =	simm.s32 $0x9;
	_ =	strace $0x80000048  }
0xb4: {  	_ =	swait.ge [sflag:s29], $0x1  }
0xb5: {  	[sflag:s29] =	ssyncadd.s32 $0xFFFFFFFF  }
0xb6: {  	_ =	strace $0x90000048  }
0xb7: {  	_ =	sfence  }
0xb8: {  	s30 =	sld [smem:$0x0];
	_ =	sdelay $0x2  }
0xb9: {  	s31 =	sshll.u32 s1, $0xD;
	s1 =	sshrl.u32 s1, $0x2  }
0xba: {  	s3 =	sand.u32 $0x4000, s31;
	s1 =	sadd.s32 s1, s30  }
0xbb: {  	s0 =	sor.u32 s3, s0;
	s1 =	sshll.u32 s1, $0x11  }
0xbc: {  	s0 =	sor.u32 s1, s0  }
0xbd: {  	s0 =	sadd.s32 $0x8F2B, s0  }
0xbe: {  	[sflag:s0] =	ssyncadd.remote.s32 $0x1  }
0xbf: {  	_ =	sfence.sel $0xFFFF  }
0xc0: {  	[dreg:$0x0] =	wrdreg $0xFFFFFFFF;
	(pc) =	sbr.abs _section_cstart, $3  }
0xc1: {  	[dreg:$0x1] =	wrdreg $0xFFFFFFFF  }
0xc2: {  	_ =	task.clear_ibuf [dreg:s7], $0x2FFFF;
	_ =	strace $0x9FFFFFFF  }
0xc3: {  	(tm) =	ssettm $0x7FFFFFFF  }
tec
execute0_lowered:
.L_overlay_start_1:
0x0: {  	(tag) =	ssettag $0x1  }
0x1: {  	s1 =	rddreg [dreg:$0x0]  }
0x2: {  	s0 =	rddreg [dreg:$0x1];
	s12 =	stileid.u32  }
0x3: {  	s2 =	rddreg [dreg:$0x2];
	s26 =	smul.u32 $0x28000, s12  }
0x4: {  	s4 =	srdreg.scid;
	s9 =	smul.u32 $0x140, s12  }
0x5: {  	s3 =	simm.s32 $0x0;
	s4 =	sand.u32 $0x1, s4;
	s19 =	smul.u32 $0x50, s12  }
0x6: {  	[smem:$0x7FF] =	sst s3;
	s6 =	sadd.s32 $0x2A600, s0;
	s5 =	smul.u32 $0x14000, s4  }
0x7: {  	s7 =	sadd.s32 $0x3E600, s0;
	s25 =	sadd.s32 $0x3EC00, s0;
	s11 =	smul.u32 $0x5000, s4  }
0x8: {  	_ =	strace $0x80000047;
	[dreg:$0x6] =	wrdreg s7;
	s16 =	smul.u32 $0x2800, s4  }
0x9: {  	s8 =	ssub.s32 $0x2, s4;
	s30 =	sshllo.u32 s4, $0x1;
	s4 =	smul.u32 $0x500, s4  }
0xa: {  	[dreg:$0x7] =	wrdreg s25;
	s10 =	sshrl.u32 s8, $0x1;
	s7 =	sshrl.u32 s26, $0x2  }
0xb: {  	s26 =	smul.u32 $0xA00, s12;
	s5 =	sadd.s32 s5, s0;
	s18 =	sadd.s32 s7, s2  }
0xc: {  	s0 =	sadd.s32 $0x3F400, s0;
	s13 =	sadd.s32 $0x2800, s18;
	[dreg:$0x8] =	wrdreg s18  }
0xd: {  	s8 =	ssub.s32 s8, s10;
	s15 =	sadd.s32 $0x5000, s18;
	[dreg:$0x9] =	wrdreg s13  }
0xe: {  	s14 =	sadd.s32 s9, s11;
	s17 =	sadd.s32 $0x4000, s18;
	[dreg:$0xa] =	wrdreg s15  }
0xf: {  	s7 =	smul.u32 $0x2800, s30;
	s30 =	smax.u32 s8, $0x1;
	[dreg:$0xd] =	wrdreg s17  }
0x10: {  	s4 =	sadd.s32 s19, s4;
	s12 =	sadd.s32 $0x8000, s18;
	[dreg:$0x16] =	wrdreg s30  }
0x11: {  	s4 =	sshll.u32 s4, $0x4;
	s13 =	sadd.s32 $0x7800, s18;
	[dreg:$0x1a] =	wrdreg s12  }
0x12: {  	s8 =	sadd.s32 s26, s5;
	s30 =	sadd.s32 s4, s6;
	[dreg:$0xb] =	wrdreg s13  }
0x13: {  	s10 =	sshll.u32 s14, $0x4;
	s15 =	sadd.s32 $0xC600, s8;
	[dreg:$0x17] =	wrdreg s30  }
0x14: {  	s13 =	sadd.s32 s0, s10;
	s10 =	sadd.s32 $0x2600, s8;
	[dreg:$0x19] =	wrdreg s15  }
0x15: {  	[dreg:$0x18] =	wrdreg s10  }
0x16: {  	s20 =	sadd.s32 $0x800, s13;
	[dreg:$0xc] =	wrdreg s13  }
0x17: {  	s7 =	sadd.s32 s9, s7;
	s14 =	sadd.s32 $0x1000, s13;
	[dreg:$0xe] =	wrdreg s20  }
0x18: {  	s9 =	sadd.s32 s9, s16;
	s16 =	sadd.s32 $0x14000, s13;
	[dreg:$0x1b] =	wrdreg s14  }
0x19: {  	s7 =	sshll.u32 s7, $0x4;
	s17 =	sadd.s32 $0x14800, s13;
	[dreg:$0x1c] =	wrdreg s16  }
0x1a: {  	s9 =	sshll.u32 s9, $0x4;
	s19 =	sadd.s32 $0x15000, s13;
	[dreg:$0x1d] =	wrdreg s17  }
0x1b: {  	s11 =	sadd.s32 s0, s7;
	s0 =	sadd.s32 s0, s9;
	[dreg:$0x1e] =	wrdreg s19  }
0x1c: {  	s28 =	simm.s32 $0x80;
	s21 =	sadd.s32 $0xA0000, s0;
	[dreg:$0xf] =	wrdreg s11  }
0x1d: {  	s29 =	simm.s32 $0x4800;
	s22 =	sadd.s32 $0xA0800, s0;
	[dreg:$0x10] =	wrdreg s21  }
0x1e: {  	s31 =	simm.s32 $0x8800;
	s23 =	sadd.s32 $0xA1000, s0;
	[dreg:$0x11] =	wrdreg s22  }
0x1f: {  	s5 =	simm.s32 $0x580;
	s24 =	sadd.s32 $0xB4000, s0;
	[dreg:$0x12] =	wrdreg s23  }
0x20: {  	s12 =	simm.s32 $0x680;
	s9 =	sadd.s32 $0xB4800, s0;
	[dreg:$0x13] =	wrdreg s24  }
0x21: {  	s8 =	simm.s32 $0x0;
	s0 =	sadd.s32 $0xB5000, s0;
	[dreg:$0x14] =	wrdreg s9  }
0x22: {  	s13 =	simm.s32 $0x2;
	s20 =	sadd.s32 $0x800, s11;
	[dreg:$0x15] =	wrdreg s0  }
0x23: {  	s7 =	simm.s32 $0x780;
	[dreg:$0x1f] =	wrdreg s20;
	s21 =	sadd.s32 $0x1000, s11  }
0x24: {  	s19 =	simm.s32 $0x800;
	s22 =	sadd.s32 $0x14000, s11;
	[smem:$0x7F9] =	sst s21  }
0x25: {  	s14 =	simm.s32 $0x500;
	s23 =	sadd.s32 $0x14800, s11;
	[smem:$0x7FA] =	sst s22  }
0x26: {  	s9 =	sadd.s32 s26, s6;
	s24 =	sadd.s32 $0x15000, s11;
	[smem:$0x7FB] =	sst s23  }
0x27: {  	s20 =	simm.s32 $0x5;
	s0 =	simm.s32 $0x1;
	[smem:$0x7FC] =	sst s24  }
0x28: {  	s6 =	simm.s32 $0x480;
	s11 =	simm.s32 $0x3;
	[dreg:$0x4] =	wrdreg s9  }
0x29: {  	s26 =	sadd.s32 $0xA000, s9;
	s22 =	sadd.s32 $0xA000, s30;
	s21 =	simm.s32 $0x400  }
0x2a: {  	s9 =	simm.s32 $0x600;
	s24 =	simm.s32 $0x380;
	[smem:$0x7FD] =	sst s26  }
0x2b: {  	s23 =	simm.s32 $0x4;
	s26 =	simm.s32 $0x700;
	[dreg:$0x5] =	wrdreg s22  }
.LBB2_1:
0x2c: {  	[smem:$0x7F8] =	sst s8  }
0x2d: {  	s17 =	rddreg [dreg:$0x6]  }
0x2e: {  	[tilespmem:s19], [sflag:$0x5] =	stream.linear.gather [hbm4b:s17+s3], $0x2800, $0x38;
	[tilespmem:$0x16800] =	vst v63  }
0x2f: {  	_ =	swait.ge [sflag:s20], $0x2800  }
0x30: {  	[sflag:s20] =	ssyncset.done $0x0  }
0x31: {  	[sflag:s20] =	ssyncadd.s32 $0xFFFFD800  }
0x32: {  	[spmem:s18] =	stream.linear.scatter [tilespmem:s19], [sflag:$0x5], $0x2800, $0x38;
	[tilespmem:$0x16800] =	vst v63  }
0x33: {  	_ =	swait.ge [sflag:s20], $0x2800  }
0x34: {  	[sflag:s20] =	ssyncset.done $0x0  }
0x35: {  	s4 =	rddreg [dreg:$0x9];
	[sflag:s20] =	ssyncadd.s32 $0xFFFFD800  }
0x36: {  	[spmem:s4] =	stream.linear.scatter [tilespmem:s19], [sflag:$0x5], $0x2800, $0x38;
	[tilespmem:$0x16800] =	vst v63  }
0x37: {  	_ =	swait.ge [sflag:s20], $0x2800  }
0x38: {  	[sflag:s20] =	ssyncset.done $0x0  }
0x39: {  	s8 =	rddreg [dreg:$0xa];
	[sflag:s20] =	ssyncadd.s32 $0xFFFFD800  }
0x3a: {  	[spmem:s8] =	stream.linear.scatter [tilespmem:s19], [sflag:$0x5], $0x2800, $0x38;
	[tilespmem:$0x16800] =	vst v63  }
0x3b: {  	_ =	swait.ge [sflag:s20], $0x2800  }
0x3c: {  	[sflag:s20] =	ssyncset.done $0x0  }
0x3d: {  	s10 =	rddreg [dreg:$0xb];
	[sflag:s20] =	ssyncadd.s32 $0xFFFFD800  }
0x3e: {  	[spmem:s10] =	stream.linear.scatter [tilespmem:s19], [sflag:$0x5], $0x2800, $0x38;
	[tilespmem:$0x16800] =	vst v63  }
0x3f: {  	_ =	swait.ge [sflag:s20], $0x2800  }
0x40: {  	[sflag:s20] =	ssyncset.done $0x0  }
0x41: {  	[sflag:s20] =	ssyncadd.s32 $0xFFFFD800  }
0x42: {  	[bflag:$0x0] =	sbarrier.arrive $0xFFFF  }
0x43: {  	s4 =	rddreg [dreg:$0x18]  }
0x44: {  	s15 =	sadd.s32 $0x0, s4  }
0x45: {  	[tilespmem:s3], [sflag:$0x5] =	stream.linear.gather [hbm4b:s15+s3], $0x400, $0x38;
	[tilespmem:$0x16800] =	vst v63  }
0x46: {  	_ =	swait.ge [sflag:s20], $0x400  }
0x47: {  	[sflag:s20] =	ssyncset.done $0x0;
	s16 =	rddreg [dreg:$0x4]  }
0x48: {  	[sflag:s20] =	ssyncadd.s32 $0xFFFFFC00;
	s17 =	sadd.s32 $0x0, s16  }
0x49: {  	[tilespmem:s21], [sflag:$0x5] =	stream.linear.gather [hbm4b:s17+s3], $0x400, $0x38;
	[tilespmem:$0x16800] =	vst v63  }
0x4a: {  	_ =	swait.ge [sflag:s20], $0x400  }
0x4b: {  	[sflag:s20] =	ssyncset.done $0x0  }
0x4c: {  	[sflag:s20] =	ssyncadd.s32 $0xFFFFFC00  }
0x4d: {  	[tilespmem:s19], [sflag:$0x1] =	stream.indirect.gather [hbm4b:s1+s28], $0x80, s3, s28, $0xb8;
	[tilespmem:$0x16800] =	vst v63  }
0x4e: {  	_ = 	snop  }
0x4f: {  	[tilespmem:s29], [sflag:$0x2] =	stream.indirect.gather [hbm4b:s1+s28], $0x80, s28, s28, $0xb8;
	[tilespmem:$0x16800] =	vst v63  }
0x50: {  	s18 =	simm.s32 $0x100  }
0x51: {  	[tilespmem:s31], [sflag:$0x3] =	stream.indirect.gather [hbm4b:s1+s28], $0x80, s18, s28, $0xb8;
	[tilespmem:$0x16800] =	vst v63  }
0x52: {  	_ =	swait.ge [sflag:s0], $0x4000  }
0x53: {  	[sflag:s0] =	ssyncset.done $0x0  }
0x54: {  	[sflag:s0] =	ssyncadd.s32 $0xFFFFC000  }
0x55: {  	[spmem:s2] =	stream.indirect.scatter.add.f32 [tilespmem:s19], [sflag:$0x5], $0x80, s21, s28, $0xb8;
	[tilespmem:$0x16800] =	vst v63  }
0x56: {  	_ =	swait.ge [sflag:s20], $0x4000  }
0x57: {  	[sflag:s20] =	ssyncset.done $0x0  }
0x58: {  	s10 =	simm.s32 $0x180;
	[sflag:s20] =	ssyncadd.s32 $0xFFFFC000  }
0x59: {  	[tilespmem:s19], [sflag:$0x1] =	stream.indirect.gather [hbm4b:s1+s28], $0x80, s10, s28, $0xb8;
	[tilespmem:$0x16800] =	vst v63  }
0x5a: {  	_ =	swait.ge [sflag:s13], $0x4000  }
0x5b: {  	[sflag:s13] =	ssyncset.done $0x0  }
0x5c: {  	[sflag:s13] =	ssyncadd.s32 $0xFFFFC000  }
0x5d: {  	[spmem:s2] =	stream.indirect.scatter.add.f32 [tilespmem:s29], [sflag:$0x5], $0x80, s6, s28, $0xb8;
	[tilespmem:$0x16800] =	vst v63  }
0x5e: {  	_ =	swait.ge [sflag:s20], $0x4000  }
0x5f: {  	[sflag:s20] =	ssyncset.done $0x0  }
0x60: {  	s15 =	simm.s32 $0x200;
	[sflag:s20] =	ssyncadd.s32 $0xFFFFC000  }
0x61: {  	[tilespmem:s29], [sflag:$0x2] =	stream.indirect.gather [hbm4b:s1+s28], $0x80, s15, s28, $0xb8;
	[tilespmem:$0x16800] =	vst v63  }
0x62: {  	_ =	swait.ge [sflag:s11], $0x4000  }
0x63: {  	[sflag:s11] =	ssyncset.done $0x0  }
0x64: {  	[sflag:s11] =	ssyncadd.s32 $0xFFFFC000  }
0x65: {  	[spmem:s2] =	stream.indirect.scatter.add.f32 [tilespmem:s31], [sflag:$0x5], $0x80, s14, s28, $0xb8;
	[tilespmem:$0x16800] =	vst v63  }
0x66: {  	_ =	swait.ge [sflag:s20], $0x4000  }
0x67: {  	[sflag:s20] =	ssyncset.done $0x0  }
0x68: {  	s22 =	simm.s32 $0x280;
	[sflag:s20] =	ssyncadd.s32 $0xFFFFC000  }
0x69: {  	[tilespmem:s31], [sflag:$0x3] =	stream.indirect.gather [hbm4b:s1+s28], $0x80, s22, s28, $0xb8;
	[tilespmem:$0x16800] =	vst v63  }
0x6a: {  	_ =	swait.ge [sflag:s0], $0x4000  }
0x6b: {  	[sflag:s0] =	ssyncset.done $0x0  }
0x6c: {  	[sflag:s0] =	ssyncadd.s32 $0xFFFFC000  }
0x6d: {  	[spmem:s2] =	stream.indirect.scatter.add.f32 [tilespmem:s19], [sflag:$0x5], $0x80, s5, s28, $0xb8;
	[tilespmem:$0x16800] =	vst v63  }
0x6e: {  	_ =	swait.ge [sflag:s20], $0x4000  }
0x6f: {  	[sflag:s20] =	ssyncset.done $0x0  }
0x70: {  	s25 =	simm.s32 $0x300;
	[sflag:s20] =	ssyncadd.s32 $0xFFFFC000  }
0x71: {  	[tilespmem:s19], [sflag:$0x1] =	stream.indirect.gather [hbm4b:s1+s28], $0x80, s25, s28, $0xb8;
	[tilespmem:$0x16800] =	vst v63  }
0x72: {  	_ =	swait.ge [sflag:s13], $0x4000  }
0x73: {  	[sflag:s13] =	ssyncset.done $0x0  }
0x74: {  	[sflag:s13] =	ssyncadd.s32 $0xFFFFC000  }
0x75: {  	[spmem:s2] =	stream.indirect.scatter.add.f32 [tilespmem:s29], [sflag:$0x5], $0x80, s9, s28, $0xb8;
	[tilespmem:$0x16800] =	vst v63  }
0x76: {  	_ =	swait.ge [sflag:s20], $0x4000  }
0x77: {  	[sflag:s20] =	ssyncset.done $0x0  }
0x78: {  	[sflag:s20] =	ssyncadd.s32 $0xFFFFC000  }
0x79: {  	[tilespmem:s29], [sflag:$0x2] =	stream.indirect.gather [hbm4b:s1+s28], $0x80, s24, s28, $0xb8;
	[tilespmem:$0x16800] =	vst v63  }
0x7a: {  	_ =	swait.ge [sflag:s11], $0x4000  }
0x7b: {  	[sflag:s11] =	ssyncset.done $0x0  }
0x7c: {  	[sflag:s11] =	ssyncadd.s32 $0xFFFFC000  }
0x7d: {  	[spmem:s2] =	stream.indirect.scatter.add.f32 [tilespmem:s31], [sflag:$0x5], $0x80, s12, s28, $0xb8;
	[tilespmem:$0x16800] =	vst v63  }
0x7e: {  	_ =	swait.ge [sflag:s20], $0x4000  }
0x7f: {  	[sflag:s20] =	ssyncset.done $0x0  }
0x80: {  	[sflag:s20] =	ssyncadd.s32 $0xFFFFC000  }
0x81: {  	_ =	swait.ge [sflag:s0], $0x4000  }
0x82: {  	[sflag:s0] =	ssyncset.done $0x0  }
0x83: {  	[sflag:s0] =	ssyncadd.s32 $0xFFFFC000  }
0x84: {  	[spmem:s2] =	stream.indirect.scatter.add.f32 [tilespmem:s19], [sflag:$0x5], $0x80, s26, s28, $0xb8;
	[tilespmem:$0x16800] =	vst v63  }
0x85: {  	_ =	swait.ge [sflag:s20], $0x4000  }
0x86: {  	[sflag:s20] =	ssyncset.done $0x0  }
0x87: {  	[sflag:s20] =	ssyncadd.s32 $0xFFFFC000  }
0x88: {  	_ =	swait.ge [sflag:s13], $0x4000  }
0x89: {  	s30 =	simm.s32 $0x300;
	[sflag:s13] =	ssyncset.done $0x0  }
0x8a: {  	s8 =	simm.s32 $0x180;
	s16 =	simm.s32 $0x280;
	[sflag:s13] =	ssyncadd.s32 $0xFFFFC000  }
0x8b: {  	[spmem:s2] =	stream.indirect.scatter.add.f32 [tilespmem:s29], [sflag:$0x5], $0x80, s7, s28, $0xb8;
	[tilespmem:$0x16800] =	vst v63  }
0x8c: {  	s18 =	simm.s32 $0x80;
	s10 =	simm.s32 $0x200;
	_ =	swait.ge [sflag:s20], $0x4000  }
0x8d: {  	s15 =	simm.s32 $0x380;
	s22 =	simm.s32 $0x100;
	[sflag:s20] =	ssyncset.done $0x0  }
.LBB2_2:
0x8e: {  	s25 =	sadd.s32 s18, s4;
	[sflag:s20] =	ssyncadd.s32 $0xFFFFC000  }
0x8f: {  	[tilespmem:s3], [sflag:$0x5] =	stream.linear.gather [hbm4b:s25+s3], $0x400, $0x38;
	[tilespmem:$0x16800] =	vst v63  }
0x90: {  	s25 =	rddreg [dreg:$0x4];
	_ =	swait.ge [sflag:s20], $0x400  }
0x91: {  	s17 =	smov.u32 s22;
	s24 =	sadd.s32 $0x80, s22;
	[sflag:s20] =	ssyncset.done $0x0  }
0x92: {  	p0 =	sne.s32 s22, $0x980;
	s22 =	sadd.s32 s18, s25;
	[sflag:s20] =	ssyncadd.s32 $0xFFFFFC00  }
0x93: {  	[tilespmem:s21], [sflag:$0x5] =	stream.linear.gather [hbm4b:s22+s3], $0x400, $0x38;
	[tilespmem:$0x16800] =	vst v63  }
0x94: {  	_ =	swait.ge [sflag:s20], $0x400  }
0x95: {  	[sflag:s20] =	ssyncset.done $0x0  }
0x96: {  	[sflag:s20] =	ssyncadd.s32 $0xFFFFFC00  }
0x97: {  	[tilespmem:s19], [sflag:$0x1] =	stream.indirect.gather [hbm4b:s1+s28], $0x80, s3, s28, $0xb8;
	[tilespmem:$0x16800] =	vst v63  }
0x98: {  	_ = 	snop  }
0x99: {  	[tilespmem:s29], [sflag:$0x2] =	stream.indirect.gather [hbm4b:s1+s28], $0x80, s28, s28, $0xb8;
	[tilespmem:$0x16800] =	vst v63  }
0x9a: {  	s22 =	simm.s32 $0x100  }
0x9b: {  	[tilespmem:s31], [sflag:$0x3] =	stream.indirect.gather [hbm4b:s1+s28], $0x80, s22, s28, $0xb8;
	[tilespmem:$0x16800] =	vst v63  }
0x9c: {  	_ =	swait.ge [sflag:s0], $0x4000  }
0x9d: {  	[sflag:s0] =	ssyncset.done $0x0  }
0x9e: {  	[sflag:s0] =	ssyncadd.s32 $0xFFFFC000  }
0x9f: {  	[spmem:s2] =	stream.indirect.scatter.add.f32 [tilespmem:s19], [sflag:$0x5], $0x80, s21, s28, $0xb8;
	[tilespmem:$0x16800] =	vst v63  }
0xa0: {  	_ =	swait.ge [sflag:s20], $0x4000  }
0xa1: {  	[sflag:s20] =	ssyncset.done $0x0  }
0xa2: {  	[sflag:s20] =	ssyncadd.s32 $0xFFFFC000  }
0xa3: {  	[tilespmem:s19], [sflag:$0x1] =	stream.indirect.gather [hbm4b:s1+s28], $0x80, s8, s28, $0xb8;
	[tilespmem:$0x16800] =	vst v63  }
0xa4: {  	_ =	swait.ge [sflag:s13], $0x4000  }
0xa5: {  	[sflag:s13] =	ssyncset.done $0x0  }
0xa6: {  	[sflag:s13] =	ssyncadd.s32 $0xFFFFC000  }
0xa7: {  	[spmem:s2] =	stream.indirect.scatter.add.f32 [tilespmem:s29], [sflag:$0x5], $0x80, s6, s28, $0xb8;
	[tilespmem:$0x16800] =	vst v63  }
0xa8: {  	_ =	swait.ge [sflag:s20], $0x4000  }
0xa9: {  	[sflag:s20] =	ssyncset.done $0x0  }
0xaa: {  	[sflag:s20] =	ssyncadd.s32 $0xFFFFC000  }
0xab: {  	[tilespmem:s29], [sflag:$0x2] =	stream.indirect.gather [hbm4b:s1+s28], $0x80, s10, s28, $0xb8;
	[tilespmem:$0x16800] =	vst v63  }
0xac: {  	_ =	swait.ge [sflag:s11], $0x4000  }
0xad: {  	[sflag:s11] =	ssyncset.done $0x0  }
0xae: {  	[sflag:s11] =	ssyncadd.s32 $0xFFFFC000  }
0xaf: {  	[spmem:s2] =	stream.indirect.scatter.add.f32 [tilespmem:s31], [sflag:$0x5], $0x80, s14, s28, $0xb8;
	[tilespmem:$0x16800] =	vst v63  }
0xb0: {  	_ =	swait.ge [sflag:s20], $0x4000  }
0xb1: {  	[sflag:s20] =	ssyncset.done $0x0  }
0xb2: {  	[sflag:s20] =	ssyncadd.s32 $0xFFFFC000  }
0xb3: {  	[tilespmem:s31], [sflag:$0x3] =	stream.indirect.gather [hbm4b:s1+s28], $0x80, s16, s28, $0xb8;
	[tilespmem:$0x16800] =	vst v63  }
0xb4: {  	_ =	swait.ge [sflag:s0], $0x4000  }
0xb5: {  	[sflag:s0] =	ssyncset.done $0x0  }
0xb6: {  	[sflag:s0] =	ssyncadd.s32 $0xFFFFC000  }
0xb7: {  	[spmem:s2] =	stream.indirect.scatter.add.f32 [tilespmem:s19], [sflag:$0x5], $0x80, s5, s28, $0xb8;
	[tilespmem:$0x16800] =	vst v63  }
0xb8: {  	_ =	swait.ge [sflag:s20], $0x4000  }
0xb9: {  	[sflag:s20] =	ssyncset.done $0x0  }
0xba: {  	[sflag:s20] =	ssyncadd.s32 $0xFFFFC000  }
0xbb: {  	[tilespmem:s19], [sflag:$0x1] =	stream.indirect.gather [hbm4b:s1+s28], $0x80, s30, s28, $0xb8;
	[tilespmem:$0x16800] =	vst v63  }
0xbc: {  	_ =	swait.ge [sflag:s13], $0x4000  }
0xbd: {  	[sflag:s13] =	ssyncset.done $0x0  }
0xbe: {  	[sflag:s13] =	ssyncadd.s32 $0xFFFFC000  }
0xbf: {  	[spmem:s2] =	stream.indirect.scatter.add.f32 [tilespmem:s29], [sflag:$0x5], $0x80, s9, s28, $0xb8;
	[tilespmem:$0x16800] =	vst v63  }
0xc0: {  	_ =	swait.ge [sflag:s20], $0x4000  }
0xc1: {  	[sflag:s20] =	ssyncset.done $0x0  }
0xc2: {  	[sflag:s20] =	ssyncadd.s32 $0xFFFFC000  }
0xc3: {  	[tilespmem:s29], [sflag:$0x2] =	stream.indirect.gather [hbm4b:s1+s28], $0x80, s15, s28, $0xb8;
	[tilespmem:$0x16800] =	vst v63  }
0xc4: {  	_ =	swait.ge [sflag:s11], $0x4000  }
0xc5: {  	[sflag:s11] =	ssyncset.done $0x0  }
0xc6: {  	[sflag:s11] =	ssyncadd.s32 $0xFFFFC000  }
0xc7: {  	[spmem:s2] =	stream.indirect.scatter.add.f32 [tilespmem:s31], [sflag:$0x5], $0x80, s12, s28, $0xb8;
	[tilespmem:$0x16800] =	vst v63  }
0xc8: {  	_ =	swait.ge [sflag:s20], $0x4000  }
0xc9: {  	[sflag:s20] =	ssyncset.done $0x0  }
0xca: {  	[sflag:s20] =	ssyncadd.s32 $0xFFFFC000  }
0xcb: {  	_ =	swait.ge [sflag:s0], $0x4000  }
0xcc: {  	[sflag:s0] =	ssyncset.done $0x0  }
0xcd: {  	[sflag:s0] =	ssyncadd.s32 $0xFFFFC000  }
0xce: {  	[spmem:s2] =	stream.indirect.scatter.add.f32 [tilespmem:s19], [sflag:$0x5], $0x80, s26, s28, $0xb8;
	[tilespmem:$0x16800] =	vst v63  }
0xcf: {  	_ =	swait.ge [sflag:s20], $0x4000  }
0xd0: {  	[sflag:s20] =	ssyncset.done $0x0  }
0xd1: {  	[sflag:s20] =	ssyncadd.s32 $0xFFFFC000  }
0xd2: {  	_ =	swait.ge [sflag:s13], $0x4000  }
.Ltmp0:
0xd3: {  	[sflag:s13] =	ssyncset.done $0x0;
	(pc) =	sbr.rel @p0 .LBB2_2-.Ltmp0, $4  }
0xd4: {  	[sflag:s13] =	ssyncadd.s32 $0xFFFFC000  }
0xd5: {  	[spmem:s2] =	stream.indirect.scatter.add.f32 [tilespmem:s29], [sflag:$0x5], $0x80, s7, s28, $0xb8;
	[tilespmem:$0x16800] =	vst v63  }
0xd6: {  	_ =	swait.ge [sflag:s20], $0x4000  }
0xd7: {  	s18 =	smov.u32 s17;
	s22 =	smov.u32 s24;
	[sflag:s20] =	ssyncset.done $0x0  }
0xd8: {  	s17 =	sadd.s32 s18, s4;
	[sflag:s20] =	ssyncadd.s32 $0xFFFFC000  }
0xd9: {  	[tilespmem:s3], [sflag:$0x5] =	stream.linear.gather [hbm4b:s17+s3], $0x400, $0x38;
	[tilespmem:$0x16800] =	vst v63  }
0xda: {  	_ =	swait.ge [sflag:s20], $0x400  }
0xdb: {  	[sflag:s20] =	ssyncset.done $0x0  }
0xdc: {  	s18 =	sadd.s32 s18, s25;
	[sflag:s20] =	ssyncadd.s32 $0xFFFFFC00  }
0xdd: {  	[tilespmem:s21], [sflag:$0x5] =	stream.linear.gather [hbm4b:s18+s3], $0x400, $0x38;
	[tilespmem:$0x16800] =	vst v63  }
0xde: {  	_ =	swait.ge [sflag:s20], $0x400  }
0xdf: {  	[sflag:s20] =	ssyncset.done $0x0  }
0xe0: {  	[sflag:s20] =	ssyncadd.s32 $0xFFFFFC00  }
0xe1: {  	[tilespmem:s19], [sflag:$0x1] =	stream.indirect.gather [hbm4b:s1+s28], $0x80, s3, s28, $0xb8;
	[tilespmem:$0x16800] =	vst v63  }
0xe2: {  	_ = 	snop  }
0xe3: {  	[tilespmem:s29], [sflag:$0x2] =	stream.indirect.gather [hbm4b:s1+s28], $0x80, s28, s28, $0xb8;
	[tilespmem:$0x16800] =	vst v63  }
0xe4: {  	s9 =	simm.s32 $0x100  }
0xe5: {  	[tilespmem:s31], [sflag:$0x3] =	stream.indirect.gather [hbm4b:s1+s28], $0x80, s9, s28, $0xb8;
	[tilespmem:$0x16800] =	vst v63  }
0xe6: {  	_ =	swait.ge [sflag:s0], $0x4000  }
0xe7: {  	[sflag:s0] =	ssyncset.done $0x0  }
0xe8: {  	[sflag:s0] =	ssyncadd.s32 $0xFFFFC000  }
0xe9: {  	[spmem:s2] =	stream.indirect.scatter.add.f32 [tilespmem:s19], [sflag:$0x5], $0x80, s21, s28, $0xb8;
	[tilespmem:$0x16800] =	vst v63  }
0xea: {  	_ =	swait.ge [sflag:s20], $0x4000  }
0xeb: {  	[sflag:s20] =	ssyncset.done $0x0  }
0xec: {  	s5 =	simm.s32 $0x180;
	[sflag:s20] =	ssyncadd.s32 $0xFFFFC000  }
0xed: {  	[tilespmem:s19], [sflag:$0x1] =	stream.indirect.gather [hbm4b:s1+s28], $0x80, s5, s28, $0xb8;
	[tilespmem:$0x16800] =	vst v63  }
0xee: {  	_ =	swait.ge [sflag:s13], $0x4000  }
0xef: {  	[sflag:s13] =	ssyncset.done $0x0  }
0xf0: {  	s6 =	simm.s32 $0x480;
	[sflag:s13] =	ssyncadd.s32 $0xFFFFC000  }
0xf1: {  	[spmem:s2] =	stream.indirect.scatter.add.f32 [tilespmem:s29], [sflag:$0x5], $0x80, s6, s28, $0xb8;
	[tilespmem:$0x16800] =	vst v63  }
0xf2: {  	_ =	swait.ge [sflag:s20], $0x4000  }
0xf3: {  	[sflag:s20] =	ssyncset.done $0x0  }
0xf4: {  	s7 =	simm.s32 $0x200;
	[sflag:s20] =	ssyncadd.s32 $0xFFFFC000  }
0xf5: {  	[tilespmem:s29], [sflag:$0x2] =	stream.indirect.gather [hbm4b:s1+s28], $0x80, s7, s28, $0xb8;
	[tilespmem:$0x16800] =	vst v63  }
0xf6: {  	_ =	swait.ge [sflag:s11], $0x4000  }
0xf7: {  	[sflag:s11] =	ssyncset.done $0x0  }
0xf8: {  	s15 =	simm.s32 $0x500;
	[sflag:s11] =	ssyncadd.s32 $0xFFFFC000  }
0xf9: {  	[spmem:s2] =	stream.indirect.scatter.add.f32 [tilespmem:s31], [sflag:$0x5], $0x80, s15, s28, $0xb8;
	[tilespmem:$0x16800] =	vst v63  }
0xfa: {  	_ =	swait.ge [sflag:s20], $0x4000  }
0xfb: {  	[sflag:s20] =	ssyncset.done $0x0  }
0xfc: {  	s8 =	simm.s32 $0x280;
	[sflag:s20] =	ssyncadd.s32 $0xFFFFC000  }
0xfd: {  	[tilespmem:s31], [sflag:$0x3] =	stream.indirect.gather [hbm4b:s1+s28], $0x80, s8, s28, $0xb8;
	[tilespmem:$0x16800] =	vst v63  }
0xfe: {  	_ =	swait.ge [sflag:s0], $0x4000  }
0xff: {  	[sflag:s0] =	ssyncset.done $0x0  }
0x100: {  	s25 =	simm.s32 $0x580;
	[sflag:s0] =	ssyncadd.s32 $0xFFFFC000  }
0x101: {  	[spmem:s2] =	stream.indirect.scatter.add.f32 [tilespmem:s19], [sflag:$0x5], $0x80, s25, s28, $0xb8;
	[tilespmem:$0x16800] =	vst v63  }
0x102: {  	_ =	swait.ge [sflag:s20], $0x4000  }
0x103: {  	[sflag:s20] =	ssyncset.done $0x0  }
0x104: {  	s10 =	simm.s32 $0x300;
	[sflag:s20] =	ssyncadd.s32 $0xFFFFC000  }
0x105: {  	[tilespmem:s19], [sflag:$0x1] =	stream.indirect.gather [hbm4b:s1+s28], $0x80, s10, s28, $0xb8;
	[tilespmem:$0x16800] =	vst v63  }
0x106: {  	_ =	swait.ge [sflag:s13], $0x4000  }
0x107: {  	[sflag:s13] =	ssyncset.done $0x0  }
0x108: {  	s14 =	simm.s32 $0x600;
	[sflag:s13] =	ssyncadd.s32 $0xFFFFC000  }
0x109: {  	[spmem:s2] =	stream.indirect.scatter.add.f32 [tilespmem:s29], [sflag:$0x5], $0x80, s14, s28, $0xb8;
	[tilespmem:$0x16800] =	vst v63  }
0x10a: {  	_ =	swait.ge [sflag:s20], $0x4000  }
0x10b: {  	[sflag:s20] =	ssyncset.done $0x0  }
0x10c: {  	s24 =	simm.s32 $0x380;
	[sflag:s20] =	ssyncadd.s32 $0xFFFFC000  }
0x10d: {  	[tilespmem:s29], [sflag:$0x2] =	stream.indirect.gather [hbm4b:s1+s28], $0x80, s24, s28, $0xb8;
	[tilespmem:$0x16800] =	vst v63  }
0x10e: {  	_ =	swait.ge [sflag:s11], $0x4000  }
0x10f: {  	[sflag:s11] =	ssyncset.done $0x0  }
0x110: {  	s16 =	simm.s32 $0x680;
	[sflag:s11] =	ssyncadd.s32 $0xFFFFC000  }
0x111: {  	[spmem:s2] =	stream.indirect.scatter.add.f32 [tilespmem:s31], [sflag:$0x5], $0x80, s16, s28, $0xb8;
	[tilespmem:$0x16800] =	vst v63  }
0x112: {  	_ =	swait.ge [sflag:s20], $0x4000  }
0x113: {  	[sflag:s20] =	ssyncset.done $0x0  }
0x114: {  	[sflag:s20] =	ssyncadd.s32 $0xFFFFC000  }
0x115: {  	_ =	swait.ge [sflag:s0], $0x4000  }
0x116: {  	[sflag:s0] =	ssyncset.done $0x0  }
0x117: {  	s12 =	simm.s32 $0x700;
	[sflag:s0] =	ssyncadd.s32 $0xFFFFC000  }
0x118: {  	[spmem:s2] =	stream.indirect.scatter.add.f32 [tilespmem:s19], [sflag:$0x5], $0x80, s12, s28, $0xb8;
	[tilespmem:$0x16800] =	vst v63  }
0x119: {  	_ =	swait.ge [sflag:s20], $0x4000  }
0x11a: {  	[sflag:s20] =	ssyncset.done $0x0  }
0x11b: {  	[sflag:s20] =	ssyncadd.s32 $0xFFFFC000  }
0x11c: {  	_ =	swait.ge [sflag:s13], $0x4000  }
0x11d: {  	[sflag:s13] =	ssyncset.done $0x0  }
0x11e: {  	s22 =	simm.s32 $0x780;
	[sflag:s13] =	ssyncadd.s32 $0xFFFFC000  }
0x11f: {  	[spmem:s2] =	stream.indirect.scatter.add.f32 [tilespmem:s29], [sflag:$0x5], $0x80, s22, s28, $0xb8;
	[tilespmem:$0x16800] =	vst v63  }
0x120: {  	_ =	swait.ge [sflag:s20], $0x4000  }
0x121: {  	[sflag:s20] =	ssyncset.done $0x0  }
0x122: {  	[sflag:s20] =	ssyncadd.s32 $0xFFFFC000  }
0x123: {  	[bflag:$0x0] =	sbarrier.arrive $0xFFFF  }
0x124: {  	s22 =	rddreg [dreg:$0x8]  }
0x125: {  	[tilespmem:s19], [sflag:$0x5] =	stream.linear.gather [spmem:s22], $0x4000, $0x38;
	[tilespmem:$0x16800] =	vst v63  }
0x126: {  	_ =	swait.ge [sflag:s20], $0x4000  }
0x127: {  	[sflag:s20] =	ssyncset.done $0x0  }
0x128: {  	s17 =	simm.s32 $0x0;
	s26 =	rddreg [dreg:$0xc];
	[sflag:s20] =	ssyncadd.s32 $0xFFFFC000  }
0x129: {  	[hbm4b:s26+s17] =	stream.linear.scatter [tilespmem:s19], [sflag:$0x5], $0x4000, $0x38;
	[tilespmem:$0x16800] =	vst v63  }
0x12a: {  	_ =	swait.ge [sflag:s20], $0x4000  }
0x12b: {  	[sflag:s20] =	ssyncset.done $0x0  }
0x12c: {  	s12 =	rddreg [dreg:$0xd];
	[sflag:s20] =	ssyncadd.s32 $0xFFFFC000  }
0x12d: {  	[tilespmem:s19], [sflag:$0x5] =	stream.linear.gather [spmem:s12], $0x4000, $0x38;
	[tilespmem:$0x16800] =	vst v63  }
0x12e: {  	_ =	swait.ge [sflag:s20], $0x4000  }
0x12f: {  	[sflag:s20] =	ssyncset.done $0x0  }
0x130: {  	s26 =	rddreg [dreg:$0xe];
	[sflag:s20] =	ssyncadd.s32 $0xFFFFC000  }
0x131: {  	[hbm4b:s26+s17] =	stream.linear.scatter [tilespmem:s19], [sflag:$0x5], $0x4000, $0x38;
	[tilespmem:$0x16800] =	vst v63  }
0x132: {  	_ =	swait.ge [sflag:s20], $0x4000  }
0x133: {  	[sflag:s20] =	ssyncset.done $0x0  }
0x134: {  	s12 =	rddreg [dreg:$0x1a];
	[sflag:s20] =	ssyncadd.s32 $0xFFFFC000  }
0x135: {  	[tilespmem:s19], [sflag:$0x5] =	stream.linear.gather [spmem:s12], $0x2000, $0x38;
	[tilespmem:$0x16800] =	vst v63  }
0x136: {  	_ =	swait.ge [sflag:s20], $0x2000  }
0x137: {  	[sflag:s20] =	ssyncset.done $0x0  }
0x138: {  	s26 =	rddreg [dreg:$0x1b];
	[sflag:s20] =	ssyncadd.s32 $0xFFFFE000  }
0x139: {  	[hbm4b:s26+s17] =	stream.linear.scatter [tilespmem:s19], [sflag:$0x5], $0x2000, $0x38;
	[tilespmem:$0x16800] =	vst v63  }
0x13a: {  	_ =	swait.ge [sflag:s20], $0x2000  }
0x13b: {  	[sflag:s20] =	ssyncset.done $0x0  }
0x13c: {  	[sflag:s20] =	ssyncadd.s32 $0xFFFFE000  }
0x13d: {  	[bflag:$0x0] =	sbarrier.arrive $0xFFFF  }
0x13e: {  	s12 =	rddreg [dreg:$0x6]  }
0x13f: {  	[tilespmem:s19], [sflag:$0x5] =	stream.linear.gather [hbm4b:s12+s17], $0x2800, $0x38;
	[tilespmem:$0x16800] =	vst v63  }
0x140: {  	_ =	swait.ge [sflag:s20], $0x2800  }
0x141: {  	[sflag:s20] =	ssyncset.done $0x0  }
0x142: {  	[sflag:s20] =	ssyncadd.s32 $0xFFFFD800  }
0x143: {  	[spmem:s22] =	stream.linear.scatter [tilespmem:s19], [sflag:$0x5], $0x2800, $0x38;
	[tilespmem:$0x16800] =	vst v63  }
0x144: {  	_ =	swait.ge [sflag:s20], $0x2800  }
0x145: {  	[sflag:s20] =	ssyncset.done $0x0  }
0x146: {  	s22 =	rddreg [dreg:$0x9];
	[sflag:s20] =	ssyncadd.s32 $0xFFFFD800  }
0x147: {  	[spmem:s22] =	stream.linear.scatter [tilespmem:s19], [sflag:$0x5], $0x2800, $0x38;
	[tilespmem:$0x16800] =	vst v63  }
0x148: {  	_ =	swait.ge [sflag:s20], $0x2800  }
0x149: {  	[sflag:s20] =	ssyncset.done $0x0  }
0x14a: {  	s26 =	rddreg [dreg:$0xa];
	[sflag:s20] =	ssyncadd.s32 $0xFFFFD800  }
0x14b: {  	[spmem:s26] =	stream.linear.scatter [tilespmem:s19], [sflag:$0x5], $0x2800, $0x38;
	[tilespmem:$0x16800] =	vst v63  }
0x14c: {  	_ =	swait.ge [sflag:s20], $0x2800  }
0x14d: {  	[sflag:s20] =	ssyncset.done $0x0  }
0x14e: {  	s12 =	rddreg [dreg:$0xb];
	[sflag:s20] =	ssyncadd.s32 $0xFFFFD800  }
0x14f: {  	[spmem:s12] =	stream.linear.scatter [tilespmem:s19], [sflag:$0x5], $0x2800, $0x38;
	[tilespmem:$0x16800] =	vst v63  }
0x150: {  	_ =	swait.ge [sflag:s20], $0x2800  }
0x151: {  	[sflag:s20] =	ssyncset.done $0x0  }
0x152: {  	[sflag:s20] =	ssyncadd.s32 $0xFFFFD800  }
0x153: {  	s18 =	sadd.s32 $0x0, s4;
	[bflag:$0x0] =	sbarrier.arrive $0xFFFF  }
0x154: {  	[tilespmem:s3], [sflag:$0x5] =	stream.linear.gather [hbm4b:s18+s3], $0x400, $0x38;
	[tilespmem:$0x16800] =	vst v63  }
0x155: {  	_ =	swait.ge [sflag:s20], $0x400  }
0x156: {  	s30 =	sld [smem:$0x7FD];
	_ =	sdelay $0x1  }
0x157: {  	[sflag:s20] =	ssyncset.done $0x0  }
0x158: {  	[sflag:s20] =	ssyncadd.s32 $0xFFFFFC00;
	s22 =	sadd.s32 $0x0, s30  }
0x159: {  	[tilespmem:s21], [sflag:$0x5] =	stream.linear.gather [hbm4b:s22+s3], $0x400, $0x38;
	[tilespmem:$0x16800] =	vst v63  }
0x15a: {  	_ =	swait.ge [sflag:s20], $0x400  }
0x15b: {  	[sflag:s20] =	ssyncset.done $0x0  }
0x15c: {  	[sflag:s20] =	ssyncadd.s32 $0xFFFFFC00  }
0x15d: {  	[tilespmem:s19], [sflag:$0x1] =	stream.indirect.gather [hbm4b:s1+s28], $0x80, s3, s28, $0xb8;
	[tilespmem:$0x16800] =	vst v63  }
0x15e: {  	_ = 	snop  }
0x15f: {  	[tilespmem:s29], [sflag:$0x2] =	stream.indirect.gather [hbm4b:s1+s28], $0x80, s28, s28, $0xb8;
	[tilespmem:$0x16800] =	vst v63  }
0x160: {  	_ = 	snop  }
0x161: {  	[tilespmem:s31], [sflag:$0x3] =	stream.indirect.gather [hbm4b:s1+s28], $0x80, s9, s28, $0xb8;
	[tilespmem:$0x16800] =	vst v63  }
0x162: {  	_ =	swait.ge [sflag:s0], $0x4000  }
0x163: {  	[sflag:s0] =	ssyncset.done $0x0  }
0x164: {  	[sflag:s0] =	ssyncadd.s32 $0xFFFFC000  }
0x165: {  	[spmem:s2] =	stream.indirect.scatter.add.f32 [tilespmem:s19], [sflag:$0x5], $0x80, s21, s28, $0xb8;
	[tilespmem:$0x16800] =	vst v63  }
0x166: {  	_ =	swait.ge [sflag:s20], $0x4000  }
0x167: {  	[sflag:s20] =	ssyncset.done $0x0  }
0x168: {  	[sflag:s20] =	ssyncadd.s32 $0xFFFFC000  }
0x169: {  	[tilespmem:s19], [sflag:$0x1] =	stream.indirect.gather [hbm4b:s1+s28], $0x80, s5, s28, $0xb8;
	[tilespmem:$0x16800] =	vst v63  }
0x16a: {  	_ =	swait.ge [sflag:s13], $0x4000  }
0x16b: {  	[sflag:s13] =	ssyncset.done $0x0  }
0x16c: {  	[sflag:s13] =	ssyncadd.s32 $0xFFFFC000  }
0x16d: {  	[spmem:s2] =	stream.indirect.scatter.add.f32 [tilespmem:s29], [sflag:$0x5], $0x80, s6, s28, $0xb8;
	[tilespmem:$0x16800] =	vst v63  }
0x16e: {  	_ =	swait.ge [sflag:s20], $0x4000  }
0x16f: {  	[sflag:s20] =	ssyncset.done $0x0  }
0x170: {  	[sflag:s20] =	ssyncadd.s32 $0xFFFFC000  }
0x171: {  	[tilespmem:s29], [sflag:$0x2] =	stream.indirect.gather [hbm4b:s1+s28], $0x80, s7, s28, $0xb8;
	[tilespmem:$0x16800] =	vst v63  }
0x172: {  	_ =	swait.ge [sflag:s11], $0x4000  }
0x173: {  	[sflag:s11] =	ssyncset.done $0x0  }
0x174: {  	[sflag:s11] =	ssyncadd.s32 $0xFFFFC000  }
0x175: {  	[spmem:s2] =	stream.indirect.scatter.add.f32 [tilespmem:s31], [sflag:$0x5], $0x80, s15, s28, $0xb8;
	[tilespmem:$0x16800] =	vst v63  }
0x176: {  	_ =	swait.ge [sflag:s20], $0x4000  }
0x177: {  	[sflag:s20] =	ssyncset.done $0x0  }
0x178: {  	[sflag:s20] =	ssyncadd.s32 $0xFFFFC000  }
0x179: {  	[tilespmem:s31], [sflag:$0x3] =	stream.indirect.gather [hbm4b:s1+s28], $0x80, s8, s28, $0xb8;
	[tilespmem:$0x16800] =	vst v63  }
0x17a: {  	_ =	swait.ge [sflag:s0], $0x4000  }
0x17b: {  	[sflag:s0] =	ssyncset.done $0x0  }
0x17c: {  	[sflag:s0] =	ssyncadd.s32 $0xFFFFC000  }
0x17d: {  	[spmem:s2] =	stream.indirect.scatter.add.f32 [tilespmem:s19], [sflag:$0x5], $0x80, s25, s28, $0xb8;
	[tilespmem:$0x16800] =	vst v63  }
0x17e: {  	_ =	swait.ge [sflag:s20], $0x4000  }
0x17f: {  	[sflag:s20] =	ssyncset.done $0x0  }
0x180: {  	[sflag:s20] =	ssyncadd.s32 $0xFFFFC000  }
0x181: {  	[tilespmem:s19], [sflag:$0x1] =	stream.indirect.gather [hbm4b:s1+s28], $0x80, s10, s28, $0xb8;
	[tilespmem:$0x16800] =	vst v63  }
0x182: {  	_ =	swait.ge [sflag:s13], $0x4000  }
0x183: {  	[sflag:s13] =	ssyncset.done $0x0  }
0x184: {  	[sflag:s13] =	ssyncadd.s32 $0xFFFFC000  }
0x185: {  	[spmem:s2] =	stream.indirect.scatter.add.f32 [tilespmem:s29], [sflag:$0x5], $0x80, s14, s28, $0xb8;
	[tilespmem:$0x16800] =	vst v63  }
0x186: {  	_ =	swait.ge [sflag:s20], $0x4000  }
0x187: {  	[sflag:s20] =	ssyncset.done $0x0  }
0x188: {  	[sflag:s20] =	ssyncadd.s32 $0xFFFFC000  }
0x189: {  	[tilespmem:s29], [sflag:$0x2] =	stream.indirect.gather [hbm4b:s1+s28], $0x80, s24, s28, $0xb8;
	[tilespmem:$0x16800] =	vst v63  }
0x18a: {  	_ =	swait.ge [sflag:s11], $0x4000  }
0x18b: {  	[sflag:s11] =	ssyncset.done $0x0  }
0x18c: {  	[sflag:s11] =	ssyncadd.s32 $0xFFFFC000  }
0x18d: {  	[spmem:s2] =	stream.indirect.scatter.add.f32 [tilespmem:s31], [sflag:$0x5], $0x80, s16, s28, $0xb8;
	[tilespmem:$0x16800] =	vst v63  }
0x18e: {  	_ =	swait.ge [sflag:s20], $0x4000  }
0x18f: {  	[sflag:s20] =	ssyncset.done $0x0  }
0x190: {  	[sflag:s20] =	ssyncadd.s32 $0xFFFFC000  }
0x191: {  	_ =	swait.ge [sflag:s0], $0x4000  }
0x192: {  	[sflag:s0] =	ssyncset.done $0x0  }
0x193: {  	s24 =	simm.s32 $0x700;
	[sflag:s0] =	ssyncadd.s32 $0xFFFFC000  }
0x194: {  	[spmem:s2] =	stream.indirect.scatter.add.f32 [tilespmem:s19], [sflag:$0x5], $0x80, s24, s28, $0xb8;
	[tilespmem:$0x16800] =	vst v63  }
0x195: {  	_ =	swait.ge [sflag:s20], $0x4000  }
0x196: {  	[sflag:s20] =	ssyncset.done $0x0  }
0x197: {  	[sflag:s20] =	ssyncadd.s32 $0xFFFFC000  }
0x198: {  	s26 =	simm.s32 $0x680;
	s12 =	simm.s32 $0x600;
	_ =	swait.ge [sflag:s13], $0x4000  }
0x199: {  	s18 =	simm.s32 $0x80;
	s9 =	simm.s32 $0x580;
	[sflag:s13] =	ssyncset.done $0x0  }
0x19a: {  	s5 =	simm.s32 $0x500;
	s25 =	simm.s32 $0x780;
	[sflag:s13] =	ssyncadd.s32 $0xFFFFC000  }
0x19b: {  	[spmem:s2] =	stream.indirect.scatter.add.f32 [tilespmem:s29], [sflag:$0x5], $0x80, s25, s28, $0xb8;
	[tilespmem:$0x16800] =	vst v63  }
0x19c: {  	s7 =	simm.s32 $0x700;
	s15 =	simm.s32 $0x380;
	_ =	swait.ge [sflag:s20], $0x4000  }
0x19d: {  	s14 =	simm.s32 $0x780;
	s24 =	simm.s32 $0x100;
	[sflag:s20] =	ssyncset.done $0x0  }
.LBB2_4:
0x19e: {  	s17 =	sadd.s32 s18, s4;
	[sflag:s20] =	ssyncadd.s32 $0xFFFFC000;
	s25 =	smov.u32 s24  }
0x19f: {  	s22 =	sadd.s32 $0x80, s24;
	p0 =	sne.s32 s24, $0x980;
	s10 =	simm.s32 $0x280  }
0x1a0: {  	[tilespmem:s3], [sflag:$0x5] =	stream.linear.gather [hbm4b:s17+s3], $0x400, $0x38;
	[tilespmem:$0x16800] =	vst v63  }
0x1a1: {  	s8 =	simm.s32 $0x200;
	s6 =	simm.s32 $0x180;
	_ =	swait.ge [sflag:s20], $0x400  }
0x1a2: {  	s16 =	simm.s32 $0x100;
	s17 =	sadd.s32 s18, s30;
	[sflag:s20] =	ssyncset.done $0x0  }
0x1a3: {  	s18 =	smov.u32 s25;
	s25 =	simm.s32 $0x300;
	[sflag:s20] =	ssyncadd.s32 $0xFFFFFC00  }
0x1a4: {  	[tilespmem:s21], [sflag:$0x5] =	stream.linear.gather [hbm4b:s17+s3], $0x400, $0x38;
	[tilespmem:$0x16800] =	vst v63  }
0x1a5: {  	_ =	swait.ge [sflag:s20], $0x400  }
0x1a6: {  	[sflag:s20] =	ssyncset.done $0x0  }
0x1a7: {  	[sflag:s20] =	ssyncadd.s32 $0xFFFFFC00  }
0x1a8: {  	[tilespmem:s19], [sflag:$0x1] =	stream.indirect.gather [hbm4b:s1+s28], $0x80, s3, s28, $0xb8;
	[tilespmem:$0x16800] =	vst v63  }
0x1a9: {  	_ = 	snop  }
0x1aa: {  	[tilespmem:s29], [sflag:$0x2] =	stream.indirect.gather [hbm4b:s1+s28], $0x80, s28, s28, $0xb8;
	[tilespmem:$0x16800] =	vst v63  }
0x1ab: {  	_ = 	snop  }
0x1ac: {  	[tilespmem:s31], [sflag:$0x3] =	stream.indirect.gather [hbm4b:s1+s28], $0x80, s16, s28, $0xb8;
	[tilespmem:$0x16800] =	vst v63  }
0x1ad: {  	_ =	swait.ge [sflag:s0], $0x4000  }
0x1ae: {  	[sflag:s0] =	ssyncset.done $0x0  }
0x1af: {  	[sflag:s0] =	ssyncadd.s32 $0xFFFFC000  }
0x1b0: {  	[spmem:s2] =	stream.indirect.scatter.add.f32 [tilespmem:s19], [sflag:$0x5], $0x80, s21, s28, $0xb8;
	[tilespmem:$0x16800] =	vst v63  }
0x1b1: {  	_ =	swait.ge [sflag:s20], $0x4000  }
0x1b2: {  	[sflag:s20] =	ssyncset.done $0x0  }
0x1b3: {  	[sflag:s20] =	ssyncadd.s32 $0xFFFFC000  }
0x1b4: {  	[tilespmem:s19], [sflag:$0x1] =	stream.indirect.gather [hbm4b:s1+s28], $0x80, s6, s28, $0xb8;
	[tilespmem:$0x16800] =	vst v63  }
0x1b5: {  	_ =	swait.ge [sflag:s13], $0x4000  }
0x1b6: {  	[sflag:s13] =	ssyncset.done $0x0  }
0x1b7: {  	s17 =	simm.s32 $0x480;
	[sflag:s13] =	ssyncadd.s32 $0xFFFFC000  }
0x1b8: {  	[spmem:s2] =	stream.indirect.scatter.add.f32 [tilespmem:s29], [sflag:$0x5], $0x80, s17, s28, $0xb8;
	[tilespmem:$0x16800] =	vst v63  }
0x1b9: {  	_ =	swait.ge [sflag:s20], $0x4000  }
0x1ba: {  	[sflag:s20] =	ssyncset.done $0x0  }
0x1bb: {  	[sflag:s20] =	ssyncadd.s32 $0xFFFFC000  }
0x1bc: {  	[tilespmem:s29], [sflag:$0x2] =	stream.indirect.gather [hbm4b:s1+s28], $0x80, s8, s28, $0xb8;
	[tilespmem:$0x16800] =	vst v63  }
0x1bd: {  	_ =	swait.ge [sflag:s11], $0x4000  }
0x1be: {  	[sflag:s11] =	ssyncset.done $0x0  }
0x1bf: {  	[sflag:s11] =	ssyncadd.s32 $0xFFFFC000  }
0x1c0: {  	[spmem:s2] =	stream.indirect.scatter.add.f32 [tilespmem:s31], [sflag:$0x5], $0x80, s5, s28, $0xb8;
	[tilespmem:$0x16800] =	vst v63  }
0x1c1: {  	_ =	swait.ge [sflag:s20], $0x4000  }
0x1c2: {  	[sflag:s20] =	ssyncset.done $0x0  }
0x1c3: {  	[sflag:s20] =	ssyncadd.s32 $0xFFFFC000  }
0x1c4: {  	[tilespmem:s31], [sflag:$0x3] =	stream.indirect.gather [hbm4b:s1+s28], $0x80, s10, s28, $0xb8;
	[tilespmem:$0x16800] =	vst v63  }
0x1c5: {  	_ =	swait.ge [sflag:s0], $0x4000  }
0x1c6: {  	[sflag:s0] =	ssyncset.done $0x0  }
0x1c7: {  	[sflag:s0] =	ssyncadd.s32 $0xFFFFC000  }
0x1c8: {  	[spmem:s2] =	stream.indirect.scatter.add.f32 [tilespmem:s19], [sflag:$0x5], $0x80, s9, s28, $0xb8;
	[tilespmem:$0x16800] =	vst v63  }
0x1c9: {  	_ =	swait.ge [sflag:s20], $0x4000  }
0x1ca: {  	[sflag:s20] =	ssyncset.done $0x0  }
0x1cb: {  	[sflag:s20] =	ssyncadd.s32 $0xFFFFC000  }
0x1cc: {  	[tilespmem:s19], [sflag:$0x1] =	stream.indirect.gather [hbm4b:s1+s28], $0x80, s25, s28, $0xb8;
	[tilespmem:$0x16800] =	vst v63  }
0x1cd: {  	_ =	swait.ge [sflag:s13], $0x4000  }
0x1ce: {  	[sflag:s13] =	ssyncset.done $0x0  }
0x1cf: {  	[sflag:s13] =	ssyncadd.s32 $0xFFFFC000  }
0x1d0: {  	[spmem:s2] =	stream.indirect.scatter.add.f32 [tilespmem:s29], [sflag:$0x5], $0x80, s12, s28, $0xb8;
	[tilespmem:$0x16800] =	vst v63  }
0x1d1: {  	_ =	swait.ge [sflag:s20], $0x4000  }
0x1d2: {  	[sflag:s20] =	ssyncset.done $0x0  }
0x1d3: {  	[sflag:s20] =	ssyncadd.s32 $0xFFFFC000  }
0x1d4: {  	[tilespmem:s29], [sflag:$0x2] =	stream.indirect.gather [hbm4b:s1+s28], $0x80, s15, s28, $0xb8;
	[tilespmem:$0x16800] =	vst v63  }
0x1d5: {  	_ =	swait.ge [sflag:s11], $0x4000  }
0x1d6: {  	[sflag:s11] =	ssyncset.done $0x0  }
0x1d7: {  	[sflag:s11] =	ssyncadd.s32 $0xFFFFC000  }
0x1d8: {  	[spmem:s2] =	stream.indirect.scatter.add.f32 [tilespmem:s31], [sflag:$0x5], $0x80, s26, s28, $0xb8;
	[tilespmem:$0x16800] =	vst v63  }
0x1d9: {  	_ =	swait.ge [sflag:s20], $0x4000  }
0x1da: {  	[sflag:s20] =	ssyncset.done $0x0  }
0x1db: {  	[sflag:s20] =	ssyncadd.s32 $0xFFFFC000  }
0x1dc: {  	_ =	swait.ge [sflag:s0], $0x4000  }
0x1dd: {  	[sflag:s0] =	ssyncset.done $0x0  }
0x1de: {  	[sflag:s0] =	ssyncadd.s32 $0xFFFFC000  }
0x1df: {  	[spmem:s2] =	stream.indirect.scatter.add.f32 [tilespmem:s19], [sflag:$0x5], $0x80, s7, s28, $0xb8;
	[tilespmem:$0x16800] =	vst v63  }
0x1e0: {  	_ =	swait.ge [sflag:s20], $0x4000  }
0x1e1: {  	[sflag:s20] =	ssyncset.done $0x0  }
0x1e2: {  	[sflag:s20] =	ssyncadd.s32 $0xFFFFC000  }
0x1e3: {  	_ =	swait.ge [sflag:s13], $0x4000  }
.Ltmp1:
0x1e4: {  	[sflag:s13] =	ssyncset.done $0x0;
	(pc) =	sbr.rel @p0 .LBB2_4-.Ltmp1, $4  }
0x1e5: {  	[sflag:s13] =	ssyncadd.s32 $0xFFFFC000  }
0x1e6: {  	[spmem:s2] =	stream.indirect.scatter.add.f32 [tilespmem:s29], [sflag:$0x5], $0x80, s14, s28, $0xb8;
	[tilespmem:$0x16800] =	vst v63  }
0x1e7: {  	_ =	swait.ge [sflag:s20], $0x4000  }
0x1e8: {  	s24 =	smov.u32 s22;
	[sflag:s20] =	ssyncset.done $0x0  }
0x1e9: {  	s17 =	sadd.s32 s18, s4;
	[sflag:s20] =	ssyncadd.s32 $0xFFFFC000  }
0x1ea: {  	[tilespmem:s3], [sflag:$0x5] =	stream.linear.gather [hbm4b:s17+s3], $0x400, $0x38;
	[tilespmem:$0x16800] =	vst v63  }
0x1eb: {  	_ =	swait.ge [sflag:s20], $0x400  }
0x1ec: {  	[sflag:s20] =	ssyncset.done $0x0  }
0x1ed: {  	s15 =	sadd.s32 s18, s30;
	[sflag:s20] =	ssyncadd.s32 $0xFFFFFC00  }
0x1ee: {  	[tilespmem:s21], [sflag:$0x5] =	stream.linear.gather [hbm4b:s15+s3], $0x400, $0x38;
	[tilespmem:$0x16800] =	vst v63  }
0x1ef: {  	_ =	swait.ge [sflag:s20], $0x400  }
0x1f0: {  	[sflag:s20] =	ssyncset.done $0x0  }
0x1f1: {  	[sflag:s20] =	ssyncadd.s32 $0xFFFFFC00  }
0x1f2: {  	[tilespmem:s19], [sflag:$0x1] =	stream.indirect.gather [hbm4b:s1+s28], $0x80, s3, s28, $0xb8;
	[tilespmem:$0x16800] =	vst v63  }
0x1f3: {  	_ = 	snop  }
0x1f4: {  	[tilespmem:s29], [sflag:$0x2] =	stream.indirect.gather [hbm4b:s1+s28], $0x80, s28, s28, $0xb8;
	[tilespmem:$0x16800] =	vst v63  }
0x1f5: {  	_ = 	snop  }
0x1f6: {  	[tilespmem:s31], [sflag:$0x3] =	stream.indirect.gather [hbm4b:s1+s28], $0x80, s16, s28, $0xb8;
	[tilespmem:$0x16800] =	vst v63  }
0x1f7: {  	_ =	swait.ge [sflag:s0], $0x4000  }
0x1f8: {  	[sflag:s0] =	ssyncset.done $0x0  }
0x1f9: {  	[sflag:s0] =	ssyncadd.s32 $0xFFFFC000  }
0x1fa: {  	[spmem:s2] =	stream.indirect.scatter.add.f32 [tilespmem:s19], [sflag:$0x5], $0x80, s21, s28, $0xb8;
	[tilespmem:$0x16800] =	vst v63  }
0x1fb: {  	_ =	swait.ge [sflag:s20], $0x4000  }
0x1fc: {  	[sflag:s20] =	ssyncset.done $0x0  }
0x1fd: {  	[sflag:s20] =	ssyncadd.s32 $0xFFFFC000  }
0x1fe: {  	[tilespmem:s19], [sflag:$0x1] =	stream.indirect.gather [hbm4b:s1+s28], $0x80, s6, s28, $0xb8;
	[tilespmem:$0x16800] =	vst v63  }
0x1ff: {  	_ =	swait.ge [sflag:s13], $0x4000  }
0x200: {  	[sflag:s13] =	ssyncset.done $0x0  }
0x201: {  	s15 =	simm.s32 $0x480;
	[sflag:s13] =	ssyncadd.s32 $0xFFFFC000  }
0x202: {  	[spmem:s2] =	stream.indirect.scatter.add.f32 [tilespmem:s29], [sflag:$0x5], $0x80, s15, s28, $0xb8;
	[tilespmem:$0x16800] =	vst v63  }
0x203: {  	_ =	swait.ge [sflag:s20], $0x4000  }
0x204: {  	[sflag:s20] =	ssyncset.done $0x0  }
0x205: {  	[sflag:s20] =	ssyncadd.s32 $0xFFFFC000  }
0x206: {  	[tilespmem:s29], [sflag:$0x2] =	stream.indirect.gather [hbm4b:s1+s28], $0x80, s8, s28, $0xb8;
	[tilespmem:$0x16800] =	vst v63  }
0x207: {  	_ =	swait.ge [sflag:s11], $0x4000  }
0x208: {  	[sflag:s11] =	ssyncset.done $0x0  }
0x209: {  	s7 =	simm.s32 $0x500;
	[sflag:s11] =	ssyncadd.s32 $0xFFFFC000  }
0x20a: {  	[spmem:s2] =	stream.indirect.scatter.add.f32 [tilespmem:s31], [sflag:$0x5], $0x80, s7, s28, $0xb8;
	[tilespmem:$0x16800] =	vst v63  }
0x20b: {  	_ =	swait.ge [sflag:s20], $0x4000  }
0x20c: {  	[sflag:s20] =	ssyncset.done $0x0  }
0x20d: {  	[sflag:s20] =	ssyncadd.s32 $0xFFFFC000  }
0x20e: {  	[tilespmem:s31], [sflag:$0x3] =	stream.indirect.gather [hbm4b:s1+s28], $0x80, s10, s28, $0xb8;
	[tilespmem:$0x16800] =	vst v63  }
0x20f: {  	_ =	swait.ge [sflag:s0], $0x4000  }
0x210: {  	[sflag:s0] =	ssyncset.done $0x0  }
0x211: {  	s12 =	simm.s32 $0x580;
	[sflag:s0] =	ssyncadd.s32 $0xFFFFC000  }
0x212: {  	[spmem:s2] =	stream.indirect.scatter.add.f32 [tilespmem:s19], [sflag:$0x5], $0x80, s12, s28, $0xb8;
	[tilespmem:$0x16800] =	vst v63  }
0x213: {  	_ =	swait.ge [sflag:s20], $0x4000  }
0x214: {  	[sflag:s20] =	ssyncset.done $0x0  }
0x215: {  	[sflag:s20] =	ssyncadd.s32 $0xFFFFC000  }
0x216: {  	[tilespmem:s19], [sflag:$0x1] =	stream.indirect.gather [hbm4b:s1+s28], $0x80, s25, s28, $0xb8;
	[tilespmem:$0x16800] =	vst v63  }
0x217: {  	_ =	swait.ge [sflag:s13], $0x4000  }
0x218: {  	[sflag:s13] =	ssyncset.done $0x0  }
0x219: {  	s14 =	simm.s32 $0x600;
	[sflag:s13] =	ssyncadd.s32 $0xFFFFC000  }
0x21a: {  	[spmem:s2] =	stream.indirect.scatter.add.f32 [tilespmem:s29], [sflag:$0x5], $0x80, s14, s28, $0xb8;
	[tilespmem:$0x16800] =	vst v63  }
0x21b: {  	_ =	swait.ge [sflag:s20], $0x4000  }
0x21c: {  	[sflag:s20] =	ssyncset.done $0x0  }
0x21d: {  	s24 =	simm.s32 $0x380;
	[sflag:s20] =	ssyncadd.s32 $0xFFFFC000  }
0x21e: {  	[tilespmem:s29], [sflag:$0x2] =	stream.indirect.gather [hbm4b:s1+s28], $0x80, s24, s28, $0xb8;
	[tilespmem:$0x16800] =	vst v63  }
0x21f: {  	_ =	swait.ge [sflag:s11], $0x4000  }
0x220: {  	[sflag:s11] =	ssyncset.done $0x0  }
0x221: {  	s18 =	simm.s32 $0x680;
	[sflag:s11] =	ssyncadd.s32 $0xFFFFC000  }
0x222: {  	[spmem:s2] =	stream.indirect.scatter.add.f32 [tilespmem:s31], [sflag:$0x5], $0x80, s18, s28, $0xb8;
	[tilespmem:$0x16800] =	vst v63  }
0x223: {  	_ =	swait.ge [sflag:s20], $0x4000  }
0x224: {  	[sflag:s20] =	ssyncset.done $0x0  }
0x225: {  	[sflag:s20] =	ssyncadd.s32 $0xFFFFC000  }
0x226: {  	_ =	swait.ge [sflag:s0], $0x4000  }
0x227: {  	[sflag:s0] =	ssyncset.done $0x0  }
0x228: {  	s22 =	simm.s32 $0x700;
	[sflag:s0] =	ssyncadd.s32 $0xFFFFC000  }
0x229: {  	[spmem:s2] =	stream.indirect.scatter.add.f32 [tilespmem:s19], [sflag:$0x5], $0x80, s22, s28, $0xb8;
	[tilespmem:$0x16800] =	vst v63  }
0x22a: {  	_ =	swait.ge [sflag:s20], $0x4000  }
0x22b: {  	[sflag:s20] =	ssyncset.done $0x0  }
0x22c: {  	[sflag:s20] =	ssyncadd.s32 $0xFFFFC000  }
0x22d: {  	_ =	swait.ge [sflag:s13], $0x4000  }
0x22e: {  	[sflag:s13] =	ssyncset.done $0x0  }
0x22f: {  	s26 =	simm.s32 $0x780;
	[sflag:s13] =	ssyncadd.s32 $0xFFFFC000  }
0x230: {  	[spmem:s2] =	stream.indirect.scatter.add.f32 [tilespmem:s29], [sflag:$0x5], $0x80, s26, s28, $0xb8;
	[tilespmem:$0x16800] =	vst v63  }
0x231: {  	_ =	swait.ge [sflag:s20], $0x4000  }
0x232: {  	[sflag:s20] =	ssyncset.done $0x0  }
0x233: {  	[sflag:s20] =	ssyncadd.s32 $0xFFFFC000  }
0x234: {  	[bflag:$0x0] =	sbarrier.arrive $0xFFFF  }
0x235: {  	s22 =	rddreg [dreg:$0x8]  }
0x236: {  	[tilespmem:s19], [sflag:$0x5] =	stream.linear.gather [spmem:s22], $0x4000, $0x38;
	[tilespmem:$0x16800] =	vst v63  }
0x237: {  	_ =	swait.ge [sflag:s20], $0x4000  }
0x238: {  	[sflag:s20] =	ssyncset.done $0x0  }
0x239: {  	s17 =	simm.s32 $0x0;
	s5 =	rddreg [dreg:$0x1c];
	[sflag:s20] =	ssyncadd.s32 $0xFFFFC000  }
0x23a: {  	[hbm4b:s5+s17] =	stream.linear.scatter [tilespmem:s19], [sflag:$0x5], $0x4000, $0x38;
	[tilespmem:$0x16800] =	vst v63  }
0x23b: {  	_ =	swait.ge [sflag:s20], $0x4000  }
0x23c: {  	[sflag:s20] =	ssyncset.done $0x0  }
0x23d: {  	s9 =	rddreg [dreg:$0xd];
	[sflag:s20] =	ssyncadd.s32 $0xFFFFC000  }
0x23e: {  	[tilespmem:s19], [sflag:$0x5] =	stream.linear.gather [spmem:s9], $0x4000, $0x38;
	[tilespmem:$0x16800] =	vst v63  }
0x23f: {  	_ =	swait.ge [sflag:s20], $0x4000  }
0x240: {  	[sflag:s20] =	ssyncset.done $0x0  }
0x241: {  	s18 =	rddreg [dreg:$0x1d];
	[sflag:s20] =	ssyncadd.s32 $0xFFFFC000  }
0x242: {  	[hbm4b:s18+s17] =	stream.linear.scatter [tilespmem:s19], [sflag:$0x5], $0x4000, $0x38;
	[tilespmem:$0x16800] =	vst v63  }
0x243: {  	_ =	swait.ge [sflag:s20], $0x4000  }
0x244: {  	[sflag:s20] =	ssyncset.done $0x0  }
0x245: {  	s26 =	rddreg [dreg:$0x1a];
	[sflag:s20] =	ssyncadd.s32 $0xFFFFC000  }
0x246: {  	[tilespmem:s19], [sflag:$0x5] =	stream.linear.gather [spmem:s26], $0x2000, $0x38;
	[tilespmem:$0x16800] =	vst v63  }
0x247: {  	_ =	swait.ge [sflag:s20], $0x2000  }
0x248: {  	[sflag:s20] =	ssyncset.done $0x0  }
0x249: {  	s5 =	rddreg [dreg:$0x1e];
	[sflag:s20] =	ssyncadd.s32 $0xFFFFE000  }
0x24a: {  	[hbm4b:s5+s17] =	stream.linear.scatter [tilespmem:s19], [sflag:$0x5], $0x2000, $0x38;
	[tilespmem:$0x16800] =	vst v63  }
0x24b: {  	_ =	swait.ge [sflag:s20], $0x2000  }
0x24c: {  	[sflag:s20] =	ssyncset.done $0x0  }
0x24d: {  	[sflag:s20] =	ssyncadd.s32 $0xFFFFE000  }
0x24e: {  	[bflag:$0x0] =	sbarrier.arrive $0xFFFF  }
0x24f: {  	s9 =	rddreg [dreg:$0x6]  }
0x250: {  	[tilespmem:s19], [sflag:$0x5] =	stream.linear.gather [hbm4b:s9+s17], $0x2800, $0x38;
	[tilespmem:$0x16800] =	vst v63  }
0x251: {  	_ =	swait.ge [sflag:s20], $0x2800  }
0x252: {  	[sflag:s20] =	ssyncset.done $0x0  }
0x253: {  	[sflag:s20] =	ssyncadd.s32 $0xFFFFD800  }
0x254: {  	[spmem:s22] =	stream.linear.scatter [tilespmem:s19], [sflag:$0x5], $0x2800, $0x38;
	[tilespmem:$0x16800] =	vst v63  }
0x255: {  	_ =	swait.ge [sflag:s20], $0x2800  }
0x256: {  	[sflag:s20] =	ssyncset.done $0x0  }
0x257: {  	s22 =	rddreg [dreg:$0x9];
	[sflag:s20] =	ssyncadd.s32 $0xFFFFD800  }
0x258: {  	[spmem:s22] =	stream.linear.scatter [tilespmem:s19], [sflag:$0x5], $0x2800, $0x38;
	[tilespmem:$0x16800] =	vst v63  }
0x259: {  	_ =	swait.ge [sflag:s20], $0x2800  }
0x25a: {  	[sflag:s20] =	ssyncset.done $0x0  }
0x25b: {  	s26 =	rddreg [dreg:$0xa];
	[sflag:s20] =	ssyncadd.s32 $0xFFFFD800  }
0x25c: {  	[spmem:s26] =	stream.linear.scatter [tilespmem:s19], [sflag:$0x5], $0x2800, $0x38;
	[tilespmem:$0x16800] =	vst v63  }
0x25d: {  	_ =	swait.ge [sflag:s20], $0x2800  }
0x25e: {  	[sflag:s20] =	ssyncset.done $0x0  }
0x25f: {  	s4 =	rddreg [dreg:$0xb];
	[sflag:s20] =	ssyncadd.s32 $0xFFFFD800  }
0x260: {  	[spmem:s4] =	stream.linear.scatter [tilespmem:s19], [sflag:$0x5], $0x2800, $0x38;
	[tilespmem:$0x16800] =	vst v63  }
0x261: {  	_ =	swait.ge [sflag:s20], $0x2800  }
0x262: {  	[sflag:s20] =	ssyncset.done $0x0  }
0x263: {  	[sflag:s20] =	ssyncadd.s32 $0xFFFFD800  }
0x264: {  	[bflag:$0x0] =	sbarrier.arrive $0xFFFF  }
0x265: {  	s22 =	rddreg [dreg:$0x19]  }
0x266: {  	s5 =	sadd.s32 $0x0, s22  }
0x267: {  	[tilespmem:s3], [sflag:$0x5] =	stream.linear.gather [hbm4b:s5+s3], $0x400, $0x38;
	[tilespmem:$0x16800] =	vst v63  }
0x268: {  	_ =	swait.ge [sflag:s20], $0x400  }
0x269: {  	[sflag:s20] =	ssyncset.done $0x0;
	s30 =	rddreg [dreg:$0x4]  }
0x26a: {  	[sflag:s20] =	ssyncadd.s32 $0xFFFFFC00;
	s9 =	sadd.s32 $0x0, s30  }
0x26b: {  	[tilespmem:s21], [sflag:$0x5] =	stream.linear.gather [hbm4b:s9+s3], $0x400, $0x38;
	[tilespmem:$0x16800] =	vst v63  }
0x26c: {  	_ =	swait.ge [sflag:s20], $0x400  }
0x26d: {  	[sflag:s20] =	ssyncset.done $0x0  }
0x26e: {  	[sflag:s20] =	ssyncadd.s32 $0xFFFFFC00  }
0x26f: {  	[tilespmem:s19], [sflag:$0x1] =	stream.indirect.gather [hbm4b:s1+s28], $0x80, s3, s28, $0xb8;
	[tilespmem:$0x16800] =	vst v63  }
0x270: {  	_ = 	snop  }
0x271: {  	[tilespmem:s29], [sflag:$0x2] =	stream.indirect.gather [hbm4b:s1+s28], $0x80, s28, s28, $0xb8;
	[tilespmem:$0x16800] =	vst v63  }
0x272: {  	_ = 	snop  }
0x273: {  	[tilespmem:s31], [sflag:$0x3] =	stream.indirect.gather [hbm4b:s1+s28], $0x80, s16, s28, $0xb8;
	[tilespmem:$0x16800] =	vst v63  }
0x274: {  	_ =	swait.ge [sflag:s0], $0x4000  }
0x275: {  	[sflag:s0] =	ssyncset.done $0x0  }
0x276: {  	[sflag:s0] =	ssyncadd.s32 $0xFFFFC000  }
0x277: {  	[spmem:s2] =	stream.indirect.scatter.add.f32 [tilespmem:s19], [sflag:$0x5], $0x80, s21, s28, $0xb8;
	[tilespmem:$0x16800] =	vst v63  }
0x278: {  	_ =	swait.ge [sflag:s20], $0x4000  }
0x279: {  	[sflag:s20] =	ssyncset.done $0x0  }
0x27a: {  	[sflag:s20] =	ssyncadd.s32 $0xFFFFC000  }
0x27b: {  	[tilespmem:s19], [sflag:$0x1] =	stream.indirect.gather [hbm4b:s1+s28], $0x80, s6, s28, $0xb8;
	[tilespmem:$0x16800] =	vst v63  }
0x27c: {  	_ =	swait.ge [sflag:s13], $0x4000  }
0x27d: {  	[sflag:s13] =	ssyncset.done $0x0  }
0x27e: {  	[sflag:s13] =	ssyncadd.s32 $0xFFFFC000  }
0x27f: {  	[spmem:s2] =	stream.indirect.scatter.add.f32 [tilespmem:s29], [sflag:$0x5], $0x80, s15, s28, $0xb8;
	[tilespmem:$0x16800] =	vst v63  }
0x280: {  	_ =	swait.ge [sflag:s20], $0x4000  }
0x281: {  	[sflag:s20] =	ssyncset.done $0x0  }
0x282: {  	[sflag:s20] =	ssyncadd.s32 $0xFFFFC000  }
0x283: {  	[tilespmem:s29], [sflag:$0x2] =	stream.indirect.gather [hbm4b:s1+s28], $0x80, s8, s28, $0xb8;
	[tilespmem:$0x16800] =	vst v63  }
0x284: {  	_ =	swait.ge [sflag:s11], $0x4000  }
0x285: {  	[sflag:s11] =	ssyncset.done $0x0  }
0x286: {  	[sflag:s11] =	ssyncadd.s32 $0xFFFFC000  }
0x287: {  	[spmem:s2] =	stream.indirect.scatter.add.f32 [tilespmem:s31], [sflag:$0x5], $0x80, s7, s28, $0xb8;
	[tilespmem:$0x16800] =	vst v63  }
0x288: {  	_ =	swait.ge [sflag:s20], $0x4000  }
0x289: {  	[sflag:s20] =	ssyncset.done $0x0  }
0x28a: {  	[sflag:s20] =	ssyncadd.s32 $0xFFFFC000  }
0x28b: {  	[tilespmem:s31], [sflag:$0x3] =	stream.indirect.gather [hbm4b:s1+s28], $0x80, s10, s28, $0xb8;
	[tilespmem:$0x16800] =	vst v63  }
0x28c: {  	_ =	swait.ge [sflag:s0], $0x4000  }
0x28d: {  	[sflag:s0] =	ssyncset.done $0x0  }
0x28e: {  	[sflag:s0] =	ssyncadd.s32 $0xFFFFC000  }
0x28f: {  	[spmem:s2] =	stream.indirect.scatter.add.f32 [tilespmem:s19], [sflag:$0x5], $0x80, s12, s28, $0xb8;
	[tilespmem:$0x16800] =	vst v63  }
0x290: {  	_ =	swait.ge [sflag:s20], $0x4000  }
0x291: {  	[sflag:s20] =	ssyncset.done $0x0  }
0x292: {  	[sflag:s20] =	ssyncadd.s32 $0xFFFFC000  }
0x293: {  	[tilespmem:s19], [sflag:$0x1] =	stream.indirect.gather [hbm4b:s1+s28], $0x80, s25, s28, $0xb8;
	[tilespmem:$0x16800] =	vst v63  }
0x294: {  	_ =	swait.ge [sflag:s13], $0x4000  }
0x295: {  	[sflag:s13] =	ssyncset.done $0x0  }
0x296: {  	[sflag:s13] =	ssyncadd.s32 $0xFFFFC000  }
0x297: {  	[spmem:s2] =	stream.indirect.scatter.add.f32 [tilespmem:s29], [sflag:$0x5], $0x80, s14, s28, $0xb8;
	[tilespmem:$0x16800] =	vst v63  }
0x298: {  	_ =	swait.ge [sflag:s20], $0x4000  }
0x299: {  	[sflag:s20] =	ssyncset.done $0x0  }
0x29a: {  	[sflag:s20] =	ssyncadd.s32 $0xFFFFC000  }
0x29b: {  	[tilespmem:s29], [sflag:$0x2] =	stream.indirect.gather [hbm4b:s1+s28], $0x80, s24, s28, $0xb8;
	[tilespmem:$0x16800] =	vst v63  }
0x29c: {  	_ =	swait.ge [sflag:s11], $0x4000  }
0x29d: {  	[sflag:s11] =	ssyncset.done $0x0  }
0x29e: {  	s18 =	simm.s32 $0x680;
	[sflag:s11] =	ssyncadd.s32 $0xFFFFC000  }
0x29f: {  	[spmem:s2] =	stream.indirect.scatter.add.f32 [tilespmem:s31], [sflag:$0x5], $0x80, s18, s28, $0xb8;
	[tilespmem:$0x16800] =	vst v63  }
0x2a0: {  	_ =	swait.ge [sflag:s20], $0x4000  }
0x2a1: {  	[sflag:s20] =	ssyncset.done $0x0  }
0x2a2: {  	[sflag:s20] =	ssyncadd.s32 $0xFFFFC000  }
0x2a3: {  	_ =	swait.ge [sflag:s0], $0x4000  }
0x2a4: {  	[sflag:s0] =	ssyncset.done $0x0  }
0x2a5: {  	s24 =	simm.s32 $0x700;
	[sflag:s0] =	ssyncadd.s32 $0xFFFFC000  }
0x2a6: {  	[spmem:s2] =	stream.indirect.scatter.add.f32 [tilespmem:s19], [sflag:$0x5], $0x80, s24, s28, $0xb8;
	[tilespmem:$0x16800] =	vst v63  }
0x2a7: {  	_ =	swait.ge [sflag:s20], $0x4000  }
0x2a8: {  	[sflag:s20] =	ssyncset.done $0x0  }
0x2a9: {  	[sflag:s20] =	ssyncadd.s32 $0xFFFFC000  }
0x2aa: {  	s26 =	simm.s32 $0x680;
	s4 =	simm.s32 $0x780;
	_ =	swait.ge [sflag:s13], $0x4000  }
0x2ab: {  	s5 =	simm.s32 $0x500;
	s9 =	simm.s32 $0x580;
	[sflag:s13] =	ssyncset.done $0x0  }
0x2ac: {  	s7 =	simm.s32 $0x700;
	s25 =	simm.s32 $0x780;
	[sflag:s13] =	ssyncadd.s32 $0xFFFFC000  }
0x2ad: {  	[spmem:s2] =	stream.indirect.scatter.add.f32 [tilespmem:s29], [sflag:$0x5], $0x80, s25, s28, $0xb8;
	[tilespmem:$0x16800] =	vst v63  }
0x2ae: {  	s12 =	simm.s32 $0x600;
	s14 =	simm.s32 $0x380;
	_ =	swait.ge [sflag:s20], $0x4000  }
0x2af: {  	s18 =	simm.s32 $0x80;
	s24 =	simm.s32 $0x100;
	[sflag:s20] =	ssyncset.done $0x0  }
.LBB2_6:
0x2b0: {  	s17 =	sadd.s32 s18, s22  }
0x2b1: {  	[sflag:s20] =	ssyncadd.s32 $0xFFFFC000;
	s25 =	smov.u32 s24;
	s15 =	smov.u32 s22  }
0x2b2: {  	s22 =	sadd.s32 $0x80, s24;
	p0 =	sne.s32 s24, $0x980;
	s10 =	simm.s32 $0x280  }
0x2b3: {  	[tilespmem:s3], [sflag:$0x5] =	stream.linear.gather [hbm4b:s17+s3], $0x400, $0x38;
	[tilespmem:$0x16800] =	vst v63  }
0x2b4: {  	s8 =	simm.s32 $0x200;
	s6 =	simm.s32 $0x180;
	_ =	swait.ge [sflag:s20], $0x400  }
0x2b5: {  	s16 =	simm.s32 $0x100;
	s17 =	sadd.s32 s18, s30;
	[sflag:s20] =	ssyncset.done $0x0  }
0x2b6: {  	s18 =	smov.u32 s25;
	s25 =	simm.s32 $0x300;
	[sflag:s20] =	ssyncadd.s32 $0xFFFFFC00  }
0x2b7: {  	[tilespmem:s21], [sflag:$0x5] =	stream.linear.gather [hbm4b:s17+s3], $0x400, $0x38;
	[tilespmem:$0x16800] =	vst v63  }
0x2b8: {  	_ =	swait.ge [sflag:s20], $0x400  }
0x2b9: {  	[sflag:s20] =	ssyncset.done $0x0  }
0x2ba: {  	[sflag:s20] =	ssyncadd.s32 $0xFFFFFC00  }
0x2bb: {  	[tilespmem:s19], [sflag:$0x1] =	stream.indirect.gather [hbm4b:s1+s28], $0x80, s3, s28, $0xb8;
	[tilespmem:$0x16800] =	vst v63  }
0x2bc: {  	_ = 	snop  }
0x2bd: {  	[tilespmem:s29], [sflag:$0x2] =	stream.indirect.gather [hbm4b:s1+s28], $0x80, s28, s28, $0xb8;
	[tilespmem:$0x16800] =	vst v63  }
0x2be: {  	_ = 	snop  }
0x2bf: {  	[tilespmem:s31], [sflag:$0x3] =	stream.indirect.gather [hbm4b:s1+s28], $0x80, s16, s28, $0xb8;
	[tilespmem:$0x16800] =	vst v63  }
0x2c0: {  	_ =	swait.ge [sflag:s0], $0x4000  }
0x2c1: {  	[sflag:s0] =	ssyncset.done $0x0  }
0x2c2: {  	[sflag:s0] =	ssyncadd.s32 $0xFFFFC000  }
0x2c3: {  	[spmem:s2] =	stream.indirect.scatter.add.f32 [tilespmem:s19], [sflag:$0x5], $0x80, s21, s28, $0xb8;
	[tilespmem:$0x16800] =	vst v63  }
0x2c4: {  	_ =	swait.ge [sflag:s20], $0x4000  }
0x2c5: {  	[sflag:s20] =	ssyncset.done $0x0  }
0x2c6: {  	[sflag:s20] =	ssyncadd.s32 $0xFFFFC000  }
0x2c7: {  	[tilespmem:s19], [sflag:$0x1] =	stream.indirect.gather [hbm4b:s1+s28], $0x80, s6, s28, $0xb8;
	[tilespmem:$0x16800] =	vst v63  }
0x2c8: {  	_ =	swait.ge [sflag:s13], $0x4000  }
0x2c9: {  	[sflag:s13] =	ssyncset.done $0x0  }
0x2ca: {  	s17 =	simm.s32 $0x480;
	[sflag:s13] =	ssyncadd.s32 $0xFFFFC000  }
0x2cb: {  	[spmem:s2] =	stream.indirect.scatter.add.f32 [tilespmem:s29], [sflag:$0x5], $0x80, s17, s28, $0xb8;
	[tilespmem:$0x16800] =	vst v63  }
0x2cc: {  	_ =	swait.ge [sflag:s20], $0x4000  }
0x2cd: {  	[sflag:s20] =	ssyncset.done $0x0  }
0x2ce: {  	[sflag:s20] =	ssyncadd.s32 $0xFFFFC000  }
0x2cf: {  	[tilespmem:s29], [sflag:$0x2] =	stream.indirect.gather [hbm4b:s1+s28], $0x80, s8, s28, $0xb8;
	[tilespmem:$0x16800] =	vst v63  }
0x2d0: {  	_ =	swait.ge [sflag:s11], $0x4000  }
0x2d1: {  	[sflag:s11] =	ssyncset.done $0x0  }
0x2d2: {  	[sflag:s11] =	ssyncadd.s32 $0xFFFFC000  }
0x2d3: {  	[spmem:s2] =	stream.indirect.scatter.add.f32 [tilespmem:s31], [sflag:$0x5], $0x80, s5, s28, $0xb8;
	[tilespmem:$0x16800] =	vst v63  }
0x2d4: {  	_ =	swait.ge [sflag:s20], $0x4000  }
0x2d5: {  	[sflag:s20] =	ssyncset.done $0x0  }
0x2d6: {  	[sflag:s20] =	ssyncadd.s32 $0xFFFFC000  }
0x2d7: {  	[tilespmem:s31], [sflag:$0x3] =	stream.indirect.gather [hbm4b:s1+s28], $0x80, s10, s28, $0xb8;
	[tilespmem:$0x16800] =	vst v63  }
0x2d8: {  	_ =	swait.ge [sflag:s0], $0x4000  }
0x2d9: {  	[sflag:s0] =	ssyncset.done $0x0  }
0x2da: {  	[sflag:s0] =	ssyncadd.s32 $0xFFFFC000  }
0x2db: {  	[spmem:s2] =	stream.indirect.scatter.add.f32 [tilespmem:s19], [sflag:$0x5], $0x80, s9, s28, $0xb8;
	[tilespmem:$0x16800] =	vst v63  }
0x2dc: {  	_ =	swait.ge [sflag:s20], $0x4000  }
0x2dd: {  	[sflag:s20] =	ssyncset.done $0x0  }
0x2de: {  	[sflag:s20] =	ssyncadd.s32 $0xFFFFC000  }
0x2df: {  	[tilespmem:s19], [sflag:$0x1] =	stream.indirect.gather [hbm4b:s1+s28], $0x80, s25, s28, $0xb8;
	[tilespmem:$0x16800] =	vst v63  }
0x2e0: {  	_ =	swait.ge [sflag:s13], $0x4000  }
0x2e1: {  	[sflag:s13] =	ssyncset.done $0x0  }
0x2e2: {  	[sflag:s13] =	ssyncadd.s32 $0xFFFFC000  }
0x2e3: {  	[spmem:s2] =	stream.indirect.scatter.add.f32 [tilespmem:s29], [sflag:$0x5], $0x80, s12, s28, $0xb8;
	[tilespmem:$0x16800] =	vst v63  }
0x2e4: {  	_ =	swait.ge [sflag:s20], $0x4000  }
0x2e5: {  	[sflag:s20] =	ssyncset.done $0x0  }
0x2e6: {  	[sflag:s20] =	ssyncadd.s32 $0xFFFFC000  }
0x2e7: {  	[tilespmem:s29], [sflag:$0x2] =	stream.indirect.gather [hbm4b:s1+s28], $0x80, s14, s28, $0xb8;
	[tilespmem:$0x16800] =	vst v63  }
0x2e8: {  	_ =	swait.ge [sflag:s11], $0x4000  }
0x2e9: {  	[sflag:s11] =	ssyncset.done $0x0  }
0x2ea: {  	[sflag:s11] =	ssyncadd.s32 $0xFFFFC000  }
0x2eb: {  	[spmem:s2] =	stream.indirect.scatter.add.f32 [tilespmem:s31], [sflag:$0x5], $0x80, s26, s28, $0xb8;
	[tilespmem:$0x16800] =	vst v63  }
0x2ec: {  	_ =	swait.ge [sflag:s20], $0x4000  }
0x2ed: {  	[sflag:s20] =	ssyncset.done $0x0  }
0x2ee: {  	[sflag:s20] =	ssyncadd.s32 $0xFFFFC000  }
0x2ef: {  	_ =	swait.ge [sflag:s0], $0x4000  }
0x2f0: {  	[sflag:s0] =	ssyncset.done $0x0  }
0x2f1: {  	[sflag:s0] =	ssyncadd.s32 $0xFFFFC000  }
0x2f2: {  	[spmem:s2] =	stream.indirect.scatter.add.f32 [tilespmem:s19], [sflag:$0x5], $0x80, s7, s28, $0xb8;
	[tilespmem:$0x16800] =	vst v63  }
0x2f3: {  	_ =	swait.ge [sflag:s20], $0x4000  }
0x2f4: {  	[sflag:s20] =	ssyncset.done $0x0  }
0x2f5: {  	[sflag:s20] =	ssyncadd.s32 $0xFFFFC000  }
0x2f6: {  	_ =	swait.ge [sflag:s13], $0x4000  }
.Ltmp2:
0x2f7: {  	[sflag:s13] =	ssyncset.done $0x0;
	(pc) =	sbr.rel @p0 .LBB2_6-.Ltmp2, $4  }
0x2f8: {  	[sflag:s13] =	ssyncadd.s32 $0xFFFFC000  }
0x2f9: {  	[spmem:s2] =	stream.indirect.scatter.add.f32 [tilespmem:s29], [sflag:$0x5], $0x80, s4, s28, $0xb8;
	[tilespmem:$0x16800] =	vst v63  }
0x2fa: {  	_ =	swait.ge [sflag:s20], $0x4000  }
0x2fb: {  	s24 =	smov.u32 s22;
	s22 =	smov.u32 s15;
	[sflag:s20] =	ssyncset.done $0x0  }
0x2fc: {  	s17 =	sadd.s32 s18, s22;
	[sflag:s20] =	ssyncadd.s32 $0xFFFFC000  }
0x2fd: {  	[tilespmem:s3], [sflag:$0x5] =	stream.linear.gather [hbm4b:s17+s3], $0x400, $0x38;
	[tilespmem:$0x16800] =	vst v63  }
0x2fe: {  	_ =	swait.ge [sflag:s20], $0x400  }
0x2ff: {  	[sflag:s20] =	ssyncset.done $0x0  }
0x300: {  	s18 =	sadd.s32 s18, s30;
	[sflag:s20] =	ssyncadd.s32 $0xFFFFFC00  }
0x301: {  	[tilespmem:s21], [sflag:$0x5] =	stream.linear.gather [hbm4b:s18+s3], $0x400, $0x38;
	[tilespmem:$0x16800] =	vst v63  }
0x302: {  	_ =	swait.ge [sflag:s20], $0x400  }
0x303: {  	[sflag:s20] =	ssyncset.done $0x0  }
0x304: {  	[sflag:s20] =	ssyncadd.s32 $0xFFFFFC00  }
0x305: {  	[tilespmem:s19], [sflag:$0x1] =	stream.indirect.gather [hbm4b:s1+s28], $0x80, s3, s28, $0xb8;
	[tilespmem:$0x16800] =	vst v63  }
0x306: {  	_ = 	snop  }
0x307: {  	[tilespmem:s29], [sflag:$0x2] =	stream.indirect.gather [hbm4b:s1+s28], $0x80, s28, s28, $0xb8;
	[tilespmem:$0x16800] =	vst v63  }
0x308: {  	_ = 	snop  }
0x309: {  	[tilespmem:s31], [sflag:$0x3] =	stream.indirect.gather [hbm4b:s1+s28], $0x80, s16, s28, $0xb8;
	[tilespmem:$0x16800] =	vst v63  }
0x30a: {  	_ =	swait.ge [sflag:s0], $0x4000  }
0x30b: {  	[sflag:s0] =	ssyncset.done $0x0  }
0x30c: {  	[sflag:s0] =	ssyncadd.s32 $0xFFFFC000  }
0x30d: {  	[spmem:s2] =	stream.indirect.scatter.add.f32 [tilespmem:s19], [sflag:$0x5], $0x80, s21, s28, $0xb8;
	[tilespmem:$0x16800] =	vst v63  }
0x30e: {  	_ =	swait.ge [sflag:s20], $0x4000  }
0x30f: {  	[sflag:s20] =	ssyncset.done $0x0  }
0x310: {  	[sflag:s20] =	ssyncadd.s32 $0xFFFFC000  }
0x311: {  	[tilespmem:s19], [sflag:$0x1] =	stream.indirect.gather [hbm4b:s1+s28], $0x80, s6, s28, $0xb8;
	[tilespmem:$0x16800] =	vst v63  }
0x312: {  	_ =	swait.ge [sflag:s13], $0x4000  }
0x313: {  	[sflag:s13] =	ssyncset.done $0x0  }
0x314: {  	s4 =	simm.s32 $0x480;
	[sflag:s13] =	ssyncadd.s32 $0xFFFFC000  }
0x315: {  	[spmem:s2] =	stream.indirect.scatter.add.f32 [tilespmem:s29], [sflag:$0x5], $0x80, s4, s28, $0xb8;
	[tilespmem:$0x16800] =	vst v63  }
0x316: {  	_ =	swait.ge [sflag:s20], $0x4000  }
0x317: {  	[sflag:s20] =	ssyncset.done $0x0  }
0x318: {  	[sflag:s20] =	ssyncadd.s32 $0xFFFFC000  }
0x319: {  	[tilespmem:s29], [sflag:$0x2] =	stream.indirect.gather [hbm4b:s1+s28], $0x80, s8, s28, $0xb8;
	[tilespmem:$0x16800] =	vst v63  }
0x31a: {  	_ =	swait.ge [sflag:s11], $0x4000  }
0x31b: {  	[sflag:s11] =	ssyncset.done $0x0  }
0x31c: {  	s7 =	simm.s32 $0x500;
	[sflag:s11] =	ssyncadd.s32 $0xFFFFC000  }
0x31d: {  	[spmem:s2] =	stream.indirect.scatter.add.f32 [tilespmem:s31], [sflag:$0x5], $0x80, s7, s28, $0xb8;
	[tilespmem:$0x16800] =	vst v63  }
0x31e: {  	_ =	swait.ge [sflag:s20], $0x4000  }
0x31f: {  	[sflag:s20] =	ssyncset.done $0x0  }
0x320: {  	[sflag:s20] =	ssyncadd.s32 $0xFFFFC000  }
0x321: {  	[tilespmem:s31], [sflag:$0x3] =	stream.indirect.gather [hbm4b:s1+s28], $0x80, s10, s28, $0xb8;
	[tilespmem:$0x16800] =	vst v63  }
0x322: {  	_ =	swait.ge [sflag:s0], $0x4000  }
0x323: {  	[sflag:s0] =	ssyncset.done $0x0  }
0x324: {  	s12 =	simm.s32 $0x580;
	[sflag:s0] =	ssyncadd.s32 $0xFFFFC000  }
0x325: {  	[spmem:s2] =	stream.indirect.scatter.add.f32 [tilespmem:s19], [sflag:$0x5], $0x80, s12, s28, $0xb8;
	[tilespmem:$0x16800] =	vst v63  }
0x326: {  	_ =	swait.ge [sflag:s20], $0x4000  }
0x327: {  	[sflag:s20] =	ssyncset.done $0x0  }
0x328: {  	[sflag:s20] =	ssyncadd.s32 $0xFFFFC000  }
0x329: {  	[tilespmem:s19], [sflag:$0x1] =	stream.indirect.gather [hbm4b:s1+s28], $0x80, s25, s28, $0xb8;
	[tilespmem:$0x16800] =	vst v63  }
0x32a: {  	_ =	swait.ge [sflag:s13], $0x4000  }
0x32b: {  	[sflag:s13] =	ssyncset.done $0x0  }
0x32c: {  	s26 =	simm.s32 $0x600;
	[sflag:s13] =	ssyncadd.s32 $0xFFFFC000  }
0x32d: {  	[spmem:s2] =	stream.indirect.scatter.add.f32 [tilespmem:s29], [sflag:$0x5], $0x80, s26, s28, $0xb8;
	[tilespmem:$0x16800] =	vst v63  }
0x32e: {  	_ =	swait.ge [sflag:s20], $0x4000  }
0x32f: {  	[sflag:s20] =	ssyncset.done $0x0  }
0x330: {  	s24 =	simm.s32 $0x380;
	[sflag:s20] =	ssyncadd.s32 $0xFFFFC000  }
0x331: {  	[tilespmem:s29], [sflag:$0x2] =	stream.indirect.gather [hbm4b:s1+s28], $0x80, s24, s28, $0xb8;
	[tilespmem:$0x16800] =	vst v63  }
0x332: {  	_ =	swait.ge [sflag:s11], $0x4000  }
0x333: {  	[sflag:s11] =	ssyncset.done $0x0  }
0x334: {  	s5 =	simm.s32 $0x680;
	[sflag:s11] =	ssyncadd.s32 $0xFFFFC000  }
0x335: {  	[spmem:s2] =	stream.indirect.scatter.add.f32 [tilespmem:s31], [sflag:$0x5], $0x80, s5, s28, $0xb8;
	[tilespmem:$0x16800] =	vst v63  }
0x336: {  	_ =	swait.ge [sflag:s20], $0x4000  }
0x337: {  	[sflag:s20] =	ssyncset.done $0x0  }
0x338: {  	[sflag:s20] =	ssyncadd.s32 $0xFFFFC000  }
0x339: {  	_ =	swait.ge [sflag:s0], $0x4000  }
0x33a: {  	[sflag:s0] =	ssyncset.done $0x0  }
0x33b: {  	s22 =	simm.s32 $0x700;
	[sflag:s0] =	ssyncadd.s32 $0xFFFFC000  }
0x33c: {  	[spmem:s2] =	stream.indirect.scatter.add.f32 [tilespmem:s19], [sflag:$0x5], $0x80, s22, s28, $0xb8;
	[tilespmem:$0x16800] =	vst v63  }
0x33d: {  	_ =	swait.ge [sflag:s20], $0x4000  }
0x33e: {  	[sflag:s20] =	ssyncset.done $0x0  }
0x33f: {  	[sflag:s20] =	ssyncadd.s32 $0xFFFFC000  }
0x340: {  	_ =	swait.ge [sflag:s13], $0x4000  }
0x341: {  	[sflag:s13] =	ssyncset.done $0x0  }
0x342: {  	s9 =	simm.s32 $0x780;
	[sflag:s13] =	ssyncadd.s32 $0xFFFFC000  }
0x343: {  	[spmem:s2] =	stream.indirect.scatter.add.f32 [tilespmem:s29], [sflag:$0x5], $0x80, s9, s28, $0xb8;
	[tilespmem:$0x16800] =	vst v63  }
0x344: {  	_ =	swait.ge [sflag:s20], $0x4000  }
0x345: {  	[sflag:s20] =	ssyncset.done $0x0  }
0x346: {  	[sflag:s20] =	ssyncadd.s32 $0xFFFFC000  }
0x347: {  	[bflag:$0x0] =	sbarrier.arrive $0xFFFF  }
0x348: {  	s22 =	rddreg [dreg:$0x8]  }
0x349: {  	[tilespmem:s19], [sflag:$0x5] =	stream.linear.gather [spmem:s22], $0x4000, $0x38;
	[tilespmem:$0x16800] =	vst v63  }
0x34a: {  	_ =	swait.ge [sflag:s20], $0x4000  }
0x34b: {  	[sflag:s20] =	ssyncset.done $0x0  }
0x34c: {  	s17 =	simm.s32 $0x0;
	s14 =	rddreg [dreg:$0xf];
	[sflag:s20] =	ssyncadd.s32 $0xFFFFC000  }
0x34d: {  	[hbm4b:s14+s17] =	stream.linear.scatter [tilespmem:s19], [sflag:$0x5], $0x4000, $0x38;
	[tilespmem:$0x16800] =	vst v63  }
0x34e: {  	_ =	swait.ge [sflag:s20], $0x4000  }
0x34f: {  	[sflag:s20] =	ssyncset.done $0x0  }
0x350: {  	s5 =	rddreg [dreg:$0xd];
	[sflag:s20] =	ssyncadd.s32 $0xFFFFC000  }
0x351: {  	[tilespmem:s19], [sflag:$0x5] =	stream.linear.gather [spmem:s5], $0x4000, $0x38;
	[tilespmem:$0x16800] =	vst v63  }
0x352: {  	_ =	swait.ge [sflag:s20], $0x4000  }
0x353: {  	[sflag:s20] =	ssyncset.done $0x0  }
0x354: {  	s9 =	rddreg [dreg:$0x1f];
	[sflag:s20] =	ssyncadd.s32 $0xFFFFC000  }
0x355: {  	[hbm4b:s9+s17] =	stream.linear.scatter [tilespmem:s19], [sflag:$0x5], $0x4000, $0x38;
	[tilespmem:$0x16800] =	vst v63  }
0x356: {  	_ =	swait.ge [sflag:s20], $0x4000  }
0x357: {  	[sflag:s20] =	ssyncset.done $0x0  }
0x358: {  	s14 =	rddreg [dreg:$0x1a];
	[sflag:s20] =	ssyncadd.s32 $0xFFFFC000  }
0x359: {  	[tilespmem:s19], [sflag:$0x5] =	stream.linear.gather [spmem:s14], $0x2000, $0x38;
	[tilespmem:$0x16800] =	vst v63  }
0x35a: {  	_ =	swait.ge [sflag:s20], $0x2000  }
0x35b: {  	s5 =	sld [smem:$0x7F9]  }
0x35c: {  	[sflag:s20] =	ssyncset.done $0x0  }
0x35d: {  	[sflag:s20] =	ssyncadd.s32 $0xFFFFE000  }
0x35e: {  	[hbm4b:s5+s17] =	stream.linear.scatter [tilespmem:s19], [sflag:$0x5], $0x2000, $0x38;
	[tilespmem:$0x16800] =	vst v63  }
0x35f: {  	_ =	swait.ge [sflag:s20], $0x2000  }
0x360: {  	[sflag:s20] =	ssyncset.done $0x0  }
0x361: {  	[sflag:s20] =	ssyncadd.s32 $0xFFFFE000  }
0x362: {  	[bflag:$0x0] =	sbarrier.arrive $0xFFFF  }
0x363: {  	s9 =	rddreg [dreg:$0x6]  }
0x364: {  	[tilespmem:s19], [sflag:$0x5] =	stream.linear.gather [hbm4b:s9+s17], $0x2800, $0x38;
	[tilespmem:$0x16800] =	vst v63  }
0x365: {  	_ =	swait.ge [sflag:s20], $0x2800  }
0x366: {  	[sflag:s20] =	ssyncset.done $0x0  }
0x367: {  	[sflag:s20] =	ssyncadd.s32 $0xFFFFD800  }
0x368: {  	[spmem:s22] =	stream.linear.scatter [tilespmem:s19], [sflag:$0x5], $0x2800, $0x38;
	[tilespmem:$0x16800] =	vst v63  }
0x369: {  	_ =	swait.ge [sflag:s20], $0x2800  }
0x36a: {  	[sflag:s20] =	ssyncset.done $0x0  }
0x36b: {  	s14 =	rddreg [dreg:$0x9];
	[sflag:s20] =	ssyncadd.s32 $0xFFFFD800  }
0x36c: {  	[spmem:s14] =	stream.linear.scatter [tilespmem:s19], [sflag:$0x5], $0x2800, $0x38;
	[tilespmem:$0x16800] =	vst v63  }
0x36d: {  	_ =	swait.ge [sflag:s20], $0x2800  }
0x36e: {  	[sflag:s20] =	ssyncset.done $0x0  }
0x36f: {  	s18 =	rddreg [dreg:$0xa];
	[sflag:s20] =	ssyncadd.s32 $0xFFFFD800  }
0x370: {  	[spmem:s18] =	stream.linear.scatter [tilespmem:s19], [sflag:$0x5], $0x2800, $0x38;
	[tilespmem:$0x16800] =	vst v63  }
0x371: {  	_ =	swait.ge [sflag:s20], $0x2800  }
0x372: {  	[sflag:s20] =	ssyncset.done $0x0  }
0x373: {  	s5 =	rddreg [dreg:$0xb];
	[sflag:s20] =	ssyncadd.s32 $0xFFFFD800  }
0x374: {  	[spmem:s5] =	stream.linear.scatter [tilespmem:s19], [sflag:$0x5], $0x2800, $0x38;
	[tilespmem:$0x16800] =	vst v63  }
0x375: {  	_ =	swait.ge [sflag:s20], $0x2800  }
0x376: {  	[sflag:s20] =	ssyncset.done $0x0  }
0x377: {  	[sflag:s20] =	ssyncadd.s32 $0xFFFFD800  }
0x378: {  	s9 =	sadd.s32 $0x0, s15;
	[bflag:$0x0] =	sbarrier.arrive $0xFFFF  }
0x379: {  	[tilespmem:s3], [sflag:$0x5] =	stream.linear.gather [hbm4b:s9+s3], $0x400, $0x38;
	[tilespmem:$0x16800] =	vst v63  }
0x37a: {  	_ =	swait.ge [sflag:s20], $0x400  }
0x37b: {  	s30 =	sld [smem:$0x7FD];
	_ =	sdelay $0x1  }
0x37c: {  	[sflag:s20] =	ssyncset.done $0x0  }
0x37d: {  	[sflag:s20] =	ssyncadd.s32 $0xFFFFFC00;
	s14 =	sadd.s32 $0x0, s30  }
0x37e: {  	[tilespmem:s21], [sflag:$0x5] =	stream.linear.gather [hbm4b:s14+s3], $0x400, $0x38;
	[tilespmem:$0x16800] =	vst v63  }
0x37f: {  	_ =	swait.ge [sflag:s20], $0x400  }
0x380: {  	[sflag:s20] =	ssyncset.done $0x0  }
0x381: {  	[sflag:s20] =	ssyncadd.s32 $0xFFFFFC00  }
0x382: {  	[tilespmem:s19], [sflag:$0x1] =	stream.indirect.gather [hbm4b:s1+s28], $0x80, s3, s28, $0xb8;
	[tilespmem:$0x16800] =	vst v63  }
0x383: {  	_ = 	snop  }
0x384: {  	[tilespmem:s29], [sflag:$0x2] =	stream.indirect.gather [hbm4b:s1+s28], $0x80, s28, s28, $0xb8;
	[tilespmem:$0x16800] =	vst v63  }
0x385: {  	_ = 	snop  }
0x386: {  	[tilespmem:s31], [sflag:$0x3] =	stream.indirect.gather [hbm4b:s1+s28], $0x80, s16, s28, $0xb8;
	[tilespmem:$0x16800] =	vst v63  }
0x387: {  	_ =	swait.ge [sflag:s0], $0x4000  }
0x388: {  	[sflag:s0] =	ssyncset.done $0x0  }
0x389: {  	[sflag:s0] =	ssyncadd.s32 $0xFFFFC000  }
0x38a: {  	[spmem:s2] =	stream.indirect.scatter.add.f32 [tilespmem:s19], [sflag:$0x5], $0x80, s21, s28, $0xb8;
	[tilespmem:$0x16800] =	vst v63  }
0x38b: {  	_ =	swait.ge [sflag:s20], $0x4000  }
0x38c: {  	[sflag:s20] =	ssyncset.done $0x0  }
0x38d: {  	[sflag:s20] =	ssyncadd.s32 $0xFFFFC000  }
0x38e: {  	[tilespmem:s19], [sflag:$0x1] =	stream.indirect.gather [hbm4b:s1+s28], $0x80, s6, s28, $0xb8;
	[tilespmem:$0x16800] =	vst v63  }
0x38f: {  	_ =	swait.ge [sflag:s13], $0x4000  }
0x390: {  	[sflag:s13] =	ssyncset.done $0x0  }
0x391: {  	[sflag:s13] =	ssyncadd.s32 $0xFFFFC000  }
0x392: {  	[spmem:s2] =	stream.indirect.scatter.add.f32 [tilespmem:s29], [sflag:$0x5], $0x80, s4, s28, $0xb8;
	[tilespmem:$0x16800] =	vst v63  }
0x393: {  	_ =	swait.ge [sflag:s20], $0x4000  }
0x394: {  	[sflag:s20] =	ssyncset.done $0x0  }
0x395: {  	[sflag:s20] =	ssyncadd.s32 $0xFFFFC000  }
0x396: {  	[tilespmem:s29], [sflag:$0x2] =	stream.indirect.gather [hbm4b:s1+s28], $0x80, s8, s28, $0xb8;
	[tilespmem:$0x16800] =	vst v63  }
0x397: {  	_ =	swait.ge [sflag:s11], $0x4000  }
0x398: {  	[sflag:s11] =	ssyncset.done $0x0  }
0x399: {  	[sflag:s11] =	ssyncadd.s32 $0xFFFFC000  }
0x39a: {  	[spmem:s2] =	stream.indirect.scatter.add.f32 [tilespmem:s31], [sflag:$0x5], $0x80, s7, s28, $0xb8;
	[tilespmem:$0x16800] =	vst v63  }
0x39b: {  	_ =	swait.ge [sflag:s20], $0x4000  }
0x39c: {  	[sflag:s20] =	ssyncset.done $0x0  }
0x39d: {  	[sflag:s20] =	ssyncadd.s32 $0xFFFFC000  }
0x39e: {  	[tilespmem:s31], [sflag:$0x3] =	stream.indirect.gather [hbm4b:s1+s28], $0x80, s10, s28, $0xb8;
	[tilespmem:$0x16800] =	vst v63  }
0x39f: {  	_ =	swait.ge [sflag:s0], $0x4000  }
0x3a0: {  	[sflag:s0] =	ssyncset.done $0x0  }
0x3a1: {  	[sflag:s0] =	ssyncadd.s32 $0xFFFFC000  }
0x3a2: {  	[spmem:s2] =	stream.indirect.scatter.add.f32 [tilespmem:s19], [sflag:$0x5], $0x80, s12, s28, $0xb8;
	[tilespmem:$0x16800] =	vst v63  }
0x3a3: {  	_ =	swait.ge [sflag:s20], $0x4000  }
0x3a4: {  	[sflag:s20] =	ssyncset.done $0x0  }
0x3a5: {  	[sflag:s20] =	ssyncadd.s32 $0xFFFFC000  }
0x3a6: {  	[tilespmem:s19], [sflag:$0x1] =	stream.indirect.gather [hbm4b:s1+s28], $0x80, s25, s28, $0xb8;
	[tilespmem:$0x16800] =	vst v63  }
0x3a7: {  	_ =	swait.ge [sflag:s13], $0x4000  }
0x3a8: {  	[sflag:s13] =	ssyncset.done $0x0  }
0x3a9: {  	[sflag:s13] =	ssyncadd.s32 $0xFFFFC000  }
0x3aa: {  	[spmem:s2] =	stream.indirect.scatter.add.f32 [tilespmem:s29], [sflag:$0x5], $0x80, s26, s28, $0xb8;
	[tilespmem:$0x16800] =	vst v63  }
0x3ab: {  	_ =	swait.ge [sflag:s20], $0x4000  }
0x3ac: {  	[sflag:s20] =	ssyncset.done $0x0  }
0x3ad: {  	[sflag:s20] =	ssyncadd.s32 $0xFFFFC000  }
0x3ae: {  	[tilespmem:s29], [sflag:$0x2] =	stream.indirect.gather [hbm4b:s1+s28], $0x80, s24, s28, $0xb8;
	[tilespmem:$0x16800] =	vst v63  }
0x3af: {  	_ =	swait.ge [sflag:s11], $0x4000  }
0x3b0: {  	[sflag:s11] =	ssyncset.done $0x0  }
0x3b1: {  	s18 =	simm.s32 $0x680;
	[sflag:s11] =	ssyncadd.s32 $0xFFFFC000  }
0x3b2: {  	[spmem:s2] =	stream.indirect.scatter.add.f32 [tilespmem:s31], [sflag:$0x5], $0x80, s18, s28, $0xb8;
	[tilespmem:$0x16800] =	vst v63  }
0x3b3: {  	_ =	swait.ge [sflag:s20], $0x4000  }
0x3b4: {  	[sflag:s20] =	ssyncset.done $0x0  }
0x3b5: {  	[sflag:s20] =	ssyncadd.s32 $0xFFFFC000  }
0x3b6: {  	_ =	swait.ge [sflag:s0], $0x4000  }
0x3b7: {  	[sflag:s0] =	ssyncset.done $0x0  }
0x3b8: {  	s24 =	simm.s32 $0x700;
	[sflag:s0] =	ssyncadd.s32 $0xFFFFC000  }
0x3b9: {  	[spmem:s2] =	stream.indirect.scatter.add.f32 [tilespmem:s19], [sflag:$0x5], $0x80, s24, s28, $0xb8;
	[tilespmem:$0x16800] =	vst v63  }
0x3ba: {  	_ =	swait.ge [sflag:s20], $0x4000  }
0x3bb: {  	[sflag:s20] =	ssyncset.done $0x0  }
0x3bc: {  	s22 =	smov.u32 s15;
	[sflag:s20] =	ssyncadd.s32 $0xFFFFC000  }
0x3bd: {  	s5 =	simm.s32 $0x500;
	s9 =	simm.s32 $0x580;
	_ =	swait.ge [sflag:s13], $0x4000  }
0x3be: {  	s14 =	simm.s32 $0x480;
	s4 =	simm.s32 $0x780;
	[sflag:s13] =	ssyncset.done $0x0  }
0x3bf: {  	s7 =	simm.s32 $0x700;
	s25 =	simm.s32 $0x780;
	[sflag:s13] =	ssyncadd.s32 $0xFFFFC000  }
0x3c0: {  	[spmem:s2] =	stream.indirect.scatter.add.f32 [tilespmem:s29], [sflag:$0x5], $0x80, s25, s28, $0xb8;
	[tilespmem:$0x16800] =	vst v63  }
0x3c1: {  	s12 =	simm.s32 $0x600;
	s26 =	simm.s32 $0x680;
	_ =	swait.ge [sflag:s20], $0x4000  }
0x3c2: {  	s18 =	simm.s32 $0x80;
	s24 =	simm.s32 $0x100;
	[sflag:s20] =	ssyncset.done $0x0  }
.LBB2_8:
0x3c3: {  	s17 =	sadd.s32 s18, s22;
	[sflag:s20] =	ssyncadd.s32 $0xFFFFC000;
	s25 =	smov.u32 s24  }
0x3c4: {  	s22 =	sadd.s32 $0x80, s24;
	p0 =	sne.s32 s24, $0x980;
	s10 =	simm.s32 $0x280  }
0x3c5: {  	[tilespmem:s3], [sflag:$0x5] =	stream.linear.gather [hbm4b:s17+s3], $0x400, $0x38;
	[tilespmem:$0x16800] =	vst v63  }
0x3c6: {  	s8 =	simm.s32 $0x200;
	s6 =	simm.s32 $0x180;
	_ =	swait.ge [sflag:s20], $0x400  }
0x3c7: {  	s16 =	simm.s32 $0x100;
	s17 =	sadd.s32 s18, s30;
	[sflag:s20] =	ssyncset.done $0x0  }
0x3c8: {  	s18 =	smov.u32 s25;
	s25 =	simm.s32 $0x300;
	[sflag:s20] =	ssyncadd.s32 $0xFFFFFC00  }
0x3c9: {  	[tilespmem:s21], [sflag:$0x5] =	stream.linear.gather [hbm4b:s17+s3], $0x400, $0x38;
	[tilespmem:$0x16800] =	vst v63  }
0x3ca: {  	_ =	swait.ge [sflag:s20], $0x400  }
0x3cb: {  	[sflag:s20] =	ssyncset.done $0x0  }
0x3cc: {  	[sflag:s20] =	ssyncadd.s32 $0xFFFFFC00  }
0x3cd: {  	[tilespmem:s19], [sflag:$0x1] =	stream.indirect.gather [hbm4b:s1+s28], $0x80, s3, s28, $0xb8;
	[tilespmem:$0x16800] =	vst v63  }
0x3ce: {  	_ = 	snop  }
0x3cf: {  	[tilespmem:s29], [sflag:$0x2] =	stream.indirect.gather [hbm4b:s1+s28], $0x80, s28, s28, $0xb8;
	[tilespmem:$0x16800] =	vst v63  }
0x3d0: {  	_ = 	snop  }
0x3d1: {  	[tilespmem:s31], [sflag:$0x3] =	stream.indirect.gather [hbm4b:s1+s28], $0x80, s16, s28, $0xb8;
	[tilespmem:$0x16800] =	vst v63  }
0x3d2: {  	_ =	swait.ge [sflag:s0], $0x4000  }
0x3d3: {  	[sflag:s0] =	ssyncset.done $0x0  }
0x3d4: {  	[sflag:s0] =	ssyncadd.s32 $0xFFFFC000  }
0x3d5: {  	[spmem:s2] =	stream.indirect.scatter.add.f32 [tilespmem:s19], [sflag:$0x5], $0x80, s21, s28, $0xb8;
	[tilespmem:$0x16800] =	vst v63  }
0x3d6: {  	_ =	swait.ge [sflag:s20], $0x4000  }
0x3d7: {  	[sflag:s20] =	ssyncset.done $0x0  }
0x3d8: {  	[sflag:s20] =	ssyncadd.s32 $0xFFFFC000  }
0x3d9: {  	[tilespmem:s19], [sflag:$0x1] =	stream.indirect.gather [hbm4b:s1+s28], $0x80, s6, s28, $0xb8;
	[tilespmem:$0x16800] =	vst v63  }
0x3da: {  	_ =	swait.ge [sflag:s13], $0x4000  }
0x3db: {  	[sflag:s13] =	ssyncset.done $0x0  }
0x3dc: {  	[sflag:s13] =	ssyncadd.s32 $0xFFFFC000  }
0x3dd: {  	[spmem:s2] =	stream.indirect.scatter.add.f32 [tilespmem:s29], [sflag:$0x5], $0x80, s14, s28, $0xb8;
	[tilespmem:$0x16800] =	vst v63  }
0x3de: {  	_ =	swait.ge [sflag:s20], $0x4000  }
0x3df: {  	[sflag:s20] =	ssyncset.done $0x0  }
0x3e0: {  	[sflag:s20] =	ssyncadd.s32 $0xFFFFC000  }
0x3e1: {  	[tilespmem:s29], [sflag:$0x2] =	stream.indirect.gather [hbm4b:s1+s28], $0x80, s8, s28, $0xb8;
	[tilespmem:$0x16800] =	vst v63  }
0x3e2: {  	_ =	swait.ge [sflag:s11], $0x4000  }
0x3e3: {  	[sflag:s11] =	ssyncset.done $0x0  }
0x3e4: {  	[sflag:s11] =	ssyncadd.s32 $0xFFFFC000  }
0x3e5: {  	[spmem:s2] =	stream.indirect.scatter.add.f32 [tilespmem:s31], [sflag:$0x5], $0x80, s5, s28, $0xb8;
	[tilespmem:$0x16800] =	vst v63  }
0x3e6: {  	_ =	swait.ge [sflag:s20], $0x4000  }
0x3e7: {  	[sflag:s20] =	ssyncset.done $0x0  }
0x3e8: {  	[sflag:s20] =	ssyncadd.s32 $0xFFFFC000  }
0x3e9: {  	[tilespmem:s31], [sflag:$0x3] =	stream.indirect.gather [hbm4b:s1+s28], $0x80, s10, s28, $0xb8;
	[tilespmem:$0x16800] =	vst v63  }
0x3ea: {  	_ =	swait.ge [sflag:s0], $0x4000  }
0x3eb: {  	[sflag:s0] =	ssyncset.done $0x0  }
0x3ec: {  	[sflag:s0] =	ssyncadd.s32 $0xFFFFC000  }
0x3ed: {  	[spmem:s2] =	stream.indirect.scatter.add.f32 [tilespmem:s19], [sflag:$0x5], $0x80, s9, s28, $0xb8;
	[tilespmem:$0x16800] =	vst v63  }
0x3ee: {  	_ =	swait.ge [sflag:s20], $0x4000  }
0x3ef: {  	[sflag:s20] =	ssyncset.done $0x0  }
0x3f0: {  	[sflag:s20] =	ssyncadd.s32 $0xFFFFC000  }
0x3f1: {  	[tilespmem:s19], [sflag:$0x1] =	stream.indirect.gather [hbm4b:s1+s28], $0x80, s25, s28, $0xb8;
	[tilespmem:$0x16800] =	vst v63  }
0x3f2: {  	_ =	swait.ge [sflag:s13], $0x4000  }
0x3f3: {  	[sflag:s13] =	ssyncset.done $0x0  }
0x3f4: {  	[sflag:s13] =	ssyncadd.s32 $0xFFFFC000  }
0x3f5: {  	[spmem:s2] =	stream.indirect.scatter.add.f32 [tilespmem:s29], [sflag:$0x5], $0x80, s12, s28, $0xb8;
	[tilespmem:$0x16800] =	vst v63  }
0x3f6: {  	_ =	swait.ge [sflag:s20], $0x4000  }
0x3f7: {  	[sflag:s20] =	ssyncset.done $0x0  }
0x3f8: {  	s17 =	simm.s32 $0x380;
	[sflag:s20] =	ssyncadd.s32 $0xFFFFC000  }
0x3f9: {  	[tilespmem:s29], [sflag:$0x2] =	stream.indirect.gather [hbm4b:s1+s28], $0x80, s17, s28, $0xb8;
	[tilespmem:$0x16800] =	vst v63  }
0x3fa: {  	_ =	swait.ge [sflag:s11], $0x4000  }
0x3fb: {  	[sflag:s11] =	ssyncset.done $0x0  }
0x3fc: {  	[sflag:s11] =	ssyncadd.s32 $0xFFFFC000  }
0x3fd: {  	[spmem:s2] =	stream.indirect.scatter.add.f32 [tilespmem:s31], [sflag:$0x5], $0x80, s26, s28, $0xb8;
	[tilespmem:$0x16800] =	vst v63  }
0x3fe: {  	_ =	swait.ge [sflag:s20], $0x4000  }
0x3ff: {  	[sflag:s20] =	ssyncset.done $0x0  }
0x400: {  	[sflag:s20] =	ssyncadd.s32 $0xFFFFC000  }
0x401: {  	_ =	swait.ge [sflag:s0], $0x4000  }
0x402: {  	[sflag:s0] =	ssyncset.done $0x0  }
0x403: {  	[sflag:s0] =	ssyncadd.s32 $0xFFFFC000  }
0x404: {  	[spmem:s2] =	stream.indirect.scatter.add.f32 [tilespmem:s19], [sflag:$0x5], $0x80, s7, s28, $0xb8;
	[tilespmem:$0x16800] =	vst v63  }
0x405: {  	_ =	swait.ge [sflag:s20], $0x4000  }
0x406: {  	[sflag:s20] =	ssyncset.done $0x0  }
0x407: {  	[sflag:s20] =	ssyncadd.s32 $0xFFFFC000  }
0x408: {  	_ =	swait.ge [sflag:s13], $0x4000  }
.Ltmp3:
0x409: {  	[sflag:s13] =	ssyncset.done $0x0;
	(pc) =	sbr.rel @p0 .LBB2_8-.Ltmp3, $4  }
0x40a: {  	[sflag:s13] =	ssyncadd.s32 $0xFFFFC000  }
0x40b: {  	[spmem:s2] =	stream.indirect.scatter.add.f32 [tilespmem:s29], [sflag:$0x5], $0x80, s4, s28, $0xb8;
	[tilespmem:$0x16800] =	vst v63  }
0x40c: {  	_ =	swait.ge [sflag:s20], $0x4000  }
0x40d: {  	s24 =	smov.u32 s22;
	s22 =	smov.u32 s15;
	[sflag:s20] =	ssyncset.done $0x0  }
0x40e: {  	s17 =	sadd.s32 s18, s22;
	[sflag:s20] =	ssyncadd.s32 $0xFFFFC000  }
0x40f: {  	[tilespmem:s3], [sflag:$0x5] =	stream.linear.gather [hbm4b:s17+s3], $0x400, $0x38;
	[tilespmem:$0x16800] =	vst v63  }
0x410: {  	_ =	swait.ge [sflag:s20], $0x400  }
0x411: {  	[sflag:s20] =	ssyncset.done $0x0  }
0x412: {  	s22 =	sadd.s32 s18, s30;
	[sflag:s20] =	ssyncadd.s32 $0xFFFFFC00  }
0x413: {  	[tilespmem:s21], [sflag:$0x5] =	stream.linear.gather [hbm4b:s22+s3], $0x400, $0x38;
	[tilespmem:$0x16800] =	vst v63  }
0x414: {  	_ =	swait.ge [sflag:s20], $0x400  }
0x415: {  	[sflag:s20] =	ssyncset.done $0x0  }
0x416: {  	[sflag:s20] =	ssyncadd.s32 $0xFFFFFC00  }
0x417: {  	[tilespmem:s19], [sflag:$0x1] =	stream.indirect.gather [hbm4b:s1+s28], $0x80, s3, s28, $0xb8;
	[tilespmem:$0x16800] =	vst v63  }
0x418: {  	_ = 	snop  }
0x419: {  	[tilespmem:s29], [sflag:$0x2] =	stream.indirect.gather [hbm4b:s1+s28], $0x80, s28, s28, $0xb8;
	[tilespmem:$0x16800] =	vst v63  }
0x41a: {  	_ = 	snop  }
0x41b: {  	[tilespmem:s31], [sflag:$0x3] =	stream.indirect.gather [hbm4b:s1+s28], $0x80, s16, s28, $0xb8;
	[tilespmem:$0x16800] =	vst v63  }
0x41c: {  	_ =	swait.ge [sflag:s0], $0x4000  }
0x41d: {  	[sflag:s0] =	ssyncset.done $0x0  }
0x41e: {  	[sflag:s0] =	ssyncadd.s32 $0xFFFFC000  }
0x41f: {  	[spmem:s2] =	stream.indirect.scatter.add.f32 [tilespmem:s19], [sflag:$0x5], $0x80, s21, s28, $0xb8;
	[tilespmem:$0x16800] =	vst v63  }
0x420: {  	_ =	swait.ge [sflag:s20], $0x4000  }
0x421: {  	[sflag:s20] =	ssyncset.done $0x0  }
0x422: {  	[sflag:s20] =	ssyncadd.s32 $0xFFFFC000  }
0x423: {  	[tilespmem:s19], [sflag:$0x1] =	stream.indirect.gather [hbm4b:s1+s28], $0x80, s6, s28, $0xb8;
	[tilespmem:$0x16800] =	vst v63  }
0x424: {  	_ =	swait.ge [sflag:s13], $0x4000  }
0x425: {  	[sflag:s13] =	ssyncset.done $0x0  }
0x426: {  	s14 =	simm.s32 $0x480;
	[sflag:s13] =	ssyncadd.s32 $0xFFFFC000  }
0x427: {  	[spmem:s2] =	stream.indirect.scatter.add.f32 [tilespmem:s29], [sflag:$0x5], $0x80, s14, s28, $0xb8;
	[tilespmem:$0x16800] =	vst v63  }
0x428: {  	_ =	swait.ge [sflag:s20], $0x4000  }
0x429: {  	[sflag:s20] =	ssyncset.done $0x0  }
0x42a: {  	[sflag:s20] =	ssyncadd.s32 $0xFFFFC000  }
0x42b: {  	[tilespmem:s29], [sflag:$0x2] =	stream.indirect.gather [hbm4b:s1+s28], $0x80, s8, s28, $0xb8;
	[tilespmem:$0x16800] =	vst v63  }
0x42c: {  	_ =	swait.ge [sflag:s11], $0x4000  }
0x42d: {  	[sflag:s11] =	ssyncset.done $0x0  }
0x42e: {  	s8 =	simm.s32 $0x500;
	[sflag:s11] =	ssyncadd.s32 $0xFFFFC000  }
0x42f: {  	[spmem:s2] =	stream.indirect.scatter.add.f32 [tilespmem:s31], [sflag:$0x5], $0x80, s8, s28, $0xb8;
	[tilespmem:$0x16800] =	vst v63  }
0x430: {  	_ =	swait.ge [sflag:s20], $0x4000  }
0x431: {  	[sflag:s20] =	ssyncset.done $0x0  }
0x432: {  	[sflag:s20] =	ssyncadd.s32 $0xFFFFC000  }
0x433: {  	[tilespmem:s31], [sflag:$0x3] =	stream.indirect.gather [hbm4b:s1+s28], $0x80, s10, s28, $0xb8;
	[tilespmem:$0x16800] =	vst v63  }
0x434: {  	_ =	swait.ge [sflag:s0], $0x4000  }
0x435: {  	[sflag:s0] =	ssyncset.done $0x0  }
0x436: {  	s9 =	simm.s32 $0x580;
	[sflag:s0] =	ssyncadd.s32 $0xFFFFC000  }
0x437: {  	[spmem:s2] =	stream.indirect.scatter.add.f32 [tilespmem:s19], [sflag:$0x5], $0x80, s9, s28, $0xb8;
	[tilespmem:$0x16800] =	vst v63  }
0x438: {  	_ =	swait.ge [sflag:s20], $0x4000  }
0x439: {  	[sflag:s20] =	ssyncset.done $0x0  }
0x43a: {  	[sflag:s20] =	ssyncadd.s32 $0xFFFFC000  }
0x43b: {  	[tilespmem:s19], [sflag:$0x1] =	stream.indirect.gather [hbm4b:s1+s28], $0x80, s25, s28, $0xb8;
	[tilespmem:$0x16800] =	vst v63  }
0x43c: {  	_ =	swait.ge [sflag:s13], $0x4000  }
0x43d: {  	[sflag:s13] =	ssyncset.done $0x0  }
0x43e: {  	s10 =	simm.s32 $0x600;
	[sflag:s13] =	ssyncadd.s32 $0xFFFFC000  }
0x43f: {  	[spmem:s2] =	stream.indirect.scatter.add.f32 [tilespmem:s29], [sflag:$0x5], $0x80, s10, s28, $0xb8;
	[tilespmem:$0x16800] =	vst v63  }
0x440: {  	_ =	swait.ge [sflag:s20], $0x4000  }
0x441: {  	[sflag:s20] =	ssyncset.done $0x0  }
0x442: {  	s4 =	simm.s32 $0x380;
	[sflag:s20] =	ssyncadd.s32 $0xFFFFC000  }
0x443: {  	[tilespmem:s29], [sflag:$0x2] =	stream.indirect.gather [hbm4b:s1+s28], $0x80, s4, s28, $0xb8;
	[tilespmem:$0x16800] =	vst v63  }
0x444: {  	_ =	swait.ge [sflag:s11], $0x4000  }
0x445: {  	[sflag:s11] =	ssyncset.done $0x0  }
0x446: {  	s12 =	simm.s32 $0x680;
	[sflag:s11] =	ssyncadd.s32 $0xFFFFC000  }
0x447: {  	[spmem:s2] =	stream.indirect.scatter.add.f32 [tilespmem:s31], [sflag:$0x5], $0x80, s12, s28, $0xb8;
	[tilespmem:$0x16800] =	vst v63  }
0x448: {  	_ =	swait.ge [sflag:s20], $0x4000  }
0x449: {  	[sflag:s20] =	ssyncset.done $0x0  }
0x44a: {  	[sflag:s20] =	ssyncadd.s32 $0xFFFFC000  }
0x44b: {  	_ =	swait.ge [sflag:s0], $0x4000  }
0x44c: {  	[sflag:s0] =	ssyncset.done $0x0  }
0x44d: {  	s4 =	simm.s32 $0x700;
	[sflag:s0] =	ssyncadd.s32 $0xFFFFC000  }
0x44e: {  	[spmem:s2] =	stream.indirect.scatter.add.f32 [tilespmem:s19], [sflag:$0x5], $0x80, s4, s28, $0xb8;
	[tilespmem:$0x16800] =	vst v63  }
0x44f: {  	_ =	swait.ge [sflag:s20], $0x4000  }
0x450: {  	[sflag:s20] =	ssyncset.done $0x0  }
0x451: {  	[sflag:s20] =	ssyncadd.s32 $0xFFFFC000  }
0x452: {  	_ =	swait.ge [sflag:s13], $0x4000  }
0x453: {  	[sflag:s13] =	ssyncset.done $0x0  }
0x454: {  	s16 =	simm.s32 $0x780;
	[sflag:s13] =	ssyncadd.s32 $0xFFFFC000  }
0x455: {  	[spmem:s2] =	stream.indirect.scatter.add.f32 [tilespmem:s29], [sflag:$0x5], $0x80, s16, s28, $0xb8;
	[tilespmem:$0x16800] =	vst v63  }
0x456: {  	_ =	swait.ge [sflag:s20], $0x4000  }
0x457: {  	[sflag:s20] =	ssyncset.done $0x0  }
0x458: {  	[sflag:s20] =	ssyncadd.s32 $0xFFFFC000  }
0x459: {  	[bflag:$0x0] =	sbarrier.arrive $0xFFFF  }
0x45a: {  	s24 =	rddreg [dreg:$0x8]  }
0x45b: {  	[tilespmem:s19], [sflag:$0x5] =	stream.linear.gather [spmem:s24], $0x4000, $0x38;
	[tilespmem:$0x16800] =	vst v63  }
0x45c: {  	_ =	swait.ge [sflag:s20], $0x4000  }
0x45d: {  	s25 =	sld [smem:$0x7FA]  }
0x45e: {  	[sflag:s20] =	ssyncset.done $0x0  }
0x45f: {  	s17 =	simm.s32 $0x0;
	[sflag:s20] =	ssyncadd.s32 $0xFFFFC000  }
0x460: {  	[hbm4b:s25+s17] =	stream.linear.scatter [tilespmem:s19], [sflag:$0x5], $0x4000, $0x38;
	[tilespmem:$0x16800] =	vst v63  }
0x461: {  	_ =	swait.ge [sflag:s20], $0x4000  }
0x462: {  	[sflag:s20] =	ssyncset.done $0x0  }
0x463: {  	s26 =	rddreg [dreg:$0xd];
	[sflag:s20] =	ssyncadd.s32 $0xFFFFC000  }
0x464: {  	[tilespmem:s19], [sflag:$0x5] =	stream.linear.gather [spmem:s26], $0x4000, $0x38;
	[tilespmem:$0x16800] =	vst v63  }
0x465: {  	_ =	swait.ge [sflag:s20], $0x4000  }
0x466: {  	s5 =	sld [smem:$0x7FB]  }
0x467: {  	[sflag:s20] =	ssyncset.done $0x0  }
0x468: {  	[sflag:s20] =	ssyncadd.s32 $0xFFFFC000  }
0x469: {  	[hbm4b:s5+s17] =	stream.linear.scatter [tilespmem:s19], [sflag:$0x5], $0x4000, $0x38;
	[tilespmem:$0x16800] =	vst v63  }
0x46a: {  	_ =	swait.ge [sflag:s20], $0x4000  }
0x46b: {  	[sflag:s20] =	ssyncset.done $0x0  }
0x46c: {  	s6 =	rddreg [dreg:$0x1a];
	[sflag:s20] =	ssyncadd.s32 $0xFFFFC000  }
0x46d: {  	[tilespmem:s19], [sflag:$0x5] =	stream.linear.gather [spmem:s6], $0x2000, $0x38;
	[tilespmem:$0x16800] =	vst v63  }
0x46e: {  	_ =	swait.ge [sflag:s20], $0x2000  }
0x46f: {  	s7 =	sld [smem:$0x7FC]  }
0x470: {  	[sflag:s20] =	ssyncset.done $0x0  }
0x471: {  	[sflag:s20] =	ssyncadd.s32 $0xFFFFE000  }
0x472: {  	[hbm4b:s7+s17] =	stream.linear.scatter [tilespmem:s19], [sflag:$0x5], $0x2000, $0x38;
	[tilespmem:$0x16800] =	vst v63  }
0x473: {  	_ =	swait.ge [sflag:s20], $0x2000  }
0x474: {  	[sflag:s20] =	ssyncset.done $0x0  }
0x475: {  	[sflag:s20] =	ssyncadd.s32 $0xFFFFE000  }
0x476: {  	[bflag:$0x0] =	sbarrier.arrive $0xFFFF  }
0x477: {  	s15 =	rddreg [dreg:$0x6]  }
0x478: {  	[tilespmem:s19], [sflag:$0x5] =	stream.linear.gather [hbm4b:s15+s17], $0x2800, $0x38;
	[tilespmem:$0x16800] =	vst v63  }
0x479: {  	_ =	swait.ge [sflag:s20], $0x2800  }
0x47a: {  	[sflag:s20] =	ssyncset.done $0x0  }
0x47b: {  	[sflag:s20] =	ssyncadd.s32 $0xFFFFD800  }
0x47c: {  	[spmem:s24] =	stream.linear.scatter [tilespmem:s19], [sflag:$0x5], $0x2800, $0x38;
	[tilespmem:$0x16800] =	vst v63  }
0x47d: {  	_ =	swait.ge [sflag:s20], $0x2800  }
0x47e: {  	[sflag:s20] =	ssyncset.done $0x0  }
0x47f: {  	s22 =	rddreg [dreg:$0x9];
	[sflag:s20] =	ssyncadd.s32 $0xFFFFD800  }
0x480: {  	[spmem:s22] =	stream.linear.scatter [tilespmem:s19], [sflag:$0x5], $0x2800, $0x38;
	[tilespmem:$0x16800] =	vst v63  }
0x481: {  	_ =	swait.ge [sflag:s20], $0x2800  }
0x482: {  	[sflag:s20] =	ssyncset.done $0x0  }
0x483: {  	s24 =	rddreg [dreg:$0xa];
	[sflag:s20] =	ssyncadd.s32 $0xFFFFD800  }
0x484: {  	[spmem:s24] =	stream.linear.scatter [tilespmem:s19], [sflag:$0x5], $0x2800, $0x38;
	[tilespmem:$0x16800] =	vst v63  }
0x485: {  	_ =	swait.ge [sflag:s20], $0x2800  }
0x486: {  	[sflag:s20] =	ssyncset.done $0x0  }
0x487: {  	s25 =	rddreg [dreg:$0xb];
	[sflag:s20] =	ssyncadd.s32 $0xFFFFD800  }
0x488: {  	[spmem:s25] =	stream.linear.scatter [tilespmem:s19], [sflag:$0x5], $0x2800, $0x38;
	[tilespmem:$0x16800] =	vst v63  }
0x489: {  	_ =	swait.ge [sflag:s20], $0x2800  }
0x48a: {  	[sflag:s20] =	ssyncset.done $0x0  }
0x48b: {  	s25 =	rddreg [dreg:$0x7];
	[sflag:s20] =	ssyncadd.s32 $0xFFFFD800  }
0x48c: {  	[tilespmem:s19], [sflag:$0x5] =	stream.linear.gather [hbm4b:s25+s17], $0x4000, $0x38;
	[tilespmem:$0x16800] =	vst v63  }
0x48d: {  	_ =	swait.ge [sflag:s20], $0x4000  }
0x48e: {  	[sflag:s20] =	ssyncset.done $0x0  }
0x48f: {  	[sflag:s20] =	ssyncadd.s32 $0xFFFFC000  }
0x490: {  	[bflag:$0x0] =	sbarrier.arrive $0xFFFF  }
0x491: {  	s30 =	rddreg [dreg:$0x17]  }
0x492: {  	s26 =	sadd.s32 $0x0, s30  }
0x493: {  	[tilespmem:s21], [sflag:$0x5] =	stream.linear.gather [hbm4b:s26+s3], $0x400, $0x38;
	[tilespmem:$0x16800] =	vst v63  }
0x494: {  	_ =	swait.ge [sflag:s20], $0x400  }
0x495: {  	[sflag:s20] =	ssyncset.done $0x0  }
0x496: {  	[sflag:s20] =	ssyncadd.s32 $0xFFFFFC00  }
0x497: {  	[spmem:s2] =	stream.indirect.scatter.add.f32 [tilespmem:s19], [sflag:$0x4], $0x80, s21, s28, $0xb8;
	[tilespmem:$0x16800] =	vst v63  }
0x498: {  	_ = 	snop  }
0x499: {  	[spmem:s2] =	stream.indirect.scatter.add.f32 [tilespmem:s19], [sflag:$0x4], $0x80, s14, s28, $0xb8;
	[tilespmem:$0x16800] =	vst v63  }
0x49a: {  	_ = 	snop  }
0x49b: {  	[spmem:s2] =	stream.indirect.scatter.add.f32 [tilespmem:s19], [sflag:$0x4], $0x80, s8, s28, $0xb8;
	[tilespmem:$0x16800] =	vst v63  }
0x49c: {  	_ = 	snop  }
0x49d: {  	[spmem:s2] =	stream.indirect.scatter.add.f32 [tilespmem:s19], [sflag:$0x4], $0x80, s9, s28, $0xb8;
	[tilespmem:$0x16800] =	vst v63  }
0x49e: {  	_ = 	snop  }
0x49f: {  	[spmem:s2] =	stream.indirect.scatter.add.f32 [tilespmem:s19], [sflag:$0x4], $0x80, s10, s28, $0xb8;
	[tilespmem:$0x16800] =	vst v63  }
0x4a0: {  	_ = 	snop  }
0x4a1: {  	[spmem:s2] =	stream.indirect.scatter.add.f32 [tilespmem:s19], [sflag:$0x4], $0x80, s12, s28, $0xb8;
	[tilespmem:$0x16800] =	vst v63  }
0x4a2: {  	_ = 	snop  }
0x4a3: {  	[spmem:s2] =	stream.indirect.scatter.add.f32 [tilespmem:s19], [sflag:$0x4], $0x80, s4, s28, $0xb8;
	[tilespmem:$0x16800] =	vst v63  }
0x4a4: {  	_ = 	snop  }
0x4a5: {  	[spmem:s2] =	stream.indirect.scatter.add.f32 [tilespmem:s19], [sflag:$0x4], $0x80, s16, s28, $0xb8;
	[tilespmem:$0x16800] =	vst v63  }
0x4a6: {  	_ =	swait.ge [sflag:s23], $0x4000  }
0x4a7: {  	[sflag:s23] =	ssyncset.done $0x0  }
0x4a8: {  	[sflag:s23] =	ssyncadd.s32 $0xFFFFC000  }
0x4a9: {  	_ =	swait.ge [sflag:s23], $0x4000  }
0x4aa: {  	[sflag:s23] =	ssyncset.done $0x0  }
0x4ab: {  	[sflag:s23] =	ssyncadd.s32 $0xFFFFC000  }
0x4ac: {  	_ =	swait.ge [sflag:s23], $0x4000  }
0x4ad: {  	[sflag:s23] =	ssyncset.done $0x0  }
0x4ae: {  	[sflag:s23] =	ssyncadd.s32 $0xFFFFC000  }
0x4af: {  	_ =	swait.ge [sflag:s23], $0x4000  }
0x4b0: {  	[sflag:s23] =	ssyncset.done $0x0  }
0x4b1: {  	[sflag:s23] =	ssyncadd.s32 $0xFFFFC000  }
0x4b2: {  	_ =	swait.ge [sflag:s23], $0x4000  }
0x4b3: {  	[sflag:s23] =	ssyncset.done $0x0  }
0x4b4: {  	[sflag:s23] =	ssyncadd.s32 $0xFFFFC000  }
0x4b5: {  	_ =	swait.ge [sflag:s23], $0x4000  }
0x4b6: {  	[sflag:s23] =	ssyncset.done $0x0  }
0x4b7: {  	[sflag:s23] =	ssyncadd.s32 $0xFFFFC000  }
0x4b8: {  	s18 =	simm.s32 $0x80;
	_ =	swait.ge [sflag:s23], $0x4000  }
0x4b9: {  	s5 =	simm.s32 $0x500;
	s6 =	simm.s32 $0x480;
	[sflag:s23] =	ssyncset.done $0x0  }
0x4ba: {  	s7 =	simm.s32 $0x700;
	s24 =	simm.s32 $0x100;
	[sflag:s23] =	ssyncadd.s32 $0xFFFFC000  }
0x4bb: {  	s8 =	simm.s32 $0x580;
	s9 =	simm.s32 $0x600;
	_ =	swait.ge [sflag:s23], $0x4000  }
0x4bc: {  	s10 =	simm.s32 $0x680;
	s4 =	simm.s32 $0x780;
	[sflag:s23] =	ssyncset.done $0x0  }
.LBB2_10:
0x4bd: {  	s17 =	sadd.s32 s18, s30  }
0x4be: {  	[sflag:s23] =	ssyncadd.s32 $0xFFFFC000;
	s18 =	smov.u32 s24;
	s22 =	sadd.s32 $0x80, s24  }
0x4bf: {  	[tilespmem:s21], [sflag:$0x5] =	stream.linear.gather [hbm4b:s17+s3], $0x400, $0x38;
	[tilespmem:$0x16800] =	vst v63  }
0x4c0: {  	p0 =	sne.s32 s24, $0x480;
	_ =	swait.ge [sflag:s20], $0x400  }
0x4c1: {  	[sflag:s20] =	ssyncset.done $0x0  }
0x4c2: {  	[sflag:s20] =	ssyncadd.s32 $0xFFFFFC00  }
0x4c3: {  	[spmem:s2] =	stream.indirect.scatter.add.f32 [tilespmem:s19], [sflag:$0x4], $0x80, s21, s28, $0xb8;
	[tilespmem:$0x16800] =	vst v63  }
0x4c4: {  	_ = 	snop  }
0x4c5: {  	[spmem:s2] =	stream.indirect.scatter.add.f32 [tilespmem:s19], [sflag:$0x4], $0x80, s6, s28, $0xb8;
	[tilespmem:$0x16800] =	vst v63  }
0x4c6: {  	_ = 	snop  }
0x4c7: {  	[spmem:s2] =	stream.indirect.scatter.add.f32 [tilespmem:s19], [sflag:$0x4], $0x80, s5, s28, $0xb8;
	[tilespmem:$0x16800] =	vst v63  }
0x4c8: {  	_ = 	snop  }
0x4c9: {  	[spmem:s2] =	stream.indirect.scatter.add.f32 [tilespmem:s19], [sflag:$0x4], $0x80, s8, s28, $0xb8;
	[tilespmem:$0x16800] =	vst v63  }
0x4ca: {  	_ = 	snop  }
0x4cb: {  	[spmem:s2] =	stream.indirect.scatter.add.f32 [tilespmem:s19], [sflag:$0x4], $0x80, s9, s28, $0xb8;
	[tilespmem:$0x16800] =	vst v63  }
0x4cc: {  	_ = 	snop  }
0x4cd: {  	[spmem:s2] =	stream.indirect.scatter.add.f32 [tilespmem:s19], [sflag:$0x4], $0x80, s10, s28, $0xb8;
	[tilespmem:$0x16800] =	vst v63  }
0x4ce: {  	_ = 	snop  }
0x4cf: {  	[spmem:s2] =	stream.indirect.scatter.add.f32 [tilespmem:s19], [sflag:$0x4], $0x80, s7, s28, $0xb8;
	[tilespmem:$0x16800] =	vst v63  }
0x4d0: {  	_ = 	snop  }
0x4d1: {  	[spmem:s2] =	stream.indirect.scatter.add.f32 [tilespmem:s19], [sflag:$0x4], $0x80, s4, s28, $0xb8;
	[tilespmem:$0x16800] =	vst v63  }
0x4d2: {  	_ =	swait.ge [sflag:s23], $0x4000  }
0x4d3: {  	[sflag:s23] =	ssyncset.done $0x0  }
0x4d4: {  	[sflag:s23] =	ssyncadd.s32 $0xFFFFC000  }
0x4d5: {  	_ =	swait.ge [sflag:s23], $0x4000  }
0x4d6: {  	[sflag:s23] =	ssyncset.done $0x0  }
0x4d7: {  	[sflag:s23] =	ssyncadd.s32 $0xFFFFC000  }
0x4d8: {  	_ =	swait.ge [sflag:s23], $0x4000  }
0x4d9: {  	[sflag:s23] =	ssyncset.done $0x0  }
0x4da: {  	[sflag:s23] =	ssyncadd.s32 $0xFFFFC000  }
0x4db: {  	_ =	swait.ge [sflag:s23], $0x4000  }
0x4dc: {  	[sflag:s23] =	ssyncset.done $0x0  }
0x4dd: {  	[sflag:s23] =	ssyncadd.s32 $0xFFFFC000  }
0x4de: {  	_ =	swait.ge [sflag:s23], $0x4000  }
0x4df: {  	[sflag:s23] =	ssyncset.done $0x0  }
0x4e0: {  	[sflag:s23] =	ssyncadd.s32 $0xFFFFC000  }
0x4e1: {  	_ =	swait.ge [sflag:s23], $0x4000  }
0x4e2: {  	[sflag:s23] =	ssyncset.done $0x0  }
0x4e3: {  	[sflag:s23] =	ssyncadd.s32 $0xFFFFC000  }
.Ltmp4:
0x4e4: {  	_ =	swait.ge [sflag:s23], $0x4000;
	(pc) =	sbr.rel @p0 .LBB2_10-.Ltmp4, $4  }
0x4e5: {  	[sflag:s23] =	ssyncset.done $0x0  }
0x4e6: {  	[sflag:s23] =	ssyncadd.s32 $0xFFFFC000  }
0x4e7: {  	_ =	swait.ge [sflag:s23], $0x4000  }
0x4e8: {  	s24 =	smov.u32 s22;
	[sflag:s23] =	ssyncset.done $0x0  }
0x4e9: {  	s17 =	sadd.s32 s18, s30;
	[sflag:s23] =	ssyncadd.s32 $0xFFFFC000  }
0x4ea: {  	[tilespmem:s21], [sflag:$0x5] =	stream.linear.gather [hbm4b:s17+s3], $0x400, $0x38;
	[tilespmem:$0x16800] =	vst v63  }
0x4eb: {  	_ =	swait.ge [sflag:s20], $0x400  }
0x4ec: {  	[sflag:s20] =	ssyncset.done $0x0  }
0x4ed: {  	[sflag:s20] =	ssyncadd.s32 $0xFFFFFC00  }
0x4ee: {  	[spmem:s2] =	stream.indirect.scatter.add.f32 [tilespmem:s19], [sflag:$0x4], $0x80, s21, s28, $0xb8;
	[tilespmem:$0x16800] =	vst v63  }
0x4ef: {  	s8 =	simm.s32 $0x480  }
0x4f0: {  	[spmem:s2] =	stream.indirect.scatter.add.f32 [tilespmem:s19], [sflag:$0x4], $0x80, s8, s28, $0xb8;
	[tilespmem:$0x16800] =	vst v63  }
0x4f1: {  	s5 =	simm.s32 $0x500  }
0x4f2: {  	[spmem:s2] =	stream.indirect.scatter.add.f32 [tilespmem:s19], [sflag:$0x4], $0x80, s5, s28, $0xb8;
	[tilespmem:$0x16800] =	vst v63  }
0x4f3: {  	s9 =	simm.s32 $0x580  }
0x4f4: {  	[spmem:s2] =	stream.indirect.scatter.add.f32 [tilespmem:s19], [sflag:$0x4], $0x80, s9, s28, $0xb8;
	[tilespmem:$0x16800] =	vst v63  }
0x4f5: {  	s10 =	simm.s32 $0x600  }
0x4f6: {  	[spmem:s2] =	stream.indirect.scatter.add.f32 [tilespmem:s19], [sflag:$0x4], $0x80, s10, s28, $0xb8;
	[tilespmem:$0x16800] =	vst v63  }
0x4f7: {  	s16 =	simm.s32 $0x680  }
0x4f8: {  	[spmem:s2] =	stream.indirect.scatter.add.f32 [tilespmem:s19], [sflag:$0x4], $0x80, s16, s28, $0xb8;
	[tilespmem:$0x16800] =	vst v63  }
0x4f9: {  	s7 =	simm.s32 $0x700  }
0x4fa: {  	[spmem:s2] =	stream.indirect.scatter.add.f32 [tilespmem:s19], [sflag:$0x4], $0x80, s7, s28, $0xb8;
	[tilespmem:$0x16800] =	vst v63  }
0x4fb: {  	s4 =	simm.s32 $0x780  }
0x4fc: {  	[spmem:s2] =	stream.indirect.scatter.add.f32 [tilespmem:s19], [sflag:$0x4], $0x80, s4, s28, $0xb8;
	[tilespmem:$0x16800] =	vst v63  }
0x4fd: {  	_ =	swait.ge [sflag:s23], $0x4000  }
0x4fe: {  	[sflag:s23] =	ssyncset.done $0x0  }
0x4ff: {  	[sflag:s23] =	ssyncadd.s32 $0xFFFFC000  }
0x500: {  	_ =	swait.ge [sflag:s23], $0x4000  }
0x501: {  	[sflag:s23] =	ssyncset.done $0x0  }
0x502: {  	[sflag:s23] =	ssyncadd.s32 $0xFFFFC000  }
0x503: {  	_ =	swait.ge [sflag:s23], $0x4000  }
0x504: {  	[sflag:s23] =	ssyncset.done $0x0  }
0x505: {  	[sflag:s23] =	ssyncadd.s32 $0xFFFFC000  }
0x506: {  	_ =	swait.ge [sflag:s23], $0x4000  }
0x507: {  	[sflag:s23] =	ssyncset.done $0x0  }
0x508: {  	[sflag:s23] =	ssyncadd.s32 $0xFFFFC000  }
0x509: {  	_ =	swait.ge [sflag:s23], $0x4000  }
0x50a: {  	[sflag:s23] =	ssyncset.done $0x0  }
0x50b: {  	[sflag:s23] =	ssyncadd.s32 $0xFFFFC000  }
0x50c: {  	_ =	swait.ge [sflag:s23], $0x4000  }
0x50d: {  	[sflag:s23] =	ssyncset.done $0x0  }
0x50e: {  	[sflag:s23] =	ssyncadd.s32 $0xFFFFC000  }
0x50f: {  	_ =	swait.ge [sflag:s23], $0x4000  }
0x510: {  	[sflag:s23] =	ssyncset.done $0x0  }
0x511: {  	[sflag:s23] =	ssyncadd.s32 $0xFFFFC000  }
0x512: {  	_ =	swait.ge [sflag:s23], $0x4000  }
0x513: {  	[sflag:s23] =	ssyncset.done $0x0  }
0x514: {  	[sflag:s23] =	ssyncadd.s32 $0xFFFFC000  }
0x515: {  	[bflag:$0x0] =	sbarrier.arrive $0xFFFF  }
0x516: {  	s22 =	rddreg [dreg:$0x8]  }
0x517: {  	[tilespmem:s19], [sflag:$0x5] =	stream.linear.gather [spmem:s22], $0x4000, $0x38;
	[tilespmem:$0x16800] =	vst v63  }
0x518: {  	_ =	swait.ge [sflag:s20], $0x4000  }
0x519: {  	[sflag:s20] =	ssyncset.done $0x0  }
0x51a: {  	s17 =	simm.s32 $0x0;
	s26 =	rddreg [dreg:$0x10];
	[sflag:s20] =	ssyncadd.s32 $0xFFFFC000  }
0x51b: {  	[hbm4b:s26+s17] =	stream.linear.scatter [tilespmem:s19], [sflag:$0x5], $0x4000, $0x38;
	[tilespmem:$0x16800] =	vst v63  }
0x51c: {  	_ =	swait.ge [sflag:s20], $0x4000  }
0x51d: {  	[sflag:s20] =	ssyncset.done $0x0  }
0x51e: {  	s30 =	rddreg [dreg:$0xd];
	[sflag:s20] =	ssyncadd.s32 $0xFFFFC000  }
0x51f: {  	[tilespmem:s19], [sflag:$0x5] =	stream.linear.gather [spmem:s30], $0x4000, $0x38;
	[tilespmem:$0x16800] =	vst v63  }
0x520: {  	_ =	swait.ge [sflag:s20], $0x4000  }
0x521: {  	[sflag:s20] =	ssyncset.done $0x0  }
0x522: {  	s6 =	rddreg [dreg:$0x11];
	[sflag:s20] =	ssyncadd.s32 $0xFFFFC000  }
0x523: {  	[hbm4b:s6+s17] =	stream.linear.scatter [tilespmem:s19], [sflag:$0x5], $0x4000, $0x38;
	[tilespmem:$0x16800] =	vst v63  }
0x524: {  	_ =	swait.ge [sflag:s20], $0x4000  }
0x525: {  	[sflag:s20] =	ssyncset.done $0x0  }
0x526: {  	s12 =	rddreg [dreg:$0x1a];
	[sflag:s20] =	ssyncadd.s32 $0xFFFFC000  }
0x527: {  	[tilespmem:s19], [sflag:$0x5] =	stream.linear.gather [spmem:s12], $0x2000, $0x38;
	[tilespmem:$0x16800] =	vst v63  }
0x528: {  	_ =	swait.ge [sflag:s20], $0x2000  }
0x529: {  	[sflag:s20] =	ssyncset.done $0x0  }
0x52a: {  	s14 =	rddreg [dreg:$0x12];
	[sflag:s20] =	ssyncadd.s32 $0xFFFFE000  }
0x52b: {  	[hbm4b:s14+s17] =	stream.linear.scatter [tilespmem:s19], [sflag:$0x5], $0x2000, $0x38;
	[tilespmem:$0x16800] =	vst v63  }
0x52c: {  	_ =	swait.ge [sflag:s20], $0x2000  }
0x52d: {  	[sflag:s20] =	ssyncset.done $0x0  }
0x52e: {  	[sflag:s20] =	ssyncadd.s32 $0xFFFFE000  }
0x52f: {  	[bflag:$0x0] =	sbarrier.arrive $0xFFFF  }
0x530: {  	s15 =	rddreg [dreg:$0x6]  }
0x531: {  	[tilespmem:s19], [sflag:$0x5] =	stream.linear.gather [hbm4b:s15+s17], $0x2800, $0x38;
	[tilespmem:$0x16800] =	vst v63  }
0x532: {  	_ =	swait.ge [sflag:s20], $0x2800  }
0x533: {  	[sflag:s20] =	ssyncset.done $0x0  }
0x534: {  	[sflag:s20] =	ssyncadd.s32 $0xFFFFD800  }
0x535: {  	[spmem:s22] =	stream.linear.scatter [tilespmem:s19], [sflag:$0x5], $0x2800, $0x38;
	[tilespmem:$0x16800] =	vst v63  }
0x536: {  	_ =	swait.ge [sflag:s20], $0x2800  }
0x537: {  	[sflag:s20] =	ssyncset.done $0x0  }
0x538: {  	s22 =	rddreg [dreg:$0x9];
	[sflag:s20] =	ssyncadd.s32 $0xFFFFD800  }
0x539: {  	[spmem:s22] =	stream.linear.scatter [tilespmem:s19], [sflag:$0x5], $0x2800, $0x38;
	[tilespmem:$0x16800] =	vst v63  }
0x53a: {  	_ =	swait.ge [sflag:s20], $0x2800  }
0x53b: {  	[sflag:s20] =	ssyncset.done $0x0  }
0x53c: {  	s24 =	rddreg [dreg:$0xa];
	[sflag:s20] =	ssyncadd.s32 $0xFFFFD800  }
0x53d: {  	[spmem:s24] =	stream.linear.scatter [tilespmem:s19], [sflag:$0x5], $0x2800, $0x38;
	[tilespmem:$0x16800] =	vst v63  }
0x53e: {  	_ =	swait.ge [sflag:s20], $0x2800  }
0x53f: {  	[sflag:s20] =	ssyncset.done $0x0  }
0x540: {  	s26 =	rddreg [dreg:$0xb];
	[sflag:s20] =	ssyncadd.s32 $0xFFFFD800  }
0x541: {  	[spmem:s26] =	stream.linear.scatter [tilespmem:s19], [sflag:$0x5], $0x2800, $0x38;
	[tilespmem:$0x16800] =	vst v63  }
0x542: {  	_ =	swait.ge [sflag:s20], $0x2800  }
0x543: {  	[sflag:s20] =	ssyncset.done $0x0  }
0x544: {  	[sflag:s20] =	ssyncadd.s32 $0xFFFFD800  }
0x545: {  	[tilespmem:s19], [sflag:$0x5] =	stream.linear.gather [hbm4b:s25+s17], $0x4000, $0x38;
	[tilespmem:$0x16800] =	vst v63  }
0x546: {  	_ =	swait.ge [sflag:s20], $0x4000  }
0x547: {  	[sflag:s20] =	ssyncset.done $0x0  }
0x548: {  	[sflag:s20] =	ssyncadd.s32 $0xFFFFC000  }
0x549: {  	[bflag:$0x0] =	sbarrier.arrive $0xFFFF  }
0x54a: {  	s22 =	rddreg [dreg:$0x5]  }
0x54b: {  	s30 =	sadd.s32 $0x0, s22  }
0x54c: {  	[tilespmem:s21], [sflag:$0x5] =	stream.linear.gather [hbm4b:s30+s3], $0x400, $0x38;
	[tilespmem:$0x16800] =	vst v63  }
0x54d: {  	_ =	swait.ge [sflag:s20], $0x400  }
0x54e: {  	[sflag:s20] =	ssyncset.done $0x0  }
0x54f: {  	[sflag:s20] =	ssyncadd.s32 $0xFFFFFC00  }
0x550: {  	[spmem:s2] =	stream.indirect.scatter.add.f32 [tilespmem:s19], [sflag:$0x4], $0x80, s21, s28, $0xb8;
	[tilespmem:$0x16800] =	vst v63  }
0x551: {  	_ = 	snop  }
0x552: {  	[spmem:s2] =	stream.indirect.scatter.add.f32 [tilespmem:s19], [sflag:$0x4], $0x80, s8, s28, $0xb8;
	[tilespmem:$0x16800] =	vst v63  }
0x553: {  	_ = 	snop  }
0x554: {  	[spmem:s2] =	stream.indirect.scatter.add.f32 [tilespmem:s19], [sflag:$0x4], $0x80, s5, s28, $0xb8;
	[tilespmem:$0x16800] =	vst v63  }
0x555: {  	_ = 	snop  }
0x556: {  	[spmem:s2] =	stream.indirect.scatter.add.f32 [tilespmem:s19], [sflag:$0x4], $0x80, s9, s28, $0xb8;
	[tilespmem:$0x16800] =	vst v63  }
0x557: {  	_ = 	snop  }
0x558: {  	[spmem:s2] =	stream.indirect.scatter.add.f32 [tilespmem:s19], [sflag:$0x4], $0x80, s10, s28, $0xb8;
	[tilespmem:$0x16800] =	vst v63  }
0x559: {  	_ = 	snop  }
0x55a: {  	[spmem:s2] =	stream.indirect.scatter.add.f32 [tilespmem:s19], [sflag:$0x4], $0x80, s16, s28, $0xb8;
	[tilespmem:$0x16800] =	vst v63  }
0x55b: {  	_ = 	snop  }
0x55c: {  	[spmem:s2] =	stream.indirect.scatter.add.f32 [tilespmem:s19], [sflag:$0x4], $0x80, s7, s28, $0xb8;
	[tilespmem:$0x16800] =	vst v63  }
0x55d: {  	_ = 	snop  }
0x55e: {  	[spmem:s2] =	stream.indirect.scatter.add.f32 [tilespmem:s19], [sflag:$0x4], $0x80, s4, s28, $0xb8;
	[tilespmem:$0x16800] =	vst v63  }
0x55f: {  	_ =	swait.ge [sflag:s23], $0x4000  }
0x560: {  	[sflag:s23] =	ssyncset.done $0x0  }
0x561: {  	[sflag:s23] =	ssyncadd.s32 $0xFFFFC000  }
0x562: {  	_ =	swait.ge [sflag:s23], $0x4000  }
0x563: {  	[sflag:s23] =	ssyncset.done $0x0  }
0x564: {  	[sflag:s23] =	ssyncadd.s32 $0xFFFFC000  }
0x565: {  	_ =	swait.ge [sflag:s23], $0x4000  }
0x566: {  	[sflag:s23] =	ssyncset.done $0x0  }
0x567: {  	[sflag:s23] =	ssyncadd.s32 $0xFFFFC000  }
0x568: {  	_ =	swait.ge [sflag:s23], $0x4000  }
0x569: {  	[sflag:s23] =	ssyncset.done $0x0  }
0x56a: {  	[sflag:s23] =	ssyncadd.s32 $0xFFFFC000  }
0x56b: {  	_ =	swait.ge [sflag:s23], $0x4000  }
0x56c: {  	[sflag:s23] =	ssyncset.done $0x0  }
0x56d: {  	[sflag:s23] =	ssyncadd.s32 $0xFFFFC000  }
0x56e: {  	_ =	swait.ge [sflag:s23], $0x4000  }
0x56f: {  	[sflag:s23] =	ssyncset.done $0x0  }
0x570: {  	[sflag:s23] =	ssyncadd.s32 $0xFFFFC000  }
0x571: {  	s18 =	simm.s32 $0x80;
	s6 =	simm.s32 $0x480;
	_ =	swait.ge [sflag:s23], $0x4000  }
0x572: {  	s12 =	simm.s32 $0x680;
	s14 =	simm.s32 $0x500;
	[sflag:s23] =	ssyncset.done $0x0  }
0x573: {  	s24 =	simm.s32 $0x100;
	s26 =	simm.s32 $0x700;
	[sflag:s23] =	ssyncadd.s32 $0xFFFFC000  }
0x574: {  	s5 =	simm.s32 $0x580;
	s9 =	simm.s32 $0x600;
	_ =	swait.ge [sflag:s23], $0x4000  }
0x575: {  	s7 =	simm.s32 $0x780;
	[sflag:s23] =	ssyncset.done $0x0;
	s8 =	sld [smem:$0x7F8]  }
.LBB2_12:
0x576: {  	s17 =	sadd.s32 s18, s22;
	[sflag:s23] =	ssyncadd.s32 $0xFFFFC000  }
0x577: {  	[tilespmem:s21], [sflag:$0x5] =	stream.linear.gather [hbm4b:s17+s3], $0x400, $0x38;
	[tilespmem:$0x16800] =	vst v63  }
0x578: {  	_ =	swait.ge [sflag:s20], $0x400  }
0x579: {  	[sflag:s20] =	ssyncset.done $0x0  }
0x57a: {  	[sflag:s20] =	ssyncadd.s32 $0xFFFFFC00  }
0x57b: {  	[spmem:s2] =	stream.indirect.scatter.add.f32 [tilespmem:s19], [sflag:$0x4], $0x80, s21, s28, $0xb8;
	[tilespmem:$0x16800] =	vst v63  }
0x57c: {  	_ = 	snop  }
0x57d: {  	[spmem:s2] =	stream.indirect.scatter.add.f32 [tilespmem:s19], [sflag:$0x4], $0x80, s6, s28, $0xb8;
	[tilespmem:$0x16800] =	vst v63  }
0x57e: {  	_ = 	snop  }
0x57f: {  	[spmem:s2] =	stream.indirect.scatter.add.f32 [tilespmem:s19], [sflag:$0x4], $0x80, s14, s28, $0xb8;
	[tilespmem:$0x16800] =	vst v63  }
0x580: {  	_ = 	snop  }
0x581: {  	[spmem:s2] =	stream.indirect.scatter.add.f32 [tilespmem:s19], [sflag:$0x4], $0x80, s5, s28, $0xb8;
	[tilespmem:$0x16800] =	vst v63  }
0x582: {  	_ = 	snop  }
0x583: {  	[spmem:s2] =	stream.indirect.scatter.add.f32 [tilespmem:s19], [sflag:$0x4], $0x80, s9, s28, $0xb8;
	[tilespmem:$0x16800] =	vst v63  }
0x584: {  	_ = 	snop  }
0x585: {  	[spmem:s2] =	stream.indirect.scatter.add.f32 [tilespmem:s19], [sflag:$0x4], $0x80, s12, s28, $0xb8;
	[tilespmem:$0x16800] =	vst v63  }
0x586: {  	_ = 	snop  }
0x587: {  	[spmem:s2] =	stream.indirect.scatter.add.f32 [tilespmem:s19], [sflag:$0x4], $0x80, s26, s28, $0xb8;
	[tilespmem:$0x16800] =	vst v63  }
0x588: {  	_ = 	snop  }
0x589: {  	[spmem:s2] =	stream.indirect.scatter.add.f32 [tilespmem:s19], [sflag:$0x4], $0x80, s7, s28, $0xb8;
	[tilespmem:$0x16800] =	vst v63  }
0x58a: {  	_ =	swait.ge [sflag:s23], $0x4000  }
0x58b: {  	[sflag:s23] =	ssyncset.done $0x0  }
0x58c: {  	[sflag:s23] =	ssyncadd.s32 $0xFFFFC000  }
0x58d: {  	_ =	swait.ge [sflag:s23], $0x4000  }
0x58e: {  	[sflag:s23] =	ssyncset.done $0x0  }
0x58f: {  	[sflag:s23] =	ssyncadd.s32 $0xFFFFC000  }
0x590: {  	_ =	swait.ge [sflag:s23], $0x4000  }
0x591: {  	[sflag:s23] =	ssyncset.done $0x0  }
0x592: {  	[sflag:s23] =	ssyncadd.s32 $0xFFFFC000  }
0x593: {  	_ =	swait.ge [sflag:s23], $0x4000  }
0x594: {  	[sflag:s23] =	ssyncset.done $0x0  }
0x595: {  	[sflag:s23] =	ssyncadd.s32 $0xFFFFC000  }
0x596: {  	_ =	swait.ge [sflag:s23], $0x4000  }
0x597: {  	[sflag:s23] =	ssyncset.done $0x0  }
0x598: {  	[sflag:s23] =	ssyncadd.s32 $0xFFFFC000  }
0x599: {  	_ =	swait.ge [sflag:s23], $0x4000  }
0x59a: {  	[sflag:s23] =	ssyncset.done $0x0  }
0x59b: {  	p0 =	sne.s32 s24, $0x480;
	[sflag:s23] =	ssyncadd.s32 $0xFFFFC000  }
.Ltmp5:
0x59c: {  	_ =	swait.ge [sflag:s23], $0x4000;
	(pc) =	sbr.rel @p0 .LBB2_12-.Ltmp5, $4  }
0x59d: {  	[sflag:s23] =	ssyncset.done $0x0  }
0x59e: {  	[sflag:s23] =	ssyncadd.s32 $0xFFFFC000  }
0x59f: {  	s18 =	smov.u32 s24;
	s30 =	sadd.s32 $0x80, s24;
	_ =	swait.ge [sflag:s23], $0x4000  }
0x5a0: {  	s24 =	smov.u32 s30;
	[sflag:s23] =	ssyncset.done $0x0;
	s22 =	rddreg [dreg:$0x5]  }
0x5a1: {  	s17 =	sadd.s32 s18, s22;
	[sflag:s23] =	ssyncadd.s32 $0xFFFFC000  }
0x5a2: {  	[tilespmem:s21], [sflag:$0x5] =	stream.linear.gather [hbm4b:s17+s3], $0x400, $0x38;
	[tilespmem:$0x16800] =	vst v63  }
0x5a3: {  	_ =	swait.ge [sflag:s20], $0x400  }
0x5a4: {  	[sflag:s20] =	ssyncset.done $0x0  }
0x5a5: {  	[sflag:s20] =	ssyncadd.s32 $0xFFFFFC00  }
0x5a6: {  	[spmem:s2] =	stream.indirect.scatter.add.f32 [tilespmem:s19], [sflag:$0x4], $0x80, s21, s28, $0xb8;
	[tilespmem:$0x16800] =	vst v63  }
0x5a7: {  	_ = 	snop  }
0x5a8: {  	[spmem:s2] =	stream.indirect.scatter.add.f32 [tilespmem:s19], [sflag:$0x4], $0x80, s6, s28, $0xb8;
	[tilespmem:$0x16800] =	vst v63  }
0x5a9: {  	_ = 	snop  }
0x5aa: {  	[spmem:s2] =	stream.indirect.scatter.add.f32 [tilespmem:s19], [sflag:$0x4], $0x80, s14, s28, $0xb8;
	[tilespmem:$0x16800] =	vst v63  }
0x5ab: {  	_ = 	snop  }
0x5ac: {  	[spmem:s2] =	stream.indirect.scatter.add.f32 [tilespmem:s19], [sflag:$0x4], $0x80, s5, s28, $0xb8;
	[tilespmem:$0x16800] =	vst v63  }
0x5ad: {  	_ = 	snop  }
0x5ae: {  	[spmem:s2] =	stream.indirect.scatter.add.f32 [tilespmem:s19], [sflag:$0x4], $0x80, s9, s28, $0xb8;
	[tilespmem:$0x16800] =	vst v63  }
0x5af: {  	_ = 	snop  }
0x5b0: {  	[spmem:s2] =	stream.indirect.scatter.add.f32 [tilespmem:s19], [sflag:$0x4], $0x80, s12, s28, $0xb8;
	[tilespmem:$0x16800] =	vst v63  }
0x5b1: {  	_ = 	snop  }
0x5b2: {  	[spmem:s2] =	stream.indirect.scatter.add.f32 [tilespmem:s19], [sflag:$0x4], $0x80, s26, s28, $0xb8;
	[tilespmem:$0x16800] =	vst v63  }
0x5b3: {  	_ = 	snop  }
0x5b4: {  	[spmem:s2] =	stream.indirect.scatter.add.f32 [tilespmem:s19], [sflag:$0x4], $0x80, s7, s28, $0xb8;
	[tilespmem:$0x16800] =	vst v63  }
0x5b5: {  	_ =	swait.ge [sflag:s23], $0x4000  }
0x5b6: {  	[sflag:s23] =	ssyncset.done $0x0  }
0x5b7: {  	[sflag:s23] =	ssyncadd.s32 $0xFFFFC000  }
0x5b8: {  	_ =	swait.ge [sflag:s23], $0x4000  }
0x5b9: {  	[sflag:s23] =	ssyncset.done $0x0  }
0x5ba: {  	[sflag:s23] =	ssyncadd.s32 $0xFFFFC000  }
0x5bb: {  	_ =	swait.ge [sflag:s23], $0x4000  }
0x5bc: {  	[sflag:s23] =	ssyncset.done $0x0  }
0x5bd: {  	[sflag:s23] =	ssyncadd.s32 $0xFFFFC000  }
0x5be: {  	_ =	swait.ge [sflag:s23], $0x4000  }
0x5bf: {  	[sflag:s23] =	ssyncset.done $0x0  }
0x5c0: {  	[sflag:s23] =	ssyncadd.s32 $0xFFFFC000  }
0x5c1: {  	_ =	swait.ge [sflag:s23], $0x4000  }
0x5c2: {  	[sflag:s23] =	ssyncset.done $0x0  }
0x5c3: {  	[sflag:s23] =	ssyncadd.s32 $0xFFFFC000  }
0x5c4: {  	_ =	swait.ge [sflag:s23], $0x4000  }
0x5c5: {  	[sflag:s23] =	ssyncset.done $0x0  }
0x5c6: {  	[sflag:s23] =	ssyncadd.s32 $0xFFFFC000  }
0x5c7: {  	_ =	swait.ge [sflag:s23], $0x4000  }
0x5c8: {  	[sflag:s23] =	ssyncset.done $0x0  }
0x5c9: {  	[sflag:s23] =	ssyncadd.s32 $0xFFFFC000  }
0x5ca: {  	_ =	swait.ge [sflag:s23], $0x4000  }
0x5cb: {  	[sflag:s23] =	ssyncset.done $0x0  }
0x5cc: {  	[sflag:s23] =	ssyncadd.s32 $0xFFFFC000  }
0x5cd: {  	[bflag:$0x0] =	sbarrier.arrive $0xFFFF  }
0x5ce: {  	s18 =	rddreg [dreg:$0x8]  }
0x5cf: {  	[tilespmem:s19], [sflag:$0x5] =	stream.linear.gather [spmem:s18], $0x4000, $0x38;
	[tilespmem:$0x16800] =	vst v63  }
0x5d0: {  	_ =	swait.ge [sflag:s20], $0x4000  }
0x5d1: {  	[sflag:s20] =	ssyncset.done $0x0  }
0x5d2: {  	s15 =	rddreg [dreg:$0x13];
	[sflag:s20] =	ssyncadd.s32 $0xFFFFC000  }
0x5d3: {  	[hbm4b:s15+s3] =	stream.linear.scatter [tilespmem:s19], [sflag:$0x5], $0x4000, $0x38;
	[tilespmem:$0x16800] =	vst v63  }
0x5d4: {  	_ =	swait.ge [sflag:s20], $0x4000  }
0x5d5: {  	[sflag:s20] =	ssyncset.done $0x0  }
0x5d6: {  	s16 =	rddreg [dreg:$0xd];
	[sflag:s20] =	ssyncadd.s32 $0xFFFFC000  }
0x5d7: {  	[tilespmem:s19], [sflag:$0x5] =	stream.linear.gather [spmem:s16], $0x4000, $0x38;
	[tilespmem:$0x16800] =	vst v63  }
0x5d8: {  	_ =	swait.ge [sflag:s20], $0x4000  }
0x5d9: {  	[sflag:s20] =	ssyncset.done $0x0  }
0x5da: {  	s22 =	rddreg [dreg:$0x14];
	[sflag:s20] =	ssyncadd.s32 $0xFFFFC000  }
0x5db: {  	[hbm4b:s22+s3] =	stream.linear.scatter [tilespmem:s19], [sflag:$0x5], $0x4000, $0x38;
	[tilespmem:$0x16800] =	vst v63  }
0x5dc: {  	_ =	swait.ge [sflag:s20], $0x4000  }
0x5dd: {  	[sflag:s20] =	ssyncset.done $0x0  }
0x5de: {  	s24 =	rddreg [dreg:$0x1a];
	[sflag:s20] =	ssyncadd.s32 $0xFFFFC000  }
0x5df: {  	[tilespmem:s19], [sflag:$0x5] =	stream.linear.gather [spmem:s24], $0x2000, $0x38;
	[tilespmem:$0x16800] =	vst v63  }
0x5e0: {  	_ =	swait.ge [sflag:s20], $0x2000  }
0x5e1: {  	[sflag:s20] =	ssyncset.done $0x0  }
0x5e2: {  	s25 =	rddreg [dreg:$0x15];
	[sflag:s20] =	ssyncadd.s32 $0xFFFFE000  }
0x5e3: {  	[hbm4b:s25+s3] =	stream.linear.scatter [tilespmem:s19], [sflag:$0x5], $0x2000, $0x38;
	[tilespmem:$0x16800] =	vst v63  }
0x5e4: {  	_ =	swait.ge [sflag:s20], $0x2000  }
0x5e5: {  	s8 =	sadd.s32 $0x1, s8;
	s30 =	rddreg [dreg:$0x16]  }
0x5e6: {  	p0 =	sne.s32 s8, s30  }
.Ltmp6:
0x5e7: {  	_ = 	snop;
	(pc) =	sbr.rel @p0 .LBB2_1-.Ltmp6, $4  }
0x5e8: {  	[sflag:s20] =	ssyncset.done $0x0  }
0x5e9: {  	[sflag:s20] =	ssyncadd.s32 $0xFFFFE000  }
0x5ea: {  	[bflag:$0x0] =	sbarrier.arrive $0xFFFF  }
0x5eb: {  	s24 =	simm.s32 $0x380  }
0x5ec: {  	_ =	sfence.sel $0x180000  }
0x5ed: {  	[bflag:$0x0] =	sbarrier.arrive $0xFFFF  }
0x5ee: {  	_ =	strace $0x90000047  }
0x5ef: {  	s0 =	stileid.u32;
	[bflag:$0x2] =	sbarrier.arrive $0xFFFF  }
0x5f0: {  	p0 =	sne.s32 s0, $0x0;
	s0 =	rddreg [dreg:$0x3]  }
0x5f1: {  	s0 =	sadd.s32 @!p0 $0x100000, s0  }
0x5f2: {  	[sflag:s0] =	ssyncadd.tile.s32 @!p0 $0x1;
	_ =	shalt  }
.Lfunc_end2:
_tile_overlayer_lowered:
.L_overlay_start_2:
0x5f3: {  	(tag) =	ssettag $0x2  }
0x5f4: {  	s0 =	rddreg [dreg:$0x0];
	s2 =	stileid.u32  }
0x5f5: {  	s1 =	rddreg [dreg:$0x1];
	p0 =	sne.s32 s2, $0x0  }
0x5f6: {  	s3 =	rddreg [dreg:$0x2];
	[bflag:$0x3] =	sbarrier.arrive $0xFFFF;
	s2 =	simm.s32 @!p0 $0x1C05  }
0x5f7: {  	[timem:s3], [sflag:s2] =	dma.local @!p0 [hbm:s0], s1  }
0x5f8: {  	s0 =	simm.s32 @!p0 $0x5  }
0x5f9: {  	_ =	swait.ge @!p0 [sflag:s0], s1  }
0x5fa: {  	s1 =	ssub.s32 @!p0 $0x0, s1;
	[sflag:s0] =	ssyncset.done @!p0 $0x0  }
0x5fb: {  	[sflag:s0] =	ssyncadd.s32 @!p0 s1  }
0x5fc: {  	[bflag:$0x3] =	sbarrier.arrive $0xFFFF  }
0x5fd: {  	_ =	shalt  }

</sc_bundles>
